<compile_context>
chip_gen: v7x
topology: tpu7x:2x2x1
jax: 0.10.2.dev20260603
libtpu: 0.0.44.dev20260713+nightly
codegen_flags: <defaults>
</compile_context>

<pallas_src>
import functools

import jax
import jax.numpy as jnp
from jax import lax
from jax.experimental import pallas as pl
from jax.experimental.pallas import tpu as pltpu
from jax.experimental.pallas import tpu_sc as plsc

B = 1024
V = 100000
S = 128
NC, NS, L = 2, 16, 16
NW = NC * NS
RPW = B // NW
LANES = 128
NBUF = 2
CB = 2

_LOG1P = (
    1.4720650114430356e-06,
    0.9998476974962223,
    -0.49737321615786034,
    0.31574731675770634,
    -0.19035433673267907,
    0.08269123711113481,
    -0.01741407752417672,
)


def _sc_loss_partials(input_t, target, samples):
    mesh = plsc.VectorSubcoreMesh(core_axis_name="c", subcore_axis_name="s")

    @functools.partial(
        pl.kernel,
        mesh=mesh,
        out_type=jax.ShapeDtypeStruct((NW * L,), jnp.float32),
        scratch_types=[
            pltpu.VMEM((RPW, S), jnp.int32),
            pltpu.VMEM((RPW * S,), jnp.int32),
            pltpu.VMEM((RPW,), jnp.int32),
            pltpu.VMEM((NBUF, CB * S, LANES), jnp.float32),
            pltpu.VMEM((RPW, LANES), jnp.float32),
            pltpu.VMEM((RPW,), jnp.float32),
            pltpu.SemaphoreType.DMA,
        ],
        compiler_params=pltpu.CompilerParams(needs_layout_passes=False),
    )
    def k(inp_hbm, tgt_hbm, smp_hbm, pout_hbm,
          idx_v, fidx_v, tid_v, lines_v, tlines_v, tsc_v, sem):
        wid = lax.axis_index("s") * NC + lax.axis_index("c")
        base = wid * RPW
        col0 = pl.multiple_of((wid // 4) * LANES, LANES)
        lane0 = base - col0

        pltpu.sync_copy(smp_hbm.at[pl.ds(base, RPW)], idx_v)
        pltpu.sync_copy(tgt_hbm.at[pl.ds(base, RPW)], tid_v)

        tcopy = pltpu.async_copy(
            inp_hbm.at[tid_v, pl.ds(col0, LANES)], tlines_v, sem
        )

        def flat(r, _):
            fo = pl.multiple_of(r * S, S)
            for kk in range(S // L):
                fidx_v[pl.ds(fo + kk * L, L)] = idx_v[r, pl.ds(kk * L, L)]
            return 0

        lax.fori_loop(0, RPW, flat, 0)

        def chunk_copy(cc):
            return pltpu.make_async_copy(
                inp_hbm.at[
                    fidx_v.at[pl.ds(pl.multiple_of(cc * CB * S, S), CB * S)],
                    pl.ds(col0, LANES),
                ],
                lines_v.at[cc % NBUF], sem,
            )

        for cc in range(NBUF):
            chunk_copy(cc).start()

        tcopy.wait()
        for kk in range(RPW // L):
            rows = lax.iota(jnp.int32, L) + kk * L
            x = plsc.load_gather(tlines_v, [rows, lane0 + rows])
            tsc_v[pl.ds(kk * L, L)] = x

        def step(cc, acc):
            chunk_copy(cc).wait()

            @pl.when(cc + NBUF < RPW // CB)
            def _():
                chunk_copy(cc + NBUF).start()

            buf = jnp.full((L,), cc % NBUF, jnp.int32)
            for b in range(CB):
                r = cc * CB + b
                tsp = plsc.load_gather(tsc_v, [jnp.full((L,), r, jnp.int32)])
                lvec = jnp.full((L,), lane0 + r, jnp.int32)
                for kk in range(S // L):
                    rows = lax.iota(jnp.int32, L) + b * S + kk * L
                    sc = plsc.load_gather(lines_v, [buf, rows, lvec])
                    x = tsp - sc
                    e = jnp.exp(-jnp.abs(x))
                    p = jnp.float32(_LOG1P[-1])
                    for c in _LOG1P[-2::-1]:
                        p = p * e + jnp.float32(c)
                    acc = acc + (jnp.minimum(x, 0.0) - p)
            return acc

        acc = lax.fori_loop(
            0, RPW // CB, step, jnp.zeros((L,), jnp.float32)
        )
        tlines_v[0, pl.ds(0, L)] = acc
        pltpu.sync_copy(
            tlines_v.at[0, pl.ds(0, L)],
            pout_hbm.at[pl.ds(wid * L, L)],
        )

    return k(input_t, target, samples)


def _tc_final(partials):
    def body(p_ref, o_ref):
        o_ref[0, 0] = -jnp.sum(p_ref[...]) * (1.0 / (B * S))

    return pl.pallas_call(
        body,
        out_shape=jax.ShapeDtypeStruct((1, 1), jnp.float32),
        out_specs=pl.BlockSpec(memory_space=pltpu.SMEM),
    )(partials)


def kernel(input, target, samples):
    p = _sc_loss_partials(
        input.T, target.astype(jnp.int32), samples.astype(jnp.int32)
    )
    return _tc_final(p.reshape(NW // 8, 8 * L))[0, 0]

# --- scband reference (transcript-rebuilt; emitter-appended) ---
"""Pipeline reference for scband-bprloss-32220844655292 (READ-ONLY COPY).

The authoritative reference and input builder live on the scoring server;
editing this copy changes nothing except your own understanding.
"""

import jax, jax.numpy as jnp
import numpy as np

BATCH = 1024
VOCAB = 100000
NUM_SAMPLES = 128


def setup_inputs(seed: int = 0) -> dict:
    key = jax.random.key(seed)
    k1, k2, k3 = jax.random.split(key, 3)
    input = jax.random.normal(k1, (BATCH, VOCAB), dtype=jnp.float32)
    target = jax.random.randint(k2, (BATCH,), 0, VOCAB, dtype=jnp.int64 if jax.config.jax_enable_x64 else jnp.int32)
    # sampler output: uniform negative samples, one row of NUM_SAMPLES per batch element
    samples = jax.random.randint(k3, (BATCH, NUM_SAMPLES), 0, VOCAB, dtype=target.dtype)
    return {"input": input, "target": target, "samples": samples}


def reference(input, target, samples):
    # target_scores = torch.gather(input, 1, target.unsqueeze(1))
    target_scores = jnp.take_along_axis(input, target[:, None], axis=1)  # [B, 1]
    # sample_scores = torch.gather(input, 1, samples)
    sample_scores = jnp.take_along_axis(input, samples, axis=1)  # [B, num_samples]
    # score_diff = F.logsigmoid(target_scores - sample_scores); broadcast [B,1]-[B,S]
    score_diff = jax.nn.log_sigmoid(target_scores - sample_scores)
    return -jnp.mean(score_diff)

if __name__ == "__main__":
    import jax
    _d = setup_inputs()
    print(jax.jit(kernel)(*tuple(_d.values())))

</pallas_src>

<mosaic_0001>
#map = affine_map<(d0, d1) -> (0, 0)>
#map1 = affine_map<(d0, d1) -> (0)>
module attributes {stable_mosaic.version = 14 : i64} {
  func.func @k(%arg0: i32, %arg1: i32, %arg2: memref<100000x1024xf32, #tpu.memory_space<hbm>>, %arg3: memref<1024xi32, #tpu.memory_space<hbm>>, %arg4: memref<1024x128xi32, #tpu.memory_space<hbm>>, %arg5: memref<512xf32, #tpu.memory_space<hbm>>, %arg6: memref<32x128xi32, #tpu.memory_space<vmem>>, %arg7: memref<4096xi32, #tpu.memory_space<vmem>>, %arg8: memref<32xi32, #tpu.memory_space<vmem>>, %arg9: memref<2x256x128xf32, #tpu.memory_space<vmem>>, %arg10: memref<32x128xf32, #tpu.memory_space<vmem>>, %arg11: memref<32xf32, #tpu.memory_space<vmem>>, %arg12: memref<!tpu.dma_semaphore, #tpu.memory_space<semaphore_mem>>) attributes {dimension_semantics = [#tpu.dimension_semantics<core_parallel>, #tpu.dimension_semantics<subcore_parallel>], iteration_bounds = array<i64: 2, 16>, scalar_prefetch = 0 : i64, scratch_operands = 7 : i64, tpu.core_type = #tpu.core_type<sc_vector_subcore>, window_params = [{transform_indices = #map}, {transform_indices = #map1}, {transform_indices = #map}, {transform_indices = #map1}]} {
    %mul3A = arith.constant 2 : i32
    %mul3A_0 = arith.muli %arg1, %mul3A : i32
    %add3A = arith.addi %mul3A_0, %arg0 : i32
    %mul3A_1 = arith.constant 32 : i32
    %mul3A_2 = arith.muli %add3A, %mul3A_1 : i32
    %jit3A = arith.constant 4 : i32
    %div3A = arith.divsi %add3A, %jit3A : i32
    %sign3A = arith.constant 0 : i32
    %sign3A_3 = arith.cmpi sgt, %add3A, %sign3A : i32
    %sign3A_4 = arith.extui %sign3A_3 : i1 to i32
    %sign3A_5 = arith.constant 0 : i32
    %sign3A_6 = arith.cmpi slt, %add3A, %sign3A_5 : i32
    %sign3A_7 = arith.extui %sign3A_6 : i1 to i32
    %sign3A_8 = arith.subi %sign3A_4, %sign3A_7 : i32
    %sign3A_9 = arith.constant 0 : i32
    %sign3A_10 = arith.cmpi sgt, %jit3A, %sign3A_9 : i32
    %sign3A_11 = arith.extui %sign3A_10 : i1 to i32
    %sign3A_12 = arith.constant 0 : i32
    %sign3A_13 = arith.cmpi slt, %jit3A, %sign3A_12 : i32
    %sign3A_14 = arith.extui %sign3A_13 : i1 to i32
    %sign3A_15 = arith.subi %sign3A_11, %sign3A_14 : i32
    %ne3A = arith.cmpi ne, %sign3A_8, %sign3A_15 : i32
    %rem3A = arith.remsi %add3A, %jit3A : i32
    %ne3A_16 = arith.constant 0 : i32
    %ne3A_17 = arith.cmpi ne, %rem3A, %ne3A_16 : i32
    %and3A = arith.andi %ne3A, %ne3A_17 : i1
    %sub3A = arith.constant 1 : i32
    %sub3A_18 = arith.subi %div3A, %sub3A : i32
    %select_n3A = arith.select %and3A, %sub3A_18, %div3A : i32
    %mul3A_19 = arith.constant 128 : i32
    %mul3A_20 = arith.muli %select_n3A, %mul3A_19 : i32
    %multiple_of3A = tpu.assume_multiple %mul3A_20, 128 : i32
    %sub3A_21 = arith.subi %mul3A_2, %multiple_of3A : i32
    "tpu.region"() ({
      %run_scoped3A_78 = tpu.sem_alloc : memref<!tpu.dma_semaphore, #tpu.memory_space<semaphore_mem>>
      %dma_start3A_79 = arith.constant 0 : i32
      %dma_start3A_80 = tpu.memref_slice %arg4[%mul3A_2, %dma_start3A_79] : memref<1024x128xi32, #tpu.memory_space<hbm>> -> memref<32x128xi32, #tpu.memory_space<hbm>>
      %dma_start3A_81 = arith.constant 0 : i32
      %dma_start3A_82 = tpu.memref_slice %arg4[%mul3A_2, %dma_start3A_81] : memref<1024x128xi32, #tpu.memory_space<hbm>> -> memref<32x128xi32, #tpu.memory_space<hbm>>
      tpu.enqueue_dma source(%dma_start3A_82 : memref<32x128xi32, #tpu.memory_space<hbm>>) target(%arg6 : memref<32x128xi32, #tpu.memory_space<vmem>>) target_semaphore(%run_scoped3A_78 : memref<!tpu.dma_semaphore, #tpu.memory_space<semaphore_mem>>)
      %dma_wait3A_83 = arith.constant 0 : i32
      %dma_wait3A_84 = tpu.memref_slice %arg4[%mul3A_2, %dma_wait3A_83] : memref<1024x128xi32, #tpu.memory_space<hbm>> -> memref<32x128xi32, #tpu.memory_space<hbm>>
      %dma_wait3A_85 = arith.constant 0 : i32
      %dma_wait3A_86 = tpu.memref_slice %arg4[%mul3A_2, %dma_wait3A_85] : memref<1024x128xi32, #tpu.memory_space<hbm>> -> memref<32x128xi32, #tpu.memory_space<hbm>>
      tpu.wait_dma2 semaphore(%run_scoped3A_78 : memref<!tpu.dma_semaphore, #tpu.memory_space<semaphore_mem>>) src(%dma_wait3A_86 : memref<32x128xi32, #tpu.memory_space<hbm>>) dst(%arg6 : memref<32x128xi32, #tpu.memory_space<vmem>>)
      tpu.yield
    }) : () -> ()
    "tpu.region"() ({
      %run_scoped3A_78 = tpu.sem_alloc : memref<!tpu.dma_semaphore, #tpu.memory_space<semaphore_mem>>
      %dma_start3A_79 = tpu.memref_slice %arg3[%mul3A_2] : memref<1024xi32, #tpu.memory_space<hbm>> -> memref<32xi32, #tpu.memory_space<hbm>>
      %dma_start3A_80 = tpu.memref_slice %arg3[%mul3A_2] : memref<1024xi32, #tpu.memory_space<hbm>> -> memref<32xi32, #tpu.memory_space<hbm>>
      tpu.enqueue_dma source(%dma_start3A_80 : memref<32xi32, #tpu.memory_space<hbm>>) target(%arg8 : memref<32xi32, #tpu.memory_space<vmem>>) target_semaphore(%run_scoped3A_78 : memref<!tpu.dma_semaphore, #tpu.memory_space<semaphore_mem>>)
      %dma_wait3A_81 = tpu.memref_slice %arg3[%mul3A_2] : memref<1024xi32, #tpu.memory_space<hbm>> -> memref<32xi32, #tpu.memory_space<hbm>>
      %dma_wait3A_82 = tpu.memref_slice %arg3[%mul3A_2] : memref<1024xi32, #tpu.memory_space<hbm>> -> memref<32xi32, #tpu.memory_space<hbm>>
      tpu.wait_dma2 semaphore(%run_scoped3A_78 : memref<!tpu.dma_semaphore, #tpu.memory_space<semaphore_mem>>) src(%dma_wait3A_82 : memref<32xi32, #tpu.memory_space<hbm>>) dst(%arg8 : memref<32xi32, #tpu.memory_space<vmem>>)
      tpu.yield
    }) : () -> ()
    %dma_start3A = arith.constant 0 : i32
    %dma_start3A_22 = tpu.memref_slice %arg2[%dma_start3A, %multiple_of3A] : memref<100000x1024xf32, #tpu.memory_space<hbm>> -> memref<100000x128xf32, #tpu.memory_space<hbm>>
    tpu.enqueue_indirect_dma source(%dma_start3A_22 : memref<100000x128xf32, #tpu.memory_space<hbm>>) target(%arg10 : memref<32x128xf32, #tpu.memory_space<vmem>>) offsets(%arg8 : memref<32xi32, #tpu.memory_space<vmem>>) semaphore(%arg12 : memref<!tpu.dma_semaphore, #tpu.memory_space<semaphore_mem>>)
    %scan3A = arith.constant 0 : i32
    %scan3A_23 = arith.constant 0 : i32
    %scan3A_24 = arith.constant 32 : i32
    %scan3A_25 = arith.addi %scan3A_23, %scan3A_24 : i32
    %scan3A_26 = arith.constant 1 : i32
    %scan3A_27 = scf.for %scan3A_78 = %scan3A_23 to %scan3A_25 step %scan3A_26 iter_args(%scan3A_79 = %scan3A) -> (i32)  : i32 {
      %mul3A_80 = arith.constant 128 : i32
      %mul3A_81 = arith.muli %scan3A_78, %mul3A_80 : i32
      %multiple_of3A_82 = tpu.assume_multiple %mul3A_81, 128 : i32
      %get3A = arith.index_cast %scan3A_78 : i32 to index
      %get3A_83 = arith.constant 0 : index
      %get3A_84 = tpu.vector_load %arg6[%get3A, %get3A_83] {strides = array<i32>} : memref<32x128xi32, #tpu.memory_space<vmem>>, vector<16xi32>,
      %add3A_85 = arith.constant 0 : i32
      %add3A_86 = arith.addi %multiple_of3A_82, %add3A_85 : i32
      %swap3A_87 = arith.index_cast %add3A_86 : i32 to index
      %swap3A_88 = tpu.vector_load %arg7[%swap3A_87] {strides = array<i32>} : memref<4096xi32, #tpu.memory_space<vmem>>, vector<16xi32>,
      tpu.vector_store %arg7[%swap3A_87], %get3A_84 {strides = array<i32>} : memref<4096xi32, #tpu.memory_space<vmem>>, vector<16xi32>,
      %get3A_89 = arith.index_cast %scan3A_78 : i32 to index
      %get3A_90 = arith.constant 16 : index
      %get3A_91 = tpu.vector_load %arg6[%get3A_89, %get3A_90] {strides = array<i32>} : memref<32x128xi32, #tpu.memory_space<vmem>>, vector<16xi32>,
      %add3A_92 = arith.constant 16 : i32
      %add3A_93 = arith.addi %multiple_of3A_82, %add3A_92 : i32
      %swap3A_94 = arith.index_cast %add3A_93 : i32 to index
      %swap3A_95 = tpu.vector_load %arg7[%swap3A_94] {strides = array<i32>} : memref<4096xi32, #tpu.memory_space<vmem>>, vector<16xi32>,
      tpu.vector_store %arg7[%swap3A_94], %get3A_91 {strides = array<i32>} : memref<4096xi32, #tpu.memory_space<vmem>>, vector<16xi32>,
      %get3A_96 = arith.index_cast %scan3A_78 : i32 to index
      %get3A_97 = arith.constant 32 : index
      %get3A_98 = tpu.vector_load %arg6[%get3A_96, %get3A_97] {strides = array<i32>} : memref<32x128xi32, #tpu.memory_space<vmem>>, vector<16xi32>,
      %add3A_99 = arith.constant 32 : i32
      %add3A_100 = arith.addi %multiple_of3A_82, %add3A_99 : i32
      %swap3A_101 = arith.index_cast %add3A_100 : i32 to index
      %swap3A_102 = tpu.vector_load %arg7[%swap3A_101] {strides = array<i32>} : memref<4096xi32, #tpu.memory_space<vmem>>, vector<16xi32>,
      tpu.vector_store %arg7[%swap3A_101], %get3A_98 {strides = array<i32>} : memref<4096xi32, #tpu.memory_space<vmem>>, vector<16xi32>,
      %get3A_103 = arith.index_cast %scan3A_78 : i32 to index
      %get3A_104 = arith.constant 48 : index
      %get3A_105 = tpu.vector_load %arg6[%get3A_103, %get3A_104] {strides = array<i32>} : memref<32x128xi32, #tpu.memory_space<vmem>>, vector<16xi32>,
      %add3A_106 = arith.constant 48 : i32
      %add3A_107 = arith.addi %multiple_of3A_82, %add3A_106 : i32
      %swap3A_108 = arith.index_cast %add3A_107 : i32 to index
      %swap3A_109 = tpu.vector_load %arg7[%swap3A_108] {strides = array<i32>} : memref<4096xi32, #tpu.memory_space<vmem>>, vector<16xi32>,
      tpu.vector_store %arg7[%swap3A_108], %get3A_105 {strides = array<i32>} : memref<4096xi32, #tpu.memory_space<vmem>>, vector<16xi32>,
      %get3A_110 = arith.index_cast %scan3A_78 : i32 to index
      %get3A_111 = arith.constant 64 : index
      %get3A_112 = tpu.vector_load %arg6[%get3A_110, %get3A_111] {strides = array<i32>} : memref<32x128xi32, #tpu.memory_space<vmem>>, vector<16xi32>,
      %add3A_113 = arith.constant 64 : i32
      %add3A_114 = arith.addi %multiple_of3A_82, %add3A_113 : i32
      %swap3A_115 = arith.index_cast %add3A_114 : i32 to index
      %swap3A_116 = tpu.vector_load %arg7[%swap3A_115] {strides = array<i32>} : memref<4096xi32, #tpu.memory_space<vmem>>, vector<16xi32>,
      tpu.vector_store %arg7[%swap3A_115], %get3A_112 {strides = array<i32>} : memref<4096xi32, #tpu.memory_space<vmem>>, vector<16xi32>,
      %get3A_117 = arith.index_cast %scan3A_78 : i32 to index
      %get3A_118 = arith.constant 80 : index
      %get3A_119 = tpu.vector_load %arg6[%get3A_117, %get3A_118] {strides = array<i32>} : memref<32x128xi32, #tpu.memory_space<vmem>>, vector<16xi32>,
      %add3A_120 = arith.constant 80 : i32
      %add3A_121 = arith.addi %multiple_of3A_82, %add3A_120 : i32
      %swap3A_122 = arith.index_cast %add3A_121 : i32 to index
      %swap3A_123 = tpu.vector_load %arg7[%swap3A_122] {strides = array<i32>} : memref<4096xi32, #tpu.memory_space<vmem>>, vector<16xi32>,
      tpu.vector_store %arg7[%swap3A_122], %get3A_119 {strides = array<i32>} : memref<4096xi32, #tpu.memory_space<vmem>>, vector<16xi32>,
      %get3A_124 = arith.index_cast %scan3A_78 : i32 to index
      %get3A_125 = arith.constant 96 : index
      %get3A_126 = tpu.vector_load %arg6[%get3A_124, %get3A_125] {strides = array<i32>} : memref<32x128xi32, #tpu.memory_space<vmem>>, vector<16xi32>,
      %add3A_127 = arith.constant 96 : i32
      %add3A_128 = arith.addi %multiple_of3A_82, %add3A_127 : i32
      %swap3A_129 = arith.index_cast %add3A_128 : i32 to index
      %swap3A_130 = tpu.vector_load %arg7[%swap3A_129] {strides = array<i32>} : memref<4096xi32, #tpu.memory_space<vmem>>, vector<16xi32>,
      tpu.vector_store %arg7[%swap3A_129], %get3A_126 {strides = array<i32>} : memref<4096xi32, #tpu.memory_space<vmem>>, vector<16xi32>,
      %get3A_131 = arith.index_cast %scan3A_78 : i32 to index
      %get3A_132 = arith.constant 112 : index
      %get3A_133 = tpu.vector_load %arg6[%get3A_131, %get3A_132] {strides = array<i32>} : memref<32x128xi32, #tpu.memory_space<vmem>>, vector<16xi32>,
      %add3A_134 = arith.constant 112 : i32
      %add3A_135 = arith.addi %multiple_of3A_82, %add3A_134 : i32
      %swap3A_136 = arith.index_cast %add3A_135 : i32 to index
      %swap3A_137 = tpu.vector_load %arg7[%swap3A_136] {strides = array<i32>} : memref<4096xi32, #tpu.memory_space<vmem>>, vector<16xi32>,
      tpu.vector_store %arg7[%swap3A_136], %get3A_133 {strides = array<i32>} : memref<4096xi32, #tpu.memory_space<vmem>>, vector<16xi32>,
      %scan3A_138 = arith.constant 0 : i32
      scf.yield %scan3A_138 : i32
    }
    %scan3A_28 = arith.constant 32 : i32
    %multiple_of3A_29 = arith.constant 0 : i32
    %multiple_of3A_30 = tpu.assume_multiple %multiple_of3A_29, 128 : i32
    %dma_start3A_31 = arith.constant 0 : i32
    %dma_start3A_32 = arith.constant 0 : i32
    %dma_start3A_33 = arith.constant 0 : i32
    %dma_start3A_34 = tpu.memref_slice %arg9[%dma_start3A_31, %dma_start3A_32, %dma_start3A_33] : memref<2x256x128xf32, #tpu.memory_space<vmem>> -> memref<1x256x128xf32, #tpu.memory_space<vmem>>
    %dma_start3A_35 = tpu.memref_squeeze %dma_start3A_34 : memref<1x256x128xf32, #tpu.memory_space<vmem>> -> memref<256x128xf32, #tpu.memory_space<vmem>>
    %dma_start3A_36 = tpu.memref_slice %arg7[%multiple_of3A_30] : memref<4096xi32, #tpu.memory_space<vmem>> -> memref<256xi32, #tpu.memory_space<vmem>>
    %dma_start3A_37 = arith.constant 0 : i32
    %dma_start3A_38 = tpu.memref_slice %arg2[%dma_start3A_37, %multiple_of3A] : memref<100000x1024xf32, #tpu.memory_space<hbm>> -> memref<100000x128xf32, #tpu.memory_space<hbm>>
    tpu.enqueue_indirect_dma source(%dma_start3A_38 : memref<100000x128xf32, #tpu.memory_space<hbm>>) target(%dma_start3A_35 : memref<256x128xf32, #tpu.memory_space<vmem>>) offsets(%dma_start3A_36 : memref<256xi32, #tpu.memory_space<vmem>>) semaphore(%arg12 : memref<!tpu.dma_semaphore, #tpu.memory_space<semaphore_mem>>)
    %multiple_of3A_39 = arith.constant 256 : i32
    %multiple_of3A_40 = tpu.assume_multiple %multiple_of3A_39, 128 : i32
    %dma_start3A_41 = arith.constant 1 : i32
    %dma_start3A_42 = arith.constant 0 : i32
    %dma_start3A_43 = arith.constant 0 : i32
    %dma_start3A_44 = tpu.memref_slice %arg9[%dma_start3A_41, %dma_start3A_42, %dma_start3A_43] : memref<2x256x128xf32, #tpu.memory_space<vmem>> -> memref<1x256x128xf32, #tpu.memory_space<vmem>>
    %dma_start3A_45 = tpu.memref_squeeze %dma_start3A_44 : memref<1x256x128xf32, #tpu.memory_space<vmem>> -> memref<256x128xf32, #tpu.memory_space<vmem>>
    %dma_start3A_46 = tpu.memref_slice %arg7[%multiple_of3A_40] : memref<4096xi32, #tpu.memory_space<vmem>> -> memref<256xi32, #tpu.memory_space<vmem>>
    %dma_start3A_47 = arith.constant 0 : i32
    %dma_start3A_48 = tpu.memref_slice %arg2[%dma_start3A_47, %multiple_of3A] : memref<100000x1024xf32, #tpu.memory_space<hbm>> -> memref<100000x128xf32, #tpu.memory_space<hbm>>
    tpu.enqueue_indirect_dma source(%dma_start3A_48 : memref<100000x128xf32, #tpu.memory_space<hbm>>) target(%dma_start3A_45 : memref<256x128xf32, #tpu.memory_space<vmem>>) offsets(%dma_start3A_46 : memref<256xi32, #tpu.memory_space<vmem>>) semaphore(%arg12 : memref<!tpu.dma_semaphore, #tpu.memory_space<semaphore_mem>>)
    %dma_wait3A = arith.constant 0 : i32
    %dma_wait3A_49 = tpu.memref_slice %arg2[%dma_wait3A, %multiple_of3A] : memref<100000x1024xf32, #tpu.memory_space<hbm>> -> memref<100000x128xf32, #tpu.memory_space<hbm>>
    tpu.wait_indirect_dma semaphore(%arg12 : memref<!tpu.dma_semaphore, #tpu.memory_space<semaphore_mem>>) src(%dma_wait3A_49 : memref<100000x128xf32, #tpu.memory_space<hbm>>) dst(%arg10 : memref<32x128xf32, #tpu.memory_space<vmem>>)
    %iota3A = tpu.iota {dimensions = array<i32: 0>} : vector<16xi32>
    %add3A_50 = arith.constant 0 : i32
    %add3A_51 = vector.broadcast %add3A_50 : i32 to vector<16xi32>
    %add3A_52 = arith.addi %iota3A, %add3A_51 : vector<16xi32>
    %add3A_53 = vector.broadcast %sub3A_21 : i32 to vector<16xi32>
    %add3A_54 = arith.addi %add3A_53, %add3A_52 : vector<16xi32>
    %gather3A = tpu.vector_load_idx %arg10[%add3A_52, %add3A_54] : memref<32x128xf32, #tpu.memory_space<vmem>>[vector<16xi32>, vector<16xi32>], vector<16xf32>,
    %swap3A = arith.constant 0 : index
    %swap3A_55 = tpu.vector_load %arg11[%swap3A] {strides = array<i32>} : memref<32xf32, #tpu.memory_space<vmem>>, vector<16xf32>,
    tpu.vector_store %arg11[%swap3A], %gather3A {strides = array<i32>} : memref<32xf32, #tpu.memory_space<vmem>>, vector<16xf32>,
    %iota3A_56 = tpu.iota {dimensions = array<i32: 0>} : vector<16xi32>
    %add3A_57 = arith.constant 16 : i32
    %add3A_58 = vector.broadcast %add3A_57 : i32 to vector<16xi32>
    %add3A_59 = arith.addi %iota3A_56, %add3A_58 : vector<16xi32>
    %add3A_60 = vector.broadcast %sub3A_21 : i32 to vector<16xi32>
    %add3A_61 = arith.addi %add3A_60, %add3A_59 : vector<16xi32>
    %gather3A_62 = tpu.vector_load_idx %arg10[%add3A_59, %add3A_61] : memref<32x128xf32, #tpu.memory_space<vmem>>[vector<16xi32>, vector<16xi32>], vector<16xf32>,
    %swap3A_63 = arith.constant 16 : index
    %swap3A_64 = tpu.vector_load %arg11[%swap3A_63] {strides = array<i32>} : memref<32xf32, #tpu.memory_space<vmem>>, vector<16xf32>,
    tpu.vector_store %arg11[%swap3A_63], %gather3A_62 {strides = array<i32>} : memref<32xf32, #tpu.memory_space<vmem>>, vector<16xf32>,
    %broadcast_in_dim3A = arith.constant 0.000000e+00 : f32
    %broadcast_in_dim3A_65 = vector.broadcast %broadcast_in_dim3A : f32 to vector<16xf32>
    %scan3A_66 = arith.constant 0 : i32
    %scan3A_67 = arith.constant 16 : i32
    %scan3A_68 = arith.addi %scan3A_66, %scan3A_67 : i32
    %scan3A_69 = arith.constant 1 : i32
    %scan3A_70 = scf.for %scan3A_78 = %scan3A_66 to %scan3A_68 step %scan3A_69 iter_args(%scan3A_79 = %broadcast_in_dim3A_65) -> (vector<16xf32>)  : i32 {
      %mul3A_80 = arith.constant 2 : i32
      %mul3A_81 = arith.muli %scan3A_78, %mul3A_80 : i32
      %mul3A_82 = arith.constant 128 : i32
      %mul3A_83 = arith.muli %mul3A_81, %mul3A_82 : i32
      %multiple_of3A_84 = tpu.assume_multiple %mul3A_83, 128 : i32
      %jit3A_85 = arith.constant 2 : i32
      %eq3A = arith.constant 0 : i32
      %eq3A_86 = arith.cmpi eq, %jit3A_85, %eq3A : i32
      %jit3A_87 = arith.constant 1 : i32
      %select_n3A_88 = arith.select %eq3A_86, %jit3A_87, %jit3A_85 : i32
      %rem3A_89 = arith.remsi %scan3A_78, %select_n3A_88 : i32
      %ne3A_90 = arith.constant 0 : i32
      %ne3A_91 = arith.cmpi ne, %rem3A_89, %ne3A_90 : i32
      %lt3A = arith.constant 0 : i32
      %lt3A_92 = arith.cmpi slt, %rem3A_89, %lt3A : i32
      %lt3A_93 = arith.constant 0 : i32
      %lt3A_94 = arith.cmpi slt, %select_n3A_88, %lt3A_93 : i32
      %ne3A_95 = arith.xori %lt3A_92, %lt3A_94 : i1
      %and3A_96 = arith.andi %ne3A_95, %ne3A_91 : i1
      %add3A_97 = arith.addi %rem3A_89, %select_n3A_88 : i32
      %select_n3A_98 = arith.select %and3A_96, %add3A_97, %rem3A_89 : i32
      %dma_wait3A_99 = arith.constant 0 : i32
      %dma_wait3A_100 = arith.constant 0 : i32
      %dma_wait3A_101 = tpu.memref_slice %arg9[%select_n3A_98, %dma_wait3A_99, %dma_wait3A_100] : memref<2x256x128xf32, #tpu.memory_space<vmem>> -> memref<1x256x128xf32, #tpu.memory_space<vmem>>
      %dma_wait3A_102 = tpu.memref_squeeze %dma_wait3A_101 : memref<1x256x128xf32, #tpu.memory_space<vmem>> -> memref<256x128xf32, #tpu.memory_space<vmem>>
      %dma_wait3A_103 = tpu.memref_slice %arg7[%multiple_of3A_84] : memref<4096xi32, #tpu.memory_space<vmem>> -> memref<256xi32, #tpu.memory_space<vmem>>
      %dma_wait3A_104 = arith.constant 0 : i32
      %dma_wait3A_105 = tpu.memref_slice %arg2[%dma_wait3A_104, %multiple_of3A] : memref<100000x1024xf32, #tpu.memory_space<hbm>> -> memref<100000x128xf32, #tpu.memory_space<hbm>>
      tpu.wait_indirect_dma semaphore(%arg12 : memref<!tpu.dma_semaphore, #tpu.memory_space<semaphore_mem>>) src(%dma_wait3A_105 : memref<100000x128xf32, #tpu.memory_space<hbm>>) dst(%dma_wait3A_102 : memref<256x128xf32, #tpu.memory_space<vmem>>)
      %add3A_106 = arith.constant 2 : i32
      %add3A_107 = arith.addi %scan3A_78, %add3A_106 : i32
      %lt3A_108 = arith.constant 16 : i32
      %lt3A_109 = arith.cmpi slt, %add3A_107, %lt3A_108 : i32
      %convert_element_type3A = arith.extui %lt3A_109 : i1 to i32
      %cond3A = arith.constant 0 : i32
      %cond3A_110 = arith.cmpi ne, %convert_element_type3A, %cond3A : i32
      scf.if %cond3A_110 {
        %add3A_860 = arith.constant 2 : i32
        %add3A_861 = arith.addi %scan3A_78, %add3A_860 : i32
        %mul3A_862 = arith.constant 2 : i32
        %mul3A_863 = arith.muli %add3A_861, %mul3A_862 : i32
        %mul3A_864 = arith.constant 128 : i32
        %mul3A_865 = arith.muli %mul3A_863, %mul3A_864 : i32
        %multiple_of3A_866 = tpu.assume_multiple %mul3A_865, 128 : i32
        %jit3A_867 = arith.constant 2 : i32
        %eq3A_868 = arith.constant 0 : i32
        %eq3A_869 = arith.cmpi eq, %jit3A_867, %eq3A_868 : i32
        %jit3A_870 = arith.constant 1 : i32
        %select_n3A_871 = arith.select %eq3A_869, %jit3A_870, %jit3A_867 : i32
        %rem3A_872 = arith.remsi %add3A_861, %select_n3A_871 : i32
        %ne3A_873 = arith.constant 0 : i32
        %ne3A_874 = arith.cmpi ne, %rem3A_872, %ne3A_873 : i32
        %lt3A_875 = arith.constant 0 : i32
        %lt3A_876 = arith.cmpi slt, %rem3A_872, %lt3A_875 : i32
        %lt3A_877 = arith.constant 0 : i32
        %lt3A_878 = arith.cmpi slt, %select_n3A_871, %lt3A_877 : i32
        %ne3A_879 = arith.xori %lt3A_876, %lt3A_878 : i1
        %and3A_880 = arith.andi %ne3A_879, %ne3A_874 : i1
        %add3A_881 = arith.addi %rem3A_872, %select_n3A_871 : i32
        %select_n3A_882 = arith.select %and3A_880, %add3A_881, %rem3A_872 : i32
        %dma_start3A_883 = arith.constant 0 : i32
        %dma_start3A_884 = arith.constant 0 : i32
        %dma_start3A_885 = tpu.memref_slice %arg9[%select_n3A_882, %dma_start3A_883, %dma_start3A_884] : memref<2x256x128xf32, #tpu.memory_space<vmem>> -> memref<1x256x128xf32, #tpu.memory_space<vmem>>
        %dma_start3A_886 = tpu.memref_squeeze %dma_start3A_885 : memref<1x256x128xf32, #tpu.memory_space<vmem>> -> memref<256x128xf32, #tpu.memory_space<vmem>>
        %dma_start3A_887 = tpu.memref_slice %arg7[%multiple_of3A_866] : memref<4096xi32, #tpu.memory_space<vmem>> -> memref<256xi32, #tpu.memory_space<vmem>>
        %dma_start3A_888 = arith.constant 0 : i32
        %dma_start3A_889 = tpu.memref_slice %arg2[%dma_start3A_888, %multiple_of3A] : memref<100000x1024xf32, #tpu.memory_space<hbm>> -> memref<100000x128xf32, #tpu.memory_space<hbm>>
        tpu.enqueue_indirect_dma source(%dma_start3A_889 : memref<100000x128xf32, #tpu.memory_space<hbm>>) target(%dma_start3A_886 : memref<256x128xf32, #tpu.memory_space<vmem>>) offsets(%dma_start3A_887 : memref<256xi32, #tpu.memory_space<vmem>>) semaphore(%arg12 : memref<!tpu.dma_semaphore, #tpu.memory_space<semaphore_mem>>)
      } else {
      }
      %jit3A_111 = arith.constant 2 : i32
      %eq3A_112 = arith.constant 0 : i32
      %eq3A_113 = arith.cmpi eq, %jit3A_111, %eq3A_112 : i32
      %jit3A_114 = arith.constant 1 : i32
      %select_n3A_115 = arith.select %eq3A_113, %jit3A_114, %jit3A_111 : i32
      %rem3A_116 = arith.remsi %scan3A_78, %select_n3A_115 : i32
      %ne3A_117 = arith.constant 0 : i32
      %ne3A_118 = arith.cmpi ne, %rem3A_116, %ne3A_117 : i32
      %lt3A_119 = arith.constant 0 : i32
      %lt3A_120 = arith.cmpi slt, %rem3A_116, %lt3A_119 : i32
      %lt3A_121 = arith.constant 0 : i32
      %lt3A_122 = arith.cmpi slt, %select_n3A_115, %lt3A_121 : i32
      %ne3A_123 = arith.xori %lt3A_120, %lt3A_122 : i1
      %and3A_124 = arith.andi %ne3A_123, %ne3A_118 : i1
      %add3A_125 = arith.addi %rem3A_116, %select_n3A_115 : i32
      %select_n3A_126 = arith.select %and3A_124, %add3A_125, %rem3A_116 : i32
      %broadcast_in_dim3A_127 = vector.broadcast %select_n3A_126 : i32 to vector<16xi32>
      %mul3A_128 = arith.constant 2 : i32
      %mul3A_129 = arith.muli %scan3A_78, %mul3A_128 : i32
      %add3A_130 = arith.constant 0 : i32
      %add3A_131 = arith.addi %mul3A_129, %add3A_130 : i32
      %broadcast_in_dim3A_132 = vector.broadcast %add3A_131 : i32 to vector<16xi32>
      %gather3A_133 = tpu.vector_load_idx %arg11[%broadcast_in_dim3A_132] : memref<32xf32, #tpu.memory_space<vmem>>[vector<16xi32>], vector<16xf32>,
      %add3A_134 = arith.addi %sub3A_21, %add3A_131 : i32
      %broadcast_in_dim3A_135 = vector.broadcast %add3A_134 : i32 to vector<16xi32>
      %iota3A_136 = tpu.iota {dimensions = array<i32: 0>} : vector<16xi32>
      %add3A_137 = arith.constant 0 : i32
      %add3A_138 = vector.broadcast %add3A_137 : i32 to vector<16xi32>
      %add3A_139 = arith.addi %iota3A_136, %add3A_138 : vector<16xi32>
      %add3A_140 = arith.constant 0 : i32
      %add3A_141 = vector.broadcast %add3A_140 : i32 to vector<16xi32>
      %add3A_142 = arith.addi %add3A_139, %add3A_141 : vector<16xi32>
      %gather3A_143 = tpu.vector_load_idx %arg9[%broadcast_in_dim3A_127, %add3A_142, %broadcast_in_dim3A_135] : memref<2x256x128xf32, #tpu.memory_space<vmem>>[vector<16xi32>, vector<16xi32>, vector<16xi32>], vector<16xf32>,
      %sub3A_144 = arith.subf %gather3A_133, %gather3A_143 : vector<16xf32>
      %abs3A = math.absf %sub3A_144 : vector<16xf32>
      %neg3A = arith.constant 0.000000e+00 : f32
      %neg3A_145 = vector.broadcast %neg3A : f32 to vector<16xf32>
      %neg3A_146 = arith.subf %neg3A_145, %abs3A : vector<16xf32>
      %exp3A = math.exp %neg3A_146 : vector<16xf32>
      %mul3A_147 = arith.constant -0.0174140781 : f32
      %mul3A_148 = vector.broadcast %mul3A_147 : f32 to vector<16xf32>
      %mul3A_149 = arith.mulf %mul3A_148, %exp3A : vector<16xf32>
      %add3A_150 = arith.constant 0.0826912373 : f32
      %add3A_151 = vector.broadcast %add3A_150 : f32 to vector<16xf32>
      %add3A_152 = arith.addf %mul3A_149, %add3A_151 : vector<16xf32>
      %mul3A_153 = arith.mulf %add3A_152, %exp3A : vector<16xf32>
      %add3A_154 = arith.constant -0.190354332 : f32
      %add3A_155 = vector.broadcast %add3A_154 : f32 to vector<16xf32>
      %add3A_156 = arith.addf %mul3A_153, %add3A_155 : vector<16xf32>
      %mul3A_157 = arith.mulf %add3A_156, %exp3A : vector<16xf32>
      %add3A_158 = arith.constant 0.315747321 : f32
      %add3A_159 = vector.broadcast %add3A_158 : f32 to vector<16xf32>
      %add3A_160 = arith.addf %mul3A_157, %add3A_159 : vector<16xf32>
      %mul3A_161 = arith.mulf %add3A_160, %exp3A : vector<16xf32>
      %add3A_162 = arith.constant -0.497373223 : f32
      %add3A_163 = vector.broadcast %add3A_162 : f32 to vector<16xf32>
      %add3A_164 = arith.addf %mul3A_161, %add3A_163 : vector<16xf32>
      %mul3A_165 = arith.mulf %add3A_164, %exp3A : vector<16xf32>
      %add3A_166 = arith.constant 0.99984771 : f32
      %add3A_167 = vector.broadcast %add3A_166 : f32 to vector<16xf32>
      %add3A_168 = arith.addf %mul3A_165, %add3A_167 : vector<16xf32>
      %mul3A_169 = arith.mulf %add3A_168, %exp3A : vector<16xf32>
      %add3A_170 = arith.constant 1.47206504E-6 : f32
      %add3A_171 = vector.broadcast %add3A_170 : f32 to vector<16xf32>
      %add3A_172 = arith.addf %mul3A_169, %add3A_171 : vector<16xf32>
      %min3A = arith.constant 0.000000e+00 : f32
      %min3A_173 = vector.broadcast %min3A : f32 to vector<16xf32>
      %min3A_174 = arith.minimumf %sub3A_144, %min3A_173 : vector<16xf32>
      %sub3A_175 = arith.subf %min3A_174, %add3A_172 : vector<16xf32>
      %add3A_176 = arith.addf %scan3A_79, %sub3A_175 : vector<16xf32>
      %iota3A_177 = tpu.iota {dimensions = array<i32: 0>} : vector<16xi32>
      %add3A_178 = arith.constant 0 : i32
      %add3A_179 = vector.broadcast %add3A_178 : i32 to vector<16xi32>
      %add3A_180 = arith.addi %iota3A_177, %add3A_179 : vector<16xi32>
      %add3A_181 = arith.constant 16 : i32
      %add3A_182 = vector.broadcast %add3A_181 : i32 to vector<16xi32>
      %add3A_183 = arith.addi %add3A_180, %add3A_182 : vector<16xi32>
      %gather3A_184 = tpu.vector_load_idx %arg9[%broadcast_in_dim3A_127, %add3A_183, %broadcast_in_dim3A_135] : memref<2x256x128xf32, #tpu.memory_space<vmem>>[vector<16xi32>, vector<16xi32>, vector<16xi32>], vector<16xf32>,
      %sub3A_185 = arith.subf %gather3A_133, %gather3A_184 : vector<16xf32>
      %abs3A_186 = math.absf %sub3A_185 : vector<16xf32>
      %neg3A_187 = arith.constant 0.000000e+00 : f32
      %neg3A_188 = vector.broadcast %neg3A_187 : f32 to vector<16xf32>
      %neg3A_189 = arith.subf %neg3A_188, %abs3A_186 : vector<16xf32>
      %exp3A_190 = math.exp %neg3A_189 : vector<16xf32>
      %mul3A_191 = arith.constant -0.0174140781 : f32
      %mul3A_192 = vector.broadcast %mul3A_191 : f32 to vector<16xf32>
      %mul3A_193 = arith.mulf %mul3A_192, %exp3A_190 : vector<16xf32>
      %add3A_194 = arith.constant 0.0826912373 : f32
      %add3A_195 = vector.broadcast %add3A_194 : f32 to vector<16xf32>
      %add3A_196 = arith.addf %mul3A_193, %add3A_195 : vector<16xf32>
      %mul3A_197 = arith.mulf %add3A_196, %exp3A_190 : vector<16xf32>
      %add3A_198 = arith.constant -0.190354332 : f32
      %add3A_199 = vector.broadcast %add3A_198 : f32 to vector<16xf32>
      %add3A_200 = arith.addf %mul3A_197, %add3A_199 : vector<16xf32>
      %mul3A_201 = arith.mulf %add3A_200, %exp3A_190 : vector<16xf32>
      %add3A_202 = arith.constant 0.315747321 : f32
      %add3A_203 = vector.broadcast %add3A_202 : f32 to vector<16xf32>
      %add3A_204 = arith.addf %mul3A_201, %add3A_203 : vector<16xf32>
      %mul3A_205 = arith.mulf %add3A_204, %exp3A_190 : vector<16xf32>
      %add3A_206 = arith.constant -0.497373223 : f32
      %add3A_207 = vector.broadcast %add3A_206 : f32 to vector<16xf32>
      %add3A_208 = arith.addf %mul3A_205, %add3A_207 : vector<16xf32>
      %mul3A_209 = arith.mulf %add3A_208, %exp3A_190 : vector<16xf32>
      %add3A_210 = arith.constant 0.99984771 : f32
      %add3A_211 = vector.broadcast %add3A_210 : f32 to vector<16xf32>
      %add3A_212 = arith.addf %mul3A_209, %add3A_211 : vector<16xf32>
      %mul3A_213 = arith.mulf %add3A_212, %exp3A_190 : vector<16xf32>
      %add3A_214 = arith.constant 1.47206504E-6 : f32
      %add3A_215 = vector.broadcast %add3A_214 : f32 to vector<16xf32>
      %add3A_216 = arith.addf %mul3A_213, %add3A_215 : vector<16xf32>
      %min3A_217 = arith.constant 0.000000e+00 : f32
      %min3A_218 = vector.broadcast %min3A_217 : f32 to vector<16xf32>
      %min3A_219 = arith.minimumf %sub3A_185, %min3A_218 : vector<16xf32>
      %sub3A_220 = arith.subf %min3A_219, %add3A_216 : vector<16xf32>
      %add3A_221 = arith.addf %add3A_176, %sub3A_220 : vector<16xf32>
      %iota3A_222 = tpu.iota {dimensions = array<i32: 0>} : vector<16xi32>
      %add3A_223 = arith.constant 0 : i32
      %add3A_224 = vector.broadcast %add3A_223 : i32 to vector<16xi32>
      %add3A_225 = arith.addi %iota3A_222, %add3A_224 : vector<16xi32>
      %add3A_226 = arith.constant 32 : i32
      %add3A_227 = vector.broadcast %add3A_226 : i32 to vector<16xi32>
      %add3A_228 = arith.addi %add3A_225, %add3A_227 : vector<16xi32>
      %gather3A_229 = tpu.vector_load_idx %arg9[%broadcast_in_dim3A_127, %add3A_228, %broadcast_in_dim3A_135] : memref<2x256x128xf32, #tpu.memory_space<vmem>>[vector<16xi32>, vector<16xi32>, vector<16xi32>], vector<16xf32>,
      %sub3A_230 = arith.subf %gather3A_133, %gather3A_229 : vector<16xf32>
      %abs3A_231 = math.absf %sub3A_230 : vector<16xf32>
      %neg3A_232 = arith.constant 0.000000e+00 : f32
      %neg3A_233 = vector.broadcast %neg3A_232 : f32 to vector<16xf32>
      %neg3A_234 = arith.subf %neg3A_233, %abs3A_231 : vector<16xf32>
      %exp3A_235 = math.exp %neg3A_234 : vector<16xf32>
      %mul3A_236 = arith.constant -0.0174140781 : f32
      %mul3A_237 = vector.broadcast %mul3A_236 : f32 to vector<16xf32>
      %mul3A_238 = arith.mulf %mul3A_237, %exp3A_235 : vector<16xf32>
      %add3A_239 = arith.constant 0.0826912373 : f32
      %add3A_240 = vector.broadcast %add3A_239 : f32 to vector<16xf32>
      %add3A_241 = arith.addf %mul3A_238, %add3A_240 : vector<16xf32>
      %mul3A_242 = arith.mulf %add3A_241, %exp3A_235 : vector<16xf32>
      %add3A_243 = arith.constant -0.190354332 : f32
      %add3A_244 = vector.broadcast %add3A_243 : f32 to vector<16xf32>
      %add3A_245 = arith.addf %mul3A_242, %add3A_244 : vector<16xf32>
      %mul3A_246 = arith.mulf %add3A_245, %exp3A_235 : vector<16xf32>
      %add3A_247 = arith.constant 0.315747321 : f32
      %add3A_248 = vector.broadcast %add3A_247 : f32 to vector<16xf32>
      %add3A_249 = arith.addf %mul3A_246, %add3A_248 : vector<16xf32>
      %mul3A_250 = arith.mulf %add3A_249, %exp3A_235 : vector<16xf32>
      %add3A_251 = arith.constant -0.497373223 : f32
      %add3A_252 = vector.broadcast %add3A_251 : f32 to vector<16xf32>
      %add3A_253 = arith.addf %mul3A_250, %add3A_252 : vector<16xf32>
      %mul3A_254 = arith.mulf %add3A_253, %exp3A_235 : vector<16xf32>
      %add3A_255 = arith.constant 0.99984771 : f32
      %add3A_256 = vector.broadcast %add3A_255 : f32 to vector<16xf32>
      %add3A_257 = arith.addf %mul3A_254, %add3A_256 : vector<16xf32>
      %mul3A_258 = arith.mulf %add3A_257, %exp3A_235 : vector<16xf32>
      %add3A_259 = arith.constant 1.47206504E-6 : f32
      %add3A_260 = vector.broadcast %add3A_259 : f32 to vector<16xf32>
      %add3A_261 = arith.addf %mul3A_258, %add3A_260 : vector<16xf32>
      %min3A_262 = arith.constant 0.000000e+00 : f32
      %min3A_263 = vector.broadcast %min3A_262 : f32 to vector<16xf32>
      %min3A_264 = arith.minimumf %sub3A_230, %min3A_263 : vector<16xf32>
      %sub3A_265 = arith.subf %min3A_264, %add3A_261 : vector<16xf32>
      %add3A_266 = arith.addf %add3A_221, %sub3A_265 : vector<16xf32>
      %iota3A_267 = tpu.iota {dimensions = array<i32: 0>} : vector<16xi32>
      %add3A_268 = arith.constant 0 : i32
      %add3A_269 = vector.broadcast %add3A_268 : i32 to vector<16xi32>
      %add3A_270 = arith.addi %iota3A_267, %add3A_269 : vector<16xi32>
      %add3A_271 = arith.constant 48 : i32
      %add3A_272 = vector.broadcast %add3A_271 : i32 to vector<16xi32>
      %add3A_273 = arith.addi %add3A_270, %add3A_272 : vector<16xi32>
      %gather3A_274 = tpu.vector_load_idx %arg9[%broadcast_in_dim3A_127, %add3A_273, %broadcast_in_dim3A_135] : memref<2x256x128xf32, #tpu.memory_space<vmem>>[vector<16xi32>, vector<16xi32>, vector<16xi32>], vector<16xf32>,
      %sub3A_275 = arith.subf %gather3A_133, %gather3A_274 : vector<16xf32>
      %abs3A_276 = math.absf %sub3A_275 : vector<16xf32>
      %neg3A_277 = arith.constant 0.000000e+00 : f32
      %neg3A_278 = vector.broadcast %neg3A_277 : f32 to vector<16xf32>
      %neg3A_279 = arith.subf %neg3A_278, %abs3A_276 : vector<16xf32>
      %exp3A_280 = math.exp %neg3A_279 : vector<16xf32>
      %mul3A_281 = arith.constant -0.0174140781 : f32
      %mul3A_282 = vector.broadcast %mul3A_281 : f32 to vector<16xf32>
      %mul3A_283 = arith.mulf %mul3A_282, %exp3A_280 : vector<16xf32>
      %add3A_284 = arith.constant 0.0826912373 : f32
      %add3A_285 = vector.broadcast %add3A_284 : f32 to vector<16xf32>
      %add3A_286 = arith.addf %mul3A_283, %add3A_285 : vector<16xf32>
      %mul3A_287 = arith.mulf %add3A_286, %exp3A_280 : vector<16xf32>
      %add3A_288 = arith.constant -0.190354332 : f32
      %add3A_289 = vector.broadcast %add3A_288 : f32 to vector<16xf32>
      %add3A_290 = arith.addf %mul3A_287, %add3A_289 : vector<16xf32>
      %mul3A_291 = arith.mulf %add3A_290, %exp3A_280 : vector<16xf32>
      %add3A_292 = arith.constant 0.315747321 : f32
      %add3A_293 = vector.broadcast %add3A_292 : f32 to vector<16xf32>
      %add3A_294 = arith.addf %mul3A_291, %add3A_293 : vector<16xf32>
      %mul3A_295 = arith.mulf %add3A_294, %exp3A_280 : vector<16xf32>
      %add3A_296 = arith.constant -0.497373223 : f32
      %add3A_297 = vector.broadcast %add3A_296 : f32 to vector<16xf32>
      %add3A_298 = arith.addf %mul3A_295, %add3A_297 : vector<16xf32>
      %mul3A_299 = arith.mulf %add3A_298, %exp3A_280 : vector<16xf32>
      %add3A_300 = arith.constant 0.99984771 : f32
      %add3A_301 = vector.broadcast %add3A_300 : f32 to vector<16xf32>
      %add3A_302 = arith.addf %mul3A_299, %add3A_301 : vector<16xf32>
      %mul3A_303 = arith.mulf %add3A_302, %exp3A_280 : vector<16xf32>
      %add3A_304 = arith.constant 1.47206504E-6 : f32
      %add3A_305 = vector.broadcast %add3A_304 : f32 to vector<16xf32>
      %add3A_306 = arith.addf %mul3A_303, %add3A_305 : vector<16xf32>
      %min3A_307 = arith.constant 0.000000e+00 : f32
      %min3A_308 = vector.broadcast %min3A_307 : f32 to vector<16xf32>
      %min3A_309 = arith.minimumf %sub3A_275, %min3A_308 : vector<16xf32>
      %sub3A_310 = arith.subf %min3A_309, %add3A_306 : vector<16xf32>
      %add3A_311 = arith.addf %add3A_266, %sub3A_310 : vector<16xf32>
      %iota3A_312 = tpu.iota {dimensions = array<i32: 0>} : vector<16xi32>
      %add3A_313 = arith.constant 0 : i32
      %add3A_314 = vector.broadcast %add3A_313 : i32 to vector<16xi32>
      %add3A_315 = arith.addi %iota3A_312, %add3A_314 : vector<16xi32>
      %add3A_316 = arith.constant 64 : i32
      %add3A_317 = vector.broadcast %add3A_316 : i32 to vector<16xi32>
      %add3A_318 = arith.addi %add3A_315, %add3A_317 : vector<16xi32>
      %gather3A_319 = tpu.vector_load_idx %arg9[%broadcast_in_dim3A_127, %add3A_318, %broadcast_in_dim3A_135] : memref<2x256x128xf32, #tpu.memory_space<vmem>>[vector<16xi32>, vector<16xi32>, vector<16xi32>], vector<16xf32>,
      %sub3A_320 = arith.subf %gather3A_133, %gather3A_319 : vector<16xf32>
      %abs3A_321 = math.absf %sub3A_320 : vector<16xf32>
      %neg3A_322 = arith.constant 0.000000e+00 : f32
      %neg3A_323 = vector.broadcast %neg3A_322 : f32 to vector<16xf32>
      %neg3A_324 = arith.subf %neg3A_323, %abs3A_321 : vector<16xf32>
      %exp3A_325 = math.exp %neg3A_324 : vector<16xf32>
      %mul3A_326 = arith.constant -0.0174140781 : f32
      %mul3A_327 = vector.broadcast %mul3A_326 : f32 to vector<16xf32>
      %mul3A_328 = arith.mulf %mul3A_327, %exp3A_325 : vector<16xf32>
      %add3A_329 = arith.constant 0.0826912373 : f32
      %add3A_330 = vector.broadcast %add3A_329 : f32 to vector<16xf32>
      %add3A_331 = arith.addf %mul3A_328, %add3A_330 : vector<16xf32>
      %mul3A_332 = arith.mulf %add3A_331, %exp3A_325 : vector<16xf32>
      %add3A_333 = arith.constant -0.190354332 : f32
      %add3A_334 = vector.broadcast %add3A_333 : f32 to vector<16xf32>
      %add3A_335 = arith.addf %mul3A_332, %add3A_334 : vector<16xf32>
      %mul3A_336 = arith.mulf %add3A_335, %exp3A_325 : vector<16xf32>
      %add3A_337 = arith.constant 0.315747321 : f32
      %add3A_338 = vector.broadcast %add3A_337 : f32 to vector<16xf32>
      %add3A_339 = arith.addf %mul3A_336, %add3A_338 : vector<16xf32>
      %mul3A_340 = arith.mulf %add3A_339, %exp3A_325 : vector<16xf32>
      %add3A_341 = arith.constant -0.497373223 : f32
      %add3A_342 = vector.broadcast %add3A_341 : f32 to vector<16xf32>
      %add3A_343 = arith.addf %mul3A_340, %add3A_342 : vector<16xf32>
      %mul3A_344 = arith.mulf %add3A_343, %exp3A_325 : vector<16xf32>
      %add3A_345 = arith.constant 0.99984771 : f32
      %add3A_346 = vector.broadcast %add3A_345 : f32 to vector<16xf32>
      %add3A_347 = arith.addf %mul3A_344, %add3A_346 : vector<16xf32>
      %mul3A_348 = arith.mulf %add3A_347, %exp3A_325 : vector<16xf32>
      %add3A_349 = arith.constant 1.47206504E-6 : f32
      %add3A_350 = vector.broadcast %add3A_349 : f32 to vector<16xf32>
      %add3A_351 = arith.addf %mul3A_348, %add3A_350 : vector<16xf32>
      %min3A_352 = arith.constant 0.000000e+00 : f32
      %min3A_353 = vector.broadcast %min3A_352 : f32 to vector<16xf32>
      %min3A_354 = arith.minimumf %sub3A_320, %min3A_353 : vector<16xf32>
      %sub3A_355 = arith.subf %min3A_354, %add3A_351 : vector<16xf32>
      %add3A_356 = arith.addf %add3A_311, %sub3A_355 : vector<16xf32>
      %iota3A_357 = tpu.iota {dimensions = array<i32: 0>} : vector<16xi32>
      %add3A_358 = arith.constant 0 : i32
      %add3A_359 = vector.broadcast %add3A_358 : i32 to vector<16xi32>
      %add3A_360 = arith.addi %iota3A_357, %add3A_359 : vector<16xi32>
      %add3A_361 = arith.constant 80 : i32
      %add3A_362 = vector.broadcast %add3A_361 : i32 to vector<16xi32>
      %add3A_363 = arith.addi %add3A_360, %add3A_362 : vector<16xi32>
      %gather3A_364 = tpu.vector_load_idx %arg9[%broadcast_in_dim3A_127, %add3A_363, %broadcast_in_dim3A_135] : memref<2x256x128xf32, #tpu.memory_space<vmem>>[vector<16xi32>, vector<16xi32>, vector<16xi32>], vector<16xf32>,
      %sub3A_365 = arith.subf %gather3A_133, %gather3A_364 : vector<16xf32>
      %abs3A_366 = math.absf %sub3A_365 : vector<16xf32>
      %neg3A_367 = arith.constant 0.000000e+00 : f32
      %neg3A_368 = vector.broadcast %neg3A_367 : f32 to vector<16xf32>
      %neg3A_369 = arith.subf %neg3A_368, %abs3A_366 : vector<16xf32>
      %exp3A_370 = math.exp %neg3A_369 : vector<16xf32>
      %mul3A_371 = arith.constant -0.0174140781 : f32
      %mul3A_372 = vector.broadcast %mul3A_371 : f32 to vector<16xf32>
      %mul3A_373 = arith.mulf %mul3A_372, %exp3A_370 : vector<16xf32>
      %add3A_374 = arith.constant 0.0826912373 : f32
      %add3A_375 = vector.broadcast %add3A_374 : f32 to vector<16xf32>
      %add3A_376 = arith.addf %mul3A_373, %add3A_375 : vector<16xf32>
      %mul3A_377 = arith.mulf %add3A_376, %exp3A_370 : vector<16xf32>
      %add3A_378 = arith.constant -0.190354332 : f32
      %add3A_379 = vector.broadcast %add3A_378 : f32 to vector<16xf32>
      %add3A_380 = arith.addf %mul3A_377, %add3A_379 : vector<16xf32>
      %mul3A_381 = arith.mulf %add3A_380, %exp3A_370 : vector<16xf32>
      %add3A_382 = arith.constant 0.315747321 : f32
      %add3A_383 = vector.broadcast %add3A_382 : f32 to vector<16xf32>
      %add3A_384 = arith.addf %mul3A_381, %add3A_383 : vector<16xf32>
      %mul3A_385 = arith.mulf %add3A_384, %exp3A_370 : vector<16xf32>
      %add3A_386 = arith.constant -0.497373223 : f32
      %add3A_387 = vector.broadcast %add3A_386 : f32 to vector<16xf32>
      %add3A_388 = arith.addf %mul3A_385, %add3A_387 : vector<16xf32>
      %mul3A_389 = arith.mulf %add3A_388, %exp3A_370 : vector<16xf32>
      %add3A_390 = arith.constant 0.99984771 : f32
      %add3A_391 = vector.broadcast %add3A_390 : f32 to vector<16xf32>
      %add3A_392 = arith.addf %mul3A_389, %add3A_391 : vector<16xf32>
      %mul3A_393 = arith.mulf %add3A_392, %exp3A_370 : vector<16xf32>
      %add3A_394 = arith.constant 1.47206504E-6 : f32
      %add3A_395 = vector.broadcast %add3A_394 : f32 to vector<16xf32>
      %add3A_396 = arith.addf %mul3A_393, %add3A_395 : vector<16xf32>
      %min3A_397 = arith.constant 0.000000e+00 : f32
      %min3A_398 = vector.broadcast %min3A_397 : f32 to vector<16xf32>
      %min3A_399 = arith.minimumf %sub3A_365, %min3A_398 : vector<16xf32>
      %sub3A_400 = arith.subf %min3A_399, %add3A_396 : vector<16xf32>
      %add3A_401 = arith.addf %add3A_356, %sub3A_400 : vector<16xf32>
      %iota3A_402 = tpu.iota {dimensions = array<i32: 0>} : vector<16xi32>
      %add3A_403 = arith.constant 0 : i32
      %add3A_404 = vector.broadcast %add3A_403 : i32 to vector<16xi32>
      %add3A_405 = arith.addi %iota3A_402, %add3A_404 : vector<16xi32>
      %add3A_406 = arith.constant 96 : i32
      %add3A_407 = vector.broadcast %add3A_406 : i32 to vector<16xi32>
      %add3A_408 = arith.addi %add3A_405, %add3A_407 : vector<16xi32>
      %gather3A_409 = tpu.vector_load_idx %arg9[%broadcast_in_dim3A_127, %add3A_408, %broadcast_in_dim3A_135] : memref<2x256x128xf32, #tpu.memory_space<vmem>>[vector<16xi32>, vector<16xi32>, vector<16xi32>], vector<16xf32>,
      %sub3A_410 = arith.subf %gather3A_133, %gather3A_409 : vector<16xf32>
      %abs3A_411 = math.absf %sub3A_410 : vector<16xf32>
      %neg3A_412 = arith.constant 0.000000e+00 : f32
      %neg3A_413 = vector.broadcast %neg3A_412 : f32 to vector<16xf32>
      %neg3A_414 = arith.subf %neg3A_413, %abs3A_411 : vector<16xf32>
      %exp3A_415 = math.exp %neg3A_414 : vector<16xf32>
      %mul3A_416 = arith.constant -0.0174140781 : f32
      %mul3A_417 = vector.broadcast %mul3A_416 : f32 to vector<16xf32>
      %mul3A_418 = arith.mulf %mul3A_417, %exp3A_415 : vector<16xf32>
      %add3A_419 = arith.constant 0.0826912373 : f32
      %add3A_420 = vector.broadcast %add3A_419 : f32 to vector<16xf32>
      %add3A_421 = arith.addf %mul3A_418, %add3A_420 : vector<16xf32>
      %mul3A_422 = arith.mulf %add3A_421, %exp3A_415 : vector<16xf32>
      %add3A_423 = arith.constant -0.190354332 : f32
      %add3A_424 = vector.broadcast %add3A_423 : f32 to vector<16xf32>
      %add3A_425 = arith.addf %mul3A_422, %add3A_424 : vector<16xf32>
      %mul3A_426 = arith.mulf %add3A_425, %exp3A_415 : vector<16xf32>
      %add3A_427 = arith.constant 0.315747321 : f32
      %add3A_428 = vector.broadcast %add3A_427 : f32 to vector<16xf32>
      %add3A_429 = arith.addf %mul3A_426, %add3A_428 : vector<16xf32>
      %mul3A_430 = arith.mulf %add3A_429, %exp3A_415 : vector<16xf32>
      %add3A_431 = arith.constant -0.497373223 : f32
      %add3A_432 = vector.broadcast %add3A_431 : f32 to vector<16xf32>
      %add3A_433 = arith.addf %mul3A_430, %add3A_432 : vector<16xf32>
      %mul3A_434 = arith.mulf %add3A_433, %exp3A_415 : vector<16xf32>
      %add3A_435 = arith.constant 0.99984771 : f32
      %add3A_436 = vector.broadcast %add3A_435 : f32 to vector<16xf32>
      %add3A_437 = arith.addf %mul3A_434, %add3A_436 : vector<16xf32>
      %mul3A_438 = arith.mulf %add3A_437, %exp3A_415 : vector<16xf32>
      %add3A_439 = arith.constant 1.47206504E-6 : f32
      %add3A_440 = vector.broadcast %add3A_439 : f32 to vector<16xf32>
      %add3A_441 = arith.addf %mul3A_438, %add3A_440 : vector<16xf32>
      %min3A_442 = arith.constant 0.000000e+00 : f32
      %min3A_443 = vector.broadcast %min3A_442 : f32 to vector<16xf32>
      %min3A_444 = arith.minimumf %sub3A_410, %min3A_443 : vector<16xf32>
      %sub3A_445 = arith.subf %min3A_444, %add3A_441 : vector<16xf32>
      %add3A_446 = arith.addf %add3A_401, %sub3A_445 : vector<16xf32>
      %iota3A_447 = tpu.iota {dimensions = array<i32: 0>} : vector<16xi32>
      %add3A_448 = arith.constant 0 : i32
      %add3A_449 = vector.broadcast %add3A_448 : i32 to vector<16xi32>
      %add3A_450 = arith.addi %iota3A_447, %add3A_449 : vector<16xi32>
      %add3A_451 = arith.constant 112 : i32
      %add3A_452 = vector.broadcast %add3A_451 : i32 to vector<16xi32>
      %add3A_453 = arith.addi %add3A_450, %add3A_452 : vector<16xi32>
      %gather3A_454 = tpu.vector_load_idx %arg9[%broadcast_in_dim3A_127, %add3A_453, %broadcast_in_dim3A_135] : memref<2x256x128xf32, #tpu.memory_space<vmem>>[vector<16xi32>, vector<16xi32>, vector<16xi32>], vector<16xf32>,
      %sub3A_455 = arith.subf %gather3A_133, %gather3A_454 : vector<16xf32>
      %abs3A_456 = math.absf %sub3A_455 : vector<16xf32>
      %neg3A_457 = arith.constant 0.000000e+00 : f32
      %neg3A_458 = vector.broadcast %neg3A_457 : f32 to vector<16xf32>
      %neg3A_459 = arith.subf %neg3A_458, %abs3A_456 : vector<16xf32>
      %exp3A_460 = math.exp %neg3A_459 : vector<16xf32>
      %mul3A_461 = arith.constant -0.0174140781 : f32
      %mul3A_462 = vector.broadcast %mul3A_461 : f32 to vector<16xf32>
      %mul3A_463 = arith.mulf %mul3A_462, %exp3A_460 : vector<16xf32>
      %add3A_464 = arith.constant 0.0826912373 : f32
      %add3A_465 = vector.broadcast %add3A_464 : f32 to vector<16xf32>
      %add3A_466 = arith.addf %mul3A_463, %add3A_465 : vector<16xf32>
      %mul3A_467 = arith.mulf %add3A_466, %exp3A_460 : vector<16xf32>
      %add3A_468 = arith.constant -0.190354332 : f32
      %add3A_469 = vector.broadcast %add3A_468 : f32 to vector<16xf32>
      %add3A_470 = arith.addf %mul3A_467, %add3A_469 : vector<16xf32>
      %mul3A_471 = arith.mulf %add3A_470, %exp3A_460 : vector<16xf32>
      %add3A_472 = arith.constant 0.315747321 : f32
      %add3A_473 = vector.broadcast %add3A_472 : f32 to vector<16xf32>
      %add3A_474 = arith.addf %mul3A_471, %add3A_473 : vector<16xf32>
      %mul3A_475 = arith.mulf %add3A_474, %exp3A_460 : vector<16xf32>
      %add3A_476 = arith.constant -0.497373223 : f32
      %add3A_477 = vector.broadcast %add3A_476 : f32 to vector<16xf32>
      %add3A_478 = arith.addf %mul3A_475, %add3A_477 : vector<16xf32>
      %mul3A_479 = arith.mulf %add3A_478, %exp3A_460 : vector<16xf32>
      %add3A_480 = arith.constant 0.99984771 : f32
      %add3A_481 = vector.broadcast %add3A_480 : f32 to vector<16xf32>
      %add3A_482 = arith.addf %mul3A_479, %add3A_481 : vector<16xf32>
      %mul3A_483 = arith.mulf %add3A_482, %exp3A_460 : vector<16xf32>
      %add3A_484 = arith.constant 1.47206504E-6 : f32
      %add3A_485 = vector.broadcast %add3A_484 : f32 to vector<16xf32>
      %add3A_486 = arith.addf %mul3A_483, %add3A_485 : vector<16xf32>
      %min3A_487 = arith.constant 0.000000e+00 : f32
      %min3A_488 = vector.broadcast %min3A_487 : f32 to vector<16xf32>
      %min3A_489 = arith.minimumf %sub3A_455, %min3A_488 : vector<16xf32>
      %sub3A_490 = arith.subf %min3A_489, %add3A_486 : vector<16xf32>
      %add3A_491 = arith.addf %add3A_446, %sub3A_490 : vector<16xf32>
      %mul3A_492 = arith.constant 2 : i32
      %mul3A_493 = arith.muli %scan3A_78, %mul3A_492 : i32
      %add3A_494 = arith.constant 1 : i32
      %add3A_495 = arith.addi %mul3A_493, %add3A_494 : i32
      %broadcast_in_dim3A_496 = vector.broadcast %add3A_495 : i32 to vector<16xi32>
      %gather3A_497 = tpu.vector_load_idx %arg11[%broadcast_in_dim3A_496] : memref<32xf32, #tpu.memory_space<vmem>>[vector<16xi32>], vector<16xf32>,
      %add3A_498 = arith.addi %sub3A_21, %add3A_495 : i32
      %broadcast_in_dim3A_499 = vector.broadcast %add3A_498 : i32 to vector<16xi32>
      %iota3A_500 = tpu.iota {dimensions = array<i32: 0>} : vector<16xi32>
      %add3A_501 = arith.constant 128 : i32
      %add3A_502 = vector.broadcast %add3A_501 : i32 to vector<16xi32>
      %add3A_503 = arith.addi %iota3A_500, %add3A_502 : vector<16xi32>
      %add3A_504 = arith.constant 0 : i32
      %add3A_505 = vector.broadcast %add3A_504 : i32 to vector<16xi32>
      %add3A_506 = arith.addi %add3A_503, %add3A_505 : vector<16xi32>
      %gather3A_507 = tpu.vector_load_idx %arg9[%broadcast_in_dim3A_127, %add3A_506, %broadcast_in_dim3A_499] : memref<2x256x128xf32, #tpu.memory_space<vmem>>[vector<16xi32>, vector<16xi32>, vector<16xi32>], vector<16xf32>,
      %sub3A_508 = arith.subf %gather3A_497, %gather3A_507 : vector<16xf32>
      %abs3A_509 = math.absf %sub3A_508 : vector<16xf32>
      %neg3A_510 = arith.constant 0.000000e+00 : f32
      %neg3A_511 = vector.broadcast %neg3A_510 : f32 to vector<16xf32>
      %neg3A_512 = arith.subf %neg3A_511, %abs3A_509 : vector<16xf32>
      %exp3A_513 = math.exp %neg3A_512 : vector<16xf32>
      %mul3A_514 = arith.constant -0.0174140781 : f32
      %mul3A_515 = vector.broadcast %mul3A_514 : f32 to vector<16xf32>
      %mul3A_516 = arith.mulf %mul3A_515, %exp3A_513 : vector<16xf32>
      %add3A_517 = arith.constant 0.0826912373 : f32
      %add3A_518 = vector.broadcast %add3A_517 : f32 to vector<16xf32>
      %add3A_519 = arith.addf %mul3A_516, %add3A_518 : vector<16xf32>
      %mul3A_520 = arith.mulf %add3A_519, %exp3A_513 : vector<16xf32>
      %add3A_521 = arith.constant -0.190354332 : f32
      %add3A_522 = vector.broadcast %add3A_521 : f32 to vector<16xf32>
      %add3A_523 = arith.addf %mul3A_520, %add3A_522 : vector<16xf32>
      %mul3A_524 = arith.mulf %add3A_523, %exp3A_513 : vector<16xf32>
      %add3A_525 = arith.constant 0.315747321 : f32
      %add3A_526 = vector.broadcast %add3A_525 : f32 to vector<16xf32>
      %add3A_527 = arith.addf %mul3A_524, %add3A_526 : vector<16xf32>
      %mul3A_528 = arith.mulf %add3A_527, %exp3A_513 : vector<16xf32>
      %add3A_529 = arith.constant -0.497373223 : f32
      %add3A_530 = vector.broadcast %add3A_529 : f32 to vector<16xf32>
      %add3A_531 = arith.addf %mul3A_528, %add3A_530 : vector<16xf32>
      %mul3A_532 = arith.mulf %add3A_531, %exp3A_513 : vector<16xf32>
      %add3A_533 = arith.constant 0.99984771 : f32
      %add3A_534 = vector.broadcast %add3A_533 : f32 to vector<16xf32>
      %add3A_535 = arith.addf %mul3A_532, %add3A_534 : vector<16xf32>
      %mul3A_536 = arith.mulf %add3A_535, %exp3A_513 : vector<16xf32>
      %add3A_537 = arith.constant 1.47206504E-6 : f32
      %add3A_538 = vector.broadcast %add3A_537 : f32 to vector<16xf32>
      %add3A_539 = arith.addf %mul3A_536, %add3A_538 : vector<16xf32>
      %min3A_540 = arith.constant 0.000000e+00 : f32
      %min3A_541 = vector.broadcast %min3A_540 : f32 to vector<16xf32>
      %min3A_542 = arith.minimumf %sub3A_508, %min3A_541 : vector<16xf32>
      %sub3A_543 = arith.subf %min3A_542, %add3A_539 : vector<16xf32>
      %add3A_544 = arith.addf %add3A_491, %sub3A_543 : vector<16xf32>
      %iota3A_545 = tpu.iota {dimensions = array<i32: 0>} : vector<16xi32>
      %add3A_546 = arith.constant 128 : i32
      %add3A_547 = vector.broadcast %add3A_546 : i32 to vector<16xi32>
      %add3A_548 = arith.addi %iota3A_545, %add3A_547 : vector<16xi32>
      %add3A_549 = arith.constant 16 : i32
      %add3A_550 = vector.broadcast %add3A_549 : i32 to vector<16xi32>
      %add3A_551 = arith.addi %add3A_548, %add3A_550 : vector<16xi32>
      %gather3A_552 = tpu.vector_load_idx %arg9[%broadcast_in_dim3A_127, %add3A_551, %broadcast_in_dim3A_499] : memref<2x256x128xf32, #tpu.memory_space<vmem>>[vector<16xi32>, vector<16xi32>, vector<16xi32>], vector<16xf32>,
      %sub3A_553 = arith.subf %gather3A_497, %gather3A_552 : vector<16xf32>
      %abs3A_554 = math.absf %sub3A_553 : vector<16xf32>
      %neg3A_555 = arith.constant 0.000000e+00 : f32
      %neg3A_556 = vector.broadcast %neg3A_555 : f32 to vector<16xf32>
      %neg3A_557 = arith.subf %neg3A_556, %abs3A_554 : vector<16xf32>
      %exp3A_558 = math.exp %neg3A_557 : vector<16xf32>
      %mul3A_559 = arith.constant -0.0174140781 : f32
      %mul3A_560 = vector.broadcast %mul3A_559 : f32 to vector<16xf32>
      %mul3A_561 = arith.mulf %mul3A_560, %exp3A_558 : vector<16xf32>
      %add3A_562 = arith.constant 0.0826912373 : f32
      %add3A_563 = vector.broadcast %add3A_562 : f32 to vector<16xf32>
      %add3A_564 = arith.addf %mul3A_561, %add3A_563 : vector<16xf32>
      %mul3A_565 = arith.mulf %add3A_564, %exp3A_558 : vector<16xf32>
      %add3A_566 = arith.constant -0.190354332 : f32
      %add3A_567 = vector.broadcast %add3A_566 : f32 to vector<16xf32>
      %add3A_568 = arith.addf %mul3A_565, %add3A_567 : vector<16xf32>
      %mul3A_569 = arith.mulf %add3A_568, %exp3A_558 : vector<16xf32>
      %add3A_570 = arith.constant 0.315747321 : f32
      %add3A_571 = vector.broadcast %add3A_570 : f32 to vector<16xf32>
      %add3A_572 = arith.addf %mul3A_569, %add3A_571 : vector<16xf32>
      %mul3A_573 = arith.mulf %add3A_572, %exp3A_558 : vector<16xf32>
      %add3A_574 = arith.constant -0.497373223 : f32
      %add3A_575 = vector.broadcast %add3A_574 : f32 to vector<16xf32>
      %add3A_576 = arith.addf %mul3A_573, %add3A_575 : vector<16xf32>
      %mul3A_577 = arith.mulf %add3A_576, %exp3A_558 : vector<16xf32>
      %add3A_578 = arith.constant 0.99984771 : f32
      %add3A_579 = vector.broadcast %add3A_578 : f32 to vector<16xf32>
      %add3A_580 = arith.addf %mul3A_577, %add3A_579 : vector<16xf32>
      %mul3A_581 = arith.mulf %add3A_580, %exp3A_558 : vector<16xf32>
      %add3A_582 = arith.constant 1.47206504E-6 : f32
      %add3A_583 = vector.broadcast %add3A_582 : f32 to vector<16xf32>
      %add3A_584 = arith.addf %mul3A_581, %add3A_583 : vector<16xf32>
      %min3A_585 = arith.constant 0.000000e+00 : f32
      %min3A_586 = vector.broadcast %min3A_585 : f32 to vector<16xf32>
      %min3A_587 = arith.minimumf %sub3A_553, %min3A_586 : vector<16xf32>
      %sub3A_588 = arith.subf %min3A_587, %add3A_584 : vector<16xf32>
      %add3A_589 = arith.addf %add3A_544, %sub3A_588 : vector<16xf32>
      %iota3A_590 = tpu.iota {dimensions = array<i32: 0>} : vector<16xi32>
      %add3A_591 = arith.constant 128 : i32
      %add3A_592 = vector.broadcast %add3A_591 : i32 to vector<16xi32>
      %add3A_593 = arith.addi %iota3A_590, %add3A_592 : vector<16xi32>
      %add3A_594 = arith.constant 32 : i32
      %add3A_595 = vector.broadcast %add3A_594 : i32 to vector<16xi32>
      %add3A_596 = arith.addi %add3A_593, %add3A_595 : vector<16xi32>
      %gather3A_597 = tpu.vector_load_idx %arg9[%broadcast_in_dim3A_127, %add3A_596, %broadcast_in_dim3A_499] : memref<2x256x128xf32, #tpu.memory_space<vmem>>[vector<16xi32>, vector<16xi32>, vector<16xi32>], vector<16xf32>,
      %sub3A_598 = arith.subf %gather3A_497, %gather3A_597 : vector<16xf32>
      %abs3A_599 = math.absf %sub3A_598 : vector<16xf32>
      %neg3A_600 = arith.constant 0.000000e+00 : f32
      %neg3A_601 = vector.broadcast %neg3A_600 : f32 to vector<16xf32>
      %neg3A_602 = arith.subf %neg3A_601, %abs3A_599 : vector<16xf32>
      %exp3A_603 = math.exp %neg3A_602 : vector<16xf32>
      %mul3A_604 = arith.constant -0.0174140781 : f32
      %mul3A_605 = vector.broadcast %mul3A_604 : f32 to vector<16xf32>
      %mul3A_606 = arith.mulf %mul3A_605, %exp3A_603 : vector<16xf32>
      %add3A_607 = arith.constant 0.0826912373 : f32
      %add3A_608 = vector.broadcast %add3A_607 : f32 to vector<16xf32>
      %add3A_609 = arith.addf %mul3A_606, %add3A_608 : vector<16xf32>
      %mul3A_610 = arith.mulf %add3A_609, %exp3A_603 : vector<16xf32>
      %add3A_611 = arith.constant -0.190354332 : f32
      %add3A_612 = vector.broadcast %add3A_611 : f32 to vector<16xf32>
      %add3A_613 = arith.addf %mul3A_610, %add3A_612 : vector<16xf32>
      %mul3A_614 = arith.mulf %add3A_613, %exp3A_603 : vector<16xf32>
      %add3A_615 = arith.constant 0.315747321 : f32
      %add3A_616 = vector.broadcast %add3A_615 : f32 to vector<16xf32>
      %add3A_617 = arith.addf %mul3A_614, %add3A_616 : vector<16xf32>
      %mul3A_618 = arith.mulf %add3A_617, %exp3A_603 : vector<16xf32>
      %add3A_619 = arith.constant -0.497373223 : f32
      %add3A_620 = vector.broadcast %add3A_619 : f32 to vector<16xf32>
      %add3A_621 = arith.addf %mul3A_618, %add3A_620 : vector<16xf32>
      %mul3A_622 = arith.mulf %add3A_621, %exp3A_603 : vector<16xf32>
      %add3A_623 = arith.constant 0.99984771 : f32
      %add3A_624 = vector.broadcast %add3A_623 : f32 to vector<16xf32>
      %add3A_625 = arith.addf %mul3A_622, %add3A_624 : vector<16xf32>
      %mul3A_626 = arith.mulf %add3A_625, %exp3A_603 : vector<16xf32>
      %add3A_627 = arith.constant 1.47206504E-6 : f32
      %add3A_628 = vector.broadcast %add3A_627 : f32 to vector<16xf32>
      %add3A_629 = arith.addf %mul3A_626, %add3A_628 : vector<16xf32>
      %min3A_630 = arith.constant 0.000000e+00 : f32
      %min3A_631 = vector.broadcast %min3A_630 : f32 to vector<16xf32>
      %min3A_632 = arith.minimumf %sub3A_598, %min3A_631 : vector<16xf32>
      %sub3A_633 = arith.subf %min3A_632, %add3A_629 : vector<16xf32>
      %add3A_634 = arith.addf %add3A_589, %sub3A_633 : vector<16xf32>
      %iota3A_635 = tpu.iota {dimensions = array<i32: 0>} : vector<16xi32>
      %add3A_636 = arith.constant 128 : i32
      %add3A_637 = vector.broadcast %add3A_636 : i32 to vector<16xi32>
      %add3A_638 = arith.addi %iota3A_635, %add3A_637 : vector<16xi32>
      %add3A_639 = arith.constant 48 : i32
      %add3A_640 = vector.broadcast %add3A_639 : i32 to vector<16xi32>
      %add3A_641 = arith.addi %add3A_638, %add3A_640 : vector<16xi32>
      %gather3A_642 = tpu.vector_load_idx %arg9[%broadcast_in_dim3A_127, %add3A_641, %broadcast_in_dim3A_499] : memref<2x256x128xf32, #tpu.memory_space<vmem>>[vector<16xi32>, vector<16xi32>, vector<16xi32>], vector<16xf32>,
      %sub3A_643 = arith.subf %gather3A_497, %gather3A_642 : vector<16xf32>
      %abs3A_644 = math.absf %sub3A_643 : vector<16xf32>
      %neg3A_645 = arith.constant 0.000000e+00 : f32
      %neg3A_646 = vector.broadcast %neg3A_645 : f32 to vector<16xf32>
      %neg3A_647 = arith.subf %neg3A_646, %abs3A_644 : vector<16xf32>
      %exp3A_648 = math.exp %neg3A_647 : vector<16xf32>
      %mul3A_649 = arith.constant -0.0174140781 : f32
      %mul3A_650 = vector.broadcast %mul3A_649 : f32 to vector<16xf32>
      %mul3A_651 = arith.mulf %mul3A_650, %exp3A_648 : vector<16xf32>
      %add3A_652 = arith.constant 0.0826912373 : f32
      %add3A_653 = vector.broadcast %add3A_652 : f32 to vector<16xf32>
      %add3A_654 = arith.addf %mul3A_651, %add3A_653 : vector<16xf32>
      %mul3A_655 = arith.mulf %add3A_654, %exp3A_648 : vector<16xf32>
      %add3A_656 = arith.constant -0.190354332 : f32
      %add3A_657 = vector.broadcast %add3A_656 : f32 to vector<16xf32>
      %add3A_658 = arith.addf %mul3A_655, %add3A_657 : vector<16xf32>
      %mul3A_659 = arith.mulf %add3A_658, %exp3A_648 : vector<16xf32>
      %add3A_660 = arith.constant 0.315747321 : f32
      %add3A_661 = vector.broadcast %add3A_660 : f32 to vector<16xf32>
      %add3A_662 = arith.addf %mul3A_659, %add3A_661 : vector<16xf32>
      %mul3A_663 = arith.mulf %add3A_662, %exp3A_648 : vector<16xf32>
      %add3A_664 = arith.constant -0.497373223 : f32
      %add3A_665 = vector.broadcast %add3A_664 : f32 to vector<16xf32>
      %add3A_666 = arith.addf %mul3A_663, %add3A_665 : vector<16xf32>
      %mul3A_667 = arith.mulf %add3A_666, %exp3A_648 : vector<16xf32>
      %add3A_668 = arith.constant 0.99984771 : f32
      %add3A_669 = vector.broadcast %add3A_668 : f32 to vector<16xf32>
      %add3A_670 = arith.addf %mul3A_667, %add3A_669 : vector<16xf32>
      %mul3A_671 = arith.mulf %add3A_670, %exp3A_648 : vector<16xf32>
      %add3A_672 = arith.constant 1.47206504E-6 : f32
      %add3A_673 = vector.broadcast %add3A_672 : f32 to vector<16xf32>
      %add3A_674 = arith.addf %mul3A_671, %add3A_673 : vector<16xf32>
      %min3A_675 = arith.constant 0.000000e+00 : f32
      %min3A_676 = vector.broadcast %min3A_675 : f32 to vector<16xf32>
      %min3A_677 = arith.minimumf %sub3A_643, %min3A_676 : vector<16xf32>
      %sub3A_678 = arith.subf %min3A_677, %add3A_674 : vector<16xf32>
      %add3A_679 = arith.addf %add3A_634, %sub3A_678 : vector<16xf32>
      %iota3A_680 = tpu.iota {dimensions = array<i32: 0>} : vector<16xi32>
      %add3A_681 = arith.constant 128 : i32
      %add3A_682 = vector.broadcast %add3A_681 : i32 to vector<16xi32>
      %add3A_683 = arith.addi %iota3A_680, %add3A_682 : vector<16xi32>
      %add3A_684 = arith.constant 64 : i32
      %add3A_685 = vector.broadcast %add3A_684 : i32 to vector<16xi32>
      %add3A_686 = arith.addi %add3A_683, %add3A_685 : vector<16xi32>
      %gather3A_687 = tpu.vector_load_idx %arg9[%broadcast_in_dim3A_127, %add3A_686, %broadcast_in_dim3A_499] : memref<2x256x128xf32, #tpu.memory_space<vmem>>[vector<16xi32>, vector<16xi32>, vector<16xi32>], vector<16xf32>,
      %sub3A_688 = arith.subf %gather3A_497, %gather3A_687 : vector<16xf32>
      %abs3A_689 = math.absf %sub3A_688 : vector<16xf32>
      %neg3A_690 = arith.constant 0.000000e+00 : f32
      %neg3A_691 = vector.broadcast %neg3A_690 : f32 to vector<16xf32>
      %neg3A_692 = arith.subf %neg3A_691, %abs3A_689 : vector<16xf32>
      %exp3A_693 = math.exp %neg3A_692 : vector<16xf32>
      %mul3A_694 = arith.constant -0.0174140781 : f32
      %mul3A_695 = vector.broadcast %mul3A_694 : f32 to vector<16xf32>
      %mul3A_696 = arith.mulf %mul3A_695, %exp3A_693 : vector<16xf32>
      %add3A_697 = arith.constant 0.0826912373 : f32
      %add3A_698 = vector.broadcast %add3A_697 : f32 to vector<16xf32>
      %add3A_699 = arith.addf %mul3A_696, %add3A_698 : vector<16xf32>
      %mul3A_700 = arith.mulf %add3A_699, %exp3A_693 : vector<16xf32>
      %add3A_701 = arith.constant -0.190354332 : f32
      %add3A_702 = vector.broadcast %add3A_701 : f32 to vector<16xf32>
      %add3A_703 = arith.addf %mul3A_700, %add3A_702 : vector<16xf32>
      %mul3A_704 = arith.mulf %add3A_703, %exp3A_693 : vector<16xf32>
      %add3A_705 = arith.constant 0.315747321 : f32
      %add3A_706 = vector.broadcast %add3A_705 : f32 to vector<16xf32>
      %add3A_707 = arith.addf %mul3A_704, %add3A_706 : vector<16xf32>
      %mul3A_708 = arith.mulf %add3A_707, %exp3A_693 : vector<16xf32>
      %add3A_709 = arith.constant -0.497373223 : f32
      %add3A_710 = vector.broadcast %add3A_709 : f32 to vector<16xf32>
      %add3A_711 = arith.addf %mul3A_708, %add3A_710 : vector<16xf32>
      %mul3A_712 = arith.mulf %add3A_711, %exp3A_693 : vector<16xf32>
      %add3A_713 = arith.constant 0.99984771 : f32
      %add3A_714 = vector.broadcast %add3A_713 : f32 to vector<16xf32>
      %add3A_715 = arith.addf %mul3A_712, %add3A_714 : vector<16xf32>
      %mul3A_716 = arith.mulf %add3A_715, %exp3A_693 : vector<16xf32>
      %add3A_717 = arith.constant 1.47206504E-6 : f32
      %add3A_718 = vector.broadcast %add3A_717 : f32 to vector<16xf32>
      %add3A_719 = arith.addf %mul3A_716, %add3A_718 : vector<16xf32>
      %min3A_720 = arith.constant 0.000000e+00 : f32
      %min3A_721 = vector.broadcast %min3A_720 : f32 to vector<16xf32>
      %min3A_722 = arith.minimumf %sub3A_688, %min3A_721 : vector<16xf32>
      %sub3A_723 = arith.subf %min3A_722, %add3A_719 : vector<16xf32>
      %add3A_724 = arith.addf %add3A_679, %sub3A_723 : vector<16xf32>
      %iota3A_725 = tpu.iota {dimensions = array<i32: 0>} : vector<16xi32>
      %add3A_726 = arith.constant 128 : i32
      %add3A_727 = vector.broadcast %add3A_726 : i32 to vector<16xi32>
      %add3A_728 = arith.addi %iota3A_725, %add3A_727 : vector<16xi32>
      %add3A_729 = arith.constant 80 : i32
      %add3A_730 = vector.broadcast %add3A_729 : i32 to vector<16xi32>
      %add3A_731 = arith.addi %add3A_728, %add3A_730 : vector<16xi32>
      %gather3A_732 = tpu.vector_load_idx %arg9[%broadcast_in_dim3A_127, %add3A_731, %broadcast_in_dim3A_499] : memref<2x256x128xf32, #tpu.memory_space<vmem>>[vector<16xi32>, vector<16xi32>, vector<16xi32>], vector<16xf32>,
      %sub3A_733 = arith.subf %gather3A_497, %gather3A_732 : vector<16xf32>
      %abs3A_734 = math.absf %sub3A_733 : vector<16xf32>
      %neg3A_735 = arith.constant 0.000000e+00 : f32
      %neg3A_736 = vector.broadcast %neg3A_735 : f32 to vector<16xf32>
      %neg3A_737 = arith.subf %neg3A_736, %abs3A_734 : vector<16xf32>
      %exp3A_738 = math.exp %neg3A_737 : vector<16xf32>
      %mul3A_739 = arith.constant -0.0174140781 : f32
      %mul3A_740 = vector.broadcast %mul3A_739 : f32 to vector<16xf32>
      %mul3A_741 = arith.mulf %mul3A_740, %exp3A_738 : vector<16xf32>
      %add3A_742 = arith.constant 0.0826912373 : f32
      %add3A_743 = vector.broadcast %add3A_742 : f32 to vector<16xf32>
      %add3A_744 = arith.addf %mul3A_741, %add3A_743 : vector<16xf32>
      %mul3A_745 = arith.mulf %add3A_744, %exp3A_738 : vector<16xf32>
      %add3A_746 = arith.constant -0.190354332 : f32
      %add3A_747 = vector.broadcast %add3A_746 : f32 to vector<16xf32>
      %add3A_748 = arith.addf %mul3A_745, %add3A_747 : vector<16xf32>
      %mul3A_749 = arith.mulf %add3A_748, %exp3A_738 : vector<16xf32>
      %add3A_750 = arith.constant 0.315747321 : f32
      %add3A_751 = vector.broadcast %add3A_750 : f32 to vector<16xf32>
      %add3A_752 = arith.addf %mul3A_749, %add3A_751 : vector<16xf32>
      %mul3A_753 = arith.mulf %add3A_752, %exp3A_738 : vector<16xf32>
      %add3A_754 = arith.constant -0.497373223 : f32
      %add3A_755 = vector.broadcast %add3A_754 : f32 to vector<16xf32>
      %add3A_756 = arith.addf %mul3A_753, %add3A_755 : vector<16xf32>
      %mul3A_757 = arith.mulf %add3A_756, %exp3A_738 : vector<16xf32>
      %add3A_758 = arith.constant 0.99984771 : f32
      %add3A_759 = vector.broadcast %add3A_758 : f32 to vector<16xf32>
      %add3A_760 = arith.addf %mul3A_757, %add3A_759 : vector<16xf32>
      %mul3A_761 = arith.mulf %add3A_760, %exp3A_738 : vector<16xf32>
      %add3A_762 = arith.constant 1.47206504E-6 : f32
      %add3A_763 = vector.broadcast %add3A_762 : f32 to vector<16xf32>
      %add3A_764 = arith.addf %mul3A_761, %add3A_763 : vector<16xf32>
      %min3A_765 = arith.constant 0.000000e+00 : f32
      %min3A_766 = vector.broadcast %min3A_765 : f32 to vector<16xf32>
      %min3A_767 = arith.minimumf %sub3A_733, %min3A_766 : vector<16xf32>
      %sub3A_768 = arith.subf %min3A_767, %add3A_764 : vector<16xf32>
      %add3A_769 = arith.addf %add3A_724, %sub3A_768 : vector<16xf32>
      %iota3A_770 = tpu.iota {dimensions = array<i32: 0>} : vector<16xi32>
      %add3A_771 = arith.constant 128 : i32
      %add3A_772 = vector.broadcast %add3A_771 : i32 to vector<16xi32>
      %add3A_773 = arith.addi %iota3A_770, %add3A_772 : vector<16xi32>
      %add3A_774 = arith.constant 96 : i32
      %add3A_775 = vector.broadcast %add3A_774 : i32 to vector<16xi32>
      %add3A_776 = arith.addi %add3A_773, %add3A_775 : vector<16xi32>
      %gather3A_777 = tpu.vector_load_idx %arg9[%broadcast_in_dim3A_127, %add3A_776, %broadcast_in_dim3A_499] : memref<2x256x128xf32, #tpu.memory_space<vmem>>[vector<16xi32>, vector<16xi32>, vector<16xi32>], vector<16xf32>,
      %sub3A_778 = arith.subf %gather3A_497, %gather3A_777 : vector<16xf32>
      %abs3A_779 = math.absf %sub3A_778 : vector<16xf32>
      %neg3A_780 = arith.constant 0.000000e+00 : f32
      %neg3A_781 = vector.broadcast %neg3A_780 : f32 to vector<16xf32>
      %neg3A_782 = arith.subf %neg3A_781, %abs3A_779 : vector<16xf32>
      %exp3A_783 = math.exp %neg3A_782 : vector<16xf32>
      %mul3A_784 = arith.constant -0.0174140781 : f32
      %mul3A_785 = vector.broadcast %mul3A_784 : f32 to vector<16xf32>
      %mul3A_786 = arith.mulf %mul3A_785, %exp3A_783 : vector<16xf32>
      %add3A_787 = arith.constant 0.0826912373 : f32
      %add3A_788 = vector.broadcast %add3A_787 : f32 to vector<16xf32>
      %add3A_789 = arith.addf %mul3A_786, %add3A_788 : vector<16xf32>
      %mul3A_790 = arith.mulf %add3A_789, %exp3A_783 : vector<16xf32>
      %add3A_791 = arith.constant -0.190354332 : f32
      %add3A_792 = vector.broadcast %add3A_791 : f32 to vector<16xf32>
      %add3A_793 = arith.addf %mul3A_790, %add3A_792 : vector<16xf32>
      %mul3A_794 = arith.mulf %add3A_793, %exp3A_783 : vector<16xf32>
      %add3A_795 = arith.constant 0.315747321 : f32
      %add3A_796 = vector.broadcast %add3A_795 : f32 to vector<16xf32>
      %add3A_797 = arith.addf %mul3A_794, %add3A_796 : vector<16xf32>
      %mul3A_798 = arith.mulf %add3A_797, %exp3A_783 : vector<16xf32>
      %add3A_799 = arith.constant -0.497373223 : f32
      %add3A_800 = vector.broadcast %add3A_799 : f32 to vector<16xf32>
      %add3A_801 = arith.addf %mul3A_798, %add3A_800 : vector<16xf32>
      %mul3A_802 = arith.mulf %add3A_801, %exp3A_783 : vector<16xf32>
      %add3A_803 = arith.constant 0.99984771 : f32
      %add3A_804 = vector.broadcast %add3A_803 : f32 to vector<16xf32>
      %add3A_805 = arith.addf %mul3A_802, %add3A_804 : vector<16xf32>
      %mul3A_806 = arith.mulf %add3A_805, %exp3A_783 : vector<16xf32>
      %add3A_807 = arith.constant 1.47206504E-6 : f32
      %add3A_808 = vector.broadcast %add3A_807 : f32 to vector<16xf32>
      %add3A_809 = arith.addf %mul3A_806, %add3A_808 : vector<16xf32>
      %min3A_810 = arith.constant 0.000000e+00 : f32
      %min3A_811 = vector.broadcast %min3A_810 : f32 to vector<16xf32>
      %min3A_812 = arith.minimumf %sub3A_778, %min3A_811 : vector<16xf32>
      %sub3A_813 = arith.subf %min3A_812, %add3A_809 : vector<16xf32>
      %add3A_814 = arith.addf %add3A_769, %sub3A_813 : vector<16xf32>
      %iota3A_815 = tpu.iota {dimensions = array<i32: 0>} : vector<16xi32>
      %add3A_816 = arith.constant 128 : i32
      %add3A_817 = vector.broadcast %add3A_816 : i32 to vector<16xi32>
      %add3A_818 = arith.addi %iota3A_815, %add3A_817 : vector<16xi32>
      %add3A_819 = arith.constant 112 : i32
      %add3A_820 = vector.broadcast %add3A_819 : i32 to vector<16xi32>
      %add3A_821 = arith.addi %add3A_818, %add3A_820 : vector<16xi32>
      %gather3A_822 = tpu.vector_load_idx %arg9[%broadcast_in_dim3A_127, %add3A_821, %broadcast_in_dim3A_499] : memref<2x256x128xf32, #tpu.memory_space<vmem>>[vector<16xi32>, vector<16xi32>, vector<16xi32>], vector<16xf32>,
      %sub3A_823 = arith.subf %gather3A_497, %gather3A_822 : vector<16xf32>
      %abs3A_824 = math.absf %sub3A_823 : vector<16xf32>
      %neg3A_825 = arith.constant 0.000000e+00 : f32
      %neg3A_826 = vector.broadcast %neg3A_825 : f32 to vector<16xf32>
      %neg3A_827 = arith.subf %neg3A_826, %abs3A_824 : vector<16xf32>
      %exp3A_828 = math.exp %neg3A_827 : vector<16xf32>
      %mul3A_829 = arith.constant -0.0174140781 : f32
      %mul3A_830 = vector.broadcast %mul3A_829 : f32 to vector<16xf32>
      %mul3A_831 = arith.mulf %mul3A_830, %exp3A_828 : vector<16xf32>
      %add3A_832 = arith.constant 0.0826912373 : f32
      %add3A_833 = vector.broadcast %add3A_832 : f32 to vector<16xf32>
      %add3A_834 = arith.addf %mul3A_831, %add3A_833 : vector<16xf32>
      %mul3A_835 = arith.mulf %add3A_834, %exp3A_828 : vector<16xf32>
      %add3A_836 = arith.constant -0.190354332 : f32
      %add3A_837 = vector.broadcast %add3A_836 : f32 to vector<16xf32>
      %add3A_838 = arith.addf %mul3A_835, %add3A_837 : vector<16xf32>
      %mul3A_839 = arith.mulf %add3A_838, %exp3A_828 : vector<16xf32>
      %add3A_840 = arith.constant 0.315747321 : f32
      %add3A_841 = vector.broadcast %add3A_840 : f32 to vector<16xf32>
      %add3A_842 = arith.addf %mul3A_839, %add3A_841 : vector<16xf32>
      %mul3A_843 = arith.mulf %add3A_842, %exp3A_828 : vector<16xf32>
      %add3A_844 = arith.constant -0.497373223 : f32
      %add3A_845 = vector.broadcast %add3A_844 : f32 to vector<16xf32>
      %add3A_846 = arith.addf %mul3A_843, %add3A_845 : vector<16xf32>
      %mul3A_847 = arith.mulf %add3A_846, %exp3A_828 : vector<16xf32>
      %add3A_848 = arith.constant 0.99984771 : f32
      %add3A_849 = vector.broadcast %add3A_848 : f32 to vector<16xf32>
      %add3A_850 = arith.addf %mul3A_847, %add3A_849 : vector<16xf32>
      %mul3A_851 = arith.mulf %add3A_850, %exp3A_828 : vector<16xf32>
      %add3A_852 = arith.constant 1.47206504E-6 : f32
      %add3A_853 = vector.broadcast %add3A_852 : f32 to vector<16xf32>
      %add3A_854 = arith.addf %mul3A_851, %add3A_853 : vector<16xf32>
      %min3A_855 = arith.constant 0.000000e+00 : f32
      %min3A_856 = vector.broadcast %min3A_855 : f32 to vector<16xf32>
      %min3A_857 = arith.minimumf %sub3A_823, %min3A_856 : vector<16xf32>
      %sub3A_858 = arith.subf %min3A_857, %add3A_854 : vector<16xf32>
      %add3A_859 = arith.addf %add3A_814, %sub3A_858 : vector<16xf32>
      scf.yield %add3A_859 : vector<16xf32>
    }
    %scan3A_71 = arith.constant 16 : i32
    %swap3A_72 = arith.constant 0 : i32
    %swap3A_73 = arith.index_cast %swap3A_72 : i32 to index
    %swap3A_74 = arith.constant 0 : index
    %swap3A_75 = tpu.vector_load %arg10[%swap3A_73, %swap3A_74] {strides = array<i32>} : memref<32x128xf32, #tpu.memory_space<vmem>>, vector<16xf32>,
    tpu.vector_store %arg10[%swap3A_73, %swap3A_74], %scan3A_70 {strides = array<i32>} : memref<32x128xf32, #tpu.memory_space<vmem>>, vector<16xf32>,
    %mul3A_76 = arith.constant 16 : i32
    %mul3A_77 = arith.muli %add3A, %mul3A_76 : i32
    %run_scoped3A = arith.constant 0 : i32
    "tpu.region"() ({
      %run_scoped3A_78 = tpu.sem_alloc : memref<!tpu.dma_semaphore, #tpu.memory_space<semaphore_mem>>
      %dma_start3A_79 = arith.constant 0 : i32
      %dma_start3A_80 = tpu.memref_slice %arg10[%run_scoped3A, %dma_start3A_79] : memref<32x128xf32, #tpu.memory_space<vmem>> -> memref<1x16xf32, #tpu.memory_space<vmem>>
      %dma_start3A_81 = tpu.memref_squeeze %dma_start3A_80 : memref<1x16xf32, #tpu.memory_space<vmem>> -> memref<16xf32, #tpu.memory_space<vmem>>
      %dma_start3A_82 = tpu.memref_slice %arg5[%mul3A_77] : memref<512xf32, #tpu.memory_space<hbm>> -> memref<16xf32, #tpu.memory_space<hbm>>
      %dma_start3A_83 = tpu.memref_slice %arg5[%mul3A_77] : memref<512xf32, #tpu.memory_space<hbm>> -> memref<16xf32, #tpu.memory_space<hbm>>
      %dma_start3A_84 = arith.constant 0 : i32
      %dma_start3A_85 = tpu.memref_slice %arg10[%run_scoped3A, %dma_start3A_84] : memref<32x128xf32, #tpu.memory_space<vmem>> -> memref<1x16xf32, #tpu.memory_space<vmem>>
      %dma_start3A_86 = tpu.memref_squeeze %dma_start3A_85 : memref<1x16xf32, #tpu.memory_space<vmem>> -> memref<16xf32, #tpu.memory_space<vmem>>
      tpu.enqueue_dma source(%dma_start3A_86 : memref<16xf32, #tpu.memory_space<vmem>>) target(%dma_start3A_83 : memref<16xf32, #tpu.memory_space<hbm>>) target_semaphore(%run_scoped3A_78 : memref<!tpu.dma_semaphore, #tpu.memory_space<semaphore_mem>>)
      %dma_wait3A_87 = arith.constant 0 : i32
      %dma_wait3A_88 = tpu.memref_slice %arg10[%run_scoped3A, %dma_wait3A_87] : memref<32x128xf32, #tpu.memory_space<vmem>> -> memref<1x16xf32, #tpu.memory_space<vmem>>
      %dma_wait3A_89 = tpu.memref_squeeze %dma_wait3A_88 : memref<1x16xf32, #tpu.memory_space<vmem>> -> memref<16xf32, #tpu.memory_space<vmem>>
      %dma_wait3A_90 = tpu.memref_slice %arg5[%mul3A_77] : memref<512xf32, #tpu.memory_space<hbm>> -> memref<16xf32, #tpu.memory_space<hbm>>
      %dma_wait3A_91 = tpu.memref_slice %arg5[%mul3A_77] : memref<512xf32, #tpu.memory_space<hbm>> -> memref<16xf32, #tpu.memory_space<hbm>>
      %dma_wait3A_92 = arith.constant 0 : i32
      %dma_wait3A_93 = tpu.memref_slice %arg10[%run_scoped3A, %dma_wait3A_92] : memref<32x128xf32, #tpu.memory_space<vmem>> -> memref<1x16xf32, #tpu.memory_space<vmem>>
      %dma_wait3A_94 = tpu.memref_squeeze %dma_wait3A_93 : memref<1x16xf32, #tpu.memory_space<vmem>> -> memref<16xf32, #tpu.memory_space<vmem>>
      tpu.wait_dma2 semaphore(%run_scoped3A_78 : memref<!tpu.dma_semaphore, #tpu.memory_space<semaphore_mem>>) src(%dma_wait3A_94 : memref<16xf32, #tpu.memory_space<vmem>>) dst(%dma_wait3A_91 : memref<16xf32, #tpu.memory_space<hbm>>)
      tpu.yield
    }) : () -> ()
    return
  }
}

module attributes {stable_mosaic.version = 14 : i64} {
  func.func @body(%arg0: memref<4x128xf32, #tpu.memory_space<vmem>>, %arg1: memref<1x1xf32, #tpu.memory_space<smem>>) attributes {dimension_semantics = [], scalar_prefetch = 0 : i64, scratch_operands = 0 : i64, tpu.core_type = #tpu.core_type<tc>} {
    %get3A = arith.constant 0 : index
    %get3A_0 = arith.constant 0 : index
    %get3A_1 = vector.load %arg0[%get3A, %get3A_0] : memref<4x128xf32, #tpu.memory_space<vmem>>, vector<4x128xf32>
    %reduce_sum3A = vector.shape_cast %get3A_1 : vector<4x128xf32> to vector<1x4x128xf32>
    %reduce_sum3A_2 = arith.constant dense<0.000000e+00> : vector<1xf32>
    %reduce_sum3A_3 = vector.multi_reduction <add>, %reduce_sum3A, %reduce_sum3A_2 [1, 2] : vector<1x4x128xf32> to vector<1xf32>
    %reduce_sum3A_4 = vector.shape_cast %reduce_sum3A_3 : vector<1xf32> to vector<1x1x1xf32>
    %reduce_sum3A_5 = vector.extract %reduce_sum3A_4[0, 0, 0] : f32 from vector<1x1x1xf32>
    %neg3A = arith.constant 0.000000e+00 : f32
    %neg3A_6 = arith.subf %neg3A, %reduce_sum3A_5 : f32
    %mul3A = arith.constant 7.62939453E-6 : f32
    %mul3A_7 = arith.mulf %neg3A_6, %mul3A : f32
    %swap3A = arith.constant 0 : index
    %swap3A_8 = arith.constant 0 : index
    %swap3A_9 = memref.load %arg1[%swap3A, %swap3A_8] : memref<1x1xf32, #tpu.memory_space<smem>>
    memref.store %mul3A_7, %arg1[%swap3A, %swap3A_8] : memref<1x1xf32, #tpu.memory_space<smem>>
    return
  }
}

</mosaic_0001>

<sc_bundles>
// kernel: kernel.4.cloned.1.call-start
scs
__scs_entry_jumppad:
0x0: {  	(pc) =	sbr.rel $0x88, $3  }
0x1: {  	(tag) =	ssettag $0x0;
	lr =	simm.s32 $0x1  }
0x2: {  	[smem:$0x3F9E] =	sst lr;
	_ =	strace $0xD0000000  }
0x3: {  	_ = 	snop  }
0x4: {  	_ = 	snop  }
0x5: {  	_ = 	snop  }
0x6: {  	_ = 	snop  }
0x7: {  	_ = 	snop  }
__scs_overlays_trampoline_lowered:
0x8: {  	[smem:$0x3FAD] =	sst s0  }
0x9: {  	[smem:$0x3FAE] =	sst s1  }
0xa: {  	[smem:$0x3FAF] =	sst s2  }
0xb: {  	[smem:$0x3FB0] =	sst s3  }
0xc: {  	[smem:$0x3FB1] =	sst s4  }
0xd: {  	[smem:$0x3FB2] =	sst s5  }
0xe: {  	[smem:$0x3FB3] =	sst s6  }
0xf: {  	[smem:$0x3FB4] =	sst s7  }
0x10: {  	[smem:$0x3FB5] =	sst s8  }
0x11: {  	[smem:$0x3FB6] =	sst s9;
	s0 =	simm.s32 @!p0 $0x0  }
0x12: {  	s1 =	sld [smem:$0x3F9C];
	s0 =	simm.s32 @p0 $0x1  }
0x13: {  	[smem:$0x3FB7] =	sst s0;
	s0 =	simm.s32 @!p1 $0x0  }
0x14: {  	s2 =	sld [smem:$0x3F9B];
	s0 =	simm.s32 @p1 $0x1  }
0x15: {  	[smem:$0x3FB8] =	sst s0;
	s0 =	simm.s32 @!p2 $0x0  }
0x16: {  	s3 =	sld [smem:$0x3FDB];
	s0 =	simm.s32 @p2 $0x1  }
0x17: {  	s4 =	simm.s32 $0x1BF5;
	[smem:$0x3FBA] =	sst s0  }
0x18: {  	s0 =	sld [smem:$0x3F9D];
	_ =	swait.ge [sflag:s4], $0x0  }
0x19: {  	s7 =	sld [smem:$0x3F9E]  }
0x1a: {  	s8 =	sadd.s32 $0xFFFFE003, lr  }
0x1b: {  	s9 =	sadd.s32 $0xFFFFFEF7, lr;
	s5 =	simm.s32 $0xFFFFFFFF;
	p2 =	slt.u32 s8, $0xFFFFF086  }
0x1c: {  	p1 =	slt.u32 s9, $0xF7A;
	s5 =	simm.s32 @!p2 $0x0  }
0x1d: {  	s5 =	simm.s32 @p1 $0x1;
	p0 =	seq.s32 s7, s2  }
0x1e: {  	s7 =	smul.u32 @!p0 $0xF7A, s2;
	p2 =	seq.s32 @!p0 s5, $0x0  }
0x1f: {  	s9 =	smul.u32 $0xF7A, s1;
	s8 =	simm.s32 @!p0 $0x1BF5;
	p2 =	por !p2, p0  }
0x20: {  	[sflag:s8] =	ssyncset.s32 @!p0 $0xFFFFF086;
	s6 =	sadd.s32 @!p0 s3, s7;
	s7 =	simm.s32 @!p0 $0x108  }
0x21: {  	s3 =	sadd.s32 s3, s9;
	s6 =	sadd.s32 @!p0 $0x88, s6;
	s7 =	simm.s32 @p2 $0x1082  }
0x22: {  	[simem:s7], [sflag:s8] =	dma.local @!p0 [hbm:s6], $0xF7A  }
0x23: {  	s9 =	sor.u32 $0xD0000000, s2;
	s6 =	simm.s32 $0x108;
	_ =	swait.ge @!p0 [sflag:s8], $0x0  }
0x24: {  	s3 =	sadd.s32 $0x88, s3;
	s6 =	simm.s32 @!p1 $0x1082;
	[sflag:s4] =	ssyncset.s32 $0xFFFFF086  }
0x25: {  	[simem:s6], [sflag:s4] =	dma.local [hbm:s3], $0xF7A  }
0x26: {  	[smem:$0x3F9E] =	sst s1;
	(tag) =	ssettag s2;
	_ =	strace s9  }
0x27: {  	s1 =	sld [smem:$0x3FAE]  }
0x28: {  	s2 =	sld [smem:$0x3FAF]  }
0x29: {  	s4 =	sld [smem:$0x3FB1]  }
0x2a: {  	p0 =	seq.s32 s5, $0x0;
	s5 =	sld [smem:$0x3FB2]  }
0x2b: {  	s6 =	sld [smem:$0x3FB3]  }
0x2c: {  	s7 =	sld [smem:$0x3FB4]  }
0x2d: {  	s3 =	simm.s32 $0x108;
	s8 =	sld [smem:$0x3FB5]  }
0x2e: {  	s3 =	simm.s32 @!p0 $0x1082;
	s9 =	sld [smem:$0x3FB6]  }
0x2f: {  	lr =	sadd.s32 s0, s3;
	s0 =	sld [smem:$0x3FAD]  }
0x30: {  	s3 =	sld [smem:$0x3FB0]  }
0x31: {  	[smem:$0x3FB9] =	sst s10  }
0x32: {  	s10 =	sld [smem:$0x3FB7];
	_ =	sdelay $0x3  }
0x33: {  	p0 =	seq.s32 s10, $0x1;
	s10 =	sld [smem:$0x3FB9];
	_ =	sdelay $0x3  }
0x34: {  	[smem:$0x3FB9] =	sst s10  }
0x35: {  	s10 =	sld [smem:$0x3FB8];
	_ =	sdelay $0x3  }
0x36: {  	p1 =	seq.s32 s10, $0x1;
	s10 =	sld [smem:$0x3FB9];
	_ =	sdelay $0x3  }
0x37: {  	[smem:$0x3FB9] =	sst s10  }
0x38: {  	s10 =	sld [smem:$0x3FBA]  }
0x39: {  	_ = 	snop;
	(pc) =	sbr.ind lr, $3  }
0x3a: {  	_ = 	snop  }
0x3b: {  	_ = 	snop  }
0x3c: {  	p2 =	seq.s32 s10, $0x1;
	s10 =	sld [smem:$0x3FB9]  }
0x3d: {  	_ =	shalt  }
0x3e: {  	_ =	shalt  }
0x3f: {  	_ =	shalt  }
0x40: {  	_ =	shalt  }
0x41: {  	_ =	shalt  }
0x42: {  	_ =	shalt  }
0x43: {  	_ =	shalt  }
0x44: {  	_ =	shalt  }
0x45: {  	_ =	shalt  }
0x46: {  	_ =	shalt  }
0x47: {  	_ =	shalt  }
0x48: {  	_ =	shalt  }
0x49: {  	_ =	shalt  }
0x4a: {  	_ =	shalt  }
0x4b: {  	_ =	shalt  }
0x4c: {  	_ =	shalt  }
0x4d: {  	_ =	shalt  }
0x4e: {  	_ =	shalt  }
0x4f: {  	_ =	shalt  }
0x50: {  	_ =	shalt  }
0x51: {  	_ =	shalt  }
0x52: {  	_ =	shalt  }
0x53: {  	_ =	shalt  }
0x54: {  	_ =	shalt  }
0x55: {  	_ =	shalt  }
0x56: {  	_ =	shalt  }
0x57: {  	_ =	shalt  }
0x58: {  	_ =	shalt  }
0x59: {  	_ =	shalt  }
0x5a: {  	_ =	shalt  }
0x5b: {  	_ =	shalt  }
0x5c: {  	_ =	shalt  }
0x5d: {  	_ =	shalt  }
0x5e: {  	_ =	shalt  }
0x5f: {  	_ =	shalt  }
0x60: {  	_ =	shalt  }
0x61: {  	_ =	shalt  }
0x62: {  	_ =	shalt  }
0x63: {  	_ =	shalt  }
0x64: {  	_ =	shalt  }
0x65: {  	_ =	shalt  }
0x66: {  	_ =	shalt  }
0x67: {  	_ =	shalt  }
0x68: {  	_ =	shalt  }
0x69: {  	_ =	shalt  }
0x6a: {  	_ =	shalt  }
0x6b: {  	_ =	shalt  }
0x6c: {  	_ =	shalt  }
0x6d: {  	_ =	shalt  }
0x6e: {  	_ =	shalt  }
0x6f: {  	_ =	shalt  }
0x70: {  	_ =	shalt  }
0x71: {  	_ =	shalt  }
0x72: {  	_ =	shalt  }
0x73: {  	_ =	shalt  }
0x74: {  	_ =	shalt  }
0x75: {  	_ =	shalt  }
0x76: {  	_ =	shalt  }
0x77: {  	_ =	shalt  }
0x78: {  	_ =	shalt  }
0x79: {  	_ =	shalt  }
0x7a: {  	_ =	shalt  }
0x7b: {  	_ =	shalt  }
0x7c: {  	_ =	shalt  }
0x7d: {  	_ =	shalt  }
0x7e: {  	_ =	shalt  }
0x7f: {  	_ =	shalt  }
0x80: {  	_ =	shalt  }
0x81: {  	_ =	shalt  }
0x82: {  	_ =	shalt  }
0x83: {  	_ =	shalt  }
0x84: {  	_ =	shalt  }
0x85: {  	_ =	shalt  }
0x86: {  	_ =	shalt  }
0x87: {  	_ =	shalt  }
.Lfunc_end0:
.L_simem_size_0:
called_computation_lowered:
.L_overlay_start_0:
0x88: {  	s2 =	sld [smem:$0x3FD9]  }
0x89: {  	s3 =	sld [smem:$0x3FFE];
	_ =	sdelay $0x1  }
0x8a: {  	s1 =	srdreg.scid  }
0x8b: {  	s0 =	sand.u32 $0x1, s1  }
0x8c: {  	s17 =	sshll.u32 s0, $0xA;
	s2 =	sadd.s32 s3, s2  }
0x8d: {  	s2 =	sadd.s32 s2, s17  }
0x8e: {  	[smem:$0x3FC5] =	sst s2  }
0x8f: {  	_ = 	snop  }
0x90: {  	s2 =	sld [smem:$0x3FC9]  }
0x91: {  	s18 =	sld [smem:$0x3FC8]  }
0x92: {  	s4 =	sld [smem:$0x3FC7];
	(tm) =	ssettm $0x1  }
0x93: {  	s5 =	sld [smem:$0x3FFB];
	_ =	sdelay $0x3  }
0x94: {  	_ =	strace s5  }
0x95: {  	s5 =	sld [smem:$0x3FFC];
	_ =	sdelay $0x3  }
0x96: {  	_ =	strace s5  }
0x97: {  	s5 =	sld [smem:$0x3FFD];
	_ =	sdelay $0x3  }
0x98: {  	_ =	strace s5  }
0x99: {  	_ =	strace $0x8FFFFFFF  }
0x9a: {  	s19 =	sld [smem:$0x3FDB];
	_ =	sdelay $0x1  }
0x9b: {  	s6 =	simm.s32 $_scs_section_size  }
0x9c: {  	s7 =	simm.s32 $_size__tile_overlayer_lowered;
	s8 =	simm.s32 $_tile_overlayer_lowered  }
0x9d: {  	s22 =	simm.s32 $0x1BFF;
	s21 =	sshll.u32 s8, $0x1;
	s5 =	sadd.s32 s6, s19  }
0x9e: {  	s9 =	simm.s32 $0x0;
	s20 =	sshll.u32 s7, $0x1;
	s7 =	sadd.s32 s21, s5  }
0x9f: {  	[timem:s9], [sflag:s22] =	dma.local [hbm:s7], s20  }
0xa0: {  	_ =	swait.ge [sflag:s22], s20  }
0xa1: {  	s6 =	ssub.s32 $0x0, s20;
	[sflag:s22] =	ssyncset.done $0x0  }
0xa2: {  	[sflag:s22] =	ssyncadd.s32 s6;
	_ =	sdelay $0x1  }
0xa3: {  	s23 =	simm.s32 $0x1B8B  }
0xa4: {  	_ =	swait.ge [sflag:s23], $0x1  }
0xa5: {  	[sflag:s23] =	ssyncset.done $0x0  }
0xa6: {  	s25 =	simm.s32 $0x1B8E;
	s24 =	sld [smem:$0x3FFE];
	[sflag:s23] =	ssyncadd.s32 $0xFFFFFFFF  }
0xa7: {  	s26 =	simm.s32 $execute0_lowered;
	[smem:$0x3FD2] =	sst s25  }
0xa8: {  	s7 =	sshll.u32 s26, $0x1;
	_ =	strace $0x80000046;
	[dreg:$0x1] =	wrdreg $0xFFFFFFFF  }
0xa9: {  	s28 =	simm.s32 $_size_execute0_lowered;
	s5 =	sadd.s32 s5, s7;
	[dreg:$0x0] =	wrdreg $0x0  }
0xaa: {  	s7 =	sshll.u32 s28, $0x1;
	[dreg:$0x2] =	wrdreg s5  }
0xab: {  	[dreg:$0x3] =	wrdreg s7  }
0xac: {  	[dreg:$0x4] =	wrdreg $0xC0  }
0xad: {  	_ =	task [dreg:s9], $0x5FFFF  }
0xae: {  	[dreg:$0x1] =	wrdreg $0xFFFFFFFF  }
0xaf: {  	[dreg:$0x0] =	wrdreg $0x60  }
0xb0: {  	[dreg:$0x2] =	wrdreg s2  }
0xb1: {  	[dreg:$0x3] =	wrdreg s18  }
0xb2: {  	[dreg:$0x4] =	wrdreg s4  }
0xb3: {  	[dreg:$0x5] =	wrdreg s24  }
0xb4: {  	[dreg:$0x6] =	wrdreg $0x9  }
0xb5: {  	_ =	task.clear_ibuf [dreg:s9], $0x7FFFF;
	_ =	strace $0x90000046  }
0xb6: {  	s29 =	simm.s32 $0x9;
	_ =	strace $0x80000048  }
0xb7: {  	_ =	swait.ge [sflag:s29], $0x1  }
0xb8: {  	[sflag:s29] =	ssyncadd.s32 $0xFFFFFFFF  }
0xb9: {  	_ =	strace $0x90000048  }
0xba: {  	_ =	sfence  }
0xbb: {  	s30 =	sld [smem:$0x0];
	_ =	sdelay $0x2  }
0xbc: {  	s31 =	sshll.u32 s1, $0xD;
	s1 =	sshrl.u32 s1, $0x2  }
0xbd: {  	s3 =	sand.u32 $0x4000, s31;
	s1 =	sadd.s32 s1, s30  }
0xbe: {  	s0 =	sor.u32 s3, s0;
	s1 =	sshll.u32 s1, $0x11  }
0xbf: {  	s0 =	sor.u32 s1, s0  }
0xc0: {  	s0 =	sadd.s32 $0x8F2B, s0  }
0xc1: {  	[sflag:s0] =	ssyncadd.remote.s32 $0x1  }
0xc2: {  	_ =	sfence.sel $0xFFFF  }
0xc3: {  	[dreg:$0x0] =	wrdreg $0xFFFFFFFF;
	(pc) =	sbr.abs _section_cstart, $3  }
0xc4: {  	[dreg:$0x1] =	wrdreg $0xFFFFFFFF  }
0xc5: {  	_ =	task.clear_ibuf [dreg:s9], $0x2FFFF;
	_ =	strace $0x9FFFFFFF  }
0xc6: {  	(tm) =	ssettm $0x7FFFFFFF  }
0xc7: {  	_ =	shalt  }
tec
execute0_lowered:
.L_overlay_start_1:
0x0: {  	(tag) =	ssettag $0x1  }
0x1: {  	s1 =	rddreg [dreg:$0x0]  }
0x2: {  	s4 =	rddreg [dreg:$0x1]  }
0x3: {  	s3 =	rddreg [dreg:$0x2]  }
0x4: {  	s0 =	rddreg [dreg:$0x3];
	s5 =	srdreg.scid  }
0x5: {  	s8 =	stileid.u32;
	s2 =	simm.s32 $0x0;
	s21 =	simm.s32 $0x2080  }
0x6: {  	s16 =	simm.s32 $0x11C80;
	s17 =	simm.s32 $0x11B80;
	s18 =	simm.s32 $0x11C00  }
0x7: {  	s19 =	simm.s32 $0x11A00;
	s20 =	simm.s32 $0x11B00;
	s28 =	simm.s32 $0x11800  }
0x8: {  	s29 =	simm.s32 $0x11780;
	s30 =	simm.s32 $0x1;
	s31 =	simm.s32 $0x13080  }
0x9: {  	v7 =	vlaneseq.u32;
	v4 =	vimm.s32 $0x7;
	s5 =	sand.u32 $0x1, s5;
	s6 =	sshll.u32 s8, $0x1;
	[smem:$0x7FF] =	sst s2  }
0xa: {  	v5 =	vimm.s32 $0x3;
	v6 =	vimm.s32 $0x0;
	vm0 =	vmmov $0x1;
	s8 =	sshll.u32 s8, $0x6;
	s6 =	sor.u32 s5, s6;
	_ =	strace $0x80000047  }
0xb: {  	v8 =	vimm.s32 $0x1;
	v9 =	vimm.s32 $0x2;
	v10 =	vimm.s32 $0x4;
	s22 =	ssub.s32 $0x2, s5;
	s11 =	sand.u32 $0x380, s8;
	s25 =	sshll.u32 s5, $0x5  }
0xc: {  	v11 =	vimm.s32 $0x5;
	v12 =	vimm.s32 $0x6;
	v13 =	vimm.s32 $0x8;
	s7 =	sshll.u32 s6, $0x1;
	s9 =	sshrl.u32 s22, $0x1;
	s10 =	sshll.u32 s6, $0x5  }
0xd: {  	v14 =	vimm.s32 $0x9;
	v15 =	vimm.s32 $0xA;
	v16 =	vimm.s32 $0xB;
	s24 =	sshll.u32 s6, $0x9;
	s6 =	sshll.u32 s6, $0x2;
	s5 =	sadd.s32 s1, s11  }
0xe: {  	v17 =	vimm.s32 $0xC;
	v18 =	vimm.s32 $0xD;
	v19 =	vimm.s32 $0xE;
	s26 =	sor.u32 s25, s8;
	s25 =	simm.s32 $0x11680;
	s23 =	ssub.s32 s10, s11  }
.Ltmp0:
0xf: {  	v20 =	vimm.s32 $0xF;
	v0 =	vor.u32 $0x10, v7;
	s7 =	sadd.s32 s7, s0;
	s9 =	ssub.s32 s22, s9;
	v1 =	vmov s23;
	(pc) =	sbr.rel .LBB2_1-.Ltmp0, $4  }
0x10: {  	s3 =	sadd.s32 s3, s24;
	s4 =	sadd.s32 s4, s6;
	s8 =	ssub.s32 s26, s11;
	v2 =	vor.u32 s23, v7;
	v3 =	vor.u32 s23, v0;
	v0 =	vmul.u32 $0x80, v7  }
0x11: {  	s11 =	simm.s32 $0x12080;
	s22 =	simm.s32 $0x11A80;
	s24 =	simm.s32 $0x11880;
	v1 =	vand.u32 $0xFFFFFF80, v1;
	v2 =	vand.u32 $0x6F, v2;
	v3 =	vand.u32 $0x7F, v3  }
0x12: {  	s26 =	simm.s32 $0x11700;
	s0 =	simm.s32 $0x0;
	s6 =	sadd.s32 $0x600, s7;
	v2 =	vor.u32 v2, v1;
	v3 =	vor.u32 v3, v1;
	v1 =	vor.u32 $0x800, v0  }
0x13: {  	s7 =	smax.u32 s9, $0x1;
	s9 =	simm.s32 $0x2;
	v7 =	vmul.u32 $0x8, v7;
	s23 =	simm.s32 $0x11900;
	v2 =	vadd.s32 v0, v2;
	v3 =	vadd.s32 v1, v3  }
.LBB2_7:
0x14: {  	s0 =	sadd.s32 $0x1, s0  }
0x15: {  	p0 =	sne.s32 s0, s7  }
.Ltmp1:
0x16: {  	[tilespmem:$0x12080] =	vst v21;
	(pc) =	sbr.rel @!p0 .LBB2_8-.Ltmp1, $4  }
0x17: {  	[hbm4b:s6+s2] =	stream.linear.scatter [tilespmem:s11], [sflag:$0x2], $0x10, $0x38;
	[tilespmem:$0x13100] =	vst v63  }
0x18: {  	_ =	swait.ge [sflag:s9], $0x10  }
0x19: {  	[sflag:s9] =	ssyncset.done $0x0  }
0x1a: {  	[sflag:s9] =	ssyncadd.s32 $0xFFFFFFF0  }
.LBB2_1:
0x1b: {  	[tilespmem:s2], [sflag:$0x2] =	stream.linear.gather [hbm4b:s3+s2], $0x1000, $0x38;
	[tilespmem:$0x13100] =	vst v63  }
0x1c: {  	_ =	swait.ge [sflag:s9], $0x1000  }
0x1d: {  	[sflag:s9] =	ssyncset.done $0x0  }
0x1e: {  	s1 =	simm.s32 $0x2000;
	[sflag:s9] =	ssyncadd.s32 $0xFFFFF000  }
0x1f: {  	[tilespmem:s1], [sflag:$0x2] =	stream.linear.gather [hbm4b:s4+s2], $0x20, $0x38;
	[tilespmem:$0x13100] =	vst v63  }
0x20: {  	_ =	swait.ge [sflag:s9], $0x20  }
0x21: {  	[sflag:s9] =	ssyncset.done $0x0  }
0x22: {  	[sflag:s9] =	ssyncadd.s32 $0xFFFFFFE0  }
0x23: {  	v21 =	vld [tilespmem:$0x2000];
	_ =	sdelay $0x4  }
0x24: {  	v22 =	vshll.u32 v21, $0x3  }
0x25: {  	v21 =	vand.u32 $0x7, v21;
	v22 =	vand.u32 $0xFFFFFFC0, v22  }
0x26: {  	v21 =	vor.u32 v21, v22  }
0x27: {  	v22 =	vperm.xlane v21, v6;
	_ =	sdelay $0x1  }
0x28: {  	v23 =	vperm.xlane v21, v8;
	v22 =	vadd.s32 v7, v22;
	_ =	sdelay $0x1  }
0x29: {  	v24 =	vperm.xlane v21, v9;
	v23 =	vadd.s32 v7, v23;
	_ =	sdelay $0x1  }
0x2a: {  	v25 =	vperm.xlane v21, v5;
	v24 =	vadd.s32 v7, v24  }
0x2b: {  	[tilespmem:s11], [sflag:$0x1] =	stream.indirect_vreg.gather [hbm4b:s5+s2], $0x80, v22, vm0, $0xb8;
	[tilespmem:$0x13100] =	vst v63  }
0x2c: {  	s15 =	simm.s32 $0x12100;
	v22 =	vadd.s32 v7, v25;
	v25 =	vperm.xlane v21, v10  }
0x2d: {  	[tilespmem:s15], [sflag:$0x1] =	stream.indirect_vreg.gather [hbm4b:s5+s2], $0x80, v23, vm0, $0xb8;
	[tilespmem:$0x13100] =	vst v63  }
0x2e: {  	s10 =	simm.s32 $0x12180;
	v23 =	vadd.s32 v7, v25;
	v25 =	vperm.xlane v21, v11  }
0x2f: {  	[tilespmem:s10], [sflag:$0x1] =	stream.indirect_vreg.gather [hbm4b:s5+s2], $0x80, v24, vm0, $0xb8;
	[tilespmem:$0x13100] =	vst v63  }
0x30: {  	s12 =	simm.s32 $0x12200;
	v24 =	vadd.s32 v7, v25;
	v25 =	vperm.xlane v21, v12  }
0x31: {  	[tilespmem:s12], [sflag:$0x1] =	stream.indirect_vreg.gather [hbm4b:s5+s2], $0x80, v22, vm0, $0xb8;
	[tilespmem:$0x13100] =	vst v63  }
0x32: {  	s13 =	simm.s32 $0x12280;
	v22 =	vadd.s32 v7, v25;
	v25 =	vperm.xlane v21, v4  }
0x33: {  	[tilespmem:s13], [sflag:$0x1] =	stream.indirect_vreg.gather [hbm4b:s5+s2], $0x80, v23, vm0, $0xb8;
	[tilespmem:$0x13100] =	vst v63  }
0x34: {  	s14 =	simm.s32 $0x12300;
	v23 =	vadd.s32 v7, v25;
	v25 =	vperm.xlane v21, v13  }
0x35: {  	[tilespmem:s14], [sflag:$0x1] =	stream.indirect_vreg.gather [hbm4b:s5+s2], $0x80, v24, vm0, $0xb8;
	[tilespmem:$0x13100] =	vst v63  }
0x36: {  	s15 =	simm.s32 $0x12380;
	v24 =	vadd.s32 v7, v25;
	v25 =	vperm.xlane v21, v14  }
0x37: {  	[tilespmem:s15], [sflag:$0x1] =	stream.indirect_vreg.gather [hbm4b:s5+s2], $0x80, v22, vm0, $0xb8;
	[tilespmem:$0x13100] =	vst v63  }
0x38: {  	s10 =	simm.s32 $0x12400;
	v22 =	vadd.s32 v7, v25;
	v25 =	vperm.xlane v21, v15  }
0x39: {  	[tilespmem:s10], [sflag:$0x1] =	stream.indirect_vreg.gather [hbm4b:s5+s2], $0x80, v23, vm0, $0xb8;
	[tilespmem:$0x13100] =	vst v63  }
0x3a: {  	s12 =	simm.s32 $0x12480;
	v23 =	vadd.s32 v7, v25;
	v25 =	vperm.xlane v21, v16  }
0x3b: {  	[tilespmem:s12], [sflag:$0x1] =	stream.indirect_vreg.gather [hbm4b:s5+s2], $0x80, v24, vm0, $0xb8;
	[tilespmem:$0x13100] =	vst v63  }
0x3c: {  	s13 =	simm.s32 $0x12500;
	v24 =	vadd.s32 v7, v25;
	v25 =	vperm.xlane v21, v17  }
0x3d: {  	[tilespmem:s13], [sflag:$0x1] =	stream.indirect_vreg.gather [hbm4b:s5+s2], $0x80, v22, vm0, $0xb8;
	[tilespmem:$0x13100] =	vst v63  }
0x3e: {  	s14 =	simm.s32 $0x12580;
	v22 =	vadd.s32 v7, v25;
	v25 =	vperm.xlane v21, v18  }
0x3f: {  	[tilespmem:s14], [sflag:$0x1] =	stream.indirect_vreg.gather [hbm4b:s5+s2], $0x80, v23, vm0, $0xb8;
	[tilespmem:$0x13100] =	vst v63  }
0x40: {  	s15 =	simm.s32 $0x12600;
	v23 =	vadd.s32 v7, v25;
	v25 =	vperm.xlane v21, v19  }
0x41: {  	[tilespmem:s15], [sflag:$0x1] =	stream.indirect_vreg.gather [hbm4b:s5+s2], $0x80, v24, vm0, $0xb8;
	[tilespmem:$0x13100] =	vst v63  }
0x42: {  	s10 =	simm.s32 $0x12680;
	v21 =	vperm.xlane v21, v20;
	v24 =	vadd.s32 v7, v25  }
0x43: {  	[tilespmem:s10], [sflag:$0x1] =	stream.indirect_vreg.gather [hbm4b:s5+s2], $0x80, v22, vm0, $0xb8;
	[tilespmem:$0x13100] =	vst v63  }
0x44: {  	s12 =	simm.s32 $0x12700;
	v21 =	vadd.s32 v7, v21  }
0x45: {  	[tilespmem:s12], [sflag:$0x1] =	stream.indirect_vreg.gather [hbm4b:s5+s2], $0x80, v23, vm0, $0xb8;
	[tilespmem:$0x13100] =	vst v63  }
0x46: {  	s13 =	simm.s32 $0x12780  }
0x47: {  	[tilespmem:s13], [sflag:$0x1] =	stream.indirect_vreg.gather [hbm4b:s5+s2], $0x80, v24, vm0, $0xb8;
	[tilespmem:$0x13100] =	vst v63  }
0x48: {  	s14 =	simm.s32 $0x12800  }
0x49: {  	[tilespmem:s14], [sflag:$0x1] =	stream.indirect_vreg.gather [hbm4b:s5+s2], $0x80, v21, vm0, $0xb8;
	[tilespmem:$0x13100] =	vst v63  }
0x4a: {  	v21 =	vld [tilespmem:$0x2010];
	_ =	sdelay $0x4  }
0x4b: {  	v22 =	vshll.u32 v21, $0x3  }
0x4c: {  	v21 =	vand.u32 $0x7, v21;
	v22 =	vand.u32 $0xFFFFFFC0, v22  }
0x4d: {  	v21 =	vor.u32 v21, v22  }
0x4e: {  	v22 =	vperm.xlane v21, v6;
	_ =	sdelay $0x1  }
0x4f: {  	v23 =	vperm.xlane v21, v8;
	v22 =	vadd.s32 v7, v22;
	_ =	sdelay $0x1  }
0x50: {  	v24 =	vperm.xlane v21, v9;
	v23 =	vadd.s32 v7, v23;
	_ =	sdelay $0x1  }
0x51: {  	s15 =	simm.s32 $0x12880;
	v25 =	vperm.xlane v21, v5;
	v24 =	vadd.s32 v7, v24  }
0x52: {  	[tilespmem:s15], [sflag:$0x1] =	stream.indirect_vreg.gather [hbm4b:s5+s2], $0x80, v22, vm0, $0xb8;
	[tilespmem:$0x13100] =	vst v63  }
0x53: {  	s10 =	simm.s32 $0x12900;
	v22 =	vadd.s32 v7, v25;
	v25 =	vperm.xlane v21, v10  }
0x54: {  	[tilespmem:s10], [sflag:$0x1] =	stream.indirect_vreg.gather [hbm4b:s5+s2], $0x80, v23, vm0, $0xb8;
	[tilespmem:$0x13100] =	vst v63  }
0x55: {  	s12 =	simm.s32 $0x12980;
	v23 =	vadd.s32 v7, v25;
	v25 =	vperm.xlane v21, v11  }
0x56: {  	[tilespmem:s12], [sflag:$0x1] =	stream.indirect_vreg.gather [hbm4b:s5+s2], $0x80, v24, vm0, $0xb8;
	[tilespmem:$0x13100] =	vst v63  }
0x57: {  	s13 =	simm.s32 $0x12A00;
	v24 =	vadd.s32 v7, v25;
	v25 =	vperm.xlane v21, v12  }
0x58: {  	[tilespmem:s13], [sflag:$0x1] =	stream.indirect_vreg.gather [hbm4b:s5+s2], $0x80, v22, vm0, $0xb8;
	[tilespmem:$0x13100] =	vst v63  }
0x59: {  	s14 =	simm.s32 $0x12A80;
	v22 =	vadd.s32 v7, v25;
	v25 =	vperm.xlane v21, v4  }
0x5a: {  	[tilespmem:s14], [sflag:$0x1] =	stream.indirect_vreg.gather [hbm4b:s5+s2], $0x80, v23, vm0, $0xb8;
	[tilespmem:$0x13100] =	vst v63  }
0x5b: {  	s15 =	simm.s32 $0x12B00;
	v23 =	vadd.s32 v7, v25;
	v25 =	vperm.xlane v21, v13  }
0x5c: {  	[tilespmem:s15], [sflag:$0x1] =	stream.indirect_vreg.gather [hbm4b:s5+s2], $0x80, v24, vm0, $0xb8;
	[tilespmem:$0x13100] =	vst v63  }
0x5d: {  	s10 =	simm.s32 $0x12B80;
	v24 =	vadd.s32 v7, v25;
	v25 =	vperm.xlane v21, v14  }
0x5e: {  	[tilespmem:s10], [sflag:$0x1] =	stream.indirect_vreg.gather [hbm4b:s5+s2], $0x80, v22, vm0, $0xb8;
	[tilespmem:$0x13100] =	vst v63  }
0x5f: {  	s12 =	simm.s32 $0x12C00;
	v22 =	vadd.s32 v7, v25;
	v25 =	vperm.xlane v21, v15  }
0x60: {  	[tilespmem:s12], [sflag:$0x1] =	stream.indirect_vreg.gather [hbm4b:s5+s2], $0x80, v23, vm0, $0xb8;
	[tilespmem:$0x13100] =	vst v63  }
0x61: {  	s13 =	simm.s32 $0x12C80;
	v23 =	vadd.s32 v7, v25;
	v25 =	vperm.xlane v21, v16  }
0x62: {  	[tilespmem:s13], [sflag:$0x1] =	stream.indirect_vreg.gather [hbm4b:s5+s2], $0x80, v24, vm0, $0xb8;
	[tilespmem:$0x13100] =	vst v63  }
0x63: {  	s14 =	simm.s32 $0x12D00;
	v24 =	vadd.s32 v7, v25;
	v25 =	vperm.xlane v21, v17  }
0x64: {  	[tilespmem:s14], [sflag:$0x1] =	stream.indirect_vreg.gather [hbm4b:s5+s2], $0x80, v22, vm0, $0xb8;
	[tilespmem:$0x13100] =	vst v63  }
0x65: {  	s15 =	simm.s32 $0x12D80;
	v22 =	vadd.s32 v7, v25;
	v25 =	vperm.xlane v21, v18  }
0x66: {  	[tilespmem:s15], [sflag:$0x1] =	stream.indirect_vreg.gather [hbm4b:s5+s2], $0x80, v23, vm0, $0xb8;
	[tilespmem:$0x13100] =	vst v63  }
0x67: {  	s10 =	simm.s32 $0x12E00;
	v23 =	vadd.s32 v7, v25;
	v25 =	vperm.xlane v21, v19  }
0x68: {  	[tilespmem:s10], [sflag:$0x1] =	stream.indirect_vreg.gather [hbm4b:s5+s2], $0x80, v24, vm0, $0xb8;
	[tilespmem:$0x13100] =	vst v63  }
0x69: {  	s12 =	simm.s32 $0x12E80;
	v21 =	vperm.xlane v21, v20;
	v24 =	vadd.s32 v7, v25  }
0x6a: {  	[tilespmem:s12], [sflag:$0x1] =	stream.indirect_vreg.gather [hbm4b:s5+s2], $0x80, v22, vm0, $0xb8;
	[tilespmem:$0x13100] =	vst v63  }
0x6b: {  	s13 =	simm.s32 $0x12F00;
	v21 =	vadd.s32 v7, v21  }
0x6c: {  	[tilespmem:s13], [sflag:$0x1] =	stream.indirect_vreg.gather [hbm4b:s5+s2], $0x80, v23, vm0, $0xb8;
	[tilespmem:$0x13100] =	vst v63  }
0x6d: {  	s14 =	simm.s32 $0x12F80  }
0x6e: {  	[tilespmem:s14], [sflag:$0x1] =	stream.indirect_vreg.gather [hbm4b:s5+s2], $0x80, v24, vm0, $0xb8;
	[tilespmem:$0x13100] =	vst v63  }
0x6f: {  	s1 =	simm.s32 $0x0;
	s15 =	simm.s32 $0x13000  }
0x70: {  	[tilespmem:s15], [sflag:$0x1] =	stream.indirect_vreg.gather [hbm4b:s5+s2], $0x80, v21, vm0, $0xb8;
	[tilespmem:$0x13100] =	vst v63  }
0x71: {  	v24 =	vld [tilespmem:s1+$0x70]  }
0x72: {  	v25 =	vld [tilespmem:s1+$0x0]  }
0x73: {  	v26 =	vld [tilespmem:s1+$0x10]  }
0x74: {  	v23 =	vld [tilespmem:s1+$0x20]  }
0x75: {  	v21 =	vld [tilespmem:s1+$0x30]  }
0x76: {  	v22 =	vld [tilespmem:s1+$0x40];
	[tilespmem:s1+$0x1070] =	vst v24  }
0x77: {  	[tilespmem:s1+$0x1000] =	vst v25;
	v24 =	vld [tilespmem:s1+$0x50]  }
0x78: {  	s10 =	simm.s32 $0x80;
	s12 =	simm.s32 $0x400;
	[tilespmem:s1+$0x1010] =	vst v26;
	v25 =	vld [tilespmem:s1+$0x60]  }
.LBB2_2:
0x79: {  	p0 =	sne.s32 s12, $0x3E00;
	v26 =	vld [tilespmem:s10+$0x70];
	[tilespmem:s1+$0x1020] =	vst v23  }
0x7a: {  	v27 =	vld [tilespmem:s10+$0x0];
	[tilespmem:s1+$0x1030] =	vst v21  }
0x7b: {  	v28 =	vld [tilespmem:s10+$0x10];
	[tilespmem:s1+$0x1040] =	vst v22  }
.Ltmp2:
0x7c: {  	v23 =	vld [tilespmem:s10+$0x20];
	[tilespmem:s1+$0x1050] =	vst v24;
	(pc) =	sbr.rel @p0 .LBB2_2-.Ltmp2, $4  }
0x7d: {  	v21 =	vld [tilespmem:s10+$0x30];
	[tilespmem:s1+$0x1060] =	vst v25;
	s1 =	smov.u32 s10  }
0x7e: {  	v22 =	vld [tilespmem:s1+$0x40];
	[tilespmem:s1+$0x1070] =	vst v26  }
0x7f: {  	[tilespmem:s1+$0x1000] =	vst v27;
	v24 =	vld [tilespmem:s1+$0x50]  }
0x80: {  	s10 =	sshra.s32 s12, $0x2;
	s12 =	sadd.s32 $0x200, s12;
	[tilespmem:s1+$0x1010] =	vst v28;
	v25 =	vld [tilespmem:s1+$0x60]  }
0x81: {  	v26 =	vld [tilespmem:s10+$0x70];
	[tilespmem:s1+$0x1020] =	vst v23  }
0x82: {  	v23 =	vld [tilespmem:s10+$0x0];
	[tilespmem:s1+$0x1030] =	vst v21  }
0x83: {  	v21 =	vld [tilespmem:s10+$0x10]  }
0x84: {  	[tilespmem:s1+$0x1040] =	vst v22  }
0x85: {  	v22 =	vld [tilespmem:s10+$0x20];
	[tilespmem:s1+$0x1050] =	vst v24  }
0x86: {  	v24 =	vld [tilespmem:s10+$0x30];
	[tilespmem:s1+$0x1060] =	vst v25  }
0x87: {  	[tilespmem:s10+$0x1000] =	vst v23;
	v23 =	vld [tilespmem:s10+$0x50]  }
0x88: {  	[tilespmem:s10+$0x1010] =	vst v21;
	v21 =	vld [tilespmem:s10+$0x60]  }
0x89: {  	[tilespmem:s10+$0x1070] =	vst v26  }
0x8a: {  	[tilespmem:s10+$0x1020] =	vst v22  }
0x8b: {  	[tilespmem:s10+$0x1030] =	vst v24  }
0x8c: {  	[tilespmem:s10+$0x1050] =	vst v23  }
0x8d: {  	[tilespmem:s10+$0x1060] =	vst v21  }
0x8e: {  	v21 =	vld [tilespmem:$0x1000];
	_ =	sdelay $0x4  }
0x8f: {  	v22 =	vshll.u32 v21, $0x3  }
0x90: {  	v21 =	vand.u32 $0x7, v21;
	v22 =	vand.u32 $0xFFFFFFC0, v22  }
0x91: {  	v21 =	vor.u32 v21, v22  }
0x92: {  	v22 =	vperm.xlane v21, v6  }
0x93: {  	v25 =	vld [tilespmem:s10+$0x40]  }
0x94: {  	v23 =	vperm.xlane v21, v8;
	v22 =	vadd.s32 v7, v22;
	_ =	sdelay $0x1  }
0x95: {  	v60 =	vperm.xlane v21, v9;
	v23 =	vadd.s32 v7, v23;
	_ =	sdelay $0x1  }
0x96: {  	s1 =	simm.s32 $0x0;
	[tilespmem:s10+$0x1040] =	vst v25;
	v61 =	vperm.xlane v21, v5;
	v24 =	vadd.s32 v7, v60  }
0x97: {  	[tilespmem:s21], [sflag:$0x1] =	stream.indirect_vreg.gather [hbm4b:s5+s1], $0x80, v22, vm0, $0xb8;
	[tilespmem:$0x13100] =	vst v63  }
0x98: {  	s13 =	simm.s32 $0x2100;
	v62 =	vperm.xlane v21, v10;
	v22 =	vadd.s32 v7, v61  }
0x99: {  	[tilespmem:s13], [sflag:$0x1] =	stream.indirect_vreg.gather [hbm4b:s5+s1], $0x80, v23, vm0, $0xb8;
	[tilespmem:$0x13100] =	vst v63  }
0x9a: {  	s14 =	simm.s32 $0x2180;
	v63 =	vperm.xlane v21, v11;
	v23 =	vadd.s32 v7, v62  }
0x9b: {  	[tilespmem:s14], [sflag:$0x1] =	stream.indirect_vreg.gather [hbm4b:s5+s1], $0x80, v24, vm0, $0xb8;
	[tilespmem:$0x13100] =	vst v63  }
0x9c: {  	s15 =	simm.s32 $0x2200;
	v29 =	vperm.xlane v21, v12;
	v28 =	vadd.s32 v7, v63  }
0x9d: {  	[tilespmem:s15], [sflag:$0x1] =	stream.indirect_vreg.gather [hbm4b:s5+s1], $0x80, v22, vm0, $0xb8;
	[tilespmem:$0x13100] =	vst v63  }
0x9e: {  	s12 =	simm.s32 $0x2280;
	v30 =	vperm.xlane v21, v4;
	v22 =	vadd.s32 v7, v29  }
0x9f: {  	[tilespmem:s12], [sflag:$0x1] =	stream.indirect_vreg.gather [hbm4b:s5+s1], $0x80, v23, vm0, $0xb8;
	[tilespmem:$0x13100] =	vst v63  }
0xa0: {  	v31 =	vperm.xlane v21, v13;
	s13 =	simm.s32 $0x2300;
	v23 =	vadd.s32 v7, v30  }
0xa1: {  	[tilespmem:s13], [sflag:$0x1] =	stream.indirect_vreg.gather [hbm4b:s5+s1], $0x80, v28, vm0, $0xb8;
	[tilespmem:$0x13100] =	vst v63  }
0xa2: {  	v33 =	vperm.xlane v21, v14;
	v32 =	vadd.s32 v7, v31;
	s14 =	simm.s32 $0x2380  }
0xa3: {  	[tilespmem:s14], [sflag:$0x1] =	stream.indirect_vreg.gather [hbm4b:s5+s1], $0x80, v22, vm0, $0xb8;
	[tilespmem:$0x13100] =	vst v63  }
0xa4: {  	v34 =	vperm.xlane v21, v15;
	s15 =	simm.s32 $0x2400;
	v22 =	vadd.s32 v7, v33  }
0xa5: {  	[tilespmem:s15], [sflag:$0x1] =	stream.indirect_vreg.gather [hbm4b:s5+s1], $0x80, v23, vm0, $0xb8;
	[tilespmem:$0x13100] =	vst v63  }
0xa6: {  	v35 =	vperm.xlane v21, v16;
	s12 =	simm.s32 $0x2480;
	v23 =	vadd.s32 v7, v34  }
0xa7: {  	[tilespmem:s12], [sflag:$0x1] =	stream.indirect_vreg.gather [hbm4b:s5+s1], $0x80, v32, vm0, $0xb8;
	[tilespmem:$0x13100] =	vst v63  }
0xa8: {  	v37 =	vperm.xlane v21, v17;
	v36 =	vadd.s32 v7, v35;
	s13 =	simm.s32 $0x2500  }
0xa9: {  	[tilespmem:s13], [sflag:$0x1] =	stream.indirect_vreg.gather [hbm4b:s5+s1], $0x80, v22, vm0, $0xb8;
	[tilespmem:$0x13100] =	vst v63  }
0xaa: {  	v38 =	vperm.xlane v21, v18;
	s14 =	simm.s32 $0x2580;
	v22 =	vadd.s32 v7, v37  }
0xab: {  	[tilespmem:s14], [sflag:$0x1] =	stream.indirect_vreg.gather [hbm4b:s5+s1], $0x80, v23, vm0, $0xb8;
	[tilespmem:$0x13100] =	vst v63  }
0xac: {  	v39 =	vperm.xlane v21, v19;
	s15 =	simm.s32 $0x2600;
	v23 =	vadd.s32 v7, v38  }
0xad: {  	[tilespmem:s15], [sflag:$0x1] =	stream.indirect_vreg.gather [hbm4b:s5+s1], $0x80, v36, vm0, $0xb8;
	[tilespmem:$0x13100] =	vst v63  }
0xae: {  	v21 =	vperm.xlane v21, v20;
	v40 =	vadd.s32 v7, v39;
	s12 =	simm.s32 $0x2680  }
0xaf: {  	[tilespmem:s12], [sflag:$0x1] =	stream.indirect_vreg.gather [hbm4b:s5+s1], $0x80, v22, vm0, $0xb8;
	[tilespmem:$0x13100] =	vst v63  }
0xb0: {  	v21 =	vadd.s32 v7, v21;
	s13 =	simm.s32 $0x2700  }
0xb1: {  	[tilespmem:s13], [sflag:$0x1] =	stream.indirect_vreg.gather [hbm4b:s5+s1], $0x80, v23, vm0, $0xb8;
	[tilespmem:$0x13100] =	vst v63  }
0xb2: {  	s14 =	simm.s32 $0x2780  }
0xb3: {  	[tilespmem:s14], [sflag:$0x1] =	stream.indirect_vreg.gather [hbm4b:s5+s1], $0x80, v40, vm0, $0xb8;
	[tilespmem:$0x13100] =	vst v63  }
0xb4: {  	s15 =	simm.s32 $0x2800  }
0xb5: {  	[tilespmem:s15], [sflag:$0x1] =	stream.indirect_vreg.gather [hbm4b:s5+s1], $0x80, v21, vm0, $0xb8;
	[tilespmem:$0x13100] =	vst v63  }
0xb6: {  	v21 =	vld [tilespmem:$0x1010];
	_ =	sdelay $0x4  }
0xb7: {  	v22 =	vshll.u32 v21, $0x3  }
0xb8: {  	v21 =	vand.u32 $0x7, v21;
	v22 =	vand.u32 $0xFFFFFFC0, v22  }
0xb9: {  	v21 =	vor.u32 v21, v22  }
0xba: {  	v22 =	vperm.xlane v21, v6;
	_ =	sdelay $0x1  }
0xbb: {  	v23 =	vperm.xlane v21, v8;
	v22 =	vadd.s32 v7, v22;
	_ =	sdelay $0x1  }
0xbc: {  	v41 =	vperm.xlane v21, v9;
	v23 =	vadd.s32 v7, v23;
	_ =	sdelay $0x1  }
0xbd: {  	s12 =	simm.s32 $0x2880;
	v42 =	vperm.xlane v21, v5;
	v24 =	vadd.s32 v7, v41  }
0xbe: {  	[tilespmem:s12], [sflag:$0x1] =	stream.indirect_vreg.gather [hbm4b:s5+s1], $0x80, v22, vm0, $0xb8;
	[tilespmem:$0x13100] =	vst v63  }
0xbf: {  	s13 =	simm.s32 $0x2900;
	v43 =	vperm.xlane v21, v10;
	v22 =	vadd.s32 v7, v42  }
0xc0: {  	[tilespmem:s13], [sflag:$0x1] =	stream.indirect_vreg.gather [hbm4b:s5+s1], $0x80, v23, vm0, $0xb8;
	[tilespmem:$0x13100] =	vst v63  }
0xc1: {  	s14 =	simm.s32 $0x2980;
	v44 =	vperm.xlane v21, v11;
	v23 =	vadd.s32 v7, v43  }
0xc2: {  	[tilespmem:s14], [sflag:$0x1] =	stream.indirect_vreg.gather [hbm4b:s5+s1], $0x80, v24, vm0, $0xb8;
	[tilespmem:$0x13100] =	vst v63  }
0xc3: {  	s15 =	simm.s32 $0x2A00;
	v46 =	vperm.xlane v21, v12;
	v45 =	vadd.s32 v7, v44  }
0xc4: {  	[tilespmem:s15], [sflag:$0x1] =	stream.indirect_vreg.gather [hbm4b:s5+s1], $0x80, v22, vm0, $0xb8;
	[tilespmem:$0x13100] =	vst v63  }
0xc5: {  	v47 =	vperm.xlane v21, v4;
	s12 =	simm.s32 $0x2A80;
	v22 =	vadd.s32 v7, v46  }
0xc6: {  	[tilespmem:s12], [sflag:$0x1] =	stream.indirect_vreg.gather [hbm4b:s5+s1], $0x80, v23, vm0, $0xb8;
	[tilespmem:$0x13100] =	vst v63  }
0xc7: {  	v48 =	vperm.xlane v21, v13;
	s13 =	simm.s32 $0x2B00;
	v23 =	vadd.s32 v7, v47  }
0xc8: {  	[tilespmem:s13], [sflag:$0x1] =	stream.indirect_vreg.gather [hbm4b:s5+s1], $0x80, v45, vm0, $0xb8;
	[tilespmem:$0x13100] =	vst v63  }
0xc9: {  	v50 =	vperm.xlane v21, v14;
	v49 =	vadd.s32 v7, v48;
	s14 =	simm.s32 $0x2B80  }
0xca: {  	[tilespmem:s14], [sflag:$0x1] =	stream.indirect_vreg.gather [hbm4b:s5+s1], $0x80, v22, vm0, $0xb8;
	[tilespmem:$0x13100] =	vst v63  }
0xcb: {  	v51 =	vperm.xlane v21, v15;
	s15 =	simm.s32 $0x2C00;
	v22 =	vadd.s32 v7, v50  }
0xcc: {  	[tilespmem:s15], [sflag:$0x1] =	stream.indirect_vreg.gather [hbm4b:s5+s1], $0x80, v23, vm0, $0xb8;
	[tilespmem:$0x13100] =	vst v63  }
0xcd: {  	v52 =	vperm.xlane v21, v16;
	s12 =	simm.s32 $0x2C80;
	v23 =	vadd.s32 v7, v51  }
0xce: {  	[tilespmem:s12], [sflag:$0x1] =	stream.indirect_vreg.gather [hbm4b:s5+s1], $0x80, v49, vm0, $0xb8;
	[tilespmem:$0x13100] =	vst v63  }
0xcf: {  	v54 =	vperm.xlane v21, v17;
	v53 =	vadd.s32 v7, v52;
	s13 =	simm.s32 $0x2D00  }
0xd0: {  	[tilespmem:s13], [sflag:$0x1] =	stream.indirect_vreg.gather [hbm4b:s5+s1], $0x80, v22, vm0, $0xb8;
	[tilespmem:$0x13100] =	vst v63  }
0xd1: {  	v55 =	vperm.xlane v21, v18;
	s14 =	simm.s32 $0x2D80;
	v22 =	vadd.s32 v7, v54  }
0xd2: {  	[tilespmem:s14], [sflag:$0x1] =	stream.indirect_vreg.gather [hbm4b:s5+s1], $0x80, v23, vm0, $0xb8;
	[tilespmem:$0x13100] =	vst v63  }
0xd3: {  	v56 =	vperm.xlane v21, v19;
	s15 =	simm.s32 $0x2E00;
	v23 =	vadd.s32 v7, v55  }
0xd4: {  	[tilespmem:s15], [sflag:$0x1] =	stream.indirect_vreg.gather [hbm4b:s5+s1], $0x80, v53, vm0, $0xb8;
	[tilespmem:$0x13100] =	vst v63  }
0xd5: {  	v21 =	vperm.xlane v21, v20;
	v57 =	vadd.s32 v7, v56;
	s12 =	simm.s32 $0x2E80  }
0xd6: {  	[tilespmem:s12], [sflag:$0x1] =	stream.indirect_vreg.gather [hbm4b:s5+s1], $0x80, v22, vm0, $0xb8;
	[tilespmem:$0x13100] =	vst v63  }
0xd7: {  	v21 =	vadd.s32 v7, v21;
	s13 =	simm.s32 $0x2F00  }
0xd8: {  	[tilespmem:s13], [sflag:$0x1] =	stream.indirect_vreg.gather [hbm4b:s5+s1], $0x80, v23, vm0, $0xb8;
	[tilespmem:$0x13100] =	vst v63  }
0xd9: {  	s14 =	simm.s32 $0x2F80  }
0xda: {  	[tilespmem:s14], [sflag:$0x1] =	stream.indirect_vreg.gather [hbm4b:s5+s1], $0x80, v57, vm0, $0xb8;
	[tilespmem:$0x13100] =	vst v63  }
0xdb: {  	s15 =	simm.s32 $0x3000  }
0xdc: {  	[tilespmem:s15], [sflag:$0x1] =	stream.indirect_vreg.gather [hbm4b:s5+s1], $0x80, v21, vm0, $0xb8;
	[tilespmem:$0x13100] =	vst v63  }
0xdd: {  	v21 =	vld [tilespmem:$0x1020];
	_ =	sdelay $0x4  }
0xde: {  	v22 =	vshll.u32 v21, $0x3  }
0xdf: {  	v21 =	vand.u32 $0x7, v21;
	v22 =	vand.u32 $0xFFFFFFC0, v22  }
0xe0: {  	v21 =	vor.u32 v21, v22  }
0xe1: {  	v22 =	vperm.xlane v21, v6;
	_ =	sdelay $0x1  }
0xe2: {  	v23 =	vperm.xlane v21, v8;
	v22 =	vadd.s32 v7, v22;
	_ =	sdelay $0x1  }
0xe3: {  	v58 =	vperm.xlane v21, v9;
	v23 =	vadd.s32 v7, v23;
	_ =	sdelay $0x1  }
0xe4: {  	s12 =	simm.s32 $0x3080;
	v59 =	vperm.xlane v21, v5;
	v24 =	vadd.s32 v7, v58  }
0xe5: {  	[tilespmem:s12], [sflag:$0x1] =	stream.indirect_vreg.gather [hbm4b:s5+s1], $0x80, v22, vm0, $0xb8;
	[tilespmem:$0x13100] =	vst v63  }
0xe6: {  	s13 =	simm.s32 $0x3100;
	v60 =	vperm.xlane v21, v10;
	v22 =	vadd.s32 v7, v59  }
0xe7: {  	[tilespmem:s13], [sflag:$0x1] =	stream.indirect_vreg.gather [hbm4b:s5+s1], $0x80, v23, vm0, $0xb8;
	[tilespmem:$0x13100] =	vst v63  }
0xe8: {  	s14 =	simm.s32 $0x3180;
	v61 =	vperm.xlane v21, v11;
	v23 =	vadd.s32 v7, v60  }
0xe9: {  	[tilespmem:s14], [sflag:$0x1] =	stream.indirect_vreg.gather [hbm4b:s5+s1], $0x80, v24, vm0, $0xb8;
	[tilespmem:$0x13100] =	vst v63  }
0xea: {  	s15 =	simm.s32 $0x3200;
	v63 =	vperm.xlane v21, v12;
	v62 =	vadd.s32 v7, v61  }
0xeb: {  	[tilespmem:s15], [sflag:$0x1] =	stream.indirect_vreg.gather [hbm4b:s5+s1], $0x80, v22, vm0, $0xb8;
	[tilespmem:$0x13100] =	vst v63  }
0xec: {  	v28 =	vperm.xlane v21, v4;
	s12 =	simm.s32 $0x3280;
	v22 =	vadd.s32 v7, v63  }
0xed: {  	[tilespmem:s12], [sflag:$0x1] =	stream.indirect_vreg.gather [hbm4b:s5+s1], $0x80, v23, vm0, $0xb8;
	[tilespmem:$0x13100] =	vst v63  }
0xee: {  	v29 =	vperm.xlane v21, v13;
	s13 =	simm.s32 $0x3300;
	v23 =	vadd.s32 v7, v28  }
0xef: {  	[tilespmem:s13], [sflag:$0x1] =	stream.indirect_vreg.gather [hbm4b:s5+s1], $0x80, v62, vm0, $0xb8;
	[tilespmem:$0x13100] =	vst v63  }
0xf0: {  	v31 =	vperm.xlane v21, v14;
	v30 =	vadd.s32 v7, v29;
	s14 =	simm.s32 $0x3380  }
0xf1: {  	[tilespmem:s14], [sflag:$0x1] =	stream.indirect_vreg.gather [hbm4b:s5+s1], $0x80, v22, vm0, $0xb8;
	[tilespmem:$0x13100] =	vst v63  }
0xf2: {  	v32 =	vperm.xlane v21, v15;
	s15 =	simm.s32 $0x3400;
	v22 =	vadd.s32 v7, v31  }
0xf3: {  	[tilespmem:s15], [sflag:$0x1] =	stream.indirect_vreg.gather [hbm4b:s5+s1], $0x80, v23, vm0, $0xb8;
	[tilespmem:$0x13100] =	vst v63  }
0xf4: {  	v33 =	vperm.xlane v21, v16;
	s12 =	simm.s32 $0x3480;
	v23 =	vadd.s32 v7, v32  }
0xf5: {  	[tilespmem:s12], [sflag:$0x1] =	stream.indirect_vreg.gather [hbm4b:s5+s1], $0x80, v30, vm0, $0xb8;
	[tilespmem:$0x13100] =	vst v63  }
0xf6: {  	v35 =	vperm.xlane v21, v17;
	v34 =	vadd.s32 v7, v33;
	s13 =	simm.s32 $0x3500  }
0xf7: {  	[tilespmem:s13], [sflag:$0x1] =	stream.indirect_vreg.gather [hbm4b:s5+s1], $0x80, v22, vm0, $0xb8;
	[tilespmem:$0x13100] =	vst v63  }
0xf8: {  	v36 =	vperm.xlane v21, v18;
	s14 =	simm.s32 $0x3580;
	v22 =	vadd.s32 v7, v35  }
0xf9: {  	[tilespmem:s14], [sflag:$0x1] =	stream.indirect_vreg.gather [hbm4b:s5+s1], $0x80, v23, vm0, $0xb8;
	[tilespmem:$0x13100] =	vst v63  }
0xfa: {  	v37 =	vperm.xlane v21, v19;
	s15 =	simm.s32 $0x3600;
	v23 =	vadd.s32 v7, v36  }
0xfb: {  	[tilespmem:s15], [sflag:$0x1] =	stream.indirect_vreg.gather [hbm4b:s5+s1], $0x80, v34, vm0, $0xb8;
	[tilespmem:$0x13100] =	vst v63  }
0xfc: {  	v21 =	vperm.xlane v21, v20;
	v38 =	vadd.s32 v7, v37;
	s12 =	simm.s32 $0x3680  }
0xfd: {  	[tilespmem:s12], [sflag:$0x1] =	stream.indirect_vreg.gather [hbm4b:s5+s1], $0x80, v22, vm0, $0xb8;
	[tilespmem:$0x13100] =	vst v63  }
0xfe: {  	v21 =	vadd.s32 v7, v21;
	s13 =	simm.s32 $0x3700  }
0xff: {  	[tilespmem:s13], [sflag:$0x1] =	stream.indirect_vreg.gather [hbm4b:s5+s1], $0x80, v23, vm0, $0xb8;
	[tilespmem:$0x13100] =	vst v63  }
0x100: {  	s14 =	simm.s32 $0x3780  }
0x101: {  	[tilespmem:s14], [sflag:$0x1] =	stream.indirect_vreg.gather [hbm4b:s5+s1], $0x80, v38, vm0, $0xb8;
	[tilespmem:$0x13100] =	vst v63  }
0x102: {  	s15 =	simm.s32 $0x3800  }
0x103: {  	[tilespmem:s15], [sflag:$0x1] =	stream.indirect_vreg.gather [hbm4b:s5+s1], $0x80, v21, vm0, $0xb8;
	[tilespmem:$0x13100] =	vst v63  }
0x104: {  	v21 =	vld [tilespmem:$0x1030];
	_ =	sdelay $0x4  }
0x105: {  	v22 =	vshll.u32 v21, $0x3  }
0x106: {  	v21 =	vand.u32 $0x7, v21;
	v22 =	vand.u32 $0xFFFFFFC0, v22  }
0x107: {  	v21 =	vor.u32 v21, v22  }
0x108: {  	v22 =	vperm.xlane v21, v6;
	_ =	sdelay $0x1  }
0x109: {  	v23 =	vperm.xlane v21, v8;
	v22 =	vadd.s32 v7, v22;
	_ =	sdelay $0x1  }
0x10a: {  	v39 =	vperm.xlane v21, v9;
	v23 =	vadd.s32 v7, v23;
	_ =	sdelay $0x1  }
0x10b: {  	s12 =	simm.s32 $0x3880;
	v40 =	vperm.xlane v21, v5;
	v24 =	vadd.s32 v7, v39  }
0x10c: {  	[tilespmem:s12], [sflag:$0x1] =	stream.indirect_vreg.gather [hbm4b:s5+s1], $0x80, v22, vm0, $0xb8;
	[tilespmem:$0x13100] =	vst v63  }
0x10d: {  	s13 =	simm.s32 $0x3900;
	v41 =	vperm.xlane v21, v10;
	v22 =	vadd.s32 v7, v40  }
0x10e: {  	[tilespmem:s13], [sflag:$0x1] =	stream.indirect_vreg.gather [hbm4b:s5+s1], $0x80, v23, vm0, $0xb8;
	[tilespmem:$0x13100] =	vst v63  }
0x10f: {  	s14 =	simm.s32 $0x3980;
	v42 =	vperm.xlane v21, v11;
	v23 =	vadd.s32 v7, v41  }
0x110: {  	[tilespmem:s14], [sflag:$0x1] =	stream.indirect_vreg.gather [hbm4b:s5+s1], $0x80, v24, vm0, $0xb8;
	[tilespmem:$0x13100] =	vst v63  }
0x111: {  	s15 =	simm.s32 $0x3A00;
	v44 =	vperm.xlane v21, v12;
	v43 =	vadd.s32 v7, v42  }
0x112: {  	[tilespmem:s15], [sflag:$0x1] =	stream.indirect_vreg.gather [hbm4b:s5+s1], $0x80, v22, vm0, $0xb8;
	[tilespmem:$0x13100] =	vst v63  }
0x113: {  	v45 =	vperm.xlane v21, v4;
	s12 =	simm.s32 $0x3A80;
	v22 =	vadd.s32 v7, v44  }
0x114: {  	[tilespmem:s12], [sflag:$0x1] =	stream.indirect_vreg.gather [hbm4b:s5+s1], $0x80, v23, vm0, $0xb8;
	[tilespmem:$0x13100] =	vst v63  }
0x115: {  	v46 =	vperm.xlane v21, v13;
	s13 =	simm.s32 $0x3B00;
	v23 =	vadd.s32 v7, v45  }
0x116: {  	[tilespmem:s13], [sflag:$0x1] =	stream.indirect_vreg.gather [hbm4b:s5+s1], $0x80, v43, vm0, $0xb8;
	[tilespmem:$0x13100] =	vst v63  }
0x117: {  	v48 =	vperm.xlane v21, v14;
	v47 =	vadd.s32 v7, v46;
	s14 =	simm.s32 $0x3B80  }
0x118: {  	[tilespmem:s14], [sflag:$0x1] =	stream.indirect_vreg.gather [hbm4b:s5+s1], $0x80, v22, vm0, $0xb8;
	[tilespmem:$0x13100] =	vst v63  }
0x119: {  	v49 =	vperm.xlane v21, v15;
	s15 =	simm.s32 $0x3C00;
	v22 =	vadd.s32 v7, v48  }
0x11a: {  	[tilespmem:s15], [sflag:$0x1] =	stream.indirect_vreg.gather [hbm4b:s5+s1], $0x80, v23, vm0, $0xb8;
	[tilespmem:$0x13100] =	vst v63  }
0x11b: {  	v50 =	vperm.xlane v21, v16;
	s12 =	simm.s32 $0x3C80;
	v23 =	vadd.s32 v7, v49  }
0x11c: {  	[tilespmem:s12], [sflag:$0x1] =	stream.indirect_vreg.gather [hbm4b:s5+s1], $0x80, v47, vm0, $0xb8;
	[tilespmem:$0x13100] =	vst v63  }
0x11d: {  	v52 =	vperm.xlane v21, v17;
	v51 =	vadd.s32 v7, v50;
	s13 =	simm.s32 $0x3D00  }
0x11e: {  	[tilespmem:s13], [sflag:$0x1] =	stream.indirect_vreg.gather [hbm4b:s5+s1], $0x80, v22, vm0, $0xb8;
	[tilespmem:$0x13100] =	vst v63  }
0x11f: {  	v53 =	vperm.xlane v21, v18;
	s14 =	simm.s32 $0x3D80;
	v22 =	vadd.s32 v7, v52  }
0x120: {  	[tilespmem:s14], [sflag:$0x1] =	stream.indirect_vreg.gather [hbm4b:s5+s1], $0x80, v23, vm0, $0xb8;
	[tilespmem:$0x13100] =	vst v63  }
0x121: {  	v54 =	vperm.xlane v21, v19;
	s15 =	simm.s32 $0x3E00;
	v23 =	vadd.s32 v7, v53  }
0x122: {  	[tilespmem:s15], [sflag:$0x1] =	stream.indirect_vreg.gather [hbm4b:s5+s1], $0x80, v51, vm0, $0xb8;
	[tilespmem:$0x13100] =	vst v63  }
0x123: {  	v21 =	vperm.xlane v21, v20;
	v55 =	vadd.s32 v7, v54;
	s12 =	simm.s32 $0x3E80  }
0x124: {  	[tilespmem:s12], [sflag:$0x1] =	stream.indirect_vreg.gather [hbm4b:s5+s1], $0x80, v22, vm0, $0xb8;
	[tilespmem:$0x13100] =	vst v63  }
0x125: {  	v21 =	vadd.s32 v7, v21;
	s13 =	simm.s32 $0x3F00  }
0x126: {  	[tilespmem:s13], [sflag:$0x1] =	stream.indirect_vreg.gather [hbm4b:s5+s1], $0x80, v23, vm0, $0xb8;
	[tilespmem:$0x13100] =	vst v63  }
0x127: {  	s14 =	simm.s32 $0x3F80  }
0x128: {  	[tilespmem:s14], [sflag:$0x1] =	stream.indirect_vreg.gather [hbm4b:s5+s1], $0x80, v55, vm0, $0xb8;
	[tilespmem:$0x13100] =	vst v63  }
0x129: {  	s15 =	simm.s32 $0x4000  }
0x12a: {  	[tilespmem:s15], [sflag:$0x1] =	stream.indirect_vreg.gather [hbm4b:s5+s1], $0x80, v21, vm0, $0xb8;
	[tilespmem:$0x13100] =	vst v63  }
0x12b: {  	v21 =	vld [tilespmem:$0x1040];
	_ =	sdelay $0x4  }
0x12c: {  	v22 =	vshll.u32 v21, $0x3  }
0x12d: {  	v21 =	vand.u32 $0x7, v21;
	v22 =	vand.u32 $0xFFFFFFC0, v22  }
0x12e: {  	v21 =	vor.u32 v21, v22  }
0x12f: {  	v22 =	vperm.xlane v21, v6;
	_ =	sdelay $0x1  }
0x130: {  	v23 =	vperm.xlane v21, v8;
	v22 =	vadd.s32 v7, v22;
	_ =	sdelay $0x1  }
0x131: {  	v56 =	vperm.xlane v21, v9;
	v23 =	vadd.s32 v7, v23;
	_ =	sdelay $0x1  }
0x132: {  	s12 =	simm.s32 $0x4080;
	v57 =	vperm.xlane v21, v5;
	v24 =	vadd.s32 v7, v56  }
0x133: {  	[tilespmem:s12], [sflag:$0x1] =	stream.indirect_vreg.gather [hbm4b:s5+s1], $0x80, v22, vm0, $0xb8;
	[tilespmem:$0x13100] =	vst v63  }
0x134: {  	s13 =	simm.s32 $0x4100;
	v58 =	vperm.xlane v21, v10;
	v22 =	vadd.s32 v7, v57  }
0x135: {  	[tilespmem:s13], [sflag:$0x1] =	stream.indirect_vreg.gather [hbm4b:s5+s1], $0x80, v23, vm0, $0xb8;
	[tilespmem:$0x13100] =	vst v63  }
0x136: {  	s14 =	simm.s32 $0x4180;
	v59 =	vperm.xlane v21, v11;
	v23 =	vadd.s32 v7, v58  }
0x137: {  	[tilespmem:s14], [sflag:$0x1] =	stream.indirect_vreg.gather [hbm4b:s5+s1], $0x80, v24, vm0, $0xb8;
	[tilespmem:$0x13100] =	vst v63  }
0x138: {  	s15 =	simm.s32 $0x4200;
	v61 =	vperm.xlane v21, v12;
	v60 =	vadd.s32 v7, v59  }
0x139: {  	[tilespmem:s15], [sflag:$0x1] =	stream.indirect_vreg.gather [hbm4b:s5+s1], $0x80, v22, vm0, $0xb8;
	[tilespmem:$0x13100] =	vst v63  }
0x13a: {  	v62 =	vperm.xlane v21, v4;
	s12 =	simm.s32 $0x4280;
	v22 =	vadd.s32 v7, v61  }
0x13b: {  	[tilespmem:s12], [sflag:$0x1] =	stream.indirect_vreg.gather [hbm4b:s5+s1], $0x80, v23, vm0, $0xb8;
	[tilespmem:$0x13100] =	vst v63  }
0x13c: {  	v63 =	vperm.xlane v21, v13;
	s13 =	simm.s32 $0x4300;
	v23 =	vadd.s32 v7, v62  }
0x13d: {  	[tilespmem:s13], [sflag:$0x1] =	stream.indirect_vreg.gather [hbm4b:s5+s1], $0x80, v60, vm0, $0xb8;
	[tilespmem:$0x13100] =	vst v63  }
0x13e: {  	v29 =	vperm.xlane v21, v14;
	v28 =	vadd.s32 v7, v63;
	s14 =	simm.s32 $0x4380  }
0x13f: {  	[tilespmem:s14], [sflag:$0x1] =	stream.indirect_vreg.gather [hbm4b:s5+s1], $0x80, v22, vm0, $0xb8;
	[tilespmem:$0x13100] =	vst v63  }
0x140: {  	v30 =	vperm.xlane v21, v15;
	s15 =	simm.s32 $0x4400;
	v22 =	vadd.s32 v7, v29  }
0x141: {  	[tilespmem:s15], [sflag:$0x1] =	stream.indirect_vreg.gather [hbm4b:s5+s1], $0x80, v23, vm0, $0xb8;
	[tilespmem:$0x13100] =	vst v63  }
0x142: {  	v31 =	vperm.xlane v21, v16;
	s12 =	simm.s32 $0x4480;
	v23 =	vadd.s32 v7, v30  }
0x143: {  	[tilespmem:s12], [sflag:$0x1] =	stream.indirect_vreg.gather [hbm4b:s5+s1], $0x80, v28, vm0, $0xb8;
	[tilespmem:$0x13100] =	vst v63  }
0x144: {  	v33 =	vperm.xlane v21, v17;
	v32 =	vadd.s32 v7, v31;
	s13 =	simm.s32 $0x4500  }
0x145: {  	[tilespmem:s13], [sflag:$0x1] =	stream.indirect_vreg.gather [hbm4b:s5+s1], $0x80, v22, vm0, $0xb8;
	[tilespmem:$0x13100] =	vst v63  }
0x146: {  	v34 =	vperm.xlane v21, v18;
	s14 =	simm.s32 $0x4580;
	v22 =	vadd.s32 v7, v33  }
0x147: {  	[tilespmem:s14], [sflag:$0x1] =	stream.indirect_vreg.gather [hbm4b:s5+s1], $0x80, v23, vm0, $0xb8;
	[tilespmem:$0x13100] =	vst v63  }
0x148: {  	v35 =	vperm.xlane v21, v19;
	s15 =	simm.s32 $0x4600;
	v23 =	vadd.s32 v7, v34  }
0x149: {  	[tilespmem:s15], [sflag:$0x1] =	stream.indirect_vreg.gather [hbm4b:s5+s1], $0x80, v32, vm0, $0xb8;
	[tilespmem:$0x13100] =	vst v63  }
0x14a: {  	v21 =	vperm.xlane v21, v20;
	v36 =	vadd.s32 v7, v35;
	s12 =	simm.s32 $0x4680  }
0x14b: {  	[tilespmem:s12], [sflag:$0x1] =	stream.indirect_vreg.gather [hbm4b:s5+s1], $0x80, v22, vm0, $0xb8;
	[tilespmem:$0x13100] =	vst v63  }
0x14c: {  	v21 =	vadd.s32 v7, v21;
	s13 =	simm.s32 $0x4700  }
0x14d: {  	[tilespmem:s13], [sflag:$0x1] =	stream.indirect_vreg.gather [hbm4b:s5+s1], $0x80, v23, vm0, $0xb8;
	[tilespmem:$0x13100] =	vst v63  }
0x14e: {  	s14 =	simm.s32 $0x4780  }
0x14f: {  	[tilespmem:s14], [sflag:$0x1] =	stream.indirect_vreg.gather [hbm4b:s5+s1], $0x80, v36, vm0, $0xb8;
	[tilespmem:$0x13100] =	vst v63  }
0x150: {  	s15 =	simm.s32 $0x4800  }
0x151: {  	[tilespmem:s15], [sflag:$0x1] =	stream.indirect_vreg.gather [hbm4b:s5+s1], $0x80, v21, vm0, $0xb8;
	[tilespmem:$0x13100] =	vst v63  }
0x152: {  	v21 =	vld [tilespmem:$0x1050];
	_ =	sdelay $0x4  }
0x153: {  	v22 =	vshll.u32 v21, $0x3  }
0x154: {  	v21 =	vand.u32 $0x7, v21;
	v22 =	vand.u32 $0xFFFFFFC0, v22  }
0x155: {  	v21 =	vor.u32 v21, v22  }
0x156: {  	v22 =	vperm.xlane v21, v6;
	_ =	sdelay $0x1  }
0x157: {  	v23 =	vperm.xlane v21, v8;
	v22 =	vadd.s32 v7, v22;
	_ =	sdelay $0x1  }
0x158: {  	v37 =	vperm.xlane v21, v9;
	v23 =	vadd.s32 v7, v23;
	_ =	sdelay $0x1  }
0x159: {  	s12 =	simm.s32 $0x4880;
	v38 =	vperm.xlane v21, v5;
	v24 =	vadd.s32 v7, v37  }
0x15a: {  	[tilespmem:s12], [sflag:$0x1] =	stream.indirect_vreg.gather [hbm4b:s5+s1], $0x80, v22, vm0, $0xb8;
	[tilespmem:$0x13100] =	vst v63  }
0x15b: {  	s13 =	simm.s32 $0x4900;
	v39 =	vperm.xlane v21, v10;
	v22 =	vadd.s32 v7, v38  }
0x15c: {  	[tilespmem:s13], [sflag:$0x1] =	stream.indirect_vreg.gather [hbm4b:s5+s1], $0x80, v23, vm0, $0xb8;
	[tilespmem:$0x13100] =	vst v63  }
0x15d: {  	s14 =	simm.s32 $0x4980;
	v40 =	vperm.xlane v21, v11;
	v23 =	vadd.s32 v7, v39  }
0x15e: {  	[tilespmem:s14], [sflag:$0x1] =	stream.indirect_vreg.gather [hbm4b:s5+s1], $0x80, v24, vm0, $0xb8;
	[tilespmem:$0x13100] =	vst v63  }
0x15f: {  	s15 =	simm.s32 $0x4A00;
	v42 =	vperm.xlane v21, v12;
	v41 =	vadd.s32 v7, v40  }
0x160: {  	[tilespmem:s15], [sflag:$0x1] =	stream.indirect_vreg.gather [hbm4b:s5+s1], $0x80, v22, vm0, $0xb8;
	[tilespmem:$0x13100] =	vst v63  }
0x161: {  	v43 =	vperm.xlane v21, v4;
	s12 =	simm.s32 $0x4A80;
	v22 =	vadd.s32 v7, v42  }
0x162: {  	[tilespmem:s12], [sflag:$0x1] =	stream.indirect_vreg.gather [hbm4b:s5+s1], $0x80, v23, vm0, $0xb8;
	[tilespmem:$0x13100] =	vst v63  }
0x163: {  	v44 =	vperm.xlane v21, v13;
	s13 =	simm.s32 $0x4B00;
	v23 =	vadd.s32 v7, v43  }
0x164: {  	[tilespmem:s13], [sflag:$0x1] =	stream.indirect_vreg.gather [hbm4b:s5+s1], $0x80, v41, vm0, $0xb8;
	[tilespmem:$0x13100] =	vst v63  }
0x165: {  	v46 =	vperm.xlane v21, v14;
	v45 =	vadd.s32 v7, v44;
	s14 =	simm.s32 $0x4B80  }
0x166: {  	[tilespmem:s14], [sflag:$0x1] =	stream.indirect_vreg.gather [hbm4b:s5+s1], $0x80, v22, vm0, $0xb8;
	[tilespmem:$0x13100] =	vst v63  }
0x167: {  	v47 =	vperm.xlane v21, v15;
	s15 =	simm.s32 $0x4C00;
	v22 =	vadd.s32 v7, v46  }
0x168: {  	[tilespmem:s15], [sflag:$0x1] =	stream.indirect_vreg.gather [hbm4b:s5+s1], $0x80, v23, vm0, $0xb8;
	[tilespmem:$0x13100] =	vst v63  }
0x169: {  	v48 =	vperm.xlane v21, v16;
	s12 =	simm.s32 $0x4C80;
	v23 =	vadd.s32 v7, v47  }
0x16a: {  	[tilespmem:s12], [sflag:$0x1] =	stream.indirect_vreg.gather [hbm4b:s5+s1], $0x80, v45, vm0, $0xb8;
	[tilespmem:$0x13100] =	vst v63  }
0x16b: {  	v50 =	vperm.xlane v21, v17;
	v49 =	vadd.s32 v7, v48;
	s13 =	simm.s32 $0x4D00  }
0x16c: {  	[tilespmem:s13], [sflag:$0x1] =	stream.indirect_vreg.gather [hbm4b:s5+s1], $0x80, v22, vm0, $0xb8;
	[tilespmem:$0x13100] =	vst v63  }
0x16d: {  	v51 =	vperm.xlane v21, v18;
	s14 =	simm.s32 $0x4D80;
	v22 =	vadd.s32 v7, v50  }
0x16e: {  	[tilespmem:s14], [sflag:$0x1] =	stream.indirect_vreg.gather [hbm4b:s5+s1], $0x80, v23, vm0, $0xb8;
	[tilespmem:$0x13100] =	vst v63  }
0x16f: {  	v52 =	vperm.xlane v21, v19;
	s15 =	simm.s32 $0x4E00;
	v23 =	vadd.s32 v7, v51  }
0x170: {  	[tilespmem:s15], [sflag:$0x1] =	stream.indirect_vreg.gather [hbm4b:s5+s1], $0x80, v49, vm0, $0xb8;
	[tilespmem:$0x13100] =	vst v63  }
0x171: {  	v21 =	vperm.xlane v21, v20;
	v53 =	vadd.s32 v7, v52;
	s12 =	simm.s32 $0x4E80  }
0x172: {  	[tilespmem:s12], [sflag:$0x1] =	stream.indirect_vreg.gather [hbm4b:s5+s1], $0x80, v22, vm0, $0xb8;
	[tilespmem:$0x13100] =	vst v63  }
0x173: {  	v21 =	vadd.s32 v7, v21;
	s13 =	simm.s32 $0x4F00  }
0x174: {  	[tilespmem:s13], [sflag:$0x1] =	stream.indirect_vreg.gather [hbm4b:s5+s1], $0x80, v23, vm0, $0xb8;
	[tilespmem:$0x13100] =	vst v63  }
0x175: {  	s14 =	simm.s32 $0x4F80  }
0x176: {  	[tilespmem:s14], [sflag:$0x1] =	stream.indirect_vreg.gather [hbm4b:s5+s1], $0x80, v53, vm0, $0xb8;
	[tilespmem:$0x13100] =	vst v63  }
0x177: {  	s15 =	simm.s32 $0x5000  }
0x178: {  	[tilespmem:s15], [sflag:$0x1] =	stream.indirect_vreg.gather [hbm4b:s5+s1], $0x80, v21, vm0, $0xb8;
	[tilespmem:$0x13100] =	vst v63  }
0x179: {  	v21 =	vld [tilespmem:$0x1060];
	_ =	sdelay $0x4  }
0x17a: {  	v22 =	vshll.u32 v21, $0x3  }
0x17b: {  	v21 =	vand.u32 $0x7, v21;
	v22 =	vand.u32 $0xFFFFFFC0, v22  }
0x17c: {  	v21 =	vor.u32 v21, v22  }
0x17d: {  	v22 =	vperm.xlane v21, v6;
	_ =	sdelay $0x1  }
0x17e: {  	v23 =	vperm.xlane v21, v8;
	v22 =	vadd.s32 v7, v22;
	_ =	sdelay $0x1  }
0x17f: {  	v54 =	vperm.xlane v21, v9;
	v23 =	vadd.s32 v7, v23;
	_ =	sdelay $0x1  }
0x180: {  	s12 =	simm.s32 $0x5080;
	v55 =	vperm.xlane v21, v5;
	v24 =	vadd.s32 v7, v54  }
0x181: {  	[tilespmem:s12], [sflag:$0x1] =	stream.indirect_vreg.gather [hbm4b:s5+s1], $0x80, v22, vm0, $0xb8;
	[tilespmem:$0x13100] =	vst v63  }
0x182: {  	s13 =	simm.s32 $0x5100;
	v56 =	vperm.xlane v21, v10;
	v22 =	vadd.s32 v7, v55  }
0x183: {  	[tilespmem:s13], [sflag:$0x1] =	stream.indirect_vreg.gather [hbm4b:s5+s1], $0x80, v23, vm0, $0xb8;
	[tilespmem:$0x13100] =	vst v63  }
0x184: {  	s14 =	simm.s32 $0x5180;
	v57 =	vperm.xlane v21, v11;
	v23 =	vadd.s32 v7, v56  }
0x185: {  	[tilespmem:s14], [sflag:$0x1] =	stream.indirect_vreg.gather [hbm4b:s5+s1], $0x80, v24, vm0, $0xb8;
	[tilespmem:$0x13100] =	vst v63  }
0x186: {  	s15 =	simm.s32 $0x5200;
	v59 =	vperm.xlane v21, v12;
	v58 =	vadd.s32 v7, v57  }
0x187: {  	[tilespmem:s15], [sflag:$0x1] =	stream.indirect_vreg.gather [hbm4b:s5+s1], $0x80, v22, vm0, $0xb8;
	[tilespmem:$0x13100] =	vst v63  }
0x188: {  	v60 =	vperm.xlane v21, v4;
	s12 =	simm.s32 $0x5280;
	v22 =	vadd.s32 v7, v59  }
0x189: {  	[tilespmem:s12], [sflag:$0x1] =	stream.indirect_vreg.gather [hbm4b:s5+s1], $0x80, v23, vm0, $0xb8;
	[tilespmem:$0x13100] =	vst v63  }
0x18a: {  	v61 =	vperm.xlane v21, v13;
	s13 =	simm.s32 $0x5300;
	v23 =	vadd.s32 v7, v60  }
0x18b: {  	[tilespmem:s13], [sflag:$0x1] =	stream.indirect_vreg.gather [hbm4b:s5+s1], $0x80, v58, vm0, $0xb8;
	[tilespmem:$0x13100] =	vst v63  }
0x18c: {  	v63 =	vperm.xlane v21, v14;
	v62 =	vadd.s32 v7, v61;
	s14 =	simm.s32 $0x5380  }
0x18d: {  	[tilespmem:s14], [sflag:$0x1] =	stream.indirect_vreg.gather [hbm4b:s5+s1], $0x80, v22, vm0, $0xb8;
	[tilespmem:$0x13100] =	vst v63  }
0x18e: {  	v28 =	vperm.xlane v21, v15;
	s15 =	simm.s32 $0x5400;
	v22 =	vadd.s32 v7, v63  }
0x18f: {  	[tilespmem:s15], [sflag:$0x1] =	stream.indirect_vreg.gather [hbm4b:s5+s1], $0x80, v23, vm0, $0xb8;
	[tilespmem:$0x13100] =	vst v63  }
0x190: {  	v29 =	vperm.xlane v21, v16;
	s12 =	simm.s32 $0x5480;
	v23 =	vadd.s32 v7, v28  }
0x191: {  	[tilespmem:s12], [sflag:$0x1] =	stream.indirect_vreg.gather [hbm4b:s5+s1], $0x80, v62, vm0, $0xb8;
	[tilespmem:$0x13100] =	vst v63  }
0x192: {  	v31 =	vperm.xlane v21, v17;
	v30 =	vadd.s32 v7, v29;
	s13 =	simm.s32 $0x5500  }
0x193: {  	[tilespmem:s13], [sflag:$0x1] =	stream.indirect_vreg.gather [hbm4b:s5+s1], $0x80, v22, vm0, $0xb8;
	[tilespmem:$0x13100] =	vst v63  }
0x194: {  	v32 =	vperm.xlane v21, v18;
	s14 =	simm.s32 $0x5580;
	v22 =	vadd.s32 v7, v31  }
0x195: {  	[tilespmem:s14], [sflag:$0x1] =	stream.indirect_vreg.gather [hbm4b:s5+s1], $0x80, v23, vm0, $0xb8;
	[tilespmem:$0x13100] =	vst v63  }
0x196: {  	v33 =	vperm.xlane v21, v19;
	s15 =	simm.s32 $0x5600;
	v23 =	vadd.s32 v7, v32  }
0x197: {  	[tilespmem:s15], [sflag:$0x1] =	stream.indirect_vreg.gather [hbm4b:s5+s1], $0x80, v30, vm0, $0xb8;
	[tilespmem:$0x13100] =	vst v63  }
0x198: {  	v21 =	vperm.xlane v21, v20;
	v34 =	vadd.s32 v7, v33;
	s12 =	simm.s32 $0x5680  }
0x199: {  	[tilespmem:s12], [sflag:$0x1] =	stream.indirect_vreg.gather [hbm4b:s5+s1], $0x80, v22, vm0, $0xb8;
	[tilespmem:$0x13100] =	vst v63  }
0x19a: {  	v21 =	vadd.s32 v7, v21;
	s13 =	simm.s32 $0x5700  }
0x19b: {  	[tilespmem:s13], [sflag:$0x1] =	stream.indirect_vreg.gather [hbm4b:s5+s1], $0x80, v23, vm0, $0xb8;
	[tilespmem:$0x13100] =	vst v63  }
0x19c: {  	s14 =	simm.s32 $0x5780  }
0x19d: {  	[tilespmem:s14], [sflag:$0x1] =	stream.indirect_vreg.gather [hbm4b:s5+s1], $0x80, v34, vm0, $0xb8;
	[tilespmem:$0x13100] =	vst v63  }
0x19e: {  	s15 =	simm.s32 $0x5800  }
0x19f: {  	[tilespmem:s15], [sflag:$0x1] =	stream.indirect_vreg.gather [hbm4b:s5+s1], $0x80, v21, vm0, $0xb8;
	[tilespmem:$0x13100] =	vst v63  }
0x1a0: {  	v21 =	vld [tilespmem:$0x1070];
	_ =	sdelay $0x4  }
0x1a1: {  	v22 =	vshll.u32 v21, $0x3  }
0x1a2: {  	v21 =	vand.u32 $0x7, v21;
	v22 =	vand.u32 $0xFFFFFFC0, v22  }
0x1a3: {  	v21 =	vor.u32 v21, v22  }
0x1a4: {  	v22 =	vperm.xlane v21, v6;
	_ =	sdelay $0x1  }
0x1a5: {  	v23 =	vperm.xlane v21, v8;
	v22 =	vadd.s32 v7, v22;
	_ =	sdelay $0x1  }
0x1a6: {  	v35 =	vperm.xlane v21, v9;
	v23 =	vadd.s32 v7, v23;
	_ =	sdelay $0x1  }
0x1a7: {  	s12 =	simm.s32 $0x5880;
	v36 =	vperm.xlane v21, v5;
	v24 =	vadd.s32 v7, v35  }
0x1a8: {  	[tilespmem:s12], [sflag:$0x1] =	stream.indirect_vreg.gather [hbm4b:s5+s1], $0x80, v22, vm0, $0xb8;
	[tilespmem:$0x13100] =	vst v63  }
0x1a9: {  	s13 =	simm.s32 $0x5900;
	v37 =	vperm.xlane v21, v10;
	v22 =	vadd.s32 v7, v36  }
0x1aa: {  	[tilespmem:s13], [sflag:$0x1] =	stream.indirect_vreg.gather [hbm4b:s5+s1], $0x80, v23, vm0, $0xb8;
	[tilespmem:$0x13100] =	vst v63  }
0x1ab: {  	s14 =	simm.s32 $0x5980;
	v38 =	vperm.xlane v21, v11;
	v23 =	vadd.s32 v7, v37  }
0x1ac: {  	[tilespmem:s14], [sflag:$0x1] =	stream.indirect_vreg.gather [hbm4b:s5+s1], $0x80, v24, vm0, $0xb8;
	[tilespmem:$0x13100] =	vst v63  }
0x1ad: {  	s15 =	simm.s32 $0x5A00;
	v40 =	vperm.xlane v21, v12;
	v39 =	vadd.s32 v7, v38  }
0x1ae: {  	[tilespmem:s15], [sflag:$0x1] =	stream.indirect_vreg.gather [hbm4b:s5+s1], $0x80, v22, vm0, $0xb8;
	[tilespmem:$0x13100] =	vst v63  }
0x1af: {  	v41 =	vperm.xlane v21, v4;
	s12 =	simm.s32 $0x5A80;
	v22 =	vadd.s32 v7, v40  }
0x1b0: {  	[tilespmem:s12], [sflag:$0x1] =	stream.indirect_vreg.gather [hbm4b:s5+s1], $0x80, v23, vm0, $0xb8;
	[tilespmem:$0x13100] =	vst v63  }
0x1b1: {  	v42 =	vperm.xlane v21, v13;
	s13 =	simm.s32 $0x5B00;
	v23 =	vadd.s32 v7, v41  }
0x1b2: {  	[tilespmem:s13], [sflag:$0x1] =	stream.indirect_vreg.gather [hbm4b:s5+s1], $0x80, v39, vm0, $0xb8;
	[tilespmem:$0x13100] =	vst v63  }
0x1b3: {  	v44 =	vperm.xlane v21, v14;
	v43 =	vadd.s32 v7, v42;
	s14 =	simm.s32 $0x5B80  }
0x1b4: {  	[tilespmem:s14], [sflag:$0x1] =	stream.indirect_vreg.gather [hbm4b:s5+s1], $0x80, v22, vm0, $0xb8;
	[tilespmem:$0x13100] =	vst v63  }
0x1b5: {  	v45 =	vperm.xlane v21, v15;
	s15 =	simm.s32 $0x5C00;
	v22 =	vadd.s32 v7, v44  }
0x1b6: {  	[tilespmem:s15], [sflag:$0x1] =	stream.indirect_vreg.gather [hbm4b:s5+s1], $0x80, v23, vm0, $0xb8;
	[tilespmem:$0x13100] =	vst v63  }
0x1b7: {  	v46 =	vperm.xlane v21, v16;
	s12 =	simm.s32 $0x5C80;
	v23 =	vadd.s32 v7, v45  }
0x1b8: {  	[tilespmem:s12], [sflag:$0x1] =	stream.indirect_vreg.gather [hbm4b:s5+s1], $0x80, v43, vm0, $0xb8;
	[tilespmem:$0x13100] =	vst v63  }
0x1b9: {  	v48 =	vperm.xlane v21, v17;
	v47 =	vadd.s32 v7, v46;
	s13 =	simm.s32 $0x5D00  }
0x1ba: {  	[tilespmem:s13], [sflag:$0x1] =	stream.indirect_vreg.gather [hbm4b:s5+s1], $0x80, v22, vm0, $0xb8;
	[tilespmem:$0x13100] =	vst v63  }
0x1bb: {  	v49 =	vperm.xlane v21, v18;
	s14 =	simm.s32 $0x5D80;
	v22 =	vadd.s32 v7, v48  }
0x1bc: {  	[tilespmem:s14], [sflag:$0x1] =	stream.indirect_vreg.gather [hbm4b:s5+s1], $0x80, v23, vm0, $0xb8;
	[tilespmem:$0x13100] =	vst v63  }
0x1bd: {  	v50 =	vperm.xlane v21, v19;
	s15 =	simm.s32 $0x5E00;
	v23 =	vadd.s32 v7, v49  }
0x1be: {  	[tilespmem:s15], [sflag:$0x1] =	stream.indirect_vreg.gather [hbm4b:s5+s1], $0x80, v47, vm0, $0xb8;
	[tilespmem:$0x13100] =	vst v63  }
0x1bf: {  	v21 =	vperm.xlane v21, v20;
	v51 =	vadd.s32 v7, v50;
	s12 =	simm.s32 $0x5E80  }
0x1c0: {  	[tilespmem:s12], [sflag:$0x1] =	stream.indirect_vreg.gather [hbm4b:s5+s1], $0x80, v22, vm0, $0xb8;
	[tilespmem:$0x13100] =	vst v63  }
0x1c1: {  	v21 =	vadd.s32 v7, v21;
	s13 =	simm.s32 $0x5F00  }
0x1c2: {  	[tilespmem:s13], [sflag:$0x1] =	stream.indirect_vreg.gather [hbm4b:s5+s1], $0x80, v23, vm0, $0xb8;
	[tilespmem:$0x13100] =	vst v63  }
0x1c3: {  	s14 =	simm.s32 $0x5F80  }
0x1c4: {  	[tilespmem:s14], [sflag:$0x1] =	stream.indirect_vreg.gather [hbm4b:s5+s1], $0x80, v51, vm0, $0xb8;
	[tilespmem:$0x13100] =	vst v63  }
0x1c5: {  	s15 =	simm.s32 $0x6000  }
0x1c6: {  	[tilespmem:s15], [sflag:$0x1] =	stream.indirect_vreg.gather [hbm4b:s5+s1], $0x80, v21, vm0, $0xb8;
	[tilespmem:$0x13100] =	vst v63  }
0x1c7: {  	v21 =	vld [tilespmem:$0x1080];
	_ =	sdelay $0x4  }
0x1c8: {  	v22 =	vshll.u32 v21, $0x3  }
0x1c9: {  	v21 =	vand.u32 $0x7, v21;
	v22 =	vand.u32 $0xFFFFFFC0, v22  }
0x1ca: {  	v21 =	vor.u32 v21, v22  }
0x1cb: {  	v22 =	vperm.xlane v21, v6;
	_ =	sdelay $0x1  }
0x1cc: {  	v23 =	vperm.xlane v21, v8;
	v22 =	vadd.s32 v7, v22;
	_ =	sdelay $0x1  }
0x1cd: {  	v52 =	vperm.xlane v21, v9;
	v23 =	vadd.s32 v7, v23;
	_ =	sdelay $0x1  }
0x1ce: {  	s12 =	simm.s32 $0x6080;
	v53 =	vperm.xlane v21, v5;
	v24 =	vadd.s32 v7, v52  }
0x1cf: {  	[tilespmem:s12], [sflag:$0x1] =	stream.indirect_vreg.gather [hbm4b:s5+s1], $0x80, v22, vm0, $0xb8;
	[tilespmem:$0x13100] =	vst v63  }
0x1d0: {  	s13 =	simm.s32 $0x6100;
	v54 =	vperm.xlane v21, v10;
	v22 =	vadd.s32 v7, v53  }
0x1d1: {  	[tilespmem:s13], [sflag:$0x1] =	stream.indirect_vreg.gather [hbm4b:s5+s1], $0x80, v23, vm0, $0xb8;
	[tilespmem:$0x13100] =	vst v63  }
0x1d2: {  	s14 =	simm.s32 $0x6180;
	v55 =	vperm.xlane v21, v11;
	v23 =	vadd.s32 v7, v54  }
0x1d3: {  	[tilespmem:s14], [sflag:$0x1] =	stream.indirect_vreg.gather [hbm4b:s5+s1], $0x80, v24, vm0, $0xb8;
	[tilespmem:$0x13100] =	vst v63  }
0x1d4: {  	s15 =	simm.s32 $0x6200;
	v57 =	vperm.xlane v21, v12;
	v56 =	vadd.s32 v7, v55  }
0x1d5: {  	[tilespmem:s15], [sflag:$0x1] =	stream.indirect_vreg.gather [hbm4b:s5+s1], $0x80, v22, vm0, $0xb8;
	[tilespmem:$0x13100] =	vst v63  }
0x1d6: {  	v58 =	vperm.xlane v21, v4;
	s12 =	simm.s32 $0x6280;
	v22 =	vadd.s32 v7, v57  }
0x1d7: {  	[tilespmem:s12], [sflag:$0x1] =	stream.indirect_vreg.gather [hbm4b:s5+s1], $0x80, v23, vm0, $0xb8;
	[tilespmem:$0x13100] =	vst v63  }
0x1d8: {  	v59 =	vperm.xlane v21, v13;
	s13 =	simm.s32 $0x6300;
	v23 =	vadd.s32 v7, v58  }
0x1d9: {  	[tilespmem:s13], [sflag:$0x1] =	stream.indirect_vreg.gather [hbm4b:s5+s1], $0x80, v56, vm0, $0xb8;
	[tilespmem:$0x13100] =	vst v63  }
0x1da: {  	v61 =	vperm.xlane v21, v14;
	v60 =	vadd.s32 v7, v59;
	s14 =	simm.s32 $0x6380  }
0x1db: {  	[tilespmem:s14], [sflag:$0x1] =	stream.indirect_vreg.gather [hbm4b:s5+s1], $0x80, v22, vm0, $0xb8;
	[tilespmem:$0x13100] =	vst v63  }
0x1dc: {  	v62 =	vperm.xlane v21, v15;
	s15 =	simm.s32 $0x6400;
	v22 =	vadd.s32 v7, v61  }
0x1dd: {  	[tilespmem:s15], [sflag:$0x1] =	stream.indirect_vreg.gather [hbm4b:s5+s1], $0x80, v23, vm0, $0xb8;
	[tilespmem:$0x13100] =	vst v63  }
0x1de: {  	v63 =	vperm.xlane v21, v16;
	s12 =	simm.s32 $0x6480;
	v23 =	vadd.s32 v7, v62  }
0x1df: {  	[tilespmem:s12], [sflag:$0x1] =	stream.indirect_vreg.gather [hbm4b:s5+s1], $0x80, v60, vm0, $0xb8;
	[tilespmem:$0x13100] =	vst v63  }
0x1e0: {  	v29 =	vperm.xlane v21, v17;
	v28 =	vadd.s32 v7, v63;
	s13 =	simm.s32 $0x6500  }
0x1e1: {  	[tilespmem:s13], [sflag:$0x1] =	stream.indirect_vreg.gather [hbm4b:s5+s1], $0x80, v22, vm0, $0xb8;
	[tilespmem:$0x13100] =	vst v63  }
0x1e2: {  	v30 =	vperm.xlane v21, v18;
	s14 =	simm.s32 $0x6580;
	v22 =	vadd.s32 v7, v29  }
0x1e3: {  	[tilespmem:s14], [sflag:$0x1] =	stream.indirect_vreg.gather [hbm4b:s5+s1], $0x80, v23, vm0, $0xb8;
	[tilespmem:$0x13100] =	vst v63  }
0x1e4: {  	v31 =	vperm.xlane v21, v19;
	s15 =	simm.s32 $0x6600;
	v23 =	vadd.s32 v7, v30  }
0x1e5: {  	[tilespmem:s15], [sflag:$0x1] =	stream.indirect_vreg.gather [hbm4b:s5+s1], $0x80, v28, vm0, $0xb8;
	[tilespmem:$0x13100] =	vst v63  }
0x1e6: {  	v21 =	vperm.xlane v21, v20;
	v32 =	vadd.s32 v7, v31;
	s12 =	simm.s32 $0x6680  }
0x1e7: {  	[tilespmem:s12], [sflag:$0x1] =	stream.indirect_vreg.gather [hbm4b:s5+s1], $0x80, v22, vm0, $0xb8;
	[tilespmem:$0x13100] =	vst v63  }
0x1e8: {  	v21 =	vadd.s32 v7, v21;
	s13 =	simm.s32 $0x6700  }
0x1e9: {  	[tilespmem:s13], [sflag:$0x1] =	stream.indirect_vreg.gather [hbm4b:s5+s1], $0x80, v23, vm0, $0xb8;
	[tilespmem:$0x13100] =	vst v63  }
0x1ea: {  	s14 =	simm.s32 $0x6780  }
0x1eb: {  	[tilespmem:s14], [sflag:$0x1] =	stream.indirect_vreg.gather [hbm4b:s5+s1], $0x80, v32, vm0, $0xb8;
	[tilespmem:$0x13100] =	vst v63  }
0x1ec: {  	s15 =	simm.s32 $0x6800  }
0x1ed: {  	[tilespmem:s15], [sflag:$0x1] =	stream.indirect_vreg.gather [hbm4b:s5+s1], $0x80, v21, vm0, $0xb8;
	[tilespmem:$0x13100] =	vst v63  }
0x1ee: {  	v21 =	vld [tilespmem:$0x1090];
	_ =	sdelay $0x4  }
0x1ef: {  	v22 =	vshll.u32 v21, $0x3  }
0x1f0: {  	v21 =	vand.u32 $0x7, v21;
	v22 =	vand.u32 $0xFFFFFFC0, v22  }
0x1f1: {  	v21 =	vor.u32 v21, v22  }
0x1f2: {  	v22 =	vperm.xlane v21, v6;
	_ =	sdelay $0x1  }
0x1f3: {  	v23 =	vperm.xlane v21, v8;
	v22 =	vadd.s32 v7, v22;
	_ =	sdelay $0x1  }
0x1f4: {  	v33 =	vperm.xlane v21, v9;
	v23 =	vadd.s32 v7, v23;
	_ =	sdelay $0x1  }
0x1f5: {  	s12 =	simm.s32 $0x6880;
	v34 =	vperm.xlane v21, v5;
	v24 =	vadd.s32 v7, v33  }
0x1f6: {  	[tilespmem:s12], [sflag:$0x1] =	stream.indirect_vreg.gather [hbm4b:s5+s1], $0x80, v22, vm0, $0xb8;
	[tilespmem:$0x13100] =	vst v63  }
0x1f7: {  	s13 =	simm.s32 $0x6900;
	v35 =	vperm.xlane v21, v10;
	v22 =	vadd.s32 v7, v34  }
0x1f8: {  	[tilespmem:s13], [sflag:$0x1] =	stream.indirect_vreg.gather [hbm4b:s5+s1], $0x80, v23, vm0, $0xb8;
	[tilespmem:$0x13100] =	vst v63  }
0x1f9: {  	s14 =	simm.s32 $0x6980;
	v36 =	vperm.xlane v21, v11;
	v23 =	vadd.s32 v7, v35  }
0x1fa: {  	[tilespmem:s14], [sflag:$0x1] =	stream.indirect_vreg.gather [hbm4b:s5+s1], $0x80, v24, vm0, $0xb8;
	[tilespmem:$0x13100] =	vst v63  }
0x1fb: {  	s15 =	simm.s32 $0x6A00;
	v38 =	vperm.xlane v21, v12;
	v37 =	vadd.s32 v7, v36  }
0x1fc: {  	[tilespmem:s15], [sflag:$0x1] =	stream.indirect_vreg.gather [hbm4b:s5+s1], $0x80, v22, vm0, $0xb8;
	[tilespmem:$0x13100] =	vst v63  }
0x1fd: {  	v39 =	vperm.xlane v21, v4;
	s12 =	simm.s32 $0x6A80;
	v22 =	vadd.s32 v7, v38  }
0x1fe: {  	[tilespmem:s12], [sflag:$0x1] =	stream.indirect_vreg.gather [hbm4b:s5+s1], $0x80, v23, vm0, $0xb8;
	[tilespmem:$0x13100] =	vst v63  }
0x1ff: {  	v40 =	vperm.xlane v21, v13;
	s13 =	simm.s32 $0x6B00;
	v23 =	vadd.s32 v7, v39  }
0x200: {  	[tilespmem:s13], [sflag:$0x1] =	stream.indirect_vreg.gather [hbm4b:s5+s1], $0x80, v37, vm0, $0xb8;
	[tilespmem:$0x13100] =	vst v63  }
0x201: {  	v42 =	vperm.xlane v21, v14;
	v41 =	vadd.s32 v7, v40;
	s14 =	simm.s32 $0x6B80  }
0x202: {  	[tilespmem:s14], [sflag:$0x1] =	stream.indirect_vreg.gather [hbm4b:s5+s1], $0x80, v22, vm0, $0xb8;
	[tilespmem:$0x13100] =	vst v63  }
0x203: {  	v43 =	vperm.xlane v21, v15;
	s15 =	simm.s32 $0x6C00;
	v22 =	vadd.s32 v7, v42  }
0x204: {  	[tilespmem:s15], [sflag:$0x1] =	stream.indirect_vreg.gather [hbm4b:s5+s1], $0x80, v23, vm0, $0xb8;
	[tilespmem:$0x13100] =	vst v63  }
0x205: {  	v44 =	vperm.xlane v21, v16;
	s12 =	simm.s32 $0x6C80;
	v23 =	vadd.s32 v7, v43  }
0x206: {  	[tilespmem:s12], [sflag:$0x1] =	stream.indirect_vreg.gather [hbm4b:s5+s1], $0x80, v41, vm0, $0xb8;
	[tilespmem:$0x13100] =	vst v63  }
0x207: {  	v46 =	vperm.xlane v21, v17;
	v45 =	vadd.s32 v7, v44;
	s13 =	simm.s32 $0x6D00  }
0x208: {  	[tilespmem:s13], [sflag:$0x1] =	stream.indirect_vreg.gather [hbm4b:s5+s1], $0x80, v22, vm0, $0xb8;
	[tilespmem:$0x13100] =	vst v63  }
0x209: {  	v47 =	vperm.xlane v21, v18;
	s14 =	simm.s32 $0x6D80;
	v22 =	vadd.s32 v7, v46  }
0x20a: {  	[tilespmem:s14], [sflag:$0x1] =	stream.indirect_vreg.gather [hbm4b:s5+s1], $0x80, v23, vm0, $0xb8;
	[tilespmem:$0x13100] =	vst v63  }
0x20b: {  	v48 =	vperm.xlane v21, v19;
	s15 =	simm.s32 $0x6E00;
	v23 =	vadd.s32 v7, v47  }
0x20c: {  	[tilespmem:s15], [sflag:$0x1] =	stream.indirect_vreg.gather [hbm4b:s5+s1], $0x80, v45, vm0, $0xb8;
	[tilespmem:$0x13100] =	vst v63  }
0x20d: {  	v21 =	vperm.xlane v21, v20;
	v49 =	vadd.s32 v7, v48;
	s12 =	simm.s32 $0x6E80  }
0x20e: {  	[tilespmem:s12], [sflag:$0x1] =	stream.indirect_vreg.gather [hbm4b:s5+s1], $0x80, v22, vm0, $0xb8;
	[tilespmem:$0x13100] =	vst v63  }
0x20f: {  	v21 =	vadd.s32 v7, v21;
	s13 =	simm.s32 $0x6F00  }
0x210: {  	[tilespmem:s13], [sflag:$0x1] =	stream.indirect_vreg.gather [hbm4b:s5+s1], $0x80, v23, vm0, $0xb8;
	[tilespmem:$0x13100] =	vst v63  }
0x211: {  	s14 =	simm.s32 $0x6F80  }
0x212: {  	[tilespmem:s14], [sflag:$0x1] =	stream.indirect_vreg.gather [hbm4b:s5+s1], $0x80, v49, vm0, $0xb8;
	[tilespmem:$0x13100] =	vst v63  }
0x213: {  	s15 =	simm.s32 $0x7000  }
0x214: {  	[tilespmem:s15], [sflag:$0x1] =	stream.indirect_vreg.gather [hbm4b:s5+s1], $0x80, v21, vm0, $0xb8;
	[tilespmem:$0x13100] =	vst v63  }
0x215: {  	v21 =	vld [tilespmem:$0x10A0];
	_ =	sdelay $0x4  }
0x216: {  	v22 =	vshll.u32 v21, $0x3  }
0x217: {  	v21 =	vand.u32 $0x7, v21;
	v22 =	vand.u32 $0xFFFFFFC0, v22  }
0x218: {  	v21 =	vor.u32 v21, v22  }
0x219: {  	v22 =	vperm.xlane v21, v6;
	_ =	sdelay $0x1  }
0x21a: {  	v23 =	vperm.xlane v21, v8;
	v22 =	vadd.s32 v7, v22;
	_ =	sdelay $0x1  }
0x21b: {  	v50 =	vperm.xlane v21, v9;
	v23 =	vadd.s32 v7, v23;
	_ =	sdelay $0x1  }
0x21c: {  	s12 =	simm.s32 $0x7080;
	v51 =	vperm.xlane v21, v5;
	v24 =	vadd.s32 v7, v50  }
0x21d: {  	[tilespmem:s12], [sflag:$0x1] =	stream.indirect_vreg.gather [hbm4b:s5+s1], $0x80, v22, vm0, $0xb8;
	[tilespmem:$0x13100] =	vst v63  }
0x21e: {  	s13 =	simm.s32 $0x7100;
	v52 =	vperm.xlane v21, v10;
	v22 =	vadd.s32 v7, v51  }
0x21f: {  	[tilespmem:s13], [sflag:$0x1] =	stream.indirect_vreg.gather [hbm4b:s5+s1], $0x80, v23, vm0, $0xb8;
	[tilespmem:$0x13100] =	vst v63  }
0x220: {  	s14 =	simm.s32 $0x7180;
	v53 =	vperm.xlane v21, v11;
	v23 =	vadd.s32 v7, v52  }
0x221: {  	[tilespmem:s14], [sflag:$0x1] =	stream.indirect_vreg.gather [hbm4b:s5+s1], $0x80, v24, vm0, $0xb8;
	[tilespmem:$0x13100] =	vst v63  }
0x222: {  	s15 =	simm.s32 $0x7200;
	v55 =	vperm.xlane v21, v12;
	v54 =	vadd.s32 v7, v53  }
0x223: {  	[tilespmem:s15], [sflag:$0x1] =	stream.indirect_vreg.gather [hbm4b:s5+s1], $0x80, v22, vm0, $0xb8;
	[tilespmem:$0x13100] =	vst v63  }
0x224: {  	v56 =	vperm.xlane v21, v4;
	s12 =	simm.s32 $0x7280;
	v22 =	vadd.s32 v7, v55  }
0x225: {  	[tilespmem:s12], [sflag:$0x1] =	stream.indirect_vreg.gather [hbm4b:s5+s1], $0x80, v23, vm0, $0xb8;
	[tilespmem:$0x13100] =	vst v63  }
0x226: {  	v57 =	vperm.xlane v21, v13;
	s13 =	simm.s32 $0x7300;
	v23 =	vadd.s32 v7, v56  }
0x227: {  	[tilespmem:s13], [sflag:$0x1] =	stream.indirect_vreg.gather [hbm4b:s5+s1], $0x80, v54, vm0, $0xb8;
	[tilespmem:$0x13100] =	vst v63  }
0x228: {  	v59 =	vperm.xlane v21, v14;
	v58 =	vadd.s32 v7, v57;
	s14 =	simm.s32 $0x7380  }
0x229: {  	[tilespmem:s14], [sflag:$0x1] =	stream.indirect_vreg.gather [hbm4b:s5+s1], $0x80, v22, vm0, $0xb8;
	[tilespmem:$0x13100] =	vst v63  }
0x22a: {  	v60 =	vperm.xlane v21, v15;
	s15 =	simm.s32 $0x7400;
	v22 =	vadd.s32 v7, v59  }
0x22b: {  	[tilespmem:s15], [sflag:$0x1] =	stream.indirect_vreg.gather [hbm4b:s5+s1], $0x80, v23, vm0, $0xb8;
	[tilespmem:$0x13100] =	vst v63  }
0x22c: {  	v61 =	vperm.xlane v21, v16;
	s12 =	simm.s32 $0x7480;
	v23 =	vadd.s32 v7, v60  }
0x22d: {  	[tilespmem:s12], [sflag:$0x1] =	stream.indirect_vreg.gather [hbm4b:s5+s1], $0x80, v58, vm0, $0xb8;
	[tilespmem:$0x13100] =	vst v63  }
0x22e: {  	v63 =	vperm.xlane v21, v17;
	v62 =	vadd.s32 v7, v61;
	s13 =	simm.s32 $0x7500  }
0x22f: {  	[tilespmem:s13], [sflag:$0x1] =	stream.indirect_vreg.gather [hbm4b:s5+s1], $0x80, v22, vm0, $0xb8;
	[tilespmem:$0x13100] =	vst v63  }
0x230: {  	v28 =	vperm.xlane v21, v18;
	s14 =	simm.s32 $0x7580;
	v22 =	vadd.s32 v7, v63  }
0x231: {  	[tilespmem:s14], [sflag:$0x1] =	stream.indirect_vreg.gather [hbm4b:s5+s1], $0x80, v23, vm0, $0xb8;
	[tilespmem:$0x13100] =	vst v63  }
0x232: {  	v29 =	vperm.xlane v21, v19;
	s15 =	simm.s32 $0x7600;
	v23 =	vadd.s32 v7, v28  }
0x233: {  	[tilespmem:s15], [sflag:$0x1] =	stream.indirect_vreg.gather [hbm4b:s5+s1], $0x80, v62, vm0, $0xb8;
	[tilespmem:$0x13100] =	vst v63  }
0x234: {  	v21 =	vperm.xlane v21, v20;
	v30 =	vadd.s32 v7, v29;
	s12 =	simm.s32 $0x7680  }
0x235: {  	[tilespmem:s12], [sflag:$0x1] =	stream.indirect_vreg.gather [hbm4b:s5+s1], $0x80, v22, vm0, $0xb8;
	[tilespmem:$0x13100] =	vst v63  }
0x236: {  	v21 =	vadd.s32 v7, v21;
	s13 =	simm.s32 $0x7700  }
0x237: {  	[tilespmem:s13], [sflag:$0x1] =	stream.indirect_vreg.gather [hbm4b:s5+s1], $0x80, v23, vm0, $0xb8;
	[tilespmem:$0x13100] =	vst v63  }
0x238: {  	s14 =	simm.s32 $0x7780  }
0x239: {  	[tilespmem:s14], [sflag:$0x1] =	stream.indirect_vreg.gather [hbm4b:s5+s1], $0x80, v30, vm0, $0xb8;
	[tilespmem:$0x13100] =	vst v63  }
0x23a: {  	s15 =	simm.s32 $0x7800  }
0x23b: {  	[tilespmem:s15], [sflag:$0x1] =	stream.indirect_vreg.gather [hbm4b:s5+s1], $0x80, v21, vm0, $0xb8;
	[tilespmem:$0x13100] =	vst v63  }
0x23c: {  	v21 =	vld [tilespmem:$0x10B0];
	_ =	sdelay $0x4  }
0x23d: {  	v22 =	vshll.u32 v21, $0x3  }
0x23e: {  	v21 =	vand.u32 $0x7, v21;
	v22 =	vand.u32 $0xFFFFFFC0, v22  }
0x23f: {  	v21 =	vor.u32 v21, v22  }
0x240: {  	v22 =	vperm.xlane v21, v6;
	_ =	sdelay $0x1  }
0x241: {  	v23 =	vperm.xlane v21, v8;
	v22 =	vadd.s32 v7, v22;
	_ =	sdelay $0x1  }
0x242: {  	v31 =	vperm.xlane v21, v9;
	v23 =	vadd.s32 v7, v23;
	_ =	sdelay $0x1  }
0x243: {  	s12 =	simm.s32 $0x7880;
	v32 =	vperm.xlane v21, v5;
	v24 =	vadd.s32 v7, v31  }
0x244: {  	[tilespmem:s12], [sflag:$0x1] =	stream.indirect_vreg.gather [hbm4b:s5+s1], $0x80, v22, vm0, $0xb8;
	[tilespmem:$0x13100] =	vst v63  }
0x245: {  	s13 =	simm.s32 $0x7900;
	v33 =	vperm.xlane v21, v10;
	v22 =	vadd.s32 v7, v32  }
0x246: {  	[tilespmem:s13], [sflag:$0x1] =	stream.indirect_vreg.gather [hbm4b:s5+s1], $0x80, v23, vm0, $0xb8;
	[tilespmem:$0x13100] =	vst v63  }
0x247: {  	s14 =	simm.s32 $0x7980;
	v34 =	vperm.xlane v21, v11;
	v23 =	vadd.s32 v7, v33  }
0x248: {  	[tilespmem:s14], [sflag:$0x1] =	stream.indirect_vreg.gather [hbm4b:s5+s1], $0x80, v24, vm0, $0xb8;
	[tilespmem:$0x13100] =	vst v63  }
0x249: {  	s15 =	simm.s32 $0x7A00;
	v36 =	vperm.xlane v21, v12;
	v35 =	vadd.s32 v7, v34  }
0x24a: {  	[tilespmem:s15], [sflag:$0x1] =	stream.indirect_vreg.gather [hbm4b:s5+s1], $0x80, v22, vm0, $0xb8;
	[tilespmem:$0x13100] =	vst v63  }
0x24b: {  	v37 =	vperm.xlane v21, v4;
	s12 =	simm.s32 $0x7A80;
	v22 =	vadd.s32 v7, v36  }
0x24c: {  	[tilespmem:s12], [sflag:$0x1] =	stream.indirect_vreg.gather [hbm4b:s5+s1], $0x80, v23, vm0, $0xb8;
	[tilespmem:$0x13100] =	vst v63  }
0x24d: {  	v38 =	vperm.xlane v21, v13;
	s13 =	simm.s32 $0x7B00;
	v23 =	vadd.s32 v7, v37  }
0x24e: {  	[tilespmem:s13], [sflag:$0x1] =	stream.indirect_vreg.gather [hbm4b:s5+s1], $0x80, v35, vm0, $0xb8;
	[tilespmem:$0x13100] =	vst v63  }
0x24f: {  	v40 =	vperm.xlane v21, v14;
	v39 =	vadd.s32 v7, v38;
	s14 =	simm.s32 $0x7B80  }
0x250: {  	[tilespmem:s14], [sflag:$0x1] =	stream.indirect_vreg.gather [hbm4b:s5+s1], $0x80, v22, vm0, $0xb8;
	[tilespmem:$0x13100] =	vst v63  }
0x251: {  	v41 =	vperm.xlane v21, v15;
	s15 =	simm.s32 $0x7C00;
	v22 =	vadd.s32 v7, v40  }
0x252: {  	[tilespmem:s15], [sflag:$0x1] =	stream.indirect_vreg.gather [hbm4b:s5+s1], $0x80, v23, vm0, $0xb8;
	[tilespmem:$0x13100] =	vst v63  }
0x253: {  	v42 =	vperm.xlane v21, v16;
	s12 =	simm.s32 $0x7C80;
	v23 =	vadd.s32 v7, v41  }
0x254: {  	[tilespmem:s12], [sflag:$0x1] =	stream.indirect_vreg.gather [hbm4b:s5+s1], $0x80, v39, vm0, $0xb8;
	[tilespmem:$0x13100] =	vst v63  }
0x255: {  	v44 =	vperm.xlane v21, v17;
	v43 =	vadd.s32 v7, v42;
	s13 =	simm.s32 $0x7D00  }
0x256: {  	[tilespmem:s13], [sflag:$0x1] =	stream.indirect_vreg.gather [hbm4b:s5+s1], $0x80, v22, vm0, $0xb8;
	[tilespmem:$0x13100] =	vst v63  }
0x257: {  	v45 =	vperm.xlane v21, v18;
	s14 =	simm.s32 $0x7D80;
	v22 =	vadd.s32 v7, v44  }
0x258: {  	[tilespmem:s14], [sflag:$0x1] =	stream.indirect_vreg.gather [hbm4b:s5+s1], $0x80, v23, vm0, $0xb8;
	[tilespmem:$0x13100] =	vst v63  }
0x259: {  	v46 =	vperm.xlane v21, v19;
	s15 =	simm.s32 $0x7E00;
	v23 =	vadd.s32 v7, v45  }
0x25a: {  	[tilespmem:s15], [sflag:$0x1] =	stream.indirect_vreg.gather [hbm4b:s5+s1], $0x80, v43, vm0, $0xb8;
	[tilespmem:$0x13100] =	vst v63  }
0x25b: {  	v21 =	vperm.xlane v21, v20;
	v47 =	vadd.s32 v7, v46;
	s12 =	simm.s32 $0x7E80  }
0x25c: {  	[tilespmem:s12], [sflag:$0x1] =	stream.indirect_vreg.gather [hbm4b:s5+s1], $0x80, v22, vm0, $0xb8;
	[tilespmem:$0x13100] =	vst v63  }
0x25d: {  	v21 =	vadd.s32 v7, v21;
	s13 =	simm.s32 $0x7F00  }
0x25e: {  	[tilespmem:s13], [sflag:$0x1] =	stream.indirect_vreg.gather [hbm4b:s5+s1], $0x80, v23, vm0, $0xb8;
	[tilespmem:$0x13100] =	vst v63  }
0x25f: {  	s14 =	simm.s32 $0x7F80  }
0x260: {  	[tilespmem:s14], [sflag:$0x1] =	stream.indirect_vreg.gather [hbm4b:s5+s1], $0x80, v47, vm0, $0xb8;
	[tilespmem:$0x13100] =	vst v63  }
0x261: {  	s15 =	simm.s32 $0x8000  }
0x262: {  	[tilespmem:s15], [sflag:$0x1] =	stream.indirect_vreg.gather [hbm4b:s5+s1], $0x80, v21, vm0, $0xb8;
	[tilespmem:$0x13100] =	vst v63  }
0x263: {  	v21 =	vld [tilespmem:$0x10C0];
	_ =	sdelay $0x4  }
0x264: {  	v22 =	vshll.u32 v21, $0x3  }
0x265: {  	v21 =	vand.u32 $0x7, v21;
	v22 =	vand.u32 $0xFFFFFFC0, v22  }
0x266: {  	v21 =	vor.u32 v21, v22  }
0x267: {  	v22 =	vperm.xlane v21, v6;
	_ =	sdelay $0x1  }
0x268: {  	v23 =	vperm.xlane v21, v8;
	v22 =	vadd.s32 v7, v22;
	_ =	sdelay $0x1  }
0x269: {  	v48 =	vperm.xlane v21, v9;
	v23 =	vadd.s32 v7, v23;
	_ =	sdelay $0x1  }
0x26a: {  	s12 =	simm.s32 $0x8080;
	v49 =	vperm.xlane v21, v5;
	v24 =	vadd.s32 v7, v48  }
0x26b: {  	[tilespmem:s12], [sflag:$0x1] =	stream.indirect_vreg.gather [hbm4b:s5+s1], $0x80, v22, vm0, $0xb8;
	[tilespmem:$0x13100] =	vst v63  }
0x26c: {  	s13 =	simm.s32 $0x8100;
	v50 =	vperm.xlane v21, v10;
	v22 =	vadd.s32 v7, v49  }
0x26d: {  	[tilespmem:s13], [sflag:$0x1] =	stream.indirect_vreg.gather [hbm4b:s5+s1], $0x80, v23, vm0, $0xb8;
	[tilespmem:$0x13100] =	vst v63  }
0x26e: {  	s14 =	simm.s32 $0x8180;
	v51 =	vperm.xlane v21, v11;
	v23 =	vadd.s32 v7, v50  }
0x26f: {  	[tilespmem:s14], [sflag:$0x1] =	stream.indirect_vreg.gather [hbm4b:s5+s1], $0x80, v24, vm0, $0xb8;
	[tilespmem:$0x13100] =	vst v63  }
0x270: {  	s15 =	simm.s32 $0x8200;
	v53 =	vperm.xlane v21, v12;
	v52 =	vadd.s32 v7, v51  }
0x271: {  	[tilespmem:s15], [sflag:$0x1] =	stream.indirect_vreg.gather [hbm4b:s5+s1], $0x80, v22, vm0, $0xb8;
	[tilespmem:$0x13100] =	vst v63  }
0x272: {  	v54 =	vperm.xlane v21, v4;
	s12 =	simm.s32 $0x8280;
	v22 =	vadd.s32 v7, v53  }
0x273: {  	[tilespmem:s12], [sflag:$0x1] =	stream.indirect_vreg.gather [hbm4b:s5+s1], $0x80, v23, vm0, $0xb8;
	[tilespmem:$0x13100] =	vst v63  }
0x274: {  	v55 =	vperm.xlane v21, v13;
	s13 =	simm.s32 $0x8300;
	v23 =	vadd.s32 v7, v54  }
0x275: {  	[tilespmem:s13], [sflag:$0x1] =	stream.indirect_vreg.gather [hbm4b:s5+s1], $0x80, v52, vm0, $0xb8;
	[tilespmem:$0x13100] =	vst v63  }
0x276: {  	v57 =	vperm.xlane v21, v14;
	v56 =	vadd.s32 v7, v55;
	s14 =	simm.s32 $0x8380  }
0x277: {  	[tilespmem:s14], [sflag:$0x1] =	stream.indirect_vreg.gather [hbm4b:s5+s1], $0x80, v22, vm0, $0xb8;
	[tilespmem:$0x13100] =	vst v63  }
0x278: {  	v58 =	vperm.xlane v21, v15;
	s15 =	simm.s32 $0x8400;
	v22 =	vadd.s32 v7, v57  }
0x279: {  	[tilespmem:s15], [sflag:$0x1] =	stream.indirect_vreg.gather [hbm4b:s5+s1], $0x80, v23, vm0, $0xb8;
	[tilespmem:$0x13100] =	vst v63  }
0x27a: {  	v59 =	vperm.xlane v21, v16;
	s12 =	simm.s32 $0x8480;
	v23 =	vadd.s32 v7, v58  }
0x27b: {  	[tilespmem:s12], [sflag:$0x1] =	stream.indirect_vreg.gather [hbm4b:s5+s1], $0x80, v56, vm0, $0xb8;
	[tilespmem:$0x13100] =	vst v63  }
0x27c: {  	v61 =	vperm.xlane v21, v17;
	v60 =	vadd.s32 v7, v59;
	s13 =	simm.s32 $0x8500  }
0x27d: {  	[tilespmem:s13], [sflag:$0x1] =	stream.indirect_vreg.gather [hbm4b:s5+s1], $0x80, v22, vm0, $0xb8;
	[tilespmem:$0x13100] =	vst v63  }
0x27e: {  	v62 =	vperm.xlane v21, v18;
	s14 =	simm.s32 $0x8580;
	v22 =	vadd.s32 v7, v61  }
0x27f: {  	[tilespmem:s14], [sflag:$0x1] =	stream.indirect_vreg.gather [hbm4b:s5+s1], $0x80, v23, vm0, $0xb8;
	[tilespmem:$0x13100] =	vst v63  }
0x280: {  	v63 =	vperm.xlane v21, v19;
	s15 =	simm.s32 $0x8600;
	v23 =	vadd.s32 v7, v62  }
0x281: {  	[tilespmem:s15], [sflag:$0x1] =	stream.indirect_vreg.gather [hbm4b:s5+s1], $0x80, v60, vm0, $0xb8;
	[tilespmem:$0x13100] =	vst v63  }
0x282: {  	v21 =	vperm.xlane v21, v20;
	v28 =	vadd.s32 v7, v63;
	s12 =	simm.s32 $0x8680  }
0x283: {  	[tilespmem:s12], [sflag:$0x1] =	stream.indirect_vreg.gather [hbm4b:s5+s1], $0x80, v22, vm0, $0xb8;
	[tilespmem:$0x13100] =	vst v63  }
0x284: {  	v21 =	vadd.s32 v7, v21;
	s13 =	simm.s32 $0x8700  }
0x285: {  	[tilespmem:s13], [sflag:$0x1] =	stream.indirect_vreg.gather [hbm4b:s5+s1], $0x80, v23, vm0, $0xb8;
	[tilespmem:$0x13100] =	vst v63  }
0x286: {  	s14 =	simm.s32 $0x8780  }
0x287: {  	[tilespmem:s14], [sflag:$0x1] =	stream.indirect_vreg.gather [hbm4b:s5+s1], $0x80, v28, vm0, $0xb8;
	[tilespmem:$0x13100] =	vst v63  }
0x288: {  	s15 =	simm.s32 $0x8800  }
0x289: {  	[tilespmem:s15], [sflag:$0x1] =	stream.indirect_vreg.gather [hbm4b:s5+s1], $0x80, v21, vm0, $0xb8;
	[tilespmem:$0x13100] =	vst v63  }
0x28a: {  	v21 =	vld [tilespmem:$0x10D0];
	_ =	sdelay $0x4  }
0x28b: {  	v22 =	vshll.u32 v21, $0x3  }
0x28c: {  	v21 =	vand.u32 $0x7, v21;
	v22 =	vand.u32 $0xFFFFFFC0, v22  }
0x28d: {  	v21 =	vor.u32 v21, v22  }
0x28e: {  	v22 =	vperm.xlane v21, v6;
	_ =	sdelay $0x1  }
0x28f: {  	v23 =	vperm.xlane v21, v8;
	v22 =	vadd.s32 v7, v22;
	_ =	sdelay $0x1  }
0x290: {  	v29 =	vperm.xlane v21, v9;
	v23 =	vadd.s32 v7, v23;
	_ =	sdelay $0x1  }
0x291: {  	s12 =	simm.s32 $0x8880;
	v30 =	vperm.xlane v21, v5;
	v24 =	vadd.s32 v7, v29  }
0x292: {  	[tilespmem:s12], [sflag:$0x1] =	stream.indirect_vreg.gather [hbm4b:s5+s1], $0x80, v22, vm0, $0xb8;
	[tilespmem:$0x13100] =	vst v63  }
0x293: {  	s13 =	simm.s32 $0x8900;
	v31 =	vperm.xlane v21, v10;
	v22 =	vadd.s32 v7, v30  }
0x294: {  	[tilespmem:s13], [sflag:$0x1] =	stream.indirect_vreg.gather [hbm4b:s5+s1], $0x80, v23, vm0, $0xb8;
	[tilespmem:$0x13100] =	vst v63  }
0x295: {  	s14 =	simm.s32 $0x8980;
	v32 =	vperm.xlane v21, v11;
	v23 =	vadd.s32 v7, v31  }
0x296: {  	[tilespmem:s14], [sflag:$0x1] =	stream.indirect_vreg.gather [hbm4b:s5+s1], $0x80, v24, vm0, $0xb8;
	[tilespmem:$0x13100] =	vst v63  }
0x297: {  	s15 =	simm.s32 $0x8A00;
	v34 =	vperm.xlane v21, v12;
	v33 =	vadd.s32 v7, v32  }
0x298: {  	[tilespmem:s15], [sflag:$0x1] =	stream.indirect_vreg.gather [hbm4b:s5+s1], $0x80, v22, vm0, $0xb8;
	[tilespmem:$0x13100] =	vst v63  }
0x299: {  	v35 =	vperm.xlane v21, v4;
	s12 =	simm.s32 $0x8A80;
	v22 =	vadd.s32 v7, v34  }
0x29a: {  	[tilespmem:s12], [sflag:$0x1] =	stream.indirect_vreg.gather [hbm4b:s5+s1], $0x80, v23, vm0, $0xb8;
	[tilespmem:$0x13100] =	vst v63  }
0x29b: {  	v36 =	vperm.xlane v21, v13;
	s13 =	simm.s32 $0x8B00;
	v23 =	vadd.s32 v7, v35  }
0x29c: {  	[tilespmem:s13], [sflag:$0x1] =	stream.indirect_vreg.gather [hbm4b:s5+s1], $0x80, v33, vm0, $0xb8;
	[tilespmem:$0x13100] =	vst v63  }
0x29d: {  	v38 =	vperm.xlane v21, v14;
	v37 =	vadd.s32 v7, v36;
	s14 =	simm.s32 $0x8B80  }
0x29e: {  	[tilespmem:s14], [sflag:$0x1] =	stream.indirect_vreg.gather [hbm4b:s5+s1], $0x80, v22, vm0, $0xb8;
	[tilespmem:$0x13100] =	vst v63  }
0x29f: {  	v39 =	vperm.xlane v21, v15;
	s15 =	simm.s32 $0x8C00;
	v22 =	vadd.s32 v7, v38  }
0x2a0: {  	[tilespmem:s15], [sflag:$0x1] =	stream.indirect_vreg.gather [hbm4b:s5+s1], $0x80, v23, vm0, $0xb8;
	[tilespmem:$0x13100] =	vst v63  }
0x2a1: {  	v40 =	vperm.xlane v21, v16;
	s12 =	simm.s32 $0x8C80;
	v23 =	vadd.s32 v7, v39  }
0x2a2: {  	[tilespmem:s12], [sflag:$0x1] =	stream.indirect_vreg.gather [hbm4b:s5+s1], $0x80, v37, vm0, $0xb8;
	[tilespmem:$0x13100] =	vst v63  }
0x2a3: {  	v42 =	vperm.xlane v21, v17;
	v41 =	vadd.s32 v7, v40;
	s13 =	simm.s32 $0x8D00  }
0x2a4: {  	[tilespmem:s13], [sflag:$0x1] =	stream.indirect_vreg.gather [hbm4b:s5+s1], $0x80, v22, vm0, $0xb8;
	[tilespmem:$0x13100] =	vst v63  }
0x2a5: {  	v43 =	vperm.xlane v21, v18;
	s14 =	simm.s32 $0x8D80;
	v22 =	vadd.s32 v7, v42  }
0x2a6: {  	[tilespmem:s14], [sflag:$0x1] =	stream.indirect_vreg.gather [hbm4b:s5+s1], $0x80, v23, vm0, $0xb8;
	[tilespmem:$0x13100] =	vst v63  }
0x2a7: {  	v44 =	vperm.xlane v21, v19;
	s15 =	simm.s32 $0x8E00;
	v23 =	vadd.s32 v7, v43  }
0x2a8: {  	[tilespmem:s15], [sflag:$0x1] =	stream.indirect_vreg.gather [hbm4b:s5+s1], $0x80, v41, vm0, $0xb8;
	[tilespmem:$0x13100] =	vst v63  }
0x2a9: {  	v21 =	vperm.xlane v21, v20;
	v45 =	vadd.s32 v7, v44;
	s12 =	simm.s32 $0x8E80  }
0x2aa: {  	[tilespmem:s12], [sflag:$0x1] =	stream.indirect_vreg.gather [hbm4b:s5+s1], $0x80, v22, vm0, $0xb8;
	[tilespmem:$0x13100] =	vst v63  }
0x2ab: {  	v21 =	vadd.s32 v7, v21;
	s13 =	simm.s32 $0x8F00  }
0x2ac: {  	[tilespmem:s13], [sflag:$0x1] =	stream.indirect_vreg.gather [hbm4b:s5+s1], $0x80, v23, vm0, $0xb8;
	[tilespmem:$0x13100] =	vst v63  }
0x2ad: {  	s14 =	simm.s32 $0x8F80  }
0x2ae: {  	[tilespmem:s14], [sflag:$0x1] =	stream.indirect_vreg.gather [hbm4b:s5+s1], $0x80, v45, vm0, $0xb8;
	[tilespmem:$0x13100] =	vst v63  }
0x2af: {  	s15 =	simm.s32 $0x9000  }
0x2b0: {  	[tilespmem:s15], [sflag:$0x1] =	stream.indirect_vreg.gather [hbm4b:s5+s1], $0x80, v21, vm0, $0xb8;
	[tilespmem:$0x13100] =	vst v63  }
0x2b1: {  	v21 =	vld [tilespmem:$0x10E0];
	_ =	sdelay $0x4  }
0x2b2: {  	v22 =	vshll.u32 v21, $0x3  }
0x2b3: {  	v21 =	vand.u32 $0x7, v21;
	v22 =	vand.u32 $0xFFFFFFC0, v22  }
0x2b4: {  	v21 =	vor.u32 v21, v22  }
0x2b5: {  	v22 =	vperm.xlane v21, v6;
	_ =	sdelay $0x1  }
0x2b6: {  	v23 =	vperm.xlane v21, v8;
	v22 =	vadd.s32 v7, v22;
	_ =	sdelay $0x1  }
0x2b7: {  	v46 =	vperm.xlane v21, v9;
	v23 =	vadd.s32 v7, v23;
	_ =	sdelay $0x1  }
0x2b8: {  	s12 =	simm.s32 $0x9080;
	v47 =	vperm.xlane v21, v5;
	v24 =	vadd.s32 v7, v46  }
0x2b9: {  	[tilespmem:s12], [sflag:$0x1] =	stream.indirect_vreg.gather [hbm4b:s5+s1], $0x80, v22, vm0, $0xb8;
	[tilespmem:$0x13100] =	vst v63  }
0x2ba: {  	s13 =	simm.s32 $0x9100;
	v48 =	vperm.xlane v21, v10;
	v22 =	vadd.s32 v7, v47  }
0x2bb: {  	[tilespmem:s13], [sflag:$0x1] =	stream.indirect_vreg.gather [hbm4b:s5+s1], $0x80, v23, vm0, $0xb8;
	[tilespmem:$0x13100] =	vst v63  }
0x2bc: {  	s14 =	simm.s32 $0x9180;
	v49 =	vperm.xlane v21, v11;
	v23 =	vadd.s32 v7, v48  }
0x2bd: {  	[tilespmem:s14], [sflag:$0x1] =	stream.indirect_vreg.gather [hbm4b:s5+s1], $0x80, v24, vm0, $0xb8;
	[tilespmem:$0x13100] =	vst v63  }
0x2be: {  	s15 =	simm.s32 $0x9200;
	v51 =	vperm.xlane v21, v12;
	v50 =	vadd.s32 v7, v49  }
0x2bf: {  	[tilespmem:s15], [sflag:$0x1] =	stream.indirect_vreg.gather [hbm4b:s5+s1], $0x80, v22, vm0, $0xb8;
	[tilespmem:$0x13100] =	vst v63  }
0x2c0: {  	v52 =	vperm.xlane v21, v4;
	s12 =	simm.s32 $0x9280;
	v22 =	vadd.s32 v7, v51  }
0x2c1: {  	[tilespmem:s12], [sflag:$0x1] =	stream.indirect_vreg.gather [hbm4b:s5+s1], $0x80, v23, vm0, $0xb8;
	[tilespmem:$0x13100] =	vst v63  }
0x2c2: {  	v53 =	vperm.xlane v21, v13;
	s13 =	simm.s32 $0x9300;
	v23 =	vadd.s32 v7, v52  }
0x2c3: {  	[tilespmem:s13], [sflag:$0x1] =	stream.indirect_vreg.gather [hbm4b:s5+s1], $0x80, v50, vm0, $0xb8;
	[tilespmem:$0x13100] =	vst v63  }
0x2c4: {  	v55 =	vperm.xlane v21, v14;
	v54 =	vadd.s32 v7, v53;
	s14 =	simm.s32 $0x9380  }
0x2c5: {  	[tilespmem:s14], [sflag:$0x1] =	stream.indirect_vreg.gather [hbm4b:s5+s1], $0x80, v22, vm0, $0xb8;
	[tilespmem:$0x13100] =	vst v63  }
0x2c6: {  	v56 =	vperm.xlane v21, v15;
	s15 =	simm.s32 $0x9400;
	v22 =	vadd.s32 v7, v55  }
0x2c7: {  	[tilespmem:s15], [sflag:$0x1] =	stream.indirect_vreg.gather [hbm4b:s5+s1], $0x80, v23, vm0, $0xb8;
	[tilespmem:$0x13100] =	vst v63  }
0x2c8: {  	v57 =	vperm.xlane v21, v16;
	s12 =	simm.s32 $0x9480;
	v23 =	vadd.s32 v7, v56  }
0x2c9: {  	[tilespmem:s12], [sflag:$0x1] =	stream.indirect_vreg.gather [hbm4b:s5+s1], $0x80, v54, vm0, $0xb8;
	[tilespmem:$0x13100] =	vst v63  }
0x2ca: {  	v59 =	vperm.xlane v21, v17;
	v58 =	vadd.s32 v7, v57;
	s13 =	simm.s32 $0x9500  }
0x2cb: {  	[tilespmem:s13], [sflag:$0x1] =	stream.indirect_vreg.gather [hbm4b:s5+s1], $0x80, v22, vm0, $0xb8;
	[tilespmem:$0x13100] =	vst v63  }
0x2cc: {  	v60 =	vperm.xlane v21, v18;
	s14 =	simm.s32 $0x9580;
	v22 =	vadd.s32 v7, v59  }
0x2cd: {  	[tilespmem:s14], [sflag:$0x1] =	stream.indirect_vreg.gather [hbm4b:s5+s1], $0x80, v23, vm0, $0xb8;
	[tilespmem:$0x13100] =	vst v63  }
0x2ce: {  	v61 =	vperm.xlane v21, v19;
	s15 =	simm.s32 $0x9600;
	v23 =	vadd.s32 v7, v60  }
0x2cf: {  	[tilespmem:s15], [sflag:$0x1] =	stream.indirect_vreg.gather [hbm4b:s5+s1], $0x80, v58, vm0, $0xb8;
	[tilespmem:$0x13100] =	vst v63  }
0x2d0: {  	v21 =	vperm.xlane v21, v20;
	v62 =	vadd.s32 v7, v61;
	s12 =	simm.s32 $0x9680  }
0x2d1: {  	[tilespmem:s12], [sflag:$0x1] =	stream.indirect_vreg.gather [hbm4b:s5+s1], $0x80, v22, vm0, $0xb8;
	[tilespmem:$0x13100] =	vst v63  }
0x2d2: {  	v21 =	vadd.s32 v7, v21;
	s13 =	simm.s32 $0x9700  }
0x2d3: {  	[tilespmem:s13], [sflag:$0x1] =	stream.indirect_vreg.gather [hbm4b:s5+s1], $0x80, v23, vm0, $0xb8;
	[tilespmem:$0x13100] =	vst v63  }
0x2d4: {  	s14 =	simm.s32 $0x9780  }
0x2d5: {  	[tilespmem:s14], [sflag:$0x1] =	stream.indirect_vreg.gather [hbm4b:s5+s1], $0x80, v62, vm0, $0xb8;
	[tilespmem:$0x13100] =	vst v63  }
0x2d6: {  	s15 =	simm.s32 $0x9800  }
0x2d7: {  	[tilespmem:s15], [sflag:$0x1] =	stream.indirect_vreg.gather [hbm4b:s5+s1], $0x80, v21, vm0, $0xb8;
	[tilespmem:$0x13100] =	vst v63  }
0x2d8: {  	v21 =	vld [tilespmem:$0x10F0];
	_ =	sdelay $0x4  }
0x2d9: {  	v22 =	vshll.u32 v21, $0x3  }
0x2da: {  	v21 =	vand.u32 $0x7, v21;
	v22 =	vand.u32 $0xFFFFFFC0, v22  }
0x2db: {  	v21 =	vor.u32 v21, v22  }
0x2dc: {  	v22 =	vperm.xlane v21, v6;
	_ =	sdelay $0x1  }
0x2dd: {  	v23 =	vperm.xlane v21, v8;
	v22 =	vadd.s32 v7, v22;
	_ =	sdelay $0x1  }
0x2de: {  	v63 =	vperm.xlane v21, v9;
	v23 =	vadd.s32 v7, v23;
	_ =	sdelay $0x1  }
0x2df: {  	s12 =	simm.s32 $0x9880;
	v28 =	vperm.xlane v21, v5;
	v24 =	vadd.s32 v7, v63  }
0x2e0: {  	[tilespmem:s12], [sflag:$0x1] =	stream.indirect_vreg.gather [hbm4b:s5+s1], $0x80, v22, vm0, $0xb8;
	[tilespmem:$0x13100] =	vst v63  }
0x2e1: {  	s13 =	simm.s32 $0x9900;
	v29 =	vperm.xlane v21, v10;
	v22 =	vadd.s32 v7, v28  }
0x2e2: {  	[tilespmem:s13], [sflag:$0x1] =	stream.indirect_vreg.gather [hbm4b:s5+s1], $0x80, v23, vm0, $0xb8;
	[tilespmem:$0x13100] =	vst v63  }
0x2e3: {  	s14 =	simm.s32 $0x9980;
	v30 =	vperm.xlane v21, v11;
	v23 =	vadd.s32 v7, v29  }
0x2e4: {  	[tilespmem:s14], [sflag:$0x1] =	stream.indirect_vreg.gather [hbm4b:s5+s1], $0x80, v24, vm0, $0xb8;
	[tilespmem:$0x13100] =	vst v63  }
0x2e5: {  	s15 =	simm.s32 $0x9A00;
	v32 =	vperm.xlane v21, v12;
	v31 =	vadd.s32 v7, v30  }
0x2e6: {  	[tilespmem:s15], [sflag:$0x1] =	stream.indirect_vreg.gather [hbm4b:s5+s1], $0x80, v22, vm0, $0xb8;
	[tilespmem:$0x13100] =	vst v63  }
0x2e7: {  	v33 =	vperm.xlane v21, v4;
	s12 =	simm.s32 $0x9A80;
	v22 =	vadd.s32 v7, v32  }
0x2e8: {  	[tilespmem:s12], [sflag:$0x1] =	stream.indirect_vreg.gather [hbm4b:s5+s1], $0x80, v23, vm0, $0xb8;
	[tilespmem:$0x13100] =	vst v63  }
0x2e9: {  	v34 =	vperm.xlane v21, v13;
	s13 =	simm.s32 $0x9B00;
	v23 =	vadd.s32 v7, v33  }
0x2ea: {  	[tilespmem:s13], [sflag:$0x1] =	stream.indirect_vreg.gather [hbm4b:s5+s1], $0x80, v31, vm0, $0xb8;
	[tilespmem:$0x13100] =	vst v63  }
0x2eb: {  	v36 =	vperm.xlane v21, v14;
	v35 =	vadd.s32 v7, v34;
	s14 =	simm.s32 $0x9B80  }
0x2ec: {  	[tilespmem:s14], [sflag:$0x1] =	stream.indirect_vreg.gather [hbm4b:s5+s1], $0x80, v22, vm0, $0xb8;
	[tilespmem:$0x13100] =	vst v63  }
0x2ed: {  	v37 =	vperm.xlane v21, v15;
	s15 =	simm.s32 $0x9C00;
	v22 =	vadd.s32 v7, v36  }
0x2ee: {  	[tilespmem:s15], [sflag:$0x1] =	stream.indirect_vreg.gather [hbm4b:s5+s1], $0x80, v23, vm0, $0xb8;
	[tilespmem:$0x13100] =	vst v63  }
0x2ef: {  	v38 =	vperm.xlane v21, v16;
	s12 =	simm.s32 $0x9C80;
	v23 =	vadd.s32 v7, v37  }
0x2f0: {  	[tilespmem:s12], [sflag:$0x1] =	stream.indirect_vreg.gather [hbm4b:s5+s1], $0x80, v35, vm0, $0xb8;
	[tilespmem:$0x13100] =	vst v63  }
0x2f1: {  	v40 =	vperm.xlane v21, v17;
	v39 =	vadd.s32 v7, v38;
	s13 =	simm.s32 $0x9D00  }
0x2f2: {  	[tilespmem:s13], [sflag:$0x1] =	stream.indirect_vreg.gather [hbm4b:s5+s1], $0x80, v22, vm0, $0xb8;
	[tilespmem:$0x13100] =	vst v63  }
0x2f3: {  	v41 =	vperm.xlane v21, v18;
	s14 =	simm.s32 $0x9D80;
	v22 =	vadd.s32 v7, v40  }
0x2f4: {  	[tilespmem:s14], [sflag:$0x1] =	stream.indirect_vreg.gather [hbm4b:s5+s1], $0x80, v23, vm0, $0xb8;
	[tilespmem:$0x13100] =	vst v63  }
0x2f5: {  	v42 =	vperm.xlane v21, v19;
	s15 =	simm.s32 $0x9E00;
	v23 =	vadd.s32 v7, v41  }
0x2f6: {  	[tilespmem:s15], [sflag:$0x1] =	stream.indirect_vreg.gather [hbm4b:s5+s1], $0x80, v39, vm0, $0xb8;
	[tilespmem:$0x13100] =	vst v63  }
0x2f7: {  	v21 =	vperm.xlane v21, v20;
	v43 =	vadd.s32 v7, v42;
	s12 =	simm.s32 $0x9E80  }
0x2f8: {  	[tilespmem:s12], [sflag:$0x1] =	stream.indirect_vreg.gather [hbm4b:s5+s1], $0x80, v22, vm0, $0xb8;
	[tilespmem:$0x13100] =	vst v63  }
0x2f9: {  	v21 =	vadd.s32 v7, v21;
	s13 =	simm.s32 $0x9F00  }
0x2fa: {  	[tilespmem:s13], [sflag:$0x1] =	stream.indirect_vreg.gather [hbm4b:s5+s1], $0x80, v23, vm0, $0xb8;
	[tilespmem:$0x13100] =	vst v63  }
0x2fb: {  	s14 =	simm.s32 $0x9F80  }
0x2fc: {  	[tilespmem:s14], [sflag:$0x1] =	stream.indirect_vreg.gather [hbm4b:s5+s1], $0x80, v43, vm0, $0xb8;
	[tilespmem:$0x13100] =	vst v63  }
0x2fd: {  	s15 =	simm.s32 $0xA000  }
0x2fe: {  	[tilespmem:s15], [sflag:$0x1] =	stream.indirect_vreg.gather [hbm4b:s5+s1], $0x80, v21, vm0, $0xb8;
	[tilespmem:$0x13100] =	vst v63  }
0x2ff: {  	v21 =	vld [tilespmem:$0x1100];
	_ =	sdelay $0x4  }
0x300: {  	v22 =	vshll.u32 v21, $0x3  }
0x301: {  	v21 =	vand.u32 $0x7, v21;
	v22 =	vand.u32 $0xFFFFFFC0, v22  }
0x302: {  	v21 =	vor.u32 v21, v22  }
0x303: {  	v22 =	vperm.xlane v21, v6;
	_ =	sdelay $0x1  }
0x304: {  	v23 =	vperm.xlane v21, v8;
	v22 =	vadd.s32 v7, v22;
	_ =	sdelay $0x1  }
0x305: {  	v44 =	vperm.xlane v21, v9;
	v23 =	vadd.s32 v7, v23;
	_ =	sdelay $0x1  }
0x306: {  	s12 =	simm.s32 $0xA080;
	v45 =	vperm.xlane v21, v5;
	v24 =	vadd.s32 v7, v44  }
0x307: {  	[tilespmem:s12], [sflag:$0x1] =	stream.indirect_vreg.gather [hbm4b:s5+s1], $0x80, v22, vm0, $0xb8;
	[tilespmem:$0x13100] =	vst v63  }
0x308: {  	s13 =	simm.s32 $0xA100;
	v46 =	vperm.xlane v21, v10;
	v22 =	vadd.s32 v7, v45  }
0x309: {  	[tilespmem:s13], [sflag:$0x1] =	stream.indirect_vreg.gather [hbm4b:s5+s1], $0x80, v23, vm0, $0xb8;
	[tilespmem:$0x13100] =	vst v63  }
0x30a: {  	s14 =	simm.s32 $0xA180;
	v47 =	vperm.xlane v21, v11;
	v23 =	vadd.s32 v7, v46  }
0x30b: {  	[tilespmem:s14], [sflag:$0x1] =	stream.indirect_vreg.gather [hbm4b:s5+s1], $0x80, v24, vm0, $0xb8;
	[tilespmem:$0x13100] =	vst v63  }
0x30c: {  	s15 =	simm.s32 $0xA200;
	v49 =	vperm.xlane v21, v12;
	v48 =	vadd.s32 v7, v47  }
0x30d: {  	[tilespmem:s15], [sflag:$0x1] =	stream.indirect_vreg.gather [hbm4b:s5+s1], $0x80, v22, vm0, $0xb8;
	[tilespmem:$0x13100] =	vst v63  }
0x30e: {  	v50 =	vperm.xlane v21, v4;
	s12 =	simm.s32 $0xA280;
	v22 =	vadd.s32 v7, v49  }
0x30f: {  	[tilespmem:s12], [sflag:$0x1] =	stream.indirect_vreg.gather [hbm4b:s5+s1], $0x80, v23, vm0, $0xb8;
	[tilespmem:$0x13100] =	vst v63  }
0x310: {  	v51 =	vperm.xlane v21, v13;
	s13 =	simm.s32 $0xA300;
	v23 =	vadd.s32 v7, v50  }
0x311: {  	[tilespmem:s13], [sflag:$0x1] =	stream.indirect_vreg.gather [hbm4b:s5+s1], $0x80, v48, vm0, $0xb8;
	[tilespmem:$0x13100] =	vst v63  }
0x312: {  	v53 =	vperm.xlane v21, v14;
	v52 =	vadd.s32 v7, v51;
	s14 =	simm.s32 $0xA380  }
0x313: {  	[tilespmem:s14], [sflag:$0x1] =	stream.indirect_vreg.gather [hbm4b:s5+s1], $0x80, v22, vm0, $0xb8;
	[tilespmem:$0x13100] =	vst v63  }
0x314: {  	v54 =	vperm.xlane v21, v15;
	s15 =	simm.s32 $0xA400;
	v22 =	vadd.s32 v7, v53  }
0x315: {  	[tilespmem:s15], [sflag:$0x1] =	stream.indirect_vreg.gather [hbm4b:s5+s1], $0x80, v23, vm0, $0xb8;
	[tilespmem:$0x13100] =	vst v63  }
0x316: {  	v55 =	vperm.xlane v21, v16;
	s12 =	simm.s32 $0xA480;
	v23 =	vadd.s32 v7, v54  }
0x317: {  	[tilespmem:s12], [sflag:$0x1] =	stream.indirect_vreg.gather [hbm4b:s5+s1], $0x80, v52, vm0, $0xb8;
	[tilespmem:$0x13100] =	vst v63  }
0x318: {  	v57 =	vperm.xlane v21, v17;
	v56 =	vadd.s32 v7, v55;
	s13 =	simm.s32 $0xA500  }
0x319: {  	[tilespmem:s13], [sflag:$0x1] =	stream.indirect_vreg.gather [hbm4b:s5+s1], $0x80, v22, vm0, $0xb8;
	[tilespmem:$0x13100] =	vst v63  }
0x31a: {  	v58 =	vperm.xlane v21, v18;
	s14 =	simm.s32 $0xA580;
	v22 =	vadd.s32 v7, v57  }
0x31b: {  	[tilespmem:s14], [sflag:$0x1] =	stream.indirect_vreg.gather [hbm4b:s5+s1], $0x80, v23, vm0, $0xb8;
	[tilespmem:$0x13100] =	vst v63  }
0x31c: {  	v59 =	vperm.xlane v21, v19;
	s15 =	simm.s32 $0xA600;
	v23 =	vadd.s32 v7, v58  }
0x31d: {  	[tilespmem:s15], [sflag:$0x1] =	stream.indirect_vreg.gather [hbm4b:s5+s1], $0x80, v56, vm0, $0xb8;
	[tilespmem:$0x13100] =	vst v63  }
0x31e: {  	v21 =	vperm.xlane v21, v20;
	v60 =	vadd.s32 v7, v59;
	s12 =	simm.s32 $0xA680  }
0x31f: {  	[tilespmem:s12], [sflag:$0x1] =	stream.indirect_vreg.gather [hbm4b:s5+s1], $0x80, v22, vm0, $0xb8;
	[tilespmem:$0x13100] =	vst v63  }
0x320: {  	v21 =	vadd.s32 v7, v21;
	s13 =	simm.s32 $0xA700  }
0x321: {  	[tilespmem:s13], [sflag:$0x1] =	stream.indirect_vreg.gather [hbm4b:s5+s1], $0x80, v23, vm0, $0xb8;
	[tilespmem:$0x13100] =	vst v63  }
0x322: {  	s14 =	simm.s32 $0xA780  }
0x323: {  	[tilespmem:s14], [sflag:$0x1] =	stream.indirect_vreg.gather [hbm4b:s5+s1], $0x80, v60, vm0, $0xb8;
	[tilespmem:$0x13100] =	vst v63  }
0x324: {  	s15 =	simm.s32 $0xA800  }
0x325: {  	[tilespmem:s15], [sflag:$0x1] =	stream.indirect_vreg.gather [hbm4b:s5+s1], $0x80, v21, vm0, $0xb8;
	[tilespmem:$0x13100] =	vst v63  }
0x326: {  	v21 =	vld [tilespmem:$0x1110];
	_ =	sdelay $0x4  }
0x327: {  	v22 =	vshll.u32 v21, $0x3  }
0x328: {  	v21 =	vand.u32 $0x7, v21;
	v22 =	vand.u32 $0xFFFFFFC0, v22  }
0x329: {  	v21 =	vor.u32 v21, v22  }
0x32a: {  	v22 =	vperm.xlane v21, v6;
	_ =	sdelay $0x1  }
0x32b: {  	v23 =	vperm.xlane v21, v8;
	v22 =	vadd.s32 v7, v22;
	_ =	sdelay $0x1  }
0x32c: {  	v61 =	vperm.xlane v21, v9;
	v23 =	vadd.s32 v7, v23;
	_ =	sdelay $0x1  }
0x32d: {  	s12 =	simm.s32 $0xA880;
	v62 =	vperm.xlane v21, v5;
	v24 =	vadd.s32 v7, v61  }
0x32e: {  	[tilespmem:s12], [sflag:$0x1] =	stream.indirect_vreg.gather [hbm4b:s5+s1], $0x80, v22, vm0, $0xb8;
	[tilespmem:$0x13100] =	vst v63  }
0x32f: {  	s13 =	simm.s32 $0xA900;
	v63 =	vperm.xlane v21, v10;
	v22 =	vadd.s32 v7, v62  }
0x330: {  	[tilespmem:s13], [sflag:$0x1] =	stream.indirect_vreg.gather [hbm4b:s5+s1], $0x80, v23, vm0, $0xb8;
	[tilespmem:$0x13100] =	vst v63  }
0x331: {  	s14 =	simm.s32 $0xA980;
	v28 =	vperm.xlane v21, v11;
	v23 =	vadd.s32 v7, v63  }
0x332: {  	[tilespmem:s14], [sflag:$0x1] =	stream.indirect_vreg.gather [hbm4b:s5+s1], $0x80, v24, vm0, $0xb8;
	[tilespmem:$0x13100] =	vst v63  }
0x333: {  	s15 =	simm.s32 $0xAA00;
	v30 =	vperm.xlane v21, v12;
	v29 =	vadd.s32 v7, v28  }
0x334: {  	[tilespmem:s15], [sflag:$0x1] =	stream.indirect_vreg.gather [hbm4b:s5+s1], $0x80, v22, vm0, $0xb8;
	[tilespmem:$0x13100] =	vst v63  }
0x335: {  	v31 =	vperm.xlane v21, v4;
	s12 =	simm.s32 $0xAA80;
	v22 =	vadd.s32 v7, v30  }
0x336: {  	[tilespmem:s12], [sflag:$0x1] =	stream.indirect_vreg.gather [hbm4b:s5+s1], $0x80, v23, vm0, $0xb8;
	[tilespmem:$0x13100] =	vst v63  }
0x337: {  	v32 =	vperm.xlane v21, v13;
	s13 =	simm.s32 $0xAB00;
	v23 =	vadd.s32 v7, v31  }
0x338: {  	[tilespmem:s13], [sflag:$0x1] =	stream.indirect_vreg.gather [hbm4b:s5+s1], $0x80, v29, vm0, $0xb8;
	[tilespmem:$0x13100] =	vst v63  }
0x339: {  	v34 =	vperm.xlane v21, v14;
	v33 =	vadd.s32 v7, v32;
	s14 =	simm.s32 $0xAB80  }
0x33a: {  	[tilespmem:s14], [sflag:$0x1] =	stream.indirect_vreg.gather [hbm4b:s5+s1], $0x80, v22, vm0, $0xb8;
	[tilespmem:$0x13100] =	vst v63  }
0x33b: {  	v35 =	vperm.xlane v21, v15;
	s15 =	simm.s32 $0xAC00;
	v22 =	vadd.s32 v7, v34  }
0x33c: {  	[tilespmem:s15], [sflag:$0x1] =	stream.indirect_vreg.gather [hbm4b:s5+s1], $0x80, v23, vm0, $0xb8;
	[tilespmem:$0x13100] =	vst v63  }
0x33d: {  	v36 =	vperm.xlane v21, v16;
	s12 =	simm.s32 $0xAC80;
	v23 =	vadd.s32 v7, v35  }
0x33e: {  	[tilespmem:s12], [sflag:$0x1] =	stream.indirect_vreg.gather [hbm4b:s5+s1], $0x80, v33, vm0, $0xb8;
	[tilespmem:$0x13100] =	vst v63  }
0x33f: {  	v38 =	vperm.xlane v21, v17;
	v37 =	vadd.s32 v7, v36;
	s13 =	simm.s32 $0xAD00  }
0x340: {  	[tilespmem:s13], [sflag:$0x1] =	stream.indirect_vreg.gather [hbm4b:s5+s1], $0x80, v22, vm0, $0xb8;
	[tilespmem:$0x13100] =	vst v63  }
0x341: {  	v39 =	vperm.xlane v21, v18;
	s14 =	simm.s32 $0xAD80;
	v22 =	vadd.s32 v7, v38  }
0x342: {  	[tilespmem:s14], [sflag:$0x1] =	stream.indirect_vreg.gather [hbm4b:s5+s1], $0x80, v23, vm0, $0xb8;
	[tilespmem:$0x13100] =	vst v63  }
0x343: {  	v40 =	vperm.xlane v21, v19;
	s15 =	simm.s32 $0xAE00;
	v23 =	vadd.s32 v7, v39  }
0x344: {  	[tilespmem:s15], [sflag:$0x1] =	stream.indirect_vreg.gather [hbm4b:s5+s1], $0x80, v37, vm0, $0xb8;
	[tilespmem:$0x13100] =	vst v63  }
0x345: {  	v21 =	vperm.xlane v21, v20;
	v41 =	vadd.s32 v7, v40;
	s12 =	simm.s32 $0xAE80  }
0x346: {  	[tilespmem:s12], [sflag:$0x1] =	stream.indirect_vreg.gather [hbm4b:s5+s1], $0x80, v22, vm0, $0xb8;
	[tilespmem:$0x13100] =	vst v63  }
0x347: {  	v21 =	vadd.s32 v7, v21;
	s13 =	simm.s32 $0xAF00  }
0x348: {  	[tilespmem:s13], [sflag:$0x1] =	stream.indirect_vreg.gather [hbm4b:s5+s1], $0x80, v23, vm0, $0xb8;
	[tilespmem:$0x13100] =	vst v63  }
0x349: {  	s14 =	simm.s32 $0xAF80  }
0x34a: {  	[tilespmem:s14], [sflag:$0x1] =	stream.indirect_vreg.gather [hbm4b:s5+s1], $0x80, v41, vm0, $0xb8;
	[tilespmem:$0x13100] =	vst v63  }
0x34b: {  	s15 =	simm.s32 $0xB000  }
0x34c: {  	[tilespmem:s15], [sflag:$0x1] =	stream.indirect_vreg.gather [hbm4b:s5+s1], $0x80, v21, vm0, $0xb8;
	[tilespmem:$0x13100] =	vst v63  }
0x34d: {  	v21 =	vld [tilespmem:$0x1120];
	_ =	sdelay $0x4  }
0x34e: {  	v22 =	vshll.u32 v21, $0x3  }
0x34f: {  	v21 =	vand.u32 $0x7, v21;
	v22 =	vand.u32 $0xFFFFFFC0, v22  }
0x350: {  	v21 =	vor.u32 v21, v22  }
0x351: {  	v22 =	vperm.xlane v21, v6;
	_ =	sdelay $0x1  }
0x352: {  	v23 =	vperm.xlane v21, v8;
	v22 =	vadd.s32 v7, v22;
	_ =	sdelay $0x1  }
0x353: {  	v42 =	vperm.xlane v21, v9;
	v23 =	vadd.s32 v7, v23;
	_ =	sdelay $0x1  }
0x354: {  	s12 =	simm.s32 $0xB080;
	v43 =	vperm.xlane v21, v5;
	v24 =	vadd.s32 v7, v42  }
0x355: {  	[tilespmem:s12], [sflag:$0x1] =	stream.indirect_vreg.gather [hbm4b:s5+s1], $0x80, v22, vm0, $0xb8;
	[tilespmem:$0x13100] =	vst v63  }
0x356: {  	s13 =	simm.s32 $0xB100;
	v44 =	vperm.xlane v21, v10;
	v22 =	vadd.s32 v7, v43  }
0x357: {  	[tilespmem:s13], [sflag:$0x1] =	stream.indirect_vreg.gather [hbm4b:s5+s1], $0x80, v23, vm0, $0xb8;
	[tilespmem:$0x13100] =	vst v63  }
0x358: {  	s14 =	simm.s32 $0xB180;
	v45 =	vperm.xlane v21, v11;
	v23 =	vadd.s32 v7, v44  }
0x359: {  	[tilespmem:s14], [sflag:$0x1] =	stream.indirect_vreg.gather [hbm4b:s5+s1], $0x80, v24, vm0, $0xb8;
	[tilespmem:$0x13100] =	vst v63  }
0x35a: {  	s15 =	simm.s32 $0xB200;
	v47 =	vperm.xlane v21, v12;
	v46 =	vadd.s32 v7, v45  }
0x35b: {  	[tilespmem:s15], [sflag:$0x1] =	stream.indirect_vreg.gather [hbm4b:s5+s1], $0x80, v22, vm0, $0xb8;
	[tilespmem:$0x13100] =	vst v63  }
0x35c: {  	v48 =	vperm.xlane v21, v4;
	s12 =	simm.s32 $0xB280;
	v22 =	vadd.s32 v7, v47  }
0x35d: {  	[tilespmem:s12], [sflag:$0x1] =	stream.indirect_vreg.gather [hbm4b:s5+s1], $0x80, v23, vm0, $0xb8;
	[tilespmem:$0x13100] =	vst v63  }
0x35e: {  	v49 =	vperm.xlane v21, v13;
	s13 =	simm.s32 $0xB300;
	v23 =	vadd.s32 v7, v48  }
0x35f: {  	[tilespmem:s13], [sflag:$0x1] =	stream.indirect_vreg.gather [hbm4b:s5+s1], $0x80, v46, vm0, $0xb8;
	[tilespmem:$0x13100] =	vst v63  }
0x360: {  	v51 =	vperm.xlane v21, v14;
	v50 =	vadd.s32 v7, v49;
	s14 =	simm.s32 $0xB380  }
0x361: {  	[tilespmem:s14], [sflag:$0x1] =	stream.indirect_vreg.gather [hbm4b:s5+s1], $0x80, v22, vm0, $0xb8;
	[tilespmem:$0x13100] =	vst v63  }
0x362: {  	v52 =	vperm.xlane v21, v15;
	s15 =	simm.s32 $0xB400;
	v22 =	vadd.s32 v7, v51  }
0x363: {  	[tilespmem:s15], [sflag:$0x1] =	stream.indirect_vreg.gather [hbm4b:s5+s1], $0x80, v23, vm0, $0xb8;
	[tilespmem:$0x13100] =	vst v63  }
0x364: {  	v53 =	vperm.xlane v21, v16;
	s12 =	simm.s32 $0xB480;
	v23 =	vadd.s32 v7, v52  }
0x365: {  	[tilespmem:s12], [sflag:$0x1] =	stream.indirect_vreg.gather [hbm4b:s5+s1], $0x80, v50, vm0, $0xb8;
	[tilespmem:$0x13100] =	vst v63  }
0x366: {  	v55 =	vperm.xlane v21, v17;
	v54 =	vadd.s32 v7, v53;
	s13 =	simm.s32 $0xB500  }
0x367: {  	[tilespmem:s13], [sflag:$0x1] =	stream.indirect_vreg.gather [hbm4b:s5+s1], $0x80, v22, vm0, $0xb8;
	[tilespmem:$0x13100] =	vst v63  }
0x368: {  	v56 =	vperm.xlane v21, v18;
	s14 =	simm.s32 $0xB580;
	v22 =	vadd.s32 v7, v55  }
0x369: {  	[tilespmem:s14], [sflag:$0x1] =	stream.indirect_vreg.gather [hbm4b:s5+s1], $0x80, v23, vm0, $0xb8;
	[tilespmem:$0x13100] =	vst v63  }
0x36a: {  	v57 =	vperm.xlane v21, v19;
	s15 =	simm.s32 $0xB600;
	v23 =	vadd.s32 v7, v56  }
0x36b: {  	[tilespmem:s15], [sflag:$0x1] =	stream.indirect_vreg.gather [hbm4b:s5+s1], $0x80, v54, vm0, $0xb8;
	[tilespmem:$0x13100] =	vst v63  }
0x36c: {  	v21 =	vperm.xlane v21, v20;
	v58 =	vadd.s32 v7, v57;
	s12 =	simm.s32 $0xB680  }
0x36d: {  	[tilespmem:s12], [sflag:$0x1] =	stream.indirect_vreg.gather [hbm4b:s5+s1], $0x80, v22, vm0, $0xb8;
	[tilespmem:$0x13100] =	vst v63  }
0x36e: {  	v21 =	vadd.s32 v7, v21;
	s13 =	simm.s32 $0xB700  }
0x36f: {  	[tilespmem:s13], [sflag:$0x1] =	stream.indirect_vreg.gather [hbm4b:s5+s1], $0x80, v23, vm0, $0xb8;
	[tilespmem:$0x13100] =	vst v63  }
0x370: {  	s14 =	simm.s32 $0xB780  }
0x371: {  	[tilespmem:s14], [sflag:$0x1] =	stream.indirect_vreg.gather [hbm4b:s5+s1], $0x80, v58, vm0, $0xb8;
	[tilespmem:$0x13100] =	vst v63  }
0x372: {  	s15 =	simm.s32 $0xB800  }
0x373: {  	[tilespmem:s15], [sflag:$0x1] =	stream.indirect_vreg.gather [hbm4b:s5+s1], $0x80, v21, vm0, $0xb8;
	[tilespmem:$0x13100] =	vst v63  }
0x374: {  	v21 =	vld [tilespmem:$0x1130];
	_ =	sdelay $0x4  }
0x375: {  	v22 =	vshll.u32 v21, $0x3  }
0x376: {  	v21 =	vand.u32 $0x7, v21;
	v22 =	vand.u32 $0xFFFFFFC0, v22  }
0x377: {  	v21 =	vor.u32 v21, v22  }
0x378: {  	v22 =	vperm.xlane v21, v6;
	_ =	sdelay $0x1  }
0x379: {  	v23 =	vperm.xlane v21, v8;
	v22 =	vadd.s32 v7, v22;
	_ =	sdelay $0x1  }
0x37a: {  	v59 =	vperm.xlane v21, v9;
	v23 =	vadd.s32 v7, v23;
	_ =	sdelay $0x1  }
0x37b: {  	s12 =	simm.s32 $0xB880;
	v60 =	vperm.xlane v21, v5;
	v24 =	vadd.s32 v7, v59  }
0x37c: {  	[tilespmem:s12], [sflag:$0x1] =	stream.indirect_vreg.gather [hbm4b:s5+s1], $0x80, v22, vm0, $0xb8;
	[tilespmem:$0x13100] =	vst v63  }
0x37d: {  	s13 =	simm.s32 $0xB900;
	v61 =	vperm.xlane v21, v10;
	v22 =	vadd.s32 v7, v60  }
0x37e: {  	[tilespmem:s13], [sflag:$0x1] =	stream.indirect_vreg.gather [hbm4b:s5+s1], $0x80, v23, vm0, $0xb8;
	[tilespmem:$0x13100] =	vst v63  }
0x37f: {  	s14 =	simm.s32 $0xB980;
	v62 =	vperm.xlane v21, v11;
	v23 =	vadd.s32 v7, v61  }
0x380: {  	[tilespmem:s14], [sflag:$0x1] =	stream.indirect_vreg.gather [hbm4b:s5+s1], $0x80, v24, vm0, $0xb8;
	[tilespmem:$0x13100] =	vst v63  }
0x381: {  	s15 =	simm.s32 $0xBA00;
	v28 =	vperm.xlane v21, v12;
	v63 =	vadd.s32 v7, v62  }
0x382: {  	[tilespmem:s15], [sflag:$0x1] =	stream.indirect_vreg.gather [hbm4b:s5+s1], $0x80, v22, vm0, $0xb8;
	[tilespmem:$0x13100] =	vst v63  }
0x383: {  	v29 =	vperm.xlane v21, v4;
	s12 =	simm.s32 $0xBA80;
	v22 =	vadd.s32 v7, v28  }
0x384: {  	[tilespmem:s12], [sflag:$0x1] =	stream.indirect_vreg.gather [hbm4b:s5+s1], $0x80, v23, vm0, $0xb8;
	[tilespmem:$0x13100] =	vst v63  }
0x385: {  	v30 =	vperm.xlane v21, v13;
	s13 =	simm.s32 $0xBB00;
	v23 =	vadd.s32 v7, v29  }
0x386: {  	[tilespmem:s13], [sflag:$0x1] =	stream.indirect_vreg.gather [hbm4b:s5+s1], $0x80, v63, vm0, $0xb8;
	[tilespmem:$0x13100] =	vst v63  }
0x387: {  	v32 =	vperm.xlane v21, v14;
	v31 =	vadd.s32 v7, v30;
	s14 =	simm.s32 $0xBB80  }
0x388: {  	[tilespmem:s14], [sflag:$0x1] =	stream.indirect_vreg.gather [hbm4b:s5+s1], $0x80, v22, vm0, $0xb8;
	[tilespmem:$0x13100] =	vst v63  }
0x389: {  	v33 =	vperm.xlane v21, v15;
	s15 =	simm.s32 $0xBC00;
	v22 =	vadd.s32 v7, v32  }
0x38a: {  	[tilespmem:s15], [sflag:$0x1] =	stream.indirect_vreg.gather [hbm4b:s5+s1], $0x80, v23, vm0, $0xb8;
	[tilespmem:$0x13100] =	vst v63  }
0x38b: {  	v34 =	vperm.xlane v21, v16;
	s12 =	simm.s32 $0xBC80;
	v23 =	vadd.s32 v7, v33  }
0x38c: {  	[tilespmem:s12], [sflag:$0x1] =	stream.indirect_vreg.gather [hbm4b:s5+s1], $0x80, v31, vm0, $0xb8;
	[tilespmem:$0x13100] =	vst v63  }
0x38d: {  	v36 =	vperm.xlane v21, v17;
	v35 =	vadd.s32 v7, v34;
	s13 =	simm.s32 $0xBD00  }
0x38e: {  	[tilespmem:s13], [sflag:$0x1] =	stream.indirect_vreg.gather [hbm4b:s5+s1], $0x80, v22, vm0, $0xb8;
	[tilespmem:$0x13100] =	vst v63  }
0x38f: {  	v37 =	vperm.xlane v21, v18;
	s14 =	simm.s32 $0xBD80;
	v22 =	vadd.s32 v7, v36  }
0x390: {  	[tilespmem:s14], [sflag:$0x1] =	stream.indirect_vreg.gather [hbm4b:s5+s1], $0x80, v23, vm0, $0xb8;
	[tilespmem:$0x13100] =	vst v63  }
0x391: {  	v38 =	vperm.xlane v21, v19;
	s15 =	simm.s32 $0xBE00;
	v23 =	vadd.s32 v7, v37  }
0x392: {  	[tilespmem:s15], [sflag:$0x1] =	stream.indirect_vreg.gather [hbm4b:s5+s1], $0x80, v35, vm0, $0xb8;
	[tilespmem:$0x13100] =	vst v63  }
0x393: {  	v21 =	vperm.xlane v21, v20;
	v39 =	vadd.s32 v7, v38;
	s12 =	simm.s32 $0xBE80  }
0x394: {  	[tilespmem:s12], [sflag:$0x1] =	stream.indirect_vreg.gather [hbm4b:s5+s1], $0x80, v22, vm0, $0xb8;
	[tilespmem:$0x13100] =	vst v63  }
0x395: {  	v21 =	vadd.s32 v7, v21;
	s13 =	simm.s32 $0xBF00  }
0x396: {  	[tilespmem:s13], [sflag:$0x1] =	stream.indirect_vreg.gather [hbm4b:s5+s1], $0x80, v23, vm0, $0xb8;
	[tilespmem:$0x13100] =	vst v63  }
0x397: {  	s14 =	simm.s32 $0xBF80  }
0x398: {  	[tilespmem:s14], [sflag:$0x1] =	stream.indirect_vreg.gather [hbm4b:s5+s1], $0x80, v39, vm0, $0xb8;
	[tilespmem:$0x13100] =	vst v63  }
0x399: {  	s15 =	simm.s32 $0xC000  }
0x39a: {  	[tilespmem:s15], [sflag:$0x1] =	stream.indirect_vreg.gather [hbm4b:s5+s1], $0x80, v21, vm0, $0xb8;
	[tilespmem:$0x13100] =	vst v63  }
0x39b: {  	v21 =	vld [tilespmem:$0x1140];
	_ =	sdelay $0x4  }
0x39c: {  	v22 =	vshll.u32 v21, $0x3  }
0x39d: {  	v21 =	vand.u32 $0x7, v21;
	v22 =	vand.u32 $0xFFFFFFC0, v22  }
0x39e: {  	v21 =	vor.u32 v21, v22  }
0x39f: {  	v22 =	vperm.xlane v21, v6;
	_ =	sdelay $0x1  }
0x3a0: {  	v23 =	vperm.xlane v21, v8;
	v22 =	vadd.s32 v7, v22;
	_ =	sdelay $0x1  }
0x3a1: {  	v40 =	vperm.xlane v21, v9;
	v23 =	vadd.s32 v7, v23;
	_ =	sdelay $0x1  }
0x3a2: {  	s12 =	simm.s32 $0xC080;
	v41 =	vperm.xlane v21, v5;
	v24 =	vadd.s32 v7, v40  }
0x3a3: {  	[tilespmem:s12], [sflag:$0x1] =	stream.indirect_vreg.gather [hbm4b:s5+s1], $0x80, v22, vm0, $0xb8;
	[tilespmem:$0x13100] =	vst v63  }
0x3a4: {  	s13 =	simm.s32 $0xC100;
	v42 =	vperm.xlane v21, v10;
	v22 =	vadd.s32 v7, v41  }
0x3a5: {  	[tilespmem:s13], [sflag:$0x1] =	stream.indirect_vreg.gather [hbm4b:s5+s1], $0x80, v23, vm0, $0xb8;
	[tilespmem:$0x13100] =	vst v63  }
0x3a6: {  	s14 =	simm.s32 $0xC180;
	v43 =	vperm.xlane v21, v11;
	v23 =	vadd.s32 v7, v42  }
0x3a7: {  	[tilespmem:s14], [sflag:$0x1] =	stream.indirect_vreg.gather [hbm4b:s5+s1], $0x80, v24, vm0, $0xb8;
	[tilespmem:$0x13100] =	vst v63  }
0x3a8: {  	s15 =	simm.s32 $0xC200;
	v45 =	vperm.xlane v21, v12;
	v44 =	vadd.s32 v7, v43  }
0x3a9: {  	[tilespmem:s15], [sflag:$0x1] =	stream.indirect_vreg.gather [hbm4b:s5+s1], $0x80, v22, vm0, $0xb8;
	[tilespmem:$0x13100] =	vst v63  }
0x3aa: {  	v46 =	vperm.xlane v21, v4;
	s12 =	simm.s32 $0xC280;
	v22 =	vadd.s32 v7, v45  }
0x3ab: {  	[tilespmem:s12], [sflag:$0x1] =	stream.indirect_vreg.gather [hbm4b:s5+s1], $0x80, v23, vm0, $0xb8;
	[tilespmem:$0x13100] =	vst v63  }
0x3ac: {  	v47 =	vperm.xlane v21, v13;
	s13 =	simm.s32 $0xC300;
	v23 =	vadd.s32 v7, v46  }
0x3ad: {  	[tilespmem:s13], [sflag:$0x1] =	stream.indirect_vreg.gather [hbm4b:s5+s1], $0x80, v44, vm0, $0xb8;
	[tilespmem:$0x13100] =	vst v63  }
0x3ae: {  	v49 =	vperm.xlane v21, v14;
	v48 =	vadd.s32 v7, v47;
	s14 =	simm.s32 $0xC380  }
0x3af: {  	[tilespmem:s14], [sflag:$0x1] =	stream.indirect_vreg.gather [hbm4b:s5+s1], $0x80, v22, vm0, $0xb8;
	[tilespmem:$0x13100] =	vst v63  }
0x3b0: {  	v50 =	vperm.xlane v21, v15;
	s15 =	simm.s32 $0xC400;
	v22 =	vadd.s32 v7, v49  }
0x3b1: {  	[tilespmem:s15], [sflag:$0x1] =	stream.indirect_vreg.gather [hbm4b:s5+s1], $0x80, v23, vm0, $0xb8;
	[tilespmem:$0x13100] =	vst v63  }
0x3b2: {  	v51 =	vperm.xlane v21, v16;
	s12 =	simm.s32 $0xC480;
	v23 =	vadd.s32 v7, v50  }
0x3b3: {  	[tilespmem:s12], [sflag:$0x1] =	stream.indirect_vreg.gather [hbm4b:s5+s1], $0x80, v48, vm0, $0xb8;
	[tilespmem:$0x13100] =	vst v63  }
0x3b4: {  	v53 =	vperm.xlane v21, v17;
	v52 =	vadd.s32 v7, v51;
	s13 =	simm.s32 $0xC500  }
0x3b5: {  	[tilespmem:s13], [sflag:$0x1] =	stream.indirect_vreg.gather [hbm4b:s5+s1], $0x80, v22, vm0, $0xb8;
	[tilespmem:$0x13100] =	vst v63  }
0x3b6: {  	v54 =	vperm.xlane v21, v18;
	s14 =	simm.s32 $0xC580;
	v22 =	vadd.s32 v7, v53  }
0x3b7: {  	[tilespmem:s14], [sflag:$0x1] =	stream.indirect_vreg.gather [hbm4b:s5+s1], $0x80, v23, vm0, $0xb8;
	[tilespmem:$0x13100] =	vst v63  }
0x3b8: {  	v55 =	vperm.xlane v21, v19;
	s15 =	simm.s32 $0xC600;
	v23 =	vadd.s32 v7, v54  }
0x3b9: {  	[tilespmem:s15], [sflag:$0x1] =	stream.indirect_vreg.gather [hbm4b:s5+s1], $0x80, v52, vm0, $0xb8;
	[tilespmem:$0x13100] =	vst v63  }
0x3ba: {  	v21 =	vperm.xlane v21, v20;
	v56 =	vadd.s32 v7, v55;
	s12 =	simm.s32 $0xC680  }
0x3bb: {  	[tilespmem:s12], [sflag:$0x1] =	stream.indirect_vreg.gather [hbm4b:s5+s1], $0x80, v22, vm0, $0xb8;
	[tilespmem:$0x13100] =	vst v63  }
0x3bc: {  	v21 =	vadd.s32 v7, v21;
	s13 =	simm.s32 $0xC700  }
0x3bd: {  	[tilespmem:s13], [sflag:$0x1] =	stream.indirect_vreg.gather [hbm4b:s5+s1], $0x80, v23, vm0, $0xb8;
	[tilespmem:$0x13100] =	vst v63  }
0x3be: {  	s14 =	simm.s32 $0xC780  }
0x3bf: {  	[tilespmem:s14], [sflag:$0x1] =	stream.indirect_vreg.gather [hbm4b:s5+s1], $0x80, v56, vm0, $0xb8;
	[tilespmem:$0x13100] =	vst v63  }
0x3c0: {  	s15 =	simm.s32 $0xC800  }
0x3c1: {  	[tilespmem:s15], [sflag:$0x1] =	stream.indirect_vreg.gather [hbm4b:s5+s1], $0x80, v21, vm0, $0xb8;
	[tilespmem:$0x13100] =	vst v63  }
0x3c2: {  	v21 =	vld [tilespmem:$0x1150];
	_ =	sdelay $0x4  }
0x3c3: {  	v22 =	vshll.u32 v21, $0x3  }
0x3c4: {  	v21 =	vand.u32 $0x7, v21;
	v22 =	vand.u32 $0xFFFFFFC0, v22  }
0x3c5: {  	v21 =	vor.u32 v21, v22  }
0x3c6: {  	v22 =	vperm.xlane v21, v6;
	_ =	sdelay $0x1  }
0x3c7: {  	v23 =	vperm.xlane v21, v8;
	v22 =	vadd.s32 v7, v22;
	_ =	sdelay $0x1  }
0x3c8: {  	v57 =	vperm.xlane v21, v9;
	v23 =	vadd.s32 v7, v23;
	_ =	sdelay $0x1  }
0x3c9: {  	s12 =	simm.s32 $0xC880;
	v58 =	vperm.xlane v21, v5;
	v24 =	vadd.s32 v7, v57  }
0x3ca: {  	[tilespmem:s12], [sflag:$0x1] =	stream.indirect_vreg.gather [hbm4b:s5+s1], $0x80, v22, vm0, $0xb8;
	[tilespmem:$0x13100] =	vst v63  }
0x3cb: {  	s13 =	simm.s32 $0xC900;
	v59 =	vperm.xlane v21, v10;
	v22 =	vadd.s32 v7, v58  }
0x3cc: {  	[tilespmem:s13], [sflag:$0x1] =	stream.indirect_vreg.gather [hbm4b:s5+s1], $0x80, v23, vm0, $0xb8;
	[tilespmem:$0x13100] =	vst v63  }
0x3cd: {  	s14 =	simm.s32 $0xC980;
	v60 =	vperm.xlane v21, v11;
	v23 =	vadd.s32 v7, v59  }
0x3ce: {  	[tilespmem:s14], [sflag:$0x1] =	stream.indirect_vreg.gather [hbm4b:s5+s1], $0x80, v24, vm0, $0xb8;
	[tilespmem:$0x13100] =	vst v63  }
0x3cf: {  	s15 =	simm.s32 $0xCA00;
	v62 =	vperm.xlane v21, v12;
	v61 =	vadd.s32 v7, v60  }
0x3d0: {  	[tilespmem:s15], [sflag:$0x1] =	stream.indirect_vreg.gather [hbm4b:s5+s1], $0x80, v22, vm0, $0xb8;
	[tilespmem:$0x13100] =	vst v63  }
0x3d1: {  	v63 =	vperm.xlane v21, v4;
	s12 =	simm.s32 $0xCA80;
	v22 =	vadd.s32 v7, v62  }
0x3d2: {  	[tilespmem:s12], [sflag:$0x1] =	stream.indirect_vreg.gather [hbm4b:s5+s1], $0x80, v23, vm0, $0xb8;
	[tilespmem:$0x13100] =	vst v63  }
0x3d3: {  	v28 =	vperm.xlane v21, v13;
	s13 =	simm.s32 $0xCB00;
	v23 =	vadd.s32 v7, v63  }
0x3d4: {  	[tilespmem:s13], [sflag:$0x1] =	stream.indirect_vreg.gather [hbm4b:s5+s1], $0x80, v61, vm0, $0xb8;
	[tilespmem:$0x13100] =	vst v63  }
0x3d5: {  	v30 =	vperm.xlane v21, v14;
	v29 =	vadd.s32 v7, v28;
	s14 =	simm.s32 $0xCB80  }
0x3d6: {  	[tilespmem:s14], [sflag:$0x1] =	stream.indirect_vreg.gather [hbm4b:s5+s1], $0x80, v22, vm0, $0xb8;
	[tilespmem:$0x13100] =	vst v63  }
0x3d7: {  	v31 =	vperm.xlane v21, v15;
	s15 =	simm.s32 $0xCC00;
	v22 =	vadd.s32 v7, v30  }
0x3d8: {  	[tilespmem:s15], [sflag:$0x1] =	stream.indirect_vreg.gather [hbm4b:s5+s1], $0x80, v23, vm0, $0xb8;
	[tilespmem:$0x13100] =	vst v63  }
0x3d9: {  	v32 =	vperm.xlane v21, v16;
	s12 =	simm.s32 $0xCC80;
	v23 =	vadd.s32 v7, v31  }
0x3da: {  	[tilespmem:s12], [sflag:$0x1] =	stream.indirect_vreg.gather [hbm4b:s5+s1], $0x80, v29, vm0, $0xb8;
	[tilespmem:$0x13100] =	vst v63  }
0x3db: {  	v34 =	vperm.xlane v21, v17;
	v33 =	vadd.s32 v7, v32;
	s13 =	simm.s32 $0xCD00  }
0x3dc: {  	[tilespmem:s13], [sflag:$0x1] =	stream.indirect_vreg.gather [hbm4b:s5+s1], $0x80, v22, vm0, $0xb8;
	[tilespmem:$0x13100] =	vst v63  }
0x3dd: {  	v35 =	vperm.xlane v21, v18;
	s14 =	simm.s32 $0xCD80;
	v22 =	vadd.s32 v7, v34  }
0x3de: {  	[tilespmem:s14], [sflag:$0x1] =	stream.indirect_vreg.gather [hbm4b:s5+s1], $0x80, v23, vm0, $0xb8;
	[tilespmem:$0x13100] =	vst v63  }
0x3df: {  	v36 =	vperm.xlane v21, v19;
	s15 =	simm.s32 $0xCE00;
	v23 =	vadd.s32 v7, v35  }
0x3e0: {  	[tilespmem:s15], [sflag:$0x1] =	stream.indirect_vreg.gather [hbm4b:s5+s1], $0x80, v33, vm0, $0xb8;
	[tilespmem:$0x13100] =	vst v63  }
0x3e1: {  	v21 =	vperm.xlane v21, v20;
	v37 =	vadd.s32 v7, v36;
	s12 =	simm.s32 $0xCE80  }
0x3e2: {  	[tilespmem:s12], [sflag:$0x1] =	stream.indirect_vreg.gather [hbm4b:s5+s1], $0x80, v22, vm0, $0xb8;
	[tilespmem:$0x13100] =	vst v63  }
0x3e3: {  	v21 =	vadd.s32 v7, v21;
	s13 =	simm.s32 $0xCF00  }
0x3e4: {  	[tilespmem:s13], [sflag:$0x1] =	stream.indirect_vreg.gather [hbm4b:s5+s1], $0x80, v23, vm0, $0xb8;
	[tilespmem:$0x13100] =	vst v63  }
0x3e5: {  	s14 =	simm.s32 $0xCF80  }
0x3e6: {  	[tilespmem:s14], [sflag:$0x1] =	stream.indirect_vreg.gather [hbm4b:s5+s1], $0x80, v37, vm0, $0xb8;
	[tilespmem:$0x13100] =	vst v63  }
0x3e7: {  	s15 =	simm.s32 $0xD000  }
0x3e8: {  	[tilespmem:s15], [sflag:$0x1] =	stream.indirect_vreg.gather [hbm4b:s5+s1], $0x80, v21, vm0, $0xb8;
	[tilespmem:$0x13100] =	vst v63  }
0x3e9: {  	v21 =	vld [tilespmem:$0x1160];
	_ =	sdelay $0x4  }
0x3ea: {  	v22 =	vshll.u32 v21, $0x3  }
0x3eb: {  	v21 =	vand.u32 $0x7, v21;
	v22 =	vand.u32 $0xFFFFFFC0, v22  }
0x3ec: {  	v21 =	vor.u32 v21, v22  }
0x3ed: {  	v22 =	vperm.xlane v21, v6;
	_ =	sdelay $0x1  }
0x3ee: {  	v23 =	vperm.xlane v21, v8;
	v22 =	vadd.s32 v7, v22;
	_ =	sdelay $0x1  }
0x3ef: {  	v38 =	vperm.xlane v21, v9;
	v23 =	vadd.s32 v7, v23;
	_ =	sdelay $0x1  }
0x3f0: {  	s12 =	simm.s32 $0xD080;
	v39 =	vperm.xlane v21, v5;
	v24 =	vadd.s32 v7, v38  }
0x3f1: {  	[tilespmem:s12], [sflag:$0x1] =	stream.indirect_vreg.gather [hbm4b:s5+s1], $0x80, v22, vm0, $0xb8;
	[tilespmem:$0x13100] =	vst v63  }
0x3f2: {  	s13 =	simm.s32 $0xD100;
	v40 =	vperm.xlane v21, v10;
	v22 =	vadd.s32 v7, v39  }
0x3f3: {  	[tilespmem:s13], [sflag:$0x1] =	stream.indirect_vreg.gather [hbm4b:s5+s1], $0x80, v23, vm0, $0xb8;
	[tilespmem:$0x13100] =	vst v63  }
0x3f4: {  	s14 =	simm.s32 $0xD180;
	v41 =	vperm.xlane v21, v11;
	v23 =	vadd.s32 v7, v40  }
0x3f5: {  	[tilespmem:s14], [sflag:$0x1] =	stream.indirect_vreg.gather [hbm4b:s5+s1], $0x80, v24, vm0, $0xb8;
	[tilespmem:$0x13100] =	vst v63  }
0x3f6: {  	s15 =	simm.s32 $0xD200;
	v43 =	vperm.xlane v21, v12;
	v42 =	vadd.s32 v7, v41  }
0x3f7: {  	[tilespmem:s15], [sflag:$0x1] =	stream.indirect_vreg.gather [hbm4b:s5+s1], $0x80, v22, vm0, $0xb8;
	[tilespmem:$0x13100] =	vst v63  }
0x3f8: {  	v44 =	vperm.xlane v21, v4;
	s12 =	simm.s32 $0xD280;
	v22 =	vadd.s32 v7, v43  }
0x3f9: {  	[tilespmem:s12], [sflag:$0x1] =	stream.indirect_vreg.gather [hbm4b:s5+s1], $0x80, v23, vm0, $0xb8;
	[tilespmem:$0x13100] =	vst v63  }
0x3fa: {  	v45 =	vperm.xlane v21, v13;
	s13 =	simm.s32 $0xD300;
	v23 =	vadd.s32 v7, v44  }
0x3fb: {  	[tilespmem:s13], [sflag:$0x1] =	stream.indirect_vreg.gather [hbm4b:s5+s1], $0x80, v42, vm0, $0xb8;
	[tilespmem:$0x13100] =	vst v63  }
0x3fc: {  	v47 =	vperm.xlane v21, v14;
	v46 =	vadd.s32 v7, v45;
	s14 =	simm.s32 $0xD380  }
0x3fd: {  	[tilespmem:s14], [sflag:$0x1] =	stream.indirect_vreg.gather [hbm4b:s5+s1], $0x80, v22, vm0, $0xb8;
	[tilespmem:$0x13100] =	vst v63  }
0x3fe: {  	v48 =	vperm.xlane v21, v15;
	s15 =	simm.s32 $0xD400;
	v22 =	vadd.s32 v7, v47  }
0x3ff: {  	[tilespmem:s15], [sflag:$0x1] =	stream.indirect_vreg.gather [hbm4b:s5+s1], $0x80, v23, vm0, $0xb8;
	[tilespmem:$0x13100] =	vst v63  }
0x400: {  	v49 =	vperm.xlane v21, v16;
	s12 =	simm.s32 $0xD480;
	v23 =	vadd.s32 v7, v48  }
0x401: {  	[tilespmem:s12], [sflag:$0x1] =	stream.indirect_vreg.gather [hbm4b:s5+s1], $0x80, v46, vm0, $0xb8;
	[tilespmem:$0x13100] =	vst v63  }
0x402: {  	v51 =	vperm.xlane v21, v17;
	v50 =	vadd.s32 v7, v49;
	s13 =	simm.s32 $0xD500  }
0x403: {  	[tilespmem:s13], [sflag:$0x1] =	stream.indirect_vreg.gather [hbm4b:s5+s1], $0x80, v22, vm0, $0xb8;
	[tilespmem:$0x13100] =	vst v63  }
0x404: {  	v52 =	vperm.xlane v21, v18;
	s14 =	simm.s32 $0xD580;
	v22 =	vadd.s32 v7, v51  }
0x405: {  	[tilespmem:s14], [sflag:$0x1] =	stream.indirect_vreg.gather [hbm4b:s5+s1], $0x80, v23, vm0, $0xb8;
	[tilespmem:$0x13100] =	vst v63  }
0x406: {  	v53 =	vperm.xlane v21, v19;
	s15 =	simm.s32 $0xD600;
	v23 =	vadd.s32 v7, v52  }
0x407: {  	[tilespmem:s15], [sflag:$0x1] =	stream.indirect_vreg.gather [hbm4b:s5+s1], $0x80, v50, vm0, $0xb8;
	[tilespmem:$0x13100] =	vst v63  }
0x408: {  	v21 =	vperm.xlane v21, v20;
	v54 =	vadd.s32 v7, v53;
	s12 =	simm.s32 $0xD680  }
0x409: {  	[tilespmem:s12], [sflag:$0x1] =	stream.indirect_vreg.gather [hbm4b:s5+s1], $0x80, v22, vm0, $0xb8;
	[tilespmem:$0x13100] =	vst v63  }
0x40a: {  	v21 =	vadd.s32 v7, v21;
	s13 =	simm.s32 $0xD700  }
0x40b: {  	[tilespmem:s13], [sflag:$0x1] =	stream.indirect_vreg.gather [hbm4b:s5+s1], $0x80, v23, vm0, $0xb8;
	[tilespmem:$0x13100] =	vst v63  }
0x40c: {  	s14 =	simm.s32 $0xD780  }
0x40d: {  	[tilespmem:s14], [sflag:$0x1] =	stream.indirect_vreg.gather [hbm4b:s5+s1], $0x80, v54, vm0, $0xb8;
	[tilespmem:$0x13100] =	vst v63  }
0x40e: {  	s15 =	simm.s32 $0xD800  }
0x40f: {  	[tilespmem:s15], [sflag:$0x1] =	stream.indirect_vreg.gather [hbm4b:s5+s1], $0x80, v21, vm0, $0xb8;
	[tilespmem:$0x13100] =	vst v63  }
0x410: {  	v21 =	vld [tilespmem:$0x1170];
	_ =	sdelay $0x4  }
0x411: {  	v22 =	vshll.u32 v21, $0x3  }
0x412: {  	v21 =	vand.u32 $0x7, v21;
	v22 =	vand.u32 $0xFFFFFFC0, v22  }
0x413: {  	v21 =	vor.u32 v21, v22  }
0x414: {  	v22 =	vperm.xlane v21, v6;
	_ =	sdelay $0x1  }
0x415: {  	v23 =	vperm.xlane v21, v8;
	v22 =	vadd.s32 v7, v22;
	_ =	sdelay $0x1  }
0x416: {  	v55 =	vperm.xlane v21, v9;
	v23 =	vadd.s32 v7, v23;
	_ =	sdelay $0x1  }
0x417: {  	s12 =	simm.s32 $0xD880;
	v56 =	vperm.xlane v21, v5;
	v24 =	vadd.s32 v7, v55  }
0x418: {  	[tilespmem:s12], [sflag:$0x1] =	stream.indirect_vreg.gather [hbm4b:s5+s1], $0x80, v22, vm0, $0xb8;
	[tilespmem:$0x13100] =	vst v63  }
0x419: {  	s13 =	simm.s32 $0xD900;
	v57 =	vperm.xlane v21, v10;
	v22 =	vadd.s32 v7, v56  }
0x41a: {  	[tilespmem:s13], [sflag:$0x1] =	stream.indirect_vreg.gather [hbm4b:s5+s1], $0x80, v23, vm0, $0xb8;
	[tilespmem:$0x13100] =	vst v63  }
0x41b: {  	s14 =	simm.s32 $0xD980;
	v58 =	vperm.xlane v21, v11;
	v23 =	vadd.s32 v7, v57  }
0x41c: {  	[tilespmem:s14], [sflag:$0x1] =	stream.indirect_vreg.gather [hbm4b:s5+s1], $0x80, v24, vm0, $0xb8;
	[tilespmem:$0x13100] =	vst v63  }
0x41d: {  	s15 =	simm.s32 $0xDA00;
	v60 =	vperm.xlane v21, v12;
	v59 =	vadd.s32 v7, v58  }
0x41e: {  	[tilespmem:s15], [sflag:$0x1] =	stream.indirect_vreg.gather [hbm4b:s5+s1], $0x80, v22, vm0, $0xb8;
	[tilespmem:$0x13100] =	vst v63  }
0x41f: {  	v61 =	vperm.xlane v21, v4;
	s12 =	simm.s32 $0xDA80;
	v22 =	vadd.s32 v7, v60  }
0x420: {  	[tilespmem:s12], [sflag:$0x1] =	stream.indirect_vreg.gather [hbm4b:s5+s1], $0x80, v23, vm0, $0xb8;
	[tilespmem:$0x13100] =	vst v63  }
0x421: {  	v62 =	vperm.xlane v21, v13;
	s13 =	simm.s32 $0xDB00;
	v23 =	vadd.s32 v7, v61  }
0x422: {  	[tilespmem:s13], [sflag:$0x1] =	stream.indirect_vreg.gather [hbm4b:s5+s1], $0x80, v59, vm0, $0xb8;
	[tilespmem:$0x13100] =	vst v63  }
0x423: {  	v28 =	vperm.xlane v21, v14;
	v63 =	vadd.s32 v7, v62;
	s14 =	simm.s32 $0xDB80  }
0x424: {  	[tilespmem:s14], [sflag:$0x1] =	stream.indirect_vreg.gather [hbm4b:s5+s1], $0x80, v22, vm0, $0xb8;
	[tilespmem:$0x13100] =	vst v63  }
0x425: {  	v29 =	vperm.xlane v21, v15;
	s15 =	simm.s32 $0xDC00;
	v22 =	vadd.s32 v7, v28  }
0x426: {  	[tilespmem:s15], [sflag:$0x1] =	stream.indirect_vreg.gather [hbm4b:s5+s1], $0x80, v23, vm0, $0xb8;
	[tilespmem:$0x13100] =	vst v63  }
0x427: {  	v30 =	vperm.xlane v21, v16;
	s12 =	simm.s32 $0xDC80;
	v23 =	vadd.s32 v7, v29  }
0x428: {  	[tilespmem:s12], [sflag:$0x1] =	stream.indirect_vreg.gather [hbm4b:s5+s1], $0x80, v63, vm0, $0xb8;
	[tilespmem:$0x13100] =	vst v63  }
0x429: {  	v32 =	vperm.xlane v21, v17;
	v31 =	vadd.s32 v7, v30;
	s13 =	simm.s32 $0xDD00  }
0x42a: {  	[tilespmem:s13], [sflag:$0x1] =	stream.indirect_vreg.gather [hbm4b:s5+s1], $0x80, v22, vm0, $0xb8;
	[tilespmem:$0x13100] =	vst v63  }
0x42b: {  	v33 =	vperm.xlane v21, v18;
	s14 =	simm.s32 $0xDD80;
	v22 =	vadd.s32 v7, v32  }
0x42c: {  	[tilespmem:s14], [sflag:$0x1] =	stream.indirect_vreg.gather [hbm4b:s5+s1], $0x80, v23, vm0, $0xb8;
	[tilespmem:$0x13100] =	vst v63  }
0x42d: {  	v34 =	vperm.xlane v21, v19;
	s15 =	simm.s32 $0xDE00;
	v23 =	vadd.s32 v7, v33  }
0x42e: {  	[tilespmem:s15], [sflag:$0x1] =	stream.indirect_vreg.gather [hbm4b:s5+s1], $0x80, v31, vm0, $0xb8;
	[tilespmem:$0x13100] =	vst v63  }
0x42f: {  	v21 =	vperm.xlane v21, v20;
	v35 =	vadd.s32 v7, v34;
	s12 =	simm.s32 $0xDE80  }
0x430: {  	[tilespmem:s12], [sflag:$0x1] =	stream.indirect_vreg.gather [hbm4b:s5+s1], $0x80, v22, vm0, $0xb8;
	[tilespmem:$0x13100] =	vst v63  }
0x431: {  	v21 =	vadd.s32 v7, v21;
	s13 =	simm.s32 $0xDF00  }
0x432: {  	[tilespmem:s13], [sflag:$0x1] =	stream.indirect_vreg.gather [hbm4b:s5+s1], $0x80, v23, vm0, $0xb8;
	[tilespmem:$0x13100] =	vst v63  }
0x433: {  	s14 =	simm.s32 $0xDF80  }
0x434: {  	[tilespmem:s14], [sflag:$0x1] =	stream.indirect_vreg.gather [hbm4b:s5+s1], $0x80, v35, vm0, $0xb8;
	[tilespmem:$0x13100] =	vst v63  }
0x435: {  	s15 =	simm.s32 $0xE000  }
0x436: {  	[tilespmem:s15], [sflag:$0x1] =	stream.indirect_vreg.gather [hbm4b:s5+s1], $0x80, v21, vm0, $0xb8;
	[tilespmem:$0x13100] =	vst v63  }
0x437: {  	v21 =	vld [tilespmem:$0x1180];
	_ =	sdelay $0x4  }
0x438: {  	v22 =	vshll.u32 v21, $0x3  }
0x439: {  	v21 =	vand.u32 $0x7, v21;
	v22 =	vand.u32 $0xFFFFFFC0, v22  }
0x43a: {  	v21 =	vor.u32 v21, v22  }
0x43b: {  	v22 =	vperm.xlane v21, v6;
	_ =	sdelay $0x1  }
0x43c: {  	v23 =	vperm.xlane v21, v8;
	v22 =	vadd.s32 v7, v22;
	_ =	sdelay $0x1  }
0x43d: {  	v36 =	vperm.xlane v21, v9;
	v23 =	vadd.s32 v7, v23;
	_ =	sdelay $0x1  }
0x43e: {  	s12 =	simm.s32 $0xE080;
	v37 =	vperm.xlane v21, v5;
	v24 =	vadd.s32 v7, v36  }
0x43f: {  	[tilespmem:s12], [sflag:$0x1] =	stream.indirect_vreg.gather [hbm4b:s5+s1], $0x80, v22, vm0, $0xb8;
	[tilespmem:$0x13100] =	vst v63  }
0x440: {  	s13 =	simm.s32 $0xE100;
	v38 =	vperm.xlane v21, v10;
	v22 =	vadd.s32 v7, v37  }
0x441: {  	[tilespmem:s13], [sflag:$0x1] =	stream.indirect_vreg.gather [hbm4b:s5+s1], $0x80, v23, vm0, $0xb8;
	[tilespmem:$0x13100] =	vst v63  }
0x442: {  	s14 =	simm.s32 $0xE180;
	v39 =	vperm.xlane v21, v11;
	v23 =	vadd.s32 v7, v38  }
0x443: {  	[tilespmem:s14], [sflag:$0x1] =	stream.indirect_vreg.gather [hbm4b:s5+s1], $0x80, v24, vm0, $0xb8;
	[tilespmem:$0x13100] =	vst v63  }
0x444: {  	s15 =	simm.s32 $0xE200;
	v41 =	vperm.xlane v21, v12;
	v40 =	vadd.s32 v7, v39  }
0x445: {  	[tilespmem:s15], [sflag:$0x1] =	stream.indirect_vreg.gather [hbm4b:s5+s1], $0x80, v22, vm0, $0xb8;
	[tilespmem:$0x13100] =	vst v63  }
0x446: {  	v42 =	vperm.xlane v21, v4;
	s12 =	simm.s32 $0xE280;
	v22 =	vadd.s32 v7, v41  }
0x447: {  	[tilespmem:s12], [sflag:$0x1] =	stream.indirect_vreg.gather [hbm4b:s5+s1], $0x80, v23, vm0, $0xb8;
	[tilespmem:$0x13100] =	vst v63  }
0x448: {  	v43 =	vperm.xlane v21, v13;
	s13 =	simm.s32 $0xE300;
	v23 =	vadd.s32 v7, v42  }
0x449: {  	[tilespmem:s13], [sflag:$0x1] =	stream.indirect_vreg.gather [hbm4b:s5+s1], $0x80, v40, vm0, $0xb8;
	[tilespmem:$0x13100] =	vst v63  }
0x44a: {  	v45 =	vperm.xlane v21, v14;
	v44 =	vadd.s32 v7, v43;
	s14 =	simm.s32 $0xE380  }
0x44b: {  	[tilespmem:s14], [sflag:$0x1] =	stream.indirect_vreg.gather [hbm4b:s5+s1], $0x80, v22, vm0, $0xb8;
	[tilespmem:$0x13100] =	vst v63  }
0x44c: {  	v46 =	vperm.xlane v21, v15;
	s15 =	simm.s32 $0xE400;
	v22 =	vadd.s32 v7, v45  }
0x44d: {  	[tilespmem:s15], [sflag:$0x1] =	stream.indirect_vreg.gather [hbm4b:s5+s1], $0x80, v23, vm0, $0xb8;
	[tilespmem:$0x13100] =	vst v63  }
0x44e: {  	v47 =	vperm.xlane v21, v16;
	s12 =	simm.s32 $0xE480;
	v23 =	vadd.s32 v7, v46  }
0x44f: {  	[tilespmem:s12], [sflag:$0x1] =	stream.indirect_vreg.gather [hbm4b:s5+s1], $0x80, v44, vm0, $0xb8;
	[tilespmem:$0x13100] =	vst v63  }
0x450: {  	v49 =	vperm.xlane v21, v17;
	v48 =	vadd.s32 v7, v47;
	s13 =	simm.s32 $0xE500  }
0x451: {  	[tilespmem:s13], [sflag:$0x1] =	stream.indirect_vreg.gather [hbm4b:s5+s1], $0x80, v22, vm0, $0xb8;
	[tilespmem:$0x13100] =	vst v63  }
0x452: {  	v50 =	vperm.xlane v21, v18;
	s14 =	simm.s32 $0xE580;
	v22 =	vadd.s32 v7, v49  }
0x453: {  	[tilespmem:s14], [sflag:$0x1] =	stream.indirect_vreg.gather [hbm4b:s5+s1], $0x80, v23, vm0, $0xb8;
	[tilespmem:$0x13100] =	vst v63  }
0x454: {  	v51 =	vperm.xlane v21, v19;
	s15 =	simm.s32 $0xE600;
	v23 =	vadd.s32 v7, v50  }
0x455: {  	[tilespmem:s15], [sflag:$0x1] =	stream.indirect_vreg.gather [hbm4b:s5+s1], $0x80, v48, vm0, $0xb8;
	[tilespmem:$0x13100] =	vst v63  }
0x456: {  	v21 =	vperm.xlane v21, v20;
	v52 =	vadd.s32 v7, v51;
	s12 =	simm.s32 $0xE680  }
0x457: {  	[tilespmem:s12], [sflag:$0x1] =	stream.indirect_vreg.gather [hbm4b:s5+s1], $0x80, v22, vm0, $0xb8;
	[tilespmem:$0x13100] =	vst v63  }
0x458: {  	v21 =	vadd.s32 v7, v21;
	s13 =	simm.s32 $0xE700  }
0x459: {  	[tilespmem:s13], [sflag:$0x1] =	stream.indirect_vreg.gather [hbm4b:s5+s1], $0x80, v23, vm0, $0xb8;
	[tilespmem:$0x13100] =	vst v63  }
0x45a: {  	s14 =	simm.s32 $0xE780  }
0x45b: {  	[tilespmem:s14], [sflag:$0x1] =	stream.indirect_vreg.gather [hbm4b:s5+s1], $0x80, v52, vm0, $0xb8;
	[tilespmem:$0x13100] =	vst v63  }
0x45c: {  	s15 =	simm.s32 $0xE800  }
0x45d: {  	[tilespmem:s15], [sflag:$0x1] =	stream.indirect_vreg.gather [hbm4b:s5+s1], $0x80, v21, vm0, $0xb8;
	[tilespmem:$0x13100] =	vst v63  }
0x45e: {  	v21 =	vld [tilespmem:$0x1190];
	_ =	sdelay $0x4  }
0x45f: {  	v22 =	vshll.u32 v21, $0x3  }
0x460: {  	v21 =	vand.u32 $0x7, v21;
	v22 =	vand.u32 $0xFFFFFFC0, v22  }
0x461: {  	v21 =	vor.u32 v21, v22  }
0x462: {  	v22 =	vperm.xlane v21, v6;
	_ =	sdelay $0x1  }
0x463: {  	v23 =	vperm.xlane v21, v8;
	v22 =	vadd.s32 v7, v22;
	_ =	sdelay $0x1  }
0x464: {  	v53 =	vperm.xlane v21, v9;
	v23 =	vadd.s32 v7, v23;
	_ =	sdelay $0x1  }
0x465: {  	s12 =	simm.s32 $0xE880;
	v54 =	vperm.xlane v21, v5;
	v24 =	vadd.s32 v7, v53  }
0x466: {  	[tilespmem:s12], [sflag:$0x1] =	stream.indirect_vreg.gather [hbm4b:s5+s1], $0x80, v22, vm0, $0xb8;
	[tilespmem:$0x13100] =	vst v63  }
0x467: {  	s13 =	simm.s32 $0xE900;
	v55 =	vperm.xlane v21, v10;
	v22 =	vadd.s32 v7, v54  }
0x468: {  	[tilespmem:s13], [sflag:$0x1] =	stream.indirect_vreg.gather [hbm4b:s5+s1], $0x80, v23, vm0, $0xb8;
	[tilespmem:$0x13100] =	vst v63  }
0x469: {  	s14 =	simm.s32 $0xE980;
	v56 =	vperm.xlane v21, v11;
	v23 =	vadd.s32 v7, v55  }
0x46a: {  	[tilespmem:s14], [sflag:$0x1] =	stream.indirect_vreg.gather [hbm4b:s5+s1], $0x80, v24, vm0, $0xb8;
	[tilespmem:$0x13100] =	vst v63  }
0x46b: {  	s15 =	simm.s32 $0xEA00;
	v58 =	vperm.xlane v21, v12;
	v57 =	vadd.s32 v7, v56  }
0x46c: {  	[tilespmem:s15], [sflag:$0x1] =	stream.indirect_vreg.gather [hbm4b:s5+s1], $0x80, v22, vm0, $0xb8;
	[tilespmem:$0x13100] =	vst v63  }
0x46d: {  	v59 =	vperm.xlane v21, v4;
	s12 =	simm.s32 $0xEA80;
	v22 =	vadd.s32 v7, v58  }
0x46e: {  	[tilespmem:s12], [sflag:$0x1] =	stream.indirect_vreg.gather [hbm4b:s5+s1], $0x80, v23, vm0, $0xb8;
	[tilespmem:$0x13100] =	vst v63  }
0x46f: {  	v60 =	vperm.xlane v21, v13;
	s13 =	simm.s32 $0xEB00;
	v23 =	vadd.s32 v7, v59  }
0x470: {  	[tilespmem:s13], [sflag:$0x1] =	stream.indirect_vreg.gather [hbm4b:s5+s1], $0x80, v57, vm0, $0xb8;
	[tilespmem:$0x13100] =	vst v63  }
0x471: {  	v62 =	vperm.xlane v21, v14;
	v61 =	vadd.s32 v7, v60;
	s14 =	simm.s32 $0xEB80  }
0x472: {  	[tilespmem:s14], [sflag:$0x1] =	stream.indirect_vreg.gather [hbm4b:s5+s1], $0x80, v22, vm0, $0xb8;
	[tilespmem:$0x13100] =	vst v63  }
0x473: {  	v63 =	vperm.xlane v21, v15;
	s15 =	simm.s32 $0xEC00;
	v22 =	vadd.s32 v7, v62  }
0x474: {  	[tilespmem:s15], [sflag:$0x1] =	stream.indirect_vreg.gather [hbm4b:s5+s1], $0x80, v23, vm0, $0xb8;
	[tilespmem:$0x13100] =	vst v63  }
0x475: {  	v28 =	vperm.xlane v21, v16;
	s12 =	simm.s32 $0xEC80;
	v23 =	vadd.s32 v7, v63  }
0x476: {  	[tilespmem:s12], [sflag:$0x1] =	stream.indirect_vreg.gather [hbm4b:s5+s1], $0x80, v61, vm0, $0xb8;
	[tilespmem:$0x13100] =	vst v63  }
0x477: {  	v30 =	vperm.xlane v21, v17;
	v29 =	vadd.s32 v7, v28;
	s13 =	simm.s32 $0xED00  }
0x478: {  	[tilespmem:s13], [sflag:$0x1] =	stream.indirect_vreg.gather [hbm4b:s5+s1], $0x80, v22, vm0, $0xb8;
	[tilespmem:$0x13100] =	vst v63  }
0x479: {  	v31 =	vperm.xlane v21, v18;
	s14 =	simm.s32 $0xED80;
	v22 =	vadd.s32 v7, v30  }
0x47a: {  	[tilespmem:s14], [sflag:$0x1] =	stream.indirect_vreg.gather [hbm4b:s5+s1], $0x80, v23, vm0, $0xb8;
	[tilespmem:$0x13100] =	vst v63  }
0x47b: {  	v32 =	vperm.xlane v21, v19;
	s15 =	simm.s32 $0xEE00;
	v23 =	vadd.s32 v7, v31  }
0x47c: {  	[tilespmem:s15], [sflag:$0x1] =	stream.indirect_vreg.gather [hbm4b:s5+s1], $0x80, v29, vm0, $0xb8;
	[tilespmem:$0x13100] =	vst v63  }
0x47d: {  	v21 =	vperm.xlane v21, v20;
	v33 =	vadd.s32 v7, v32;
	s12 =	simm.s32 $0xEE80  }
0x47e: {  	[tilespmem:s12], [sflag:$0x1] =	stream.indirect_vreg.gather [hbm4b:s5+s1], $0x80, v22, vm0, $0xb8;
	[tilespmem:$0x13100] =	vst v63  }
0x47f: {  	v21 =	vadd.s32 v7, v21;
	s13 =	simm.s32 $0xEF00  }
0x480: {  	[tilespmem:s13], [sflag:$0x1] =	stream.indirect_vreg.gather [hbm4b:s5+s1], $0x80, v23, vm0, $0xb8;
	[tilespmem:$0x13100] =	vst v63  }
0x481: {  	s14 =	simm.s32 $0xEF80  }
0x482: {  	[tilespmem:s14], [sflag:$0x1] =	stream.indirect_vreg.gather [hbm4b:s5+s1], $0x80, v33, vm0, $0xb8;
	[tilespmem:$0x13100] =	vst v63  }
0x483: {  	s15 =	simm.s32 $0xF000  }
0x484: {  	[tilespmem:s15], [sflag:$0x1] =	stream.indirect_vreg.gather [hbm4b:s5+s1], $0x80, v21, vm0, $0xb8;
	[tilespmem:$0x13100] =	vst v63  }
0x485: {  	v21 =	vld [tilespmem:$0x11A0];
	_ =	sdelay $0x4  }
0x486: {  	v22 =	vshll.u32 v21, $0x3  }
0x487: {  	v21 =	vand.u32 $0x7, v21;
	v22 =	vand.u32 $0xFFFFFFC0, v22  }
0x488: {  	v21 =	vor.u32 v21, v22  }
0x489: {  	v22 =	vperm.xlane v21, v6;
	_ =	sdelay $0x1  }
0x48a: {  	v23 =	vperm.xlane v21, v8;
	v22 =	vadd.s32 v7, v22;
	_ =	sdelay $0x1  }
0x48b: {  	v34 =	vperm.xlane v21, v9;
	v23 =	vadd.s32 v7, v23;
	_ =	sdelay $0x1  }
0x48c: {  	s12 =	simm.s32 $0xF080;
	v35 =	vperm.xlane v21, v5;
	v24 =	vadd.s32 v7, v34  }
0x48d: {  	[tilespmem:s12], [sflag:$0x1] =	stream.indirect_vreg.gather [hbm4b:s5+s1], $0x80, v22, vm0, $0xb8;
	[tilespmem:$0x13100] =	vst v63  }
0x48e: {  	s13 =	simm.s32 $0xF100;
	v36 =	vperm.xlane v21, v10;
	v22 =	vadd.s32 v7, v35  }
0x48f: {  	[tilespmem:s13], [sflag:$0x1] =	stream.indirect_vreg.gather [hbm4b:s5+s1], $0x80, v23, vm0, $0xb8;
	[tilespmem:$0x13100] =	vst v63  }
0x490: {  	s14 =	simm.s32 $0xF180;
	v37 =	vperm.xlane v21, v11;
	v23 =	vadd.s32 v7, v36  }
0x491: {  	[tilespmem:s14], [sflag:$0x1] =	stream.indirect_vreg.gather [hbm4b:s5+s1], $0x80, v24, vm0, $0xb8;
	[tilespmem:$0x13100] =	vst v63  }
0x492: {  	s15 =	simm.s32 $0xF200;
	v39 =	vperm.xlane v21, v12;
	v38 =	vadd.s32 v7, v37  }
0x493: {  	[tilespmem:s15], [sflag:$0x1] =	stream.indirect_vreg.gather [hbm4b:s5+s1], $0x80, v22, vm0, $0xb8;
	[tilespmem:$0x13100] =	vst v63  }
0x494: {  	v40 =	vperm.xlane v21, v4;
	s12 =	simm.s32 $0xF280;
	v22 =	vadd.s32 v7, v39  }
0x495: {  	[tilespmem:s12], [sflag:$0x1] =	stream.indirect_vreg.gather [hbm4b:s5+s1], $0x80, v23, vm0, $0xb8;
	[tilespmem:$0x13100] =	vst v63  }
0x496: {  	v41 =	vperm.xlane v21, v13;
	s13 =	simm.s32 $0xF300;
	v23 =	vadd.s32 v7, v40  }
0x497: {  	[tilespmem:s13], [sflag:$0x1] =	stream.indirect_vreg.gather [hbm4b:s5+s1], $0x80, v38, vm0, $0xb8;
	[tilespmem:$0x13100] =	vst v63  }
0x498: {  	v43 =	vperm.xlane v21, v14;
	v42 =	vadd.s32 v7, v41;
	s14 =	simm.s32 $0xF380  }
0x499: {  	[tilespmem:s14], [sflag:$0x1] =	stream.indirect_vreg.gather [hbm4b:s5+s1], $0x80, v22, vm0, $0xb8;
	[tilespmem:$0x13100] =	vst v63  }
0x49a: {  	v44 =	vperm.xlane v21, v15;
	s15 =	simm.s32 $0xF400;
	v22 =	vadd.s32 v7, v43  }
0x49b: {  	[tilespmem:s15], [sflag:$0x1] =	stream.indirect_vreg.gather [hbm4b:s5+s1], $0x80, v23, vm0, $0xb8;
	[tilespmem:$0x13100] =	vst v63  }
0x49c: {  	v45 =	vperm.xlane v21, v16;
	s12 =	simm.s32 $0xF480;
	v23 =	vadd.s32 v7, v44  }
0x49d: {  	[tilespmem:s12], [sflag:$0x1] =	stream.indirect_vreg.gather [hbm4b:s5+s1], $0x80, v42, vm0, $0xb8;
	[tilespmem:$0x13100] =	vst v63  }
0x49e: {  	v47 =	vperm.xlane v21, v17;
	v46 =	vadd.s32 v7, v45;
	s13 =	simm.s32 $0xF500  }
0x49f: {  	[tilespmem:s13], [sflag:$0x1] =	stream.indirect_vreg.gather [hbm4b:s5+s1], $0x80, v22, vm0, $0xb8;
	[tilespmem:$0x13100] =	vst v63  }
0x4a0: {  	v48 =	vperm.xlane v21, v18;
	s14 =	simm.s32 $0xF580;
	v22 =	vadd.s32 v7, v47  }
0x4a1: {  	[tilespmem:s14], [sflag:$0x1] =	stream.indirect_vreg.gather [hbm4b:s5+s1], $0x80, v23, vm0, $0xb8;
	[tilespmem:$0x13100] =	vst v63  }
0x4a2: {  	v49 =	vperm.xlane v21, v19;
	s15 =	simm.s32 $0xF600;
	v23 =	vadd.s32 v7, v48  }
0x4a3: {  	[tilespmem:s15], [sflag:$0x1] =	stream.indirect_vreg.gather [hbm4b:s5+s1], $0x80, v46, vm0, $0xb8;
	[tilespmem:$0x13100] =	vst v63  }
0x4a4: {  	v21 =	vperm.xlane v21, v20;
	v50 =	vadd.s32 v7, v49;
	s12 =	simm.s32 $0xF680  }
0x4a5: {  	[tilespmem:s12], [sflag:$0x1] =	stream.indirect_vreg.gather [hbm4b:s5+s1], $0x80, v22, vm0, $0xb8;
	[tilespmem:$0x13100] =	vst v63  }
0x4a6: {  	v21 =	vadd.s32 v7, v21;
	s13 =	simm.s32 $0xF700  }
0x4a7: {  	[tilespmem:s13], [sflag:$0x1] =	stream.indirect_vreg.gather [hbm4b:s5+s1], $0x80, v23, vm0, $0xb8;
	[tilespmem:$0x13100] =	vst v63  }
0x4a8: {  	s14 =	simm.s32 $0xF780  }
0x4a9: {  	[tilespmem:s14], [sflag:$0x1] =	stream.indirect_vreg.gather [hbm4b:s5+s1], $0x80, v50, vm0, $0xb8;
	[tilespmem:$0x13100] =	vst v63  }
0x4aa: {  	s15 =	simm.s32 $0xF800  }
0x4ab: {  	[tilespmem:s15], [sflag:$0x1] =	stream.indirect_vreg.gather [hbm4b:s5+s1], $0x80, v21, vm0, $0xb8;
	[tilespmem:$0x13100] =	vst v63  }
0x4ac: {  	v21 =	vld [tilespmem:$0x11B0];
	_ =	sdelay $0x4  }
0x4ad: {  	v22 =	vshll.u32 v21, $0x3  }
0x4ae: {  	v21 =	vand.u32 $0x7, v21;
	v22 =	vand.u32 $0xFFFFFFC0, v22  }
0x4af: {  	v21 =	vor.u32 v21, v22  }
0x4b0: {  	v22 =	vperm.xlane v21, v6;
	_ =	sdelay $0x1  }
0x4b1: {  	v23 =	vperm.xlane v21, v8;
	v22 =	vadd.s32 v7, v22;
	_ =	sdelay $0x1  }
0x4b2: {  	v51 =	vperm.xlane v21, v9;
	v23 =	vadd.s32 v7, v23;
	_ =	sdelay $0x1  }
0x4b3: {  	s12 =	simm.s32 $0xF880;
	v52 =	vperm.xlane v21, v5;
	v24 =	vadd.s32 v7, v51  }
0x4b4: {  	[tilespmem:s12], [sflag:$0x1] =	stream.indirect_vreg.gather [hbm4b:s5+s1], $0x80, v22, vm0, $0xb8;
	[tilespmem:$0x13100] =	vst v63  }
0x4b5: {  	s13 =	simm.s32 $0xF900;
	v53 =	vperm.xlane v21, v10;
	v22 =	vadd.s32 v7, v52  }
0x4b6: {  	[tilespmem:s13], [sflag:$0x1] =	stream.indirect_vreg.gather [hbm4b:s5+s1], $0x80, v23, vm0, $0xb8;
	[tilespmem:$0x13100] =	vst v63  }
0x4b7: {  	s14 =	simm.s32 $0xF980;
	v54 =	vperm.xlane v21, v11;
	v23 =	vadd.s32 v7, v53  }
0x4b8: {  	[tilespmem:s14], [sflag:$0x1] =	stream.indirect_vreg.gather [hbm4b:s5+s1], $0x80, v24, vm0, $0xb8;
	[tilespmem:$0x13100] =	vst v63  }
0x4b9: {  	s15 =	simm.s32 $0xFA00;
	v56 =	vperm.xlane v21, v12;
	v55 =	vadd.s32 v7, v54  }
0x4ba: {  	[tilespmem:s15], [sflag:$0x1] =	stream.indirect_vreg.gather [hbm4b:s5+s1], $0x80, v22, vm0, $0xb8;
	[tilespmem:$0x13100] =	vst v63  }
0x4bb: {  	v57 =	vperm.xlane v21, v4;
	s12 =	simm.s32 $0xFA80;
	v22 =	vadd.s32 v7, v56  }
0x4bc: {  	[tilespmem:s12], [sflag:$0x1] =	stream.indirect_vreg.gather [hbm4b:s5+s1], $0x80, v23, vm0, $0xb8;
	[tilespmem:$0x13100] =	vst v63  }
0x4bd: {  	v58 =	vperm.xlane v21, v13;
	s13 =	simm.s32 $0xFB00;
	v23 =	vadd.s32 v7, v57  }
0x4be: {  	[tilespmem:s13], [sflag:$0x1] =	stream.indirect_vreg.gather [hbm4b:s5+s1], $0x80, v55, vm0, $0xb8;
	[tilespmem:$0x13100] =	vst v63  }
0x4bf: {  	v60 =	vperm.xlane v21, v14;
	v59 =	vadd.s32 v7, v58;
	s14 =	simm.s32 $0xFB80  }
0x4c0: {  	[tilespmem:s14], [sflag:$0x1] =	stream.indirect_vreg.gather [hbm4b:s5+s1], $0x80, v22, vm0, $0xb8;
	[tilespmem:$0x13100] =	vst v63  }
0x4c1: {  	v61 =	vperm.xlane v21, v15;
	s15 =	simm.s32 $0xFC00;
	v22 =	vadd.s32 v7, v60  }
0x4c2: {  	[tilespmem:s15], [sflag:$0x1] =	stream.indirect_vreg.gather [hbm4b:s5+s1], $0x80, v23, vm0, $0xb8;
	[tilespmem:$0x13100] =	vst v63  }
0x4c3: {  	v62 =	vperm.xlane v21, v16;
	s12 =	simm.s32 $0xFC80;
	v23 =	vadd.s32 v7, v61  }
0x4c4: {  	[tilespmem:s12], [sflag:$0x1] =	stream.indirect_vreg.gather [hbm4b:s5+s1], $0x80, v59, vm0, $0xb8;
	[tilespmem:$0x13100] =	vst v63  }
0x4c5: {  	v28 =	vperm.xlane v21, v17;
	v63 =	vadd.s32 v7, v62;
	s13 =	simm.s32 $0xFD00  }
0x4c6: {  	[tilespmem:s13], [sflag:$0x1] =	stream.indirect_vreg.gather [hbm4b:s5+s1], $0x80, v22, vm0, $0xb8;
	[tilespmem:$0x13100] =	vst v63  }
0x4c7: {  	v29 =	vperm.xlane v21, v18;
	s14 =	simm.s32 $0xFD80;
	v22 =	vadd.s32 v7, v28  }
0x4c8: {  	[tilespmem:s14], [sflag:$0x1] =	stream.indirect_vreg.gather [hbm4b:s5+s1], $0x80, v23, vm0, $0xb8;
	[tilespmem:$0x13100] =	vst v63  }
0x4c9: {  	v30 =	vperm.xlane v21, v19;
	s15 =	simm.s32 $0xFE00;
	v23 =	vadd.s32 v7, v29  }
0x4ca: {  	[tilespmem:s15], [sflag:$0x1] =	stream.indirect_vreg.gather [hbm4b:s5+s1], $0x80, v63, vm0, $0xb8;
	[tilespmem:$0x13100] =	vst v63  }
0x4cb: {  	v21 =	vperm.xlane v21, v20;
	v31 =	vadd.s32 v7, v30;
	s12 =	simm.s32 $0xFE80  }
0x4cc: {  	[tilespmem:s12], [sflag:$0x1] =	stream.indirect_vreg.gather [hbm4b:s5+s1], $0x80, v22, vm0, $0xb8;
	[tilespmem:$0x13100] =	vst v63  }
0x4cd: {  	v21 =	vadd.s32 v7, v21;
	s13 =	simm.s32 $0xFF00  }
0x4ce: {  	[tilespmem:s13], [sflag:$0x1] =	stream.indirect_vreg.gather [hbm4b:s5+s1], $0x80, v23, vm0, $0xb8;
	[tilespmem:$0x13100] =	vst v63  }
0x4cf: {  	s14 =	simm.s32 $0xFF80  }
0x4d0: {  	[tilespmem:s14], [sflag:$0x1] =	stream.indirect_vreg.gather [hbm4b:s5+s1], $0x80, v31, vm0, $0xb8;
	[tilespmem:$0x13100] =	vst v63  }
0x4d1: {  	s15 =	simm.s32 $0x10000  }
0x4d2: {  	[tilespmem:s15], [sflag:$0x1] =	stream.indirect_vreg.gather [hbm4b:s5+s1], $0x80, v21, vm0, $0xb8;
	[tilespmem:$0x13100] =	vst v63  }
0x4d3: {  	v21 =	vld [tilespmem:$0x11C0];
	_ =	sdelay $0x4  }
0x4d4: {  	v22 =	vshll.u32 v21, $0x3  }
0x4d5: {  	v21 =	vand.u32 $0x7, v21;
	v22 =	vand.u32 $0xFFFFFFC0, v22  }
0x4d6: {  	v21 =	vor.u32 v21, v22  }
0x4d7: {  	v22 =	vperm.xlane v21, v6;
	_ =	sdelay $0x1  }
0x4d8: {  	v23 =	vperm.xlane v21, v8;
	v22 =	vadd.s32 v7, v22;
	_ =	sdelay $0x1  }
0x4d9: {  	v32 =	vperm.xlane v21, v9;
	v23 =	vadd.s32 v7, v23;
	_ =	sdelay $0x1  }
0x4da: {  	s12 =	simm.s32 $0x10080;
	v33 =	vperm.xlane v21, v5;
	v24 =	vadd.s32 v7, v32  }
0x4db: {  	[tilespmem:s12], [sflag:$0x1] =	stream.indirect_vreg.gather [hbm4b:s5+s1], $0x80, v22, vm0, $0xb8;
	[tilespmem:$0x13100] =	vst v63  }
0x4dc: {  	s13 =	simm.s32 $0x10100;
	v34 =	vperm.xlane v21, v10;
	v22 =	vadd.s32 v7, v33  }
0x4dd: {  	[tilespmem:s13], [sflag:$0x1] =	stream.indirect_vreg.gather [hbm4b:s5+s1], $0x80, v23, vm0, $0xb8;
	[tilespmem:$0x13100] =	vst v63  }
0x4de: {  	s14 =	simm.s32 $0x10180;
	v35 =	vperm.xlane v21, v11;
	v23 =	vadd.s32 v7, v34  }
0x4df: {  	[tilespmem:s14], [sflag:$0x1] =	stream.indirect_vreg.gather [hbm4b:s5+s1], $0x80, v24, vm0, $0xb8;
	[tilespmem:$0x13100] =	vst v63  }
0x4e0: {  	s15 =	simm.s32 $0x10200;
	v37 =	vperm.xlane v21, v12;
	v36 =	vadd.s32 v7, v35  }
0x4e1: {  	[tilespmem:s15], [sflag:$0x1] =	stream.indirect_vreg.gather [hbm4b:s5+s1], $0x80, v22, vm0, $0xb8;
	[tilespmem:$0x13100] =	vst v63  }
0x4e2: {  	v38 =	vperm.xlane v21, v4;
	s12 =	simm.s32 $0x10280;
	v22 =	vadd.s32 v7, v37  }
0x4e3: {  	[tilespmem:s12], [sflag:$0x1] =	stream.indirect_vreg.gather [hbm4b:s5+s1], $0x80, v23, vm0, $0xb8;
	[tilespmem:$0x13100] =	vst v63  }
0x4e4: {  	v39 =	vperm.xlane v21, v13;
	s13 =	simm.s32 $0x10300;
	v23 =	vadd.s32 v7, v38  }
0x4e5: {  	[tilespmem:s13], [sflag:$0x1] =	stream.indirect_vreg.gather [hbm4b:s5+s1], $0x80, v36, vm0, $0xb8;
	[tilespmem:$0x13100] =	vst v63  }
0x4e6: {  	v41 =	vperm.xlane v21, v14;
	v40 =	vadd.s32 v7, v39;
	s14 =	simm.s32 $0x10380  }
0x4e7: {  	[tilespmem:s14], [sflag:$0x1] =	stream.indirect_vreg.gather [hbm4b:s5+s1], $0x80, v22, vm0, $0xb8;
	[tilespmem:$0x13100] =	vst v63  }
0x4e8: {  	v42 =	vperm.xlane v21, v15;
	s15 =	simm.s32 $0x10400;
	v22 =	vadd.s32 v7, v41  }
0x4e9: {  	[tilespmem:s15], [sflag:$0x1] =	stream.indirect_vreg.gather [hbm4b:s5+s1], $0x80, v23, vm0, $0xb8;
	[tilespmem:$0x13100] =	vst v63  }
0x4ea: {  	v43 =	vperm.xlane v21, v16;
	s12 =	simm.s32 $0x10480;
	v23 =	vadd.s32 v7, v42  }
0x4eb: {  	[tilespmem:s12], [sflag:$0x1] =	stream.indirect_vreg.gather [hbm4b:s5+s1], $0x80, v40, vm0, $0xb8;
	[tilespmem:$0x13100] =	vst v63  }
0x4ec: {  	v45 =	vperm.xlane v21, v17;
	v44 =	vadd.s32 v7, v43;
	s13 =	simm.s32 $0x10500  }
0x4ed: {  	[tilespmem:s13], [sflag:$0x1] =	stream.indirect_vreg.gather [hbm4b:s5+s1], $0x80, v22, vm0, $0xb8;
	[tilespmem:$0x13100] =	vst v63  }
0x4ee: {  	v46 =	vperm.xlane v21, v18;
	s14 =	simm.s32 $0x10580;
	v22 =	vadd.s32 v7, v45  }
0x4ef: {  	[tilespmem:s14], [sflag:$0x1] =	stream.indirect_vreg.gather [hbm4b:s5+s1], $0x80, v23, vm0, $0xb8;
	[tilespmem:$0x13100] =	vst v63  }
0x4f0: {  	v47 =	vperm.xlane v21, v19;
	s15 =	simm.s32 $0x10600;
	v23 =	vadd.s32 v7, v46  }
0x4f1: {  	[tilespmem:s15], [sflag:$0x1] =	stream.indirect_vreg.gather [hbm4b:s5+s1], $0x80, v44, vm0, $0xb8;
	[tilespmem:$0x13100] =	vst v63  }
0x4f2: {  	v21 =	vperm.xlane v21, v20;
	v48 =	vadd.s32 v7, v47;
	s12 =	simm.s32 $0x10680  }
0x4f3: {  	[tilespmem:s12], [sflag:$0x1] =	stream.indirect_vreg.gather [hbm4b:s5+s1], $0x80, v22, vm0, $0xb8;
	[tilespmem:$0x13100] =	vst v63  }
0x4f4: {  	v21 =	vadd.s32 v7, v21;
	s13 =	simm.s32 $0x10700  }
0x4f5: {  	[tilespmem:s13], [sflag:$0x1] =	stream.indirect_vreg.gather [hbm4b:s5+s1], $0x80, v23, vm0, $0xb8;
	[tilespmem:$0x13100] =	vst v63  }
0x4f6: {  	s14 =	simm.s32 $0x10780  }
0x4f7: {  	[tilespmem:s14], [sflag:$0x1] =	stream.indirect_vreg.gather [hbm4b:s5+s1], $0x80, v48, vm0, $0xb8;
	[tilespmem:$0x13100] =	vst v63  }
0x4f8: {  	s15 =	simm.s32 $0x10800  }
0x4f9: {  	[tilespmem:s15], [sflag:$0x1] =	stream.indirect_vreg.gather [hbm4b:s5+s1], $0x80, v21, vm0, $0xb8;
	[tilespmem:$0x13100] =	vst v63  }
0x4fa: {  	v21 =	vld [tilespmem:$0x11D0];
	_ =	sdelay $0x4  }
0x4fb: {  	v22 =	vshll.u32 v21, $0x3  }
0x4fc: {  	v21 =	vand.u32 $0x7, v21;
	v22 =	vand.u32 $0xFFFFFFC0, v22  }
0x4fd: {  	v21 =	vor.u32 v21, v22  }
0x4fe: {  	v22 =	vperm.xlane v21, v6;
	_ =	sdelay $0x1  }
0x4ff: {  	v23 =	vperm.xlane v21, v8;
	v22 =	vadd.s32 v7, v22;
	_ =	sdelay $0x1  }
0x500: {  	v49 =	vperm.xlane v21, v9;
	v23 =	vadd.s32 v7, v23;
	_ =	sdelay $0x1  }
0x501: {  	s12 =	simm.s32 $0x10880;
	v50 =	vperm.xlane v21, v5;
	v24 =	vadd.s32 v7, v49  }
0x502: {  	[tilespmem:s12], [sflag:$0x1] =	stream.indirect_vreg.gather [hbm4b:s5+s1], $0x80, v22, vm0, $0xb8;
	[tilespmem:$0x13100] =	vst v63  }
0x503: {  	s13 =	simm.s32 $0x10900;
	v51 =	vperm.xlane v21, v10;
	v22 =	vadd.s32 v7, v50  }
0x504: {  	[tilespmem:s13], [sflag:$0x1] =	stream.indirect_vreg.gather [hbm4b:s5+s1], $0x80, v23, vm0, $0xb8;
	[tilespmem:$0x13100] =	vst v63  }
0x505: {  	s14 =	simm.s32 $0x10980;
	v52 =	vperm.xlane v21, v11;
	v23 =	vadd.s32 v7, v51  }
0x506: {  	[tilespmem:s14], [sflag:$0x1] =	stream.indirect_vreg.gather [hbm4b:s5+s1], $0x80, v24, vm0, $0xb8;
	[tilespmem:$0x13100] =	vst v63  }
0x507: {  	s15 =	simm.s32 $0x10A00;
	v54 =	vperm.xlane v21, v12;
	v53 =	vadd.s32 v7, v52  }
0x508: {  	[tilespmem:s15], [sflag:$0x1] =	stream.indirect_vreg.gather [hbm4b:s5+s1], $0x80, v22, vm0, $0xb8;
	[tilespmem:$0x13100] =	vst v63  }
0x509: {  	v55 =	vperm.xlane v21, v4;
	s12 =	simm.s32 $0x10A80;
	v22 =	vadd.s32 v7, v54  }
0x50a: {  	[tilespmem:s12], [sflag:$0x1] =	stream.indirect_vreg.gather [hbm4b:s5+s1], $0x80, v23, vm0, $0xb8;
	[tilespmem:$0x13100] =	vst v63  }
0x50b: {  	v56 =	vperm.xlane v21, v13;
	s13 =	simm.s32 $0x10B00;
	v23 =	vadd.s32 v7, v55  }
0x50c: {  	[tilespmem:s13], [sflag:$0x1] =	stream.indirect_vreg.gather [hbm4b:s5+s1], $0x80, v53, vm0, $0xb8;
	[tilespmem:$0x13100] =	vst v63  }
0x50d: {  	v58 =	vperm.xlane v21, v14;
	v57 =	vadd.s32 v7, v56;
	s14 =	simm.s32 $0x10B80  }
0x50e: {  	[tilespmem:s14], [sflag:$0x1] =	stream.indirect_vreg.gather [hbm4b:s5+s1], $0x80, v22, vm0, $0xb8;
	[tilespmem:$0x13100] =	vst v63  }
0x50f: {  	v59 =	vperm.xlane v21, v15;
	s15 =	simm.s32 $0x10C00;
	v22 =	vadd.s32 v7, v58  }
0x510: {  	[tilespmem:s15], [sflag:$0x1] =	stream.indirect_vreg.gather [hbm4b:s5+s1], $0x80, v23, vm0, $0xb8;
	[tilespmem:$0x13100] =	vst v63  }
0x511: {  	v60 =	vperm.xlane v21, v16;
	s12 =	simm.s32 $0x10C80;
	v23 =	vadd.s32 v7, v59  }
0x512: {  	[tilespmem:s12], [sflag:$0x1] =	stream.indirect_vreg.gather [hbm4b:s5+s1], $0x80, v57, vm0, $0xb8;
	[tilespmem:$0x13100] =	vst v63  }
0x513: {  	v62 =	vperm.xlane v21, v17;
	v61 =	vadd.s32 v7, v60;
	s13 =	simm.s32 $0x10D00  }
0x514: {  	[tilespmem:s13], [sflag:$0x1] =	stream.indirect_vreg.gather [hbm4b:s5+s1], $0x80, v22, vm0, $0xb8;
	[tilespmem:$0x13100] =	vst v63  }
0x515: {  	v63 =	vperm.xlane v21, v18;
	s14 =	simm.s32 $0x10D80;
	v22 =	vadd.s32 v7, v62  }
0x516: {  	[tilespmem:s14], [sflag:$0x1] =	stream.indirect_vreg.gather [hbm4b:s5+s1], $0x80, v23, vm0, $0xb8;
	[tilespmem:$0x13100] =	vst v63  }
0x517: {  	v28 =	vperm.xlane v21, v19;
	s15 =	simm.s32 $0x10E00;
	v23 =	vadd.s32 v7, v63  }
0x518: {  	[tilespmem:s15], [sflag:$0x1] =	stream.indirect_vreg.gather [hbm4b:s5+s1], $0x80, v61, vm0, $0xb8;
	[tilespmem:$0x13100] =	vst v63  }
0x519: {  	v21 =	vperm.xlane v21, v20;
	v29 =	vadd.s32 v7, v28;
	s12 =	simm.s32 $0x10E80  }
0x51a: {  	[tilespmem:s12], [sflag:$0x1] =	stream.indirect_vreg.gather [hbm4b:s5+s1], $0x80, v22, vm0, $0xb8;
	[tilespmem:$0x13100] =	vst v63  }
0x51b: {  	v21 =	vadd.s32 v7, v21;
	s13 =	simm.s32 $0x10F00  }
0x51c: {  	[tilespmem:s13], [sflag:$0x1] =	stream.indirect_vreg.gather [hbm4b:s5+s1], $0x80, v23, vm0, $0xb8;
	[tilespmem:$0x13100] =	vst v63  }
0x51d: {  	s14 =	simm.s32 $0x10F80  }
0x51e: {  	[tilespmem:s14], [sflag:$0x1] =	stream.indirect_vreg.gather [hbm4b:s5+s1], $0x80, v29, vm0, $0xb8;
	[tilespmem:$0x13100] =	vst v63  }
0x51f: {  	s15 =	simm.s32 $0x11000  }
0x520: {  	[tilespmem:s15], [sflag:$0x1] =	stream.indirect_vreg.gather [hbm4b:s5+s1], $0x80, v21, vm0, $0xb8;
	[tilespmem:$0x13100] =	vst v63  }
0x521: {  	v21 =	vld [tilespmem:$0x11E0];
	_ =	sdelay $0x4  }
0x522: {  	v22 =	vshll.u32 v21, $0x3  }
0x523: {  	v21 =	vand.u32 $0x7, v21;
	v22 =	vand.u32 $0xFFFFFFC0, v22  }
0x524: {  	v21 =	vor.u32 v21, v22  }
0x525: {  	v22 =	vperm.xlane v21, v6;
	_ =	sdelay $0x1  }
0x526: {  	v23 =	vperm.xlane v21, v8;
	v22 =	vadd.s32 v7, v22;
	_ =	sdelay $0x1  }
0x527: {  	v30 =	vperm.xlane v21, v9;
	v23 =	vadd.s32 v7, v23;
	_ =	sdelay $0x1  }
0x528: {  	s12 =	simm.s32 $0x11080;
	v31 =	vperm.xlane v21, v5;
	v24 =	vadd.s32 v7, v30  }
0x529: {  	[tilespmem:s12], [sflag:$0x1] =	stream.indirect_vreg.gather [hbm4b:s5+s1], $0x80, v22, vm0, $0xb8;
	[tilespmem:$0x13100] =	vst v63  }
0x52a: {  	s13 =	simm.s32 $0x11100;
	v32 =	vperm.xlane v21, v10;
	v22 =	vadd.s32 v7, v31  }
0x52b: {  	[tilespmem:s13], [sflag:$0x1] =	stream.indirect_vreg.gather [hbm4b:s5+s1], $0x80, v23, vm0, $0xb8;
	[tilespmem:$0x13100] =	vst v63  }
0x52c: {  	s14 =	simm.s32 $0x11180;
	v33 =	vperm.xlane v21, v11;
	v23 =	vadd.s32 v7, v32  }
0x52d: {  	[tilespmem:s14], [sflag:$0x1] =	stream.indirect_vreg.gather [hbm4b:s5+s1], $0x80, v24, vm0, $0xb8;
	[tilespmem:$0x13100] =	vst v63  }
0x52e: {  	s15 =	simm.s32 $0x11200;
	v35 =	vperm.xlane v21, v12;
	v34 =	vadd.s32 v7, v33  }
0x52f: {  	[tilespmem:s15], [sflag:$0x1] =	stream.indirect_vreg.gather [hbm4b:s5+s1], $0x80, v22, vm0, $0xb8;
	[tilespmem:$0x13100] =	vst v63  }
0x530: {  	v36 =	vperm.xlane v21, v4;
	s12 =	simm.s32 $0x11280;
	v22 =	vadd.s32 v7, v35  }
0x531: {  	[tilespmem:s12], [sflag:$0x1] =	stream.indirect_vreg.gather [hbm4b:s5+s1], $0x80, v23, vm0, $0xb8;
	[tilespmem:$0x13100] =	vst v63  }
0x532: {  	v37 =	vperm.xlane v21, v13;
	s13 =	simm.s32 $0x11300;
	v23 =	vadd.s32 v7, v36  }
0x533: {  	[tilespmem:s13], [sflag:$0x1] =	stream.indirect_vreg.gather [hbm4b:s5+s1], $0x80, v34, vm0, $0xb8;
	[tilespmem:$0x13100] =	vst v63  }
0x534: {  	v39 =	vperm.xlane v21, v14;
	v38 =	vadd.s32 v7, v37;
	s14 =	simm.s32 $0x11380  }
0x535: {  	[tilespmem:s14], [sflag:$0x1] =	stream.indirect_vreg.gather [hbm4b:s5+s1], $0x80, v22, vm0, $0xb8;
	[tilespmem:$0x13100] =	vst v63  }
0x536: {  	v40 =	vperm.xlane v21, v15;
	s15 =	simm.s32 $0x11400;
	v22 =	vadd.s32 v7, v39  }
0x537: {  	[tilespmem:s15], [sflag:$0x1] =	stream.indirect_vreg.gather [hbm4b:s5+s1], $0x80, v23, vm0, $0xb8;
	[tilespmem:$0x13100] =	vst v63  }
0x538: {  	v41 =	vperm.xlane v21, v16;
	s12 =	simm.s32 $0x11480;
	v23 =	vadd.s32 v7, v40  }
0x539: {  	[tilespmem:s12], [sflag:$0x1] =	stream.indirect_vreg.gather [hbm4b:s5+s1], $0x80, v38, vm0, $0xb8;
	[tilespmem:$0x13100] =	vst v63  }
0x53a: {  	v43 =	vperm.xlane v21, v17;
	v42 =	vadd.s32 v7, v41;
	s13 =	simm.s32 $0x11500  }
0x53b: {  	[tilespmem:s13], [sflag:$0x1] =	stream.indirect_vreg.gather [hbm4b:s5+s1], $0x80, v22, vm0, $0xb8;
	[tilespmem:$0x13100] =	vst v63  }
0x53c: {  	v44 =	vperm.xlane v21, v18;
	s14 =	simm.s32 $0x11580;
	v22 =	vadd.s32 v7, v43  }
0x53d: {  	[tilespmem:s14], [sflag:$0x1] =	stream.indirect_vreg.gather [hbm4b:s5+s1], $0x80, v23, vm0, $0xb8;
	[tilespmem:$0x13100] =	vst v63  }
0x53e: {  	v45 =	vperm.xlane v21, v19;
	s15 =	simm.s32 $0x11600;
	v23 =	vadd.s32 v7, v44  }
0x53f: {  	[tilespmem:s15], [sflag:$0x1] =	stream.indirect_vreg.gather [hbm4b:s5+s1], $0x80, v42, vm0, $0xb8;
	[tilespmem:$0x13100] =	vst v63  }
0x540: {  	v21 =	vperm.xlane v21, v20;
	v46 =	vadd.s32 v7, v45  }
0x541: {  	[tilespmem:s25], [sflag:$0x1] =	stream.indirect_vreg.gather [hbm4b:s5+s1], $0x80, v22, vm0, $0xb8;
	[tilespmem:$0x13100] =	vst v63  }
0x542: {  	v21 =	vadd.s32 v7, v21  }
0x543: {  	[tilespmem:s26], [sflag:$0x1] =	stream.indirect_vreg.gather [hbm4b:s5+s1], $0x80, v23, vm0, $0xb8;
	[tilespmem:$0x13100] =	vst v63  }
0x544: {  	_ = 	snop  }
0x545: {  	[tilespmem:s29], [sflag:$0x1] =	stream.indirect_vreg.gather [hbm4b:s5+s1], $0x80, v46, vm0, $0xb8;
	[tilespmem:$0x13100] =	vst v63  }
0x546: {  	_ = 	snop  }
0x547: {  	[tilespmem:s28], [sflag:$0x1] =	stream.indirect_vreg.gather [hbm4b:s5+s1], $0x80, v21, vm0, $0xb8;
	[tilespmem:$0x13100] =	vst v63  }
0x548: {  	v21 =	vld [tilespmem:$0x11F0];
	_ =	sdelay $0x4  }
0x549: {  	v22 =	vshll.u32 v21, $0x3  }
0x54a: {  	v21 =	vand.u32 $0x7, v21;
	v22 =	vand.u32 $0xFFFFFFC0, v22  }
0x54b: {  	v21 =	vor.u32 v21, v22  }
0x54c: {  	v22 =	vperm.xlane v21, v6;
	_ =	sdelay $0x1  }
0x54d: {  	v23 =	vperm.xlane v21, v8;
	v22 =	vadd.s32 v7, v22;
	_ =	sdelay $0x1  }
0x54e: {  	v47 =	vperm.xlane v21, v9;
	v23 =	vadd.s32 v7, v23;
	_ =	sdelay $0x1  }
0x54f: {  	v48 =	vperm.xlane v21, v5;
	v24 =	vadd.s32 v7, v47  }
0x550: {  	[tilespmem:s24], [sflag:$0x1] =	stream.indirect_vreg.gather [hbm4b:s5+s1], $0x80, v22, vm0, $0xb8;
	[tilespmem:$0x13100] =	vst v63  }
0x551: {  	v49 =	vperm.xlane v21, v10;
	v22 =	vadd.s32 v7, v48  }
0x552: {  	[tilespmem:s23], [sflag:$0x1] =	stream.indirect_vreg.gather [hbm4b:s5+s1], $0x80, v23, vm0, $0xb8;
	[tilespmem:$0x13100] =	vst v63  }
0x553: {  	s12 =	simm.s32 $0x11980;
	v50 =	vperm.xlane v21, v11;
	v23 =	vadd.s32 v7, v49  }
0x554: {  	[tilespmem:s12], [sflag:$0x1] =	stream.indirect_vreg.gather [hbm4b:s5+s1], $0x80, v24, vm0, $0xb8;
	[tilespmem:$0x13100] =	vst v63  }
0x555: {  	v52 =	vperm.xlane v21, v12;
	v51 =	vadd.s32 v7, v50  }
0x556: {  	[tilespmem:s19], [sflag:$0x1] =	stream.indirect_vreg.gather [hbm4b:s5+s1], $0x80, v22, vm0, $0xb8;
	[tilespmem:$0x13100] =	vst v63  }
0x557: {  	v53 =	vperm.xlane v21, v4;
	v22 =	vadd.s32 v7, v52  }
0x558: {  	[tilespmem:s22], [sflag:$0x1] =	stream.indirect_vreg.gather [hbm4b:s5+s1], $0x80, v23, vm0, $0xb8;
	[tilespmem:$0x13100] =	vst v63  }
0x559: {  	v54 =	vperm.xlane v21, v13;
	v23 =	vadd.s32 v7, v53  }
0x55a: {  	[tilespmem:s20], [sflag:$0x1] =	stream.indirect_vreg.gather [hbm4b:s5+s1], $0x80, v51, vm0, $0xb8;
	[tilespmem:$0x13100] =	vst v63  }
0x55b: {  	v56 =	vperm.xlane v21, v14;
	v55 =	vadd.s32 v7, v54  }
0x55c: {  	[tilespmem:s17], [sflag:$0x1] =	stream.indirect_vreg.gather [hbm4b:s5+s1], $0x80, v22, vm0, $0xb8;
	[tilespmem:$0x13100] =	vst v63  }
0x55d: {  	v57 =	vperm.xlane v21, v15;
	v22 =	vadd.s32 v7, v56  }
0x55e: {  	[tilespmem:s18], [sflag:$0x1] =	stream.indirect_vreg.gather [hbm4b:s5+s1], $0x80, v23, vm0, $0xb8;
	[tilespmem:$0x13100] =	vst v63  }
0x55f: {  	v58 =	vperm.xlane v21, v16;
	v23 =	vadd.s32 v7, v57  }
0x560: {  	[tilespmem:s16], [sflag:$0x1] =	stream.indirect_vreg.gather [hbm4b:s5+s1], $0x80, v55, vm0, $0xb8;
	[tilespmem:$0x13100] =	vst v63  }
0x561: {  	s13 =	simm.s32 $0x11D00;
	v60 =	vperm.xlane v21, v17;
	v59 =	vadd.s32 v7, v58  }
0x562: {  	[tilespmem:s13], [sflag:$0x1] =	stream.indirect_vreg.gather [hbm4b:s5+s1], $0x80, v22, vm0, $0xb8;
	[tilespmem:$0x13100] =	vst v63  }
0x563: {  	s14 =	simm.s32 $0x11D80;
	v61 =	vperm.xlane v21, v18;
	v22 =	vadd.s32 v7, v60  }
0x564: {  	[tilespmem:s14], [sflag:$0x1] =	stream.indirect_vreg.gather [hbm4b:s5+s1], $0x80, v23, vm0, $0xb8;
	[tilespmem:$0x13100] =	vst v63  }
0x565: {  	s15 =	simm.s32 $0x11E00;
	v62 =	vperm.xlane v21, v19;
	v23 =	vadd.s32 v7, v61  }
0x566: {  	[tilespmem:s15], [sflag:$0x1] =	stream.indirect_vreg.gather [hbm4b:s5+s1], $0x80, v59, vm0, $0xb8;
	[tilespmem:$0x13100] =	vst v63  }
0x567: {  	v21 =	vperm.xlane v21, v20;
	v63 =	vadd.s32 v7, v62;
	s12 =	simm.s32 $0x11E80  }
0x568: {  	[tilespmem:s12], [sflag:$0x1] =	stream.indirect_vreg.gather [hbm4b:s5+s1], $0x80, v22, vm0, $0xb8;
	[tilespmem:$0x13100] =	vst v63  }
0x569: {  	v21 =	vadd.s32 v7, v21;
	s13 =	simm.s32 $0x11F00  }
0x56a: {  	[tilespmem:s13], [sflag:$0x1] =	stream.indirect_vreg.gather [hbm4b:s5+s1], $0x80, v23, vm0, $0xb8;
	[tilespmem:$0x13100] =	vst v63  }
0x56b: {  	s14 =	simm.s32 $0x11F80  }
0x56c: {  	[tilespmem:s14], [sflag:$0x1] =	stream.indirect_vreg.gather [hbm4b:s5+s1], $0x80, v63, vm0, $0xb8;
	[tilespmem:$0x13100] =	vst v63  }
0x56d: {  	s15 =	simm.s32 $0x12000  }
0x56e: {  	[tilespmem:s15], [sflag:$0x1] =	stream.indirect_vreg.gather [hbm4b:s5+s1], $0x80, v21, vm0, $0xb8;
	[tilespmem:$0x13100] =	vst v63  }
0x56f: {  	_ =	swait.ge [sflag:s30], $0x1000  }
0x570: {  	[sflag:s30] =	ssyncset.done $0x0  }
0x571: {  	[sflag:s30] =	ssyncadd.s32 $0xFFFFF000  }
0x572: {  	v21 =	vld.idx.msk [tilespmem:v2+s11+$0x0], $0xffff;
	_ =	sdelay $0x4  }
0x573: {  	[tilespmem:$0x13080] =	vst v21  }
0x574: {  	v21 =	vld.idx.msk [tilespmem:v3+s11+$0x0], $0xffff  }
.Ltmp3:
0x575: {  	_ = 	snop;
	(pc) =	sbr.rel .LBB2_4-.Ltmp3, $2  }
0x576: {  	_ =	sdelay $0x2  }
0x577: {  	s10 =	simm.s32 $0x12F0;
	s12 =	simm.s32 $0x0;
	s13 =	simm.s32 $0x0;
	[tilespmem:$0x13090] =	vst v21;
	v21 =	vimm.f32 $0.0e+00  }
.LBB2_6:
0x578: {  	s15 =	sadd.s32 s1, s8  }
0x579: {  	s14 =	sand.u32 $0x1, s13;
	v22 =	vmov s1;
	v23 =	vmov s15  }
0x57a: {  	v22 =	vand.u32 $0xFFFFFFFE, v22;
	s14 =	sshll.u32 s14, $0xF;
	v24 =	vand.u32 $0xFFFFFF80, v23  }
0x57b: {  	v22 =	vbroadcast v22, $0x0;
	v23 =	vand.u32 $0x7E, v23;
	v24 =	vadd.s32 s14, v24  }
0x57c: {  	v24 =	vor.u32 v23, v24  }
0x57d: {  	v23 =	vadd.s32 v0, v24;
	_ =	sdelay $0x3  }
0x57e: {  	v22 =	vld.idx.msk [tilespmem:v22+s31+$0x0], $0xffff  }
0x57f: {  	v23 =	vld.idx.msk [tilespmem:v23+s21+$0x0], $0xffff;
	_ =	sdelay $0x4  }
0x580: {  	v27 =	vsub.f32 v22, v23;
	_ =	sdelay $0x1  }
0x581: {  	v25 =	vadd.s32 v1, v24;
	v23 =	vand.u32 $0x7FFFFFFF, v27  }
0x582: {  	v23 =	vsub.f32 $0.0e+00, v23;
	_ =	sdelay $0x1  }
0x583: {  	v23 =	vmul.f32 $1.442695020e+00, v23;
	_ =	sdelay $0x1  }
0x584: {  	v25 =	vld.idx.msk [tilespmem:v25+s21+$0x0], $0xffff;
	(erf) = vpow2.f32 v23  }
0x585: {  	v23 =	vor.u32 $0x1000, v0  }
0x586: {  	v23 =	vadd.s32 v23, v24;
	_ =	sdelay $0x2  }
0x587: {  	v25 =	vsub.f32 v22, v25;
	_ =	sdelay $0x1  }
0x588: {  	v26 =	vand.u32 $0x7FFFFFFF, v25;
	v23 =	vld.idx.msk [tilespmem:v23+s21+$0x0], $0xffff  }
0x589: {  	v26 =	vsub.f32 $0.0e+00, v26  }
0x58a: {  	v29 =	vpop (erf)  }
0x58b: {  	v28 =	vor.u32 $0x1800, v0;
	v26 =	vmul.f32 $1.442695020e+00, v26;
	v53 =	vmul.f32 $1.741407810e-02, v29  }
0x58c: {  	v52 =	vadd.s32 v28, v24  }
0x58d: {  	(erf) = vpow2.f32 v26;
	v30 =	vsub.f32 v22, v23;
	v28 =	vsub.f32 $8.269123730e-02, v53;
	_ =	sdelay $0x1  }
0x58e: {  	v54 =	vand.u32 $0x7FFFFFFF, v30;
	v23 =	vmul.f32 v28, v29  }
0x58f: {  	v28 =	vsub.f32 $0.0e+00, v54  }
0x590: {  	v31 =	vor.u32 $0x2000, v0;
	v23 =	vadd.f32 $-1.903543320e-01, v23  }
0x591: {  	v31 =	vadd.s32 v31, v24;
	v26 =	vld.idx.msk [tilespmem:v52+s21+$0x0], $0xffff;
	v28 =	vmul.f32 $1.442695020e+00, v28  }
0x592: {  	v32 =	vmul.f32 v23, v29  }
0x593: {  	(erf) = vpow2.f32 v28  }
0x594: {  	v55 =	vadd.f32 $3.157473210e-01, v32  }
0x595: {  	v33 =	vpop (erf)  }
0x596: {  	v56 =	vld.idx.msk [tilespmem:v31+s21+$0x0], $0xffff;
	v34 =	vmul.f32 $1.741407810e-02, v33;
	v23 =	vsub.f32 v22, v26;
	v26 =	vmul.f32 v55, v29  }
0x597: {  	v59 =	vor.u32 $0x2800, v0  }
0x598: {  	v57 =	vsub.f32 $8.269123730e-02, v34;
	v34 =	vadd.s32 v59, v24;
	v35 =	vadd.f32 $-4.973732230e-01, v26  }
0x599: {  	v58 =	vand.u32 $0x7FFFFFFF, v23  }
0x59a: {  	v32 =	vsub.f32 $0.0e+00, v58  }
0x59b: {  	v37 =	vor.u32 $0x3000, v0;
	v31 =	vmul.f32 v57, v33;
	v26 =	vsub.f32 v22, v56  }
0x59c: {  	v63 =	vadd.s32 v37, v24;
	v32 =	vmul.f32 $1.442695020e+00, v32;
	v60 =	vmul.f32 v35, v29;
	v35 =	vpop (erf)  }
0x59d: {  	v34 =	vld.idx.msk [tilespmem:v34+s21+$0x0], $0xffff;
	v61 =	vand.u32 $0x7FFFFFFF, v26;
	v36 =	vmul.f32 $1.741407810e-02, v35  }
0x59e: {  	v31 =	vadd.f32 $-1.903543320e-01, v31;
	(erf) = vpow2.f32 v32;
	v32 =	vsub.f32 $0.0e+00, v61  }
0x59f: {  	v49 =	vor.u32 $0x3800, v0;
	v27 =	vmin.f32 v27, $0.0e+00;
	v36 =	vsub.f32 $8.269123730e-02, v36  }
0x5a0: {  	v50 =	vmin.f32 v25, $0.0e+00;
	v31 =	vmul.f32 v31, v33;
	v62 =	vmul.f32 $1.442695020e+00, v32  }
0x5a1: {  	v24 =	vadd.s32 v49, v24;
	v28 =	vadd.f32 $9.998477100e-01, v60;
	v32 =	vld.idx.msk [tilespmem:v63+s21+$0x0], $0xffff;
	v41 =	vmul.f32 v36, v35  }
0x5a2: {  	v31 =	vadd.f32 $3.157473210e-01, v31;
	v34 =	vsub.f32 v22, v34;
	(erf) = vpow2.f32 v62  }
0x5a3: {  	s15 =	sadd.s32 $0x1, s15;
	v59 =	vor.u32 $0x4000, v0;
	v28 =	vmul.f32 v28, v29;
	v43 =	vadd.f32 $-1.903543320e-01, v41  }
0x5a4: {  	v55 =	vmov s15;
	v31 =	vmul.f32 v31, v33;
	v44 =	vand.u32 $0x7FFFFFFF, v34  }
0x5a5: {  	v28 =	vadd.f32 $1.472065040e-06, v28;
	v36 =	vsub.f32 $0.0e+00, v44;
	v47 =	vmul.f32 v43, v35  }
0x5a6: {  	v30 =	vmin.f32 v30, $0.0e+00;
	v39 =	vand.u32 $0xFFFFFF80, v55;
	v32 =	vsub.f32 v22, v32  }
0x5a7: {  	v24 =	vld.idx.msk [tilespmem:v24+s21+$0x0], $0xffff;
	s15 =	sadd.s32 $0x1, s1;
	v27 =	vsub.f32 v27, v28;
	v36 =	vmul.f32 $1.442695020e+00, v36;
	v28 =	vadd.f32 $3.157473210e-01, v47  }
0x5a8: {  	v58 =	vmov s15;
	v40 =	vadd.f32 $-4.973732230e-01, v31;
	v31 =	vpop (erf);
	v53 =	vand.u32 $0x7FFFFFFF, v32  }
0x5a9: {  	v45 =	vmul.f32 $1.741407810e-02, v31;
	(erf) = vpow2.f32 v36;
	v54 =	vsub.f32 $0.0e+00, v53  }
0x5aa: {  	v56 =	vand.u32 $0x7F, v55;
	v57 =	vadd.s32 s14, v39;
	v42 =	vmul.f32 v40, v33  }
0x5ab: {  	v48 =	vsub.f32 $8.269123730e-02, v45;
	v40 =	vmul.f32 $1.442695020e+00, v54;
	v51 =	vmul.f32 v28, v35;
	v28 =	vpop (erf)  }
0x5ac: {  	v24 =	vsub.f32 v22, v24;
	v25 =	vor.u32 v56, v57;
	v52 =	vmul.f32 $1.741407810e-02, v28  }
0x5ad: {  	v46 =	vadd.f32 $9.998477100e-01, v42;
	v29 =	vmul.f32 v48, v31;
	(erf) = vpow2.f32 v40  }
0x5ae: {  	v37 =	vadd.s32 v59, v25;
	v26 =	vmin.f32 v26, $0.0e+00;
	v36 =	vsub.f32 $8.269123730e-02, v52  }
0x5af: {  	v21 =	vadd.f32 v27, v21;
	v27 =	vmul.f32 v46, v33;
	v29 =	vadd.f32 $-1.903543320e-01, v29  }
0x5b0: {  	v44 =	vor.u32 $0x4800, v0;
	v38 =	vadd.f32 $-4.973732230e-01, v51;
	v36 =	vmul.f32 v36, v28  }
0x5b1: {  	v39 =	vadd.s32 v44, v25;
	v27 =	vadd.f32 $1.472065040e-06, v27;
	v29 =	vmul.f32 v29, v31  }
0x5b2: {  	v63 =	vand.u32 $0x7FFFFFFF, v24;
	v60 =	vmul.f32 v38, v35;
	v61 =	vpop (erf);
	v36 =	vadd.f32 $-1.903543320e-01, v36  }
0x5b3: {  	v27 =	vsub.f32 v50, v27;
	v29 =	vadd.f32 $3.157473210e-01, v29;
	v62 =	vmul.f32 $1.741407810e-02, v61  }
0x5b4: {  	v37 =	vld.idx.msk [tilespmem:v37+s21+$0x0], $0xffff;
	v43 =	vsub.f32 $0.0e+00, v63;
	v22 =	vadd.f32 $9.998477100e-01, v60;
	v36 =	vmul.f32 v36, v28  }
0x5b5: {  	v27 =	vadd.f32 v27, v21;
	v21 =	vld.idx.msk [tilespmem:v58+s31+$0x0], $0xffff;
	v29 =	vmul.f32 v29, v31;
	v33 =	vsub.f32 $8.269123730e-02, v62  }
0x5b6: {  	v39 =	vld.idx.msk [tilespmem:v39+s21+$0x0], $0xffff;
	v22 =	vmul.f32 v22, v35;
	v35 =	vmul.f32 $1.442695020e+00, v43;
	v46 =	vpop (erf);
	v36 =	vadd.f32 $3.157473210e-01, v36  }
0x5b7: {  	v59 =	vor.u32 $0x5000, v0;
	v33 =	vmul.f32 v33, v61;
	v41 =	vmul.f32 $1.741407810e-02, v46  }
0x5b8: {  	v29 =	vadd.f32 $-4.973732230e-01, v29;
	v45 =	vadd.f32 $1.472065040e-06, v22;
	v22 =	vmul.f32 v36, v28  }
0x5b9: {  	(erf) = vpow2.f32 v35;
	v33 =	vadd.f32 $-1.903543320e-01, v33;
	v48 =	vsub.f32 $8.269123730e-02, v41  }
0x5ba: {  	v54 =	vmin.f32 v23, $0.0e+00;
	v47 =	vadd.f32 $-4.973732230e-01, v22;
	v22 =	vsub.f32 v21, v37  }
0x5bb: {  	v23 =	vsub.f32 v21, v39;
	v29 =	vmul.f32 v29, v31;
	v30 =	vsub.f32 v30, v45  }
0x5bc: {  	v33 =	vmul.f32 v33, v61;
	v53 =	vmul.f32 v48, v46;
	v49 =	vand.u32 $0x7FFFFFFF, v22  }
0x5bd: {  	v44 =	vor.u32 $0x6000, v0;
	v29 =	vadd.f32 $9.998477100e-01, v29;
	v51 =	vsub.f32 $0.0e+00, v49  }
0x5be: {  	v32 =	vmin.f32 v32, $0.0e+00;
	v50 =	vadd.f32 $3.157473210e-01, v33;
	v55 =	vadd.f32 $-1.903543320e-01, v53  }
0x5bf: {  	v39 =	vadd.s32 v59, v25;
	v29 =	vmul.f32 v29, v31;
	v33 =	vmul.f32 $1.442695020e+00, v51  }
0x5c0: {  	v27 =	vadd.f32 v30, v27;
	v31 =	vmul.f32 v50, v61;
	v30 =	vmul.f32 v55, v46  }
0x5c1: {  	v29 =	vadd.f32 $1.472065040e-06, v29;
	v35 =	vmul.f32 v47, v28;
	(erf) = vpow2.f32 v33  }
0x5c2: {  	v58 =	vand.u32 $0x7FFFFFFF, v23;
	v56 =	vpop (erf);
	v31 =	vadd.f32 $-4.973732230e-01, v31;
	v30 =	vadd.f32 $3.157473210e-01, v30  }
0x5c3: {  	v37 =	vsub.f32 $0.0e+00, v58;
	v57 =	vmul.f32 $1.741407810e-02, v56;
	v52 =	vadd.f32 $9.998477100e-01, v35  }
0x5c4: {  	v29 =	vsub.f32 v54, v29;
	v31 =	vmul.f32 v31, v61;
	v30 =	vmul.f32 v30, v46  }
0x5c5: {  	v40 =	vld.idx.msk [tilespmem:v39+s21+$0x0], $0xffff;
	v37 =	vmul.f32 $1.442695020e+00, v37;
	v35 =	vsub.f32 $8.269123730e-02, v57;
	v28 =	vmul.f32 v52, v28  }
0x5c6: {  	v41 =	vor.u32 $0x5800, v0;
	v31 =	vadd.f32 $9.998477100e-01, v31;
	v30 =	vadd.f32 $-4.973732230e-01, v30  }
0x5c7: {  	v60 =	vmul.f32 v35, v56;
	v28 =	vadd.f32 $1.472065040e-06, v28;
	(erf) = vpow2.f32 v37  }
0x5c8: {  	v50 =	vor.u32 $0x7000, v0;
	v61 =	vmul.f32 v31, v61;
	v31 =	vadd.s32 v41, v25  }
0x5c9: {  	v47 =	vor.u32 $0x6800, v0;
	v26 =	vsub.f32 v26, v28;
	v28 =	vadd.f32 $-1.903543320e-01, v60  }
0x5ca: {  	v27 =	vadd.f32 v29, v27;
	v35 =	vsub.f32 v21, v40;
	v63 =	vmul.f32 v30, v46;
	v30 =	vpop (erf)  }
0x5cb: {  	v62 =	vadd.f32 $1.472065040e-06, v61;
	v28 =	vmul.f32 v28, v56;
	v38 =	vmul.f32 $1.741407810e-02, v30  }
0x5cc: {  	v39 =	vadd.s32 v47, v25;
	v26 =	vadd.f32 v26, v27;
	v29 =	vadd.f32 $9.998477100e-01, v63  }
0x5cd: {  	v37 =	vmin.f32 v34, $0.0e+00;
	v28 =	vadd.f32 $3.157473210e-01, v28;
	v31 =	vld.idx.msk [tilespmem:v31+s21+$0x0], $0xffff;
	v34 =	vsub.f32 $8.269123730e-02, v38  }
0x5ce: {  	v27 =	vsub.f32 v37, v62;
	v42 =	vmul.f32 v29, v46;
	v46 =	vand.u32 $0x7FFFFFFF, v35  }
0x5cf: {  	v28 =	vmul.f32 v28, v56;
	v43 =	vmul.f32 v34, v30;
	v34 =	vadd.s32 v44, v25  }
0x5d0: {  	v51 =	vor.u32 $0x7800, v0;
	v26 =	vadd.f32 v27, v26;
	v36 =	vpop (erf);
	v38 =	vsub.f32 $0.0e+00, v46  }
0x5d1: {  	v27 =	vadd.f32 $1.472065040e-06, v42;
	v28 =	vadd.f32 $-4.973732230e-01, v28;
	v45 =	vmul.f32 $1.741407810e-02, v36  }
0x5d2: {  	v31 =	vsub.f32 v21, v31;
	v49 =	vmul.f32 $1.442695020e+00, v38;
	v38 =	vadd.s32 v50, v25  }
0x5d3: {  	v53 =	vld.idx.msk [tilespmem:v39+s21+$0x0], $0xffff;
	v28 =	vmul.f32 v28, v56;
	v48 =	vsub.f32 $8.269123730e-02, v45;
	v25 =	vadd.s32 v51, v25  }
0x5d4: {  	v27 =	vsub.f32 v32, v27;
	v54 =	vand.u32 $0x7FFFFFFF, v31;
	v34 =	vld.idx.msk [tilespmem:v34+s21+$0x0], $0xffff  }
0x5d5: {  	v28 =	vadd.f32 $9.998477100e-01, v28;
	v32 =	vmul.f32 v48, v36;
	(erf) = vpow2.f32 v49  }
0x5d6: {  	v24 =	vmin.f32 v24, $0.0e+00;
	v33 =	vsub.f32 $0.0e+00, v54;
	v29 =	vadd.f32 $-1.903543320e-01, v43  }
0x5d7: {  	v26 =	vadd.f32 v27, v26;
	v52 =	vmul.f32 v28, v56;
	v32 =	vadd.f32 $-1.903543320e-01, v32;
	v55 =	vld.idx.msk [tilespmem:v38+s21+$0x0], $0xffff  }
0x5d8: {  	v33 =	vmul.f32 $1.442695020e+00, v33;
	v28 =	vsub.f32 v21, v53;
	v29 =	vmul.f32 v29, v30;
	v25 =	vld.idx.msk [tilespmem:v25+s21+$0x0], $0xffff  }
0x5d9: {  	v27 =	vadd.f32 $1.472065040e-06, v52;
	v32 =	vmul.f32 v32, v36;
	v34 =	vsub.f32 v21, v34  }
0x5da: {  	(erf) = vpow2.f32 v33;
	v59 =	vand.u32 $0x7FFFFFFF, v28;
	v29 =	vadd.f32 $3.157473210e-01, v29  }
0x5db: {  	v33 =	vsub.f32 $0.0e+00, v59;
	v24 =	vsub.f32 v24, v27;
	v56 =	vand.u32 $0x7FFFFFFF, v34  }
0x5dc: {  	v29 =	vmul.f32 v29, v30;
	v37 =	vsub.f32 v21, v55;
	v38 =	vsub.f32 $0.0e+00, v56  }
0x5dd: {  	v57 =	vadd.f32 $3.157473210e-01, v32;
	v62 =	vmul.f32 $1.442695020e+00, v33;
	v21 =	vsub.f32 v21, v25  }
0x5de: {  	v29 =	vadd.f32 $-4.973732230e-01, v29;
	v60 =	vpop (erf);
	v63 =	vand.u32 $0x7FFFFFFF, v37;
	v58 =	vmul.f32 $1.442695020e+00, v38  }
0x5df: {  	v61 =	vmul.f32 $1.741407810e-02, v60;
	v40 =	vand.u32 $0x7FFFFFFF, v21;
	v33 =	vsub.f32 $0.0e+00, v63  }
0x5e0: {  	v27 =	vmul.f32 v57, v36;
	v32 =	vsub.f32 $0.0e+00, v40;
	(erf) = vpow2.f32 v58  }
0x5e1: {  	v29 =	vmul.f32 v29, v30;
	v39 =	vsub.f32 $8.269123730e-02, v61;
	v33 =	vmul.f32 $1.442695020e+00, v33  }
0x5e2: {  	v27 =	vadd.f32 $-4.973732230e-01, v27;
	v43 =	vmul.f32 $1.442695020e+00, v32;
	(erf) = vpow2.f32 v62  }
0x5e3: {  	v29 =	vadd.f32 $9.998477100e-01, v29;
	v42 =	vpop (erf);
	v25 =	vmul.f32 v39, v60;
	(erf) = vpow2.f32 v33  }
0x5e4: {  	v27 =	vmul.f32 v27, v36;
	v44 =	vmul.f32 $1.741407810e-02, v42  }
0x5e5: {  	v41 =	vmul.f32 v29, v30;
	v25 =	vadd.f32 $-1.903543320e-01, v25;
	(erf) = vpow2.f32 v43  }
0x5e6: {  	v24 =	vadd.f32 v24, v26;
	v27 =	vadd.f32 $9.998477100e-01, v27  }
0x5e7: {  	v45 =	vsub.f32 $8.269123730e-02, v44;
	v26 =	vadd.f32 $1.472065040e-06, v41;
	v25 =	vmul.f32 v25, v60  }
0x5e8: {  	v23 =	vmin.f32 v23, $0.0e+00;
	v22 =	vmin.f32 v22, $0.0e+00;
	v27 =	vmul.f32 v27, v36  }
0x5e9: {  	v47 =	vmul.f32 v45, v42;
	v22 =	vsub.f32 v22, v26;
	v25 =	vadd.f32 $3.157473210e-01, v25;
	v46 =	vpop (erf)  }
0x5ea: {  	v35 =	vmin.f32 v35, $0.0e+00;
	v27 =	vadd.f32 $1.472065040e-06, v27;
	v48 =	vmul.f32 $1.741407810e-02, v46  }
0x5eb: {  	v22 =	vadd.f32 v22, v24;
	v24 =	vadd.f32 $-1.903543320e-01, v47;
	v25 =	vmul.f32 v25, v60;
	v49 =	vpop (erf)  }
0x5ec: {  	v23 =	vsub.f32 v23, v27;
	v50 =	vmul.f32 $1.741407810e-02, v49;
	v51 =	vpop (erf);
	v26 =	vsub.f32 $8.269123730e-02, v48  }
0x5ed: {  	v24 =	vmul.f32 v24, v42;
	v25 =	vadd.f32 $-4.973732230e-01, v25;
	v52 =	vmul.f32 $1.741407810e-02, v51  }
0x5ee: {  	v22 =	vadd.f32 v23, v22;
	v53 =	vpop (erf);
	v33 =	vsub.f32 $8.269123730e-02, v50;
	v26 =	vmul.f32 v26, v46  }
0x5ef: {  	v23 =	vmul.f32 v25, v60;
	v54 =	vmul.f32 $1.741407810e-02, v53;
	v25 =	vsub.f32 $8.269123730e-02, v52  }
0x5f0: {  	v24 =	vadd.f32 $3.157473210e-01, v24;
	v33 =	vmul.f32 v33, v49;
	v26 =	vadd.f32 $-1.903543320e-01, v26  }
0x5f1: {  	v23 =	vadd.f32 $9.998477100e-01, v23;
	v55 =	vsub.f32 $8.269123730e-02, v54;
	v25 =	vmul.f32 v25, v51  }
0x5f2: {  	v24 =	vmul.f32 v24, v42;
	v33 =	vadd.f32 $-1.903543320e-01, v33;
	v26 =	vmul.f32 v26, v46  }
0x5f3: {  	v23 =	vmul.f32 v23, v60;
	v38 =	vmul.f32 v55, v53;
	v25 =	vadd.f32 $-1.903543320e-01, v25  }
0x5f4: {  	v24 =	vadd.f32 $-4.973732230e-01, v24;
	v33 =	vmul.f32 v33, v49;
	v26 =	vadd.f32 $3.157473210e-01, v26  }
0x5f5: {  	v23 =	vadd.f32 $1.472065040e-06, v23;
	v38 =	vadd.f32 $-1.903543320e-01, v38;
	v25 =	vmul.f32 v25, v51  }
0x5f6: {  	v24 =	vmul.f32 v24, v42;
	v33 =	vadd.f32 $3.157473210e-01, v33;
	v26 =	vmul.f32 v26, v46  }
0x5f7: {  	v23 =	vsub.f32 v35, v23;
	v56 =	vmul.f32 v38, v53;
	v25 =	vadd.f32 $3.157473210e-01, v25  }
0x5f8: {  	v24 =	vadd.f32 $9.998477100e-01, v24;
	v33 =	vmul.f32 v33, v49;
	v26 =	vadd.f32 $-4.973732230e-01, v26  }
0x5f9: {  	v22 =	vadd.f32 v23, v22;
	v58 =	vadd.f32 $3.157473210e-01, v56;
	v23 =	vmul.f32 v25, v51  }
0x5fa: {  	v57 =	vadd.f32 $-4.973732230e-01, v33;
	v26 =	vmul.f32 v26, v46  }
0x5fb: {  	v24 =	vmul.f32 v24, v42;
	v25 =	vmul.f32 v58, v53;
	v23 =	vadd.f32 $-4.973732230e-01, v23  }
0x5fc: {  	v29 =	vmul.f32 v57, v49;
	v26 =	vadd.f32 $9.998477100e-01, v26  }
0x5fd: {  	v24 =	vadd.f32 $1.472065040e-06, v24;
	v25 =	vadd.f32 $-4.973732230e-01, v25;
	v23 =	vmul.f32 v23, v51  }
0x5fe: {  	v31 =	vmin.f32 v31, $0.0e+00;
	v29 =	vadd.f32 $9.998477100e-01, v29;
	v26 =	vmul.f32 v26, v46  }
0x5ff: {  	v24 =	vsub.f32 v31, v24;
	v25 =	vmul.f32 v25, v53;
	v23 =	vadd.f32 $9.998477100e-01, v23  }
0x600: {  	v60 =	vmin.f32 v34, $0.0e+00;
	v59 =	vmul.f32 v29, v49;
	v26 =	vadd.f32 $1.472065040e-06, v26  }
0x601: {  	v22 =	vadd.f32 v24, v22;
	v25 =	vadd.f32 $9.998477100e-01, v25;
	v23 =	vmul.f32 v23, v51  }
0x602: {  	v24 =	vadd.f32 $1.472065040e-06, v59;
	v26 =	vsub.f32 v60, v26  }
0x603: {  	v61 =	vmin.f32 v28, $0.0e+00;
	v25 =	vmul.f32 v25, v53;
	v23 =	vadd.f32 $1.472065040e-06, v23  }
0x604: {  	s1 =	sadd.s32 $0x2, s1;
	v24 =	vsub.f32 v61, v24;
	v22 =	vadd.f32 v26, v22  }
0x605: {  	p0 =	sne.s32 s1, $0x20;
	v62 =	vmin.f32 v37, $0.0e+00;
	v63 =	vadd.f32 $1.472065040e-06, v25  }
.Ltmp4:
0x606: {  	v23 =	vsub.f32 v62, v23;
	v22 =	vadd.f32 v24, v22;
	(pc) =	sbr.rel @!p0 .LBB2_7-.Ltmp4, $3  }
0x607: {  	v21 =	vmin.f32 v21, $0.0e+00  }
0x608: {  	v21 =	vsub.f32 v21, v63;
	v22 =	vadd.f32 v23, v22;
	_ =	sdelay $0x1  }
0x609: {  	s13 =	sadd.s32 $0x1, s13;
	s12 =	sadd.s32 $0x8000, s12;
	s10 =	sadd.s32 $0x100, s10;
	v21 =	vadd.f32 v21, v22  }
.LBB2_4:
0x60a: {  	p0 =	sgt.u32 s13, $0xD  }
.Ltmp5:
0x60b: {  	_ = 	snop;
	(pc) =	sbr.rel @p0 .LBB2_6-.Ltmp5, $4  }
0x60c: {  	_ = 	snop  }
0x60d: {  	_ =	swait.ge [sflag:s30], $0x8000  }
0x60e: {  	[sflag:s30] =	ssyncset.done $0x0  }
0x60f: {  	[sflag:s30] =	ssyncadd.s32 $0xFFFF8000  }
0x610: {  	v22 =	vld [tilespmem:s10+$0xFFFFFF10];
	_ =	sdelay $0x4  }
0x611: {  	v23 =	vshll.u32 v22, $0x3  }
0x612: {  	v22 =	vand.u32 $0x7, v22;
	v23 =	vand.u32 $0xFFFFFFC0, v23  }
0x613: {  	v22 =	vor.u32 v22, v23  }
0x614: {  	v23 =	vperm.xlane v22, v6;
	_ =	sdelay $0x1  }
0x615: {  	v24 =	vperm.xlane v22, v8;
	v23 =	vadd.s32 v7, v23;
	_ =	sdelay $0x1  }
0x616: {  	v25 =	vperm.xlane v22, v9;
	v24 =	vadd.s32 v7, v24  }
0x617: {  	s14 =	sand.u32 $0x8000, s12  }
0x618: {  	s15 =	sor.u32 $0x2080, s14;
	v26 =	vperm.xlane v22, v5;
	v25 =	vadd.s32 v7, v25  }
0x619: {  	[tilespmem:s15], [sflag:$0x1] =	stream.indirect_vreg.gather [hbm4b:s5+s2], $0x80, v23, vm0, $0xb8;
	[tilespmem:$0x13100] =	vst v63  }
0x61a: {  	v39 =	vperm.xlane v22, v10;
	s15 =	sor.u32 $0x2100, s14;
	v23 =	vadd.s32 v7, v26  }
0x61b: {  	[tilespmem:s15], [sflag:$0x1] =	stream.indirect_vreg.gather [hbm4b:s5+s2], $0x80, v24, vm0, $0xb8;
	[tilespmem:$0x13100] =	vst v63  }
0x61c: {  	v41 =	vperm.xlane v22, v11;
	v40 =	vadd.s32 v7, v39;
	s15 =	sor.u32 $0x2180, s14  }
0x61d: {  	[tilespmem:s15], [sflag:$0x1] =	stream.indirect_vreg.gather [hbm4b:s5+s2], $0x80, v25, vm0, $0xb8;
	[tilespmem:$0x13100] =	vst v63  }
0x61e: {  	v43 =	vperm.xlane v22, v12;
	v42 =	vadd.s32 v7, v41;
	s15 =	sor.u32 $0x2200, s14  }
0x61f: {  	[tilespmem:s15], [sflag:$0x1] =	stream.indirect_vreg.gather [hbm4b:s5+s2], $0x80, v23, vm0, $0xb8;
	[tilespmem:$0x13100] =	vst v63  }
0x620: {  	v44 =	vperm.xlane v22, v4;
	s15 =	sor.u32 $0x2280, s14;
	v23 =	vadd.s32 v7, v43  }
0x621: {  	[tilespmem:s15], [sflag:$0x1] =	stream.indirect_vreg.gather [hbm4b:s5+s2], $0x80, v40, vm0, $0xb8;
	[tilespmem:$0x13100] =	vst v63  }
0x622: {  	v46 =	vperm.xlane v22, v13;
	v45 =	vadd.s32 v7, v44;
	s15 =	sor.u32 $0x2300, s14  }
0x623: {  	[tilespmem:s15], [sflag:$0x1] =	stream.indirect_vreg.gather [hbm4b:s5+s2], $0x80, v42, vm0, $0xb8;
	[tilespmem:$0x13100] =	vst v63  }
0x624: {  	v48 =	vperm.xlane v22, v14;
	v47 =	vadd.s32 v7, v46;
	s15 =	sor.u32 $0x2380, s14  }
0x625: {  	[tilespmem:s15], [sflag:$0x1] =	stream.indirect_vreg.gather [hbm4b:s5+s2], $0x80, v23, vm0, $0xb8;
	[tilespmem:$0x13100] =	vst v63  }
0x626: {  	v49 =	vperm.xlane v22, v15;
	s15 =	sor.u32 $0x2400, s14;
	v23 =	vadd.s32 v7, v48  }
0x627: {  	[tilespmem:s15], [sflag:$0x1] =	stream.indirect_vreg.gather [hbm4b:s5+s2], $0x80, v45, vm0, $0xb8;
	[tilespmem:$0x13100] =	vst v63  }
0x628: {  	v51 =	vperm.xlane v22, v16;
	v50 =	vadd.s32 v7, v49;
	s15 =	sor.u32 $0x2480, s14  }
0x629: {  	[tilespmem:s15], [sflag:$0x1] =	stream.indirect_vreg.gather [hbm4b:s5+s2], $0x80, v47, vm0, $0xb8;
	[tilespmem:$0x13100] =	vst v63  }
0x62a: {  	v53 =	vperm.xlane v22, v17;
	v52 =	vadd.s32 v7, v51;
	s15 =	sor.u32 $0x2500, s14  }
0x62b: {  	[tilespmem:s15], [sflag:$0x1] =	stream.indirect_vreg.gather [hbm4b:s5+s2], $0x80, v23, vm0, $0xb8;
	[tilespmem:$0x13100] =	vst v63  }
0x62c: {  	v54 =	vperm.xlane v22, v18;
	s15 =	sor.u32 $0x2580, s14;
	v23 =	vadd.s32 v7, v53  }
0x62d: {  	[tilespmem:s15], [sflag:$0x1] =	stream.indirect_vreg.gather [hbm4b:s5+s2], $0x80, v50, vm0, $0xb8;
	[tilespmem:$0x13100] =	vst v63  }
0x62e: {  	v56 =	vperm.xlane v22, v19;
	v55 =	vadd.s32 v7, v54;
	s15 =	sor.u32 $0x2600, s14  }
0x62f: {  	[tilespmem:s15], [sflag:$0x1] =	stream.indirect_vreg.gather [hbm4b:s5+s2], $0x80, v52, vm0, $0xb8;
	[tilespmem:$0x13100] =	vst v63  }
0x630: {  	v22 =	vperm.xlane v22, v20;
	v57 =	vadd.s32 v7, v56;
	s15 =	sor.u32 $0x2680, s14  }
0x631: {  	[tilespmem:s15], [sflag:$0x1] =	stream.indirect_vreg.gather [hbm4b:s5+s2], $0x80, v23, vm0, $0xb8;
	[tilespmem:$0x13100] =	vst v63  }
0x632: {  	v22 =	vadd.s32 v7, v22;
	s15 =	sor.u32 $0x2700, s14  }
0x633: {  	[tilespmem:s15], [sflag:$0x1] =	stream.indirect_vreg.gather [hbm4b:s5+s2], $0x80, v55, vm0, $0xb8;
	[tilespmem:$0x13100] =	vst v63  }
0x634: {  	s15 =	sor.u32 $0x2780, s14  }
0x635: {  	[tilespmem:s15], [sflag:$0x1] =	stream.indirect_vreg.gather [hbm4b:s5+s2], $0x80, v57, vm0, $0xb8;
	[tilespmem:$0x13100] =	vst v63  }
0x636: {  	s15 =	sor.u32 $0x2800, s14  }
0x637: {  	[tilespmem:s15], [sflag:$0x1] =	stream.indirect_vreg.gather [hbm4b:s5+s2], $0x80, v22, vm0, $0xb8;
	[tilespmem:$0x13100] =	vst v63  }
0x638: {  	v22 =	vld [tilespmem:s10+$0xFFFFFF20];
	_ =	sdelay $0x4  }
0x639: {  	v23 =	vshll.u32 v22, $0x3  }
0x63a: {  	v22 =	vand.u32 $0x7, v22;
	v23 =	vand.u32 $0xFFFFFFC0, v23  }
0x63b: {  	v22 =	vor.u32 v22, v23  }
0x63c: {  	v23 =	vperm.xlane v22, v6;
	_ =	sdelay $0x1  }
0x63d: {  	v58 =	vperm.xlane v22, v8;
	v23 =	vadd.s32 v7, v23;
	_ =	sdelay $0x1  }
0x63e: {  	v59 =	vperm.xlane v22, v9;
	v24 =	vadd.s32 v7, v58;
	_ =	sdelay $0x1  }
0x63f: {  	s15 =	sor.u32 $0x2880, s14;
	v60 =	vperm.xlane v22, v5;
	v25 =	vadd.s32 v7, v59  }
0x640: {  	[tilespmem:s15], [sflag:$0x1] =	stream.indirect_vreg.gather [hbm4b:s5+s2], $0x80, v23, vm0, $0xb8;
	[tilespmem:$0x13100] =	vst v63  }
0x641: {  	v61 =	vperm.xlane v22, v10;
	s15 =	sor.u32 $0x2900, s14;
	v23 =	vadd.s32 v7, v60  }
0x642: {  	[tilespmem:s15], [sflag:$0x1] =	stream.indirect_vreg.gather [hbm4b:s5+s2], $0x80, v24, vm0, $0xb8;
	[tilespmem:$0x13100] =	vst v63  }
0x643: {  	v63 =	vperm.xlane v22, v11;
	v62 =	vadd.s32 v7, v61;
	s15 =	sor.u32 $0x2980, s14  }
0x644: {  	[tilespmem:s15], [sflag:$0x1] =	stream.indirect_vreg.gather [hbm4b:s5+s2], $0x80, v25, vm0, $0xb8;
	[tilespmem:$0x13100] =	vst v63  }
0x645: {  	v29 =	vperm.xlane v22, v12;
	v28 =	vadd.s32 v7, v63;
	s15 =	sor.u32 $0x2A00, s14  }
0x646: {  	[tilespmem:s15], [sflag:$0x1] =	stream.indirect_vreg.gather [hbm4b:s5+s2], $0x80, v23, vm0, $0xb8;
	[tilespmem:$0x13100] =	vst v63  }
0x647: {  	v30 =	vperm.xlane v22, v4;
	s15 =	sor.u32 $0x2A80, s14;
	v23 =	vadd.s32 v7, v29  }
0x648: {  	[tilespmem:s15], [sflag:$0x1] =	stream.indirect_vreg.gather [hbm4b:s5+s2], $0x80, v62, vm0, $0xb8;
	[tilespmem:$0x13100] =	vst v63  }
0x649: {  	v32 =	vperm.xlane v22, v13;
	v31 =	vadd.s32 v7, v30;
	s15 =	sor.u32 $0x2B00, s14  }
0x64a: {  	[tilespmem:s15], [sflag:$0x1] =	stream.indirect_vreg.gather [hbm4b:s5+s2], $0x80, v28, vm0, $0xb8;
	[tilespmem:$0x13100] =	vst v63  }
0x64b: {  	v34 =	vperm.xlane v22, v14;
	v33 =	vadd.s32 v7, v32;
	s15 =	sor.u32 $0x2B80, s14  }
0x64c: {  	[tilespmem:s15], [sflag:$0x1] =	stream.indirect_vreg.gather [hbm4b:s5+s2], $0x80, v23, vm0, $0xb8;
	[tilespmem:$0x13100] =	vst v63  }
0x64d: {  	v35 =	vperm.xlane v22, v15;
	s15 =	sor.u32 $0x2C00, s14;
	v23 =	vadd.s32 v7, v34  }
0x64e: {  	[tilespmem:s15], [sflag:$0x1] =	stream.indirect_vreg.gather [hbm4b:s5+s2], $0x80, v31, vm0, $0xb8;
	[tilespmem:$0x13100] =	vst v63  }
0x64f: {  	v37 =	vperm.xlane v22, v16;
	v36 =	vadd.s32 v7, v35;
	s15 =	sor.u32 $0x2C80, s14  }
0x650: {  	[tilespmem:s15], [sflag:$0x1] =	stream.indirect_vreg.gather [hbm4b:s5+s2], $0x80, v33, vm0, $0xb8;
	[tilespmem:$0x13100] =	vst v63  }
0x651: {  	v39 =	vperm.xlane v22, v17;
	v38 =	vadd.s32 v7, v37;
	s15 =	sor.u32 $0x2D00, s14  }
0x652: {  	[tilespmem:s15], [sflag:$0x1] =	stream.indirect_vreg.gather [hbm4b:s5+s2], $0x80, v23, vm0, $0xb8;
	[tilespmem:$0x13100] =	vst v63  }
0x653: {  	v40 =	vperm.xlane v22, v18;
	s15 =	sor.u32 $0x2D80, s14;
	v23 =	vadd.s32 v7, v39  }
0x654: {  	[tilespmem:s15], [sflag:$0x1] =	stream.indirect_vreg.gather [hbm4b:s5+s2], $0x80, v36, vm0, $0xb8;
	[tilespmem:$0x13100] =	vst v63  }
0x655: {  	v42 =	vperm.xlane v22, v19;
	v41 =	vadd.s32 v7, v40;
	s15 =	sor.u32 $0x2E00, s14  }
0x656: {  	[tilespmem:s15], [sflag:$0x1] =	stream.indirect_vreg.gather [hbm4b:s5+s2], $0x80, v38, vm0, $0xb8;
	[tilespmem:$0x13100] =	vst v63  }
0x657: {  	v22 =	vperm.xlane v22, v20;
	v43 =	vadd.s32 v7, v42;
	s15 =	sor.u32 $0x2E80, s14  }
0x658: {  	[tilespmem:s15], [sflag:$0x1] =	stream.indirect_vreg.gather [hbm4b:s5+s2], $0x80, v23, vm0, $0xb8;
	[tilespmem:$0x13100] =	vst v63  }
0x659: {  	v22 =	vadd.s32 v7, v22;
	s15 =	sor.u32 $0x2F00, s14  }
0x65a: {  	[tilespmem:s15], [sflag:$0x1] =	stream.indirect_vreg.gather [hbm4b:s5+s2], $0x80, v41, vm0, $0xb8;
	[tilespmem:$0x13100] =	vst v63  }
0x65b: {  	s15 =	sor.u32 $0x2F80, s14  }
0x65c: {  	[tilespmem:s15], [sflag:$0x1] =	stream.indirect_vreg.gather [hbm4b:s5+s2], $0x80, v43, vm0, $0xb8;
	[tilespmem:$0x13100] =	vst v63  }
0x65d: {  	s15 =	sor.u32 $0x3000, s14  }
0x65e: {  	[tilespmem:s15], [sflag:$0x1] =	stream.indirect_vreg.gather [hbm4b:s5+s2], $0x80, v22, vm0, $0xb8;
	[tilespmem:$0x13100] =	vst v63  }
0x65f: {  	v22 =	vld [tilespmem:s10+$0xFFFFFF30];
	_ =	sdelay $0x4  }
0x660: {  	v23 =	vshll.u32 v22, $0x3  }
0x661: {  	v22 =	vand.u32 $0x7, v22;
	v23 =	vand.u32 $0xFFFFFFC0, v23  }
0x662: {  	v22 =	vor.u32 v22, v23  }
0x663: {  	v23 =	vperm.xlane v22, v6;
	_ =	sdelay $0x1  }
0x664: {  	v44 =	vperm.xlane v22, v8;
	v23 =	vadd.s32 v7, v23;
	_ =	sdelay $0x1  }
0x665: {  	v45 =	vperm.xlane v22, v9;
	v24 =	vadd.s32 v7, v44;
	_ =	sdelay $0x1  }
0x666: {  	s15 =	sor.u32 $0x3080, s14;
	v46 =	vperm.xlane v22, v5;
	v25 =	vadd.s32 v7, v45  }
0x667: {  	[tilespmem:s15], [sflag:$0x1] =	stream.indirect_vreg.gather [hbm4b:s5+s2], $0x80, v23, vm0, $0xb8;
	[tilespmem:$0x13100] =	vst v63  }
0x668: {  	v47 =	vperm.xlane v22, v10;
	s15 =	sor.u32 $0x3100, s14;
	v23 =	vadd.s32 v7, v46  }
0x669: {  	[tilespmem:s15], [sflag:$0x1] =	stream.indirect_vreg.gather [hbm4b:s5+s2], $0x80, v24, vm0, $0xb8;
	[tilespmem:$0x13100] =	vst v63  }
0x66a: {  	v49 =	vperm.xlane v22, v11;
	v48 =	vadd.s32 v7, v47;
	s15 =	sor.u32 $0x3180, s14  }
0x66b: {  	[tilespmem:s15], [sflag:$0x1] =	stream.indirect_vreg.gather [hbm4b:s5+s2], $0x80, v25, vm0, $0xb8;
	[tilespmem:$0x13100] =	vst v63  }
0x66c: {  	v51 =	vperm.xlane v22, v12;
	v50 =	vadd.s32 v7, v49;
	s15 =	sor.u32 $0x3200, s14  }
0x66d: {  	[tilespmem:s15], [sflag:$0x1] =	stream.indirect_vreg.gather [hbm4b:s5+s2], $0x80, v23, vm0, $0xb8;
	[tilespmem:$0x13100] =	vst v63  }
0x66e: {  	v52 =	vperm.xlane v22, v4;
	s15 =	sor.u32 $0x3280, s14;
	v23 =	vadd.s32 v7, v51  }
0x66f: {  	[tilespmem:s15], [sflag:$0x1] =	stream.indirect_vreg.gather [hbm4b:s5+s2], $0x80, v48, vm0, $0xb8;
	[tilespmem:$0x13100] =	vst v63  }
0x670: {  	v54 =	vperm.xlane v22, v13;
	v53 =	vadd.s32 v7, v52;
	s15 =	sor.u32 $0x3300, s14  }
0x671: {  	[tilespmem:s15], [sflag:$0x1] =	stream.indirect_vreg.gather [hbm4b:s5+s2], $0x80, v50, vm0, $0xb8;
	[tilespmem:$0x13100] =	vst v63  }
0x672: {  	v56 =	vperm.xlane v22, v14;
	v55 =	vadd.s32 v7, v54;
	s15 =	sor.u32 $0x3380, s14  }
0x673: {  	[tilespmem:s15], [sflag:$0x1] =	stream.indirect_vreg.gather [hbm4b:s5+s2], $0x80, v23, vm0, $0xb8;
	[tilespmem:$0x13100] =	vst v63  }
0x674: {  	v57 =	vperm.xlane v22, v15;
	s15 =	sor.u32 $0x3400, s14;
	v23 =	vadd.s32 v7, v56  }
0x675: {  	[tilespmem:s15], [sflag:$0x1] =	stream.indirect_vreg.gather [hbm4b:s5+s2], $0x80, v53, vm0, $0xb8;
	[tilespmem:$0x13100] =	vst v63  }
0x676: {  	v59 =	vperm.xlane v22, v16;
	v58 =	vadd.s32 v7, v57;
	s15 =	sor.u32 $0x3480, s14  }
0x677: {  	[tilespmem:s15], [sflag:$0x1] =	stream.indirect_vreg.gather [hbm4b:s5+s2], $0x80, v55, vm0, $0xb8;
	[tilespmem:$0x13100] =	vst v63  }
0x678: {  	v61 =	vperm.xlane v22, v17;
	v60 =	vadd.s32 v7, v59;
	s15 =	sor.u32 $0x3500, s14  }
0x679: {  	[tilespmem:s15], [sflag:$0x1] =	stream.indirect_vreg.gather [hbm4b:s5+s2], $0x80, v23, vm0, $0xb8;
	[tilespmem:$0x13100] =	vst v63  }
0x67a: {  	v62 =	vperm.xlane v22, v18;
	s15 =	sor.u32 $0x3580, s14;
	v23 =	vadd.s32 v7, v61  }
0x67b: {  	[tilespmem:s15], [sflag:$0x1] =	stream.indirect_vreg.gather [hbm4b:s5+s2], $0x80, v58, vm0, $0xb8;
	[tilespmem:$0x13100] =	vst v63  }
0x67c: {  	v28 =	vperm.xlane v22, v19;
	v63 =	vadd.s32 v7, v62;
	s15 =	sor.u32 $0x3600, s14  }
0x67d: {  	[tilespmem:s15], [sflag:$0x1] =	stream.indirect_vreg.gather [hbm4b:s5+s2], $0x80, v60, vm0, $0xb8;
	[tilespmem:$0x13100] =	vst v63  }
0x67e: {  	v22 =	vperm.xlane v22, v20;
	v29 =	vadd.s32 v7, v28;
	s15 =	sor.u32 $0x3680, s14  }
0x67f: {  	[tilespmem:s15], [sflag:$0x1] =	stream.indirect_vreg.gather [hbm4b:s5+s2], $0x80, v23, vm0, $0xb8;
	[tilespmem:$0x13100] =	vst v63  }
0x680: {  	v22 =	vadd.s32 v7, v22;
	s15 =	sor.u32 $0x3700, s14  }
0x681: {  	[tilespmem:s15], [sflag:$0x1] =	stream.indirect_vreg.gather [hbm4b:s5+s2], $0x80, v63, vm0, $0xb8;
	[tilespmem:$0x13100] =	vst v63  }
0x682: {  	s15 =	sor.u32 $0x3780, s14  }
0x683: {  	[tilespmem:s15], [sflag:$0x1] =	stream.indirect_vreg.gather [hbm4b:s5+s2], $0x80, v29, vm0, $0xb8;
	[tilespmem:$0x13100] =	vst v63  }
0x684: {  	s15 =	sor.u32 $0x3800, s14  }
0x685: {  	[tilespmem:s15], [sflag:$0x1] =	stream.indirect_vreg.gather [hbm4b:s5+s2], $0x80, v22, vm0, $0xb8;
	[tilespmem:$0x13100] =	vst v63  }
0x686: {  	v22 =	vld [tilespmem:s10+$0xFFFFFF40];
	_ =	sdelay $0x4  }
0x687: {  	v23 =	vshll.u32 v22, $0x3  }
0x688: {  	v22 =	vand.u32 $0x7, v22;
	v23 =	vand.u32 $0xFFFFFFC0, v23  }
0x689: {  	v22 =	vor.u32 v22, v23  }
0x68a: {  	v23 =	vperm.xlane v22, v6;
	_ =	sdelay $0x1  }
0x68b: {  	v30 =	vperm.xlane v22, v8;
	v23 =	vadd.s32 v7, v23;
	_ =	sdelay $0x1  }
0x68c: {  	v31 =	vperm.xlane v22, v9;
	v24 =	vadd.s32 v7, v30;
	_ =	sdelay $0x1  }
0x68d: {  	s15 =	sor.u32 $0x3880, s14;
	v32 =	vperm.xlane v22, v5;
	v25 =	vadd.s32 v7, v31  }
0x68e: {  	[tilespmem:s15], [sflag:$0x1] =	stream.indirect_vreg.gather [hbm4b:s5+s2], $0x80, v23, vm0, $0xb8;
	[tilespmem:$0x13100] =	vst v63  }
0x68f: {  	v33 =	vperm.xlane v22, v10;
	s15 =	sor.u32 $0x3900, s14;
	v23 =	vadd.s32 v7, v32  }
0x690: {  	[tilespmem:s15], [sflag:$0x1] =	stream.indirect_vreg.gather [hbm4b:s5+s2], $0x80, v24, vm0, $0xb8;
	[tilespmem:$0x13100] =	vst v63  }
0x691: {  	v35 =	vperm.xlane v22, v11;
	v34 =	vadd.s32 v7, v33;
	s15 =	sor.u32 $0x3980, s14  }
0x692: {  	[tilespmem:s15], [sflag:$0x1] =	stream.indirect_vreg.gather [hbm4b:s5+s2], $0x80, v25, vm0, $0xb8;
	[tilespmem:$0x13100] =	vst v63  }
0x693: {  	v37 =	vperm.xlane v22, v12;
	v36 =	vadd.s32 v7, v35;
	s15 =	sor.u32 $0x3A00, s14  }
0x694: {  	[tilespmem:s15], [sflag:$0x1] =	stream.indirect_vreg.gather [hbm4b:s5+s2], $0x80, v23, vm0, $0xb8;
	[tilespmem:$0x13100] =	vst v63  }
0x695: {  	v38 =	vperm.xlane v22, v4;
	s15 =	sor.u32 $0x3A80, s14;
	v23 =	vadd.s32 v7, v37  }
0x696: {  	[tilespmem:s15], [sflag:$0x1] =	stream.indirect_vreg.gather [hbm4b:s5+s2], $0x80, v34, vm0, $0xb8;
	[tilespmem:$0x13100] =	vst v63  }
0x697: {  	v40 =	vperm.xlane v22, v13;
	v39 =	vadd.s32 v7, v38;
	s15 =	sor.u32 $0x3B00, s14  }
0x698: {  	[tilespmem:s15], [sflag:$0x1] =	stream.indirect_vreg.gather [hbm4b:s5+s2], $0x80, v36, vm0, $0xb8;
	[tilespmem:$0x13100] =	vst v63  }
0x699: {  	v42 =	vperm.xlane v22, v14;
	v41 =	vadd.s32 v7, v40;
	s15 =	sor.u32 $0x3B80, s14  }
0x69a: {  	[tilespmem:s15], [sflag:$0x1] =	stream.indirect_vreg.gather [hbm4b:s5+s2], $0x80, v23, vm0, $0xb8;
	[tilespmem:$0x13100] =	vst v63  }
0x69b: {  	v43 =	vperm.xlane v22, v15;
	s15 =	sor.u32 $0x3C00, s14;
	v23 =	vadd.s32 v7, v42  }
0x69c: {  	[tilespmem:s15], [sflag:$0x1] =	stream.indirect_vreg.gather [hbm4b:s5+s2], $0x80, v39, vm0, $0xb8;
	[tilespmem:$0x13100] =	vst v63  }
0x69d: {  	v45 =	vperm.xlane v22, v16;
	v44 =	vadd.s32 v7, v43;
	s15 =	sor.u32 $0x3C80, s14  }
0x69e: {  	[tilespmem:s15], [sflag:$0x1] =	stream.indirect_vreg.gather [hbm4b:s5+s2], $0x80, v41, vm0, $0xb8;
	[tilespmem:$0x13100] =	vst v63  }
0x69f: {  	v47 =	vperm.xlane v22, v17;
	v46 =	vadd.s32 v7, v45;
	s15 =	sor.u32 $0x3D00, s14  }
0x6a0: {  	[tilespmem:s15], [sflag:$0x1] =	stream.indirect_vreg.gather [hbm4b:s5+s2], $0x80, v23, vm0, $0xb8;
	[tilespmem:$0x13100] =	vst v63  }
0x6a1: {  	v48 =	vperm.xlane v22, v18;
	s15 =	sor.u32 $0x3D80, s14;
	v23 =	vadd.s32 v7, v47  }
0x6a2: {  	[tilespmem:s15], [sflag:$0x1] =	stream.indirect_vreg.gather [hbm4b:s5+s2], $0x80, v44, vm0, $0xb8;
	[tilespmem:$0x13100] =	vst v63  }
0x6a3: {  	v50 =	vperm.xlane v22, v19;
	v49 =	vadd.s32 v7, v48;
	s15 =	sor.u32 $0x3E00, s14  }
0x6a4: {  	[tilespmem:s15], [sflag:$0x1] =	stream.indirect_vreg.gather [hbm4b:s5+s2], $0x80, v46, vm0, $0xb8;
	[tilespmem:$0x13100] =	vst v63  }
0x6a5: {  	v22 =	vperm.xlane v22, v20;
	v51 =	vadd.s32 v7, v50;
	s15 =	sor.u32 $0x3E80, s14  }
0x6a6: {  	[tilespmem:s15], [sflag:$0x1] =	stream.indirect_vreg.gather [hbm4b:s5+s2], $0x80, v23, vm0, $0xb8;
	[tilespmem:$0x13100] =	vst v63  }
0x6a7: {  	v22 =	vadd.s32 v7, v22;
	s15 =	sor.u32 $0x3F00, s14  }
0x6a8: {  	[tilespmem:s15], [sflag:$0x1] =	stream.indirect_vreg.gather [hbm4b:s5+s2], $0x80, v49, vm0, $0xb8;
	[tilespmem:$0x13100] =	vst v63  }
0x6a9: {  	s15 =	sor.u32 $0x3F80, s14  }
0x6aa: {  	[tilespmem:s15], [sflag:$0x1] =	stream.indirect_vreg.gather [hbm4b:s5+s2], $0x80, v51, vm0, $0xb8;
	[tilespmem:$0x13100] =	vst v63  }
0x6ab: {  	s15 =	sor.u32 $0x4000, s14  }
0x6ac: {  	[tilespmem:s15], [sflag:$0x1] =	stream.indirect_vreg.gather [hbm4b:s5+s2], $0x80, v22, vm0, $0xb8;
	[tilespmem:$0x13100] =	vst v63  }
0x6ad: {  	v22 =	vld [tilespmem:s10+$0xFFFFFF50];
	_ =	sdelay $0x4  }
0x6ae: {  	v23 =	vshll.u32 v22, $0x3  }
0x6af: {  	v22 =	vand.u32 $0x7, v22;
	v23 =	vand.u32 $0xFFFFFFC0, v23  }
0x6b0: {  	v22 =	vor.u32 v22, v23  }
0x6b1: {  	v23 =	vperm.xlane v22, v6;
	_ =	sdelay $0x1  }
0x6b2: {  	v52 =	vperm.xlane v22, v8;
	v23 =	vadd.s32 v7, v23;
	_ =	sdelay $0x1  }
0x6b3: {  	v53 =	vperm.xlane v22, v9;
	v24 =	vadd.s32 v7, v52;
	_ =	sdelay $0x1  }
0x6b4: {  	s15 =	sor.u32 $0x4080, s14;
	v54 =	vperm.xlane v22, v5;
	v25 =	vadd.s32 v7, v53  }
0x6b5: {  	[tilespmem:s15], [sflag:$0x1] =	stream.indirect_vreg.gather [hbm4b:s5+s2], $0x80, v23, vm0, $0xb8;
	[tilespmem:$0x13100] =	vst v63  }
0x6b6: {  	v55 =	vperm.xlane v22, v10;
	s15 =	sor.u32 $0x4100, s14;
	v23 =	vadd.s32 v7, v54  }
0x6b7: {  	[tilespmem:s15], [sflag:$0x1] =	stream.indirect_vreg.gather [hbm4b:s5+s2], $0x80, v24, vm0, $0xb8;
	[tilespmem:$0x13100] =	vst v63  }
0x6b8: {  	v57 =	vperm.xlane v22, v11;
	v56 =	vadd.s32 v7, v55;
	s15 =	sor.u32 $0x4180, s14  }
0x6b9: {  	[tilespmem:s15], [sflag:$0x1] =	stream.indirect_vreg.gather [hbm4b:s5+s2], $0x80, v25, vm0, $0xb8;
	[tilespmem:$0x13100] =	vst v63  }
0x6ba: {  	v59 =	vperm.xlane v22, v12;
	v58 =	vadd.s32 v7, v57;
	s15 =	sor.u32 $0x4200, s14  }
0x6bb: {  	[tilespmem:s15], [sflag:$0x1] =	stream.indirect_vreg.gather [hbm4b:s5+s2], $0x80, v23, vm0, $0xb8;
	[tilespmem:$0x13100] =	vst v63  }
0x6bc: {  	v60 =	vperm.xlane v22, v4;
	s15 =	sor.u32 $0x4280, s14;
	v23 =	vadd.s32 v7, v59  }
0x6bd: {  	[tilespmem:s15], [sflag:$0x1] =	stream.indirect_vreg.gather [hbm4b:s5+s2], $0x80, v56, vm0, $0xb8;
	[tilespmem:$0x13100] =	vst v63  }
0x6be: {  	v62 =	vperm.xlane v22, v13;
	v61 =	vadd.s32 v7, v60;
	s15 =	sor.u32 $0x4300, s14  }
0x6bf: {  	[tilespmem:s15], [sflag:$0x1] =	stream.indirect_vreg.gather [hbm4b:s5+s2], $0x80, v58, vm0, $0xb8;
	[tilespmem:$0x13100] =	vst v63  }
0x6c0: {  	v28 =	vperm.xlane v22, v14;
	v63 =	vadd.s32 v7, v62;
	s15 =	sor.u32 $0x4380, s14  }
0x6c1: {  	[tilespmem:s15], [sflag:$0x1] =	stream.indirect_vreg.gather [hbm4b:s5+s2], $0x80, v23, vm0, $0xb8;
	[tilespmem:$0x13100] =	vst v63  }
0x6c2: {  	v29 =	vperm.xlane v22, v15;
	s15 =	sor.u32 $0x4400, s14;
	v23 =	vadd.s32 v7, v28  }
0x6c3: {  	[tilespmem:s15], [sflag:$0x1] =	stream.indirect_vreg.gather [hbm4b:s5+s2], $0x80, v61, vm0, $0xb8;
	[tilespmem:$0x13100] =	vst v63  }
0x6c4: {  	v31 =	vperm.xlane v22, v16;
	v30 =	vadd.s32 v7, v29;
	s15 =	sor.u32 $0x4480, s14  }
0x6c5: {  	[tilespmem:s15], [sflag:$0x1] =	stream.indirect_vreg.gather [hbm4b:s5+s2], $0x80, v63, vm0, $0xb8;
	[tilespmem:$0x13100] =	vst v63  }
0x6c6: {  	v33 =	vperm.xlane v22, v17;
	v32 =	vadd.s32 v7, v31;
	s15 =	sor.u32 $0x4500, s14  }
0x6c7: {  	[tilespmem:s15], [sflag:$0x1] =	stream.indirect_vreg.gather [hbm4b:s5+s2], $0x80, v23, vm0, $0xb8;
	[tilespmem:$0x13100] =	vst v63  }
0x6c8: {  	v34 =	vperm.xlane v22, v18;
	s15 =	sor.u32 $0x4580, s14;
	v23 =	vadd.s32 v7, v33  }
0x6c9: {  	[tilespmem:s15], [sflag:$0x1] =	stream.indirect_vreg.gather [hbm4b:s5+s2], $0x80, v30, vm0, $0xb8;
	[tilespmem:$0x13100] =	vst v63  }
0x6ca: {  	v36 =	vperm.xlane v22, v19;
	v35 =	vadd.s32 v7, v34;
	s15 =	sor.u32 $0x4600, s14  }
0x6cb: {  	[tilespmem:s15], [sflag:$0x1] =	stream.indirect_vreg.gather [hbm4b:s5+s2], $0x80, v32, vm0, $0xb8;
	[tilespmem:$0x13100] =	vst v63  }
0x6cc: {  	v22 =	vperm.xlane v22, v20;
	v37 =	vadd.s32 v7, v36;
	s15 =	sor.u32 $0x4680, s14  }
0x6cd: {  	[tilespmem:s15], [sflag:$0x1] =	stream.indirect_vreg.gather [hbm4b:s5+s2], $0x80, v23, vm0, $0xb8;
	[tilespmem:$0x13100] =	vst v63  }
0x6ce: {  	v22 =	vadd.s32 v7, v22;
	s15 =	sor.u32 $0x4700, s14  }
0x6cf: {  	[tilespmem:s15], [sflag:$0x1] =	stream.indirect_vreg.gather [hbm4b:s5+s2], $0x80, v35, vm0, $0xb8;
	[tilespmem:$0x13100] =	vst v63  }
0x6d0: {  	s15 =	sor.u32 $0x4780, s14  }
0x6d1: {  	[tilespmem:s15], [sflag:$0x1] =	stream.indirect_vreg.gather [hbm4b:s5+s2], $0x80, v37, vm0, $0xb8;
	[tilespmem:$0x13100] =	vst v63  }
0x6d2: {  	s15 =	sor.u32 $0x4800, s14  }
0x6d3: {  	[tilespmem:s15], [sflag:$0x1] =	stream.indirect_vreg.gather [hbm4b:s5+s2], $0x80, v22, vm0, $0xb8;
	[tilespmem:$0x13100] =	vst v63  }
0x6d4: {  	v22 =	vld [tilespmem:s10+$0xFFFFFF60];
	_ =	sdelay $0x4  }
0x6d5: {  	v23 =	vshll.u32 v22, $0x3  }
0x6d6: {  	v22 =	vand.u32 $0x7, v22;
	v23 =	vand.u32 $0xFFFFFFC0, v23  }
0x6d7: {  	v22 =	vor.u32 v22, v23  }
0x6d8: {  	v23 =	vperm.xlane v22, v6;
	_ =	sdelay $0x1  }
0x6d9: {  	v38 =	vperm.xlane v22, v8;
	v23 =	vadd.s32 v7, v23;
	_ =	sdelay $0x1  }
0x6da: {  	v39 =	vperm.xlane v22, v9;
	v24 =	vadd.s32 v7, v38;
	_ =	sdelay $0x1  }
0x6db: {  	s15 =	sor.u32 $0x4880, s14;
	v40 =	vperm.xlane v22, v5;
	v25 =	vadd.s32 v7, v39  }
0x6dc: {  	[tilespmem:s15], [sflag:$0x1] =	stream.indirect_vreg.gather [hbm4b:s5+s2], $0x80, v23, vm0, $0xb8;
	[tilespmem:$0x13100] =	vst v63  }
0x6dd: {  	v41 =	vperm.xlane v22, v10;
	s15 =	sor.u32 $0x4900, s14;
	v23 =	vadd.s32 v7, v40  }
0x6de: {  	[tilespmem:s15], [sflag:$0x1] =	stream.indirect_vreg.gather [hbm4b:s5+s2], $0x80, v24, vm0, $0xb8;
	[tilespmem:$0x13100] =	vst v63  }
0x6df: {  	v43 =	vperm.xlane v22, v11;
	v42 =	vadd.s32 v7, v41;
	s15 =	sor.u32 $0x4980, s14  }
0x6e0: {  	[tilespmem:s15], [sflag:$0x1] =	stream.indirect_vreg.gather [hbm4b:s5+s2], $0x80, v25, vm0, $0xb8;
	[tilespmem:$0x13100] =	vst v63  }
0x6e1: {  	v45 =	vperm.xlane v22, v12;
	v44 =	vadd.s32 v7, v43;
	s15 =	sor.u32 $0x4A00, s14  }
0x6e2: {  	[tilespmem:s15], [sflag:$0x1] =	stream.indirect_vreg.gather [hbm4b:s5+s2], $0x80, v23, vm0, $0xb8;
	[tilespmem:$0x13100] =	vst v63  }
0x6e3: {  	v46 =	vperm.xlane v22, v4;
	s15 =	sor.u32 $0x4A80, s14;
	v23 =	vadd.s32 v7, v45  }
0x6e4: {  	[tilespmem:s15], [sflag:$0x1] =	stream.indirect_vreg.gather [hbm4b:s5+s2], $0x80, v42, vm0, $0xb8;
	[tilespmem:$0x13100] =	vst v63  }
0x6e5: {  	v48 =	vperm.xlane v22, v13;
	v47 =	vadd.s32 v7, v46;
	s15 =	sor.u32 $0x4B00, s14  }
0x6e6: {  	[tilespmem:s15], [sflag:$0x1] =	stream.indirect_vreg.gather [hbm4b:s5+s2], $0x80, v44, vm0, $0xb8;
	[tilespmem:$0x13100] =	vst v63  }
0x6e7: {  	v50 =	vperm.xlane v22, v14;
	v49 =	vadd.s32 v7, v48;
	s15 =	sor.u32 $0x4B80, s14  }
0x6e8: {  	[tilespmem:s15], [sflag:$0x1] =	stream.indirect_vreg.gather [hbm4b:s5+s2], $0x80, v23, vm0, $0xb8;
	[tilespmem:$0x13100] =	vst v63  }
0x6e9: {  	v51 =	vperm.xlane v22, v15;
	s15 =	sor.u32 $0x4C00, s14;
	v23 =	vadd.s32 v7, v50  }
0x6ea: {  	[tilespmem:s15], [sflag:$0x1] =	stream.indirect_vreg.gather [hbm4b:s5+s2], $0x80, v47, vm0, $0xb8;
	[tilespmem:$0x13100] =	vst v63  }
0x6eb: {  	v53 =	vperm.xlane v22, v16;
	v52 =	vadd.s32 v7, v51;
	s15 =	sor.u32 $0x4C80, s14  }
0x6ec: {  	[tilespmem:s15], [sflag:$0x1] =	stream.indirect_vreg.gather [hbm4b:s5+s2], $0x80, v49, vm0, $0xb8;
	[tilespmem:$0x13100] =	vst v63  }
0x6ed: {  	v55 =	vperm.xlane v22, v17;
	v54 =	vadd.s32 v7, v53;
	s15 =	sor.u32 $0x4D00, s14  }
0x6ee: {  	[tilespmem:s15], [sflag:$0x1] =	stream.indirect_vreg.gather [hbm4b:s5+s2], $0x80, v23, vm0, $0xb8;
	[tilespmem:$0x13100] =	vst v63  }
0x6ef: {  	v56 =	vperm.xlane v22, v18;
	s15 =	sor.u32 $0x4D80, s14;
	v23 =	vadd.s32 v7, v55  }
0x6f0: {  	[tilespmem:s15], [sflag:$0x1] =	stream.indirect_vreg.gather [hbm4b:s5+s2], $0x80, v52, vm0, $0xb8;
	[tilespmem:$0x13100] =	vst v63  }
0x6f1: {  	v58 =	vperm.xlane v22, v19;
	v57 =	vadd.s32 v7, v56;
	s15 =	sor.u32 $0x4E00, s14  }
0x6f2: {  	[tilespmem:s15], [sflag:$0x1] =	stream.indirect_vreg.gather [hbm4b:s5+s2], $0x80, v54, vm0, $0xb8;
	[tilespmem:$0x13100] =	vst v63  }
0x6f3: {  	v22 =	vperm.xlane v22, v20;
	v59 =	vadd.s32 v7, v58;
	s15 =	sor.u32 $0x4E80, s14  }
0x6f4: {  	[tilespmem:s15], [sflag:$0x1] =	stream.indirect_vreg.gather [hbm4b:s5+s2], $0x80, v23, vm0, $0xb8;
	[tilespmem:$0x13100] =	vst v63  }
0x6f5: {  	v22 =	vadd.s32 v7, v22;
	s15 =	sor.u32 $0x4F00, s14  }
0x6f6: {  	[tilespmem:s15], [sflag:$0x1] =	stream.indirect_vreg.gather [hbm4b:s5+s2], $0x80, v57, vm0, $0xb8;
	[tilespmem:$0x13100] =	vst v63  }
0x6f7: {  	s15 =	sor.u32 $0x4F80, s14  }
0x6f8: {  	[tilespmem:s15], [sflag:$0x1] =	stream.indirect_vreg.gather [hbm4b:s5+s2], $0x80, v59, vm0, $0xb8;
	[tilespmem:$0x13100] =	vst v63  }
0x6f9: {  	s15 =	sor.u32 $0x5000, s14  }
0x6fa: {  	[tilespmem:s15], [sflag:$0x1] =	stream.indirect_vreg.gather [hbm4b:s5+s2], $0x80, v22, vm0, $0xb8;
	[tilespmem:$0x13100] =	vst v63  }
0x6fb: {  	v22 =	vld [tilespmem:s10+$0xFFFFFF70];
	_ =	sdelay $0x4  }
0x6fc: {  	v23 =	vshll.u32 v22, $0x3  }
0x6fd: {  	v22 =	vand.u32 $0x7, v22;
	v23 =	vand.u32 $0xFFFFFFC0, v23  }
0x6fe: {  	v22 =	vor.u32 v22, v23  }
0x6ff: {  	v23 =	vperm.xlane v22, v6;
	_ =	sdelay $0x1  }
0x700: {  	v60 =	vperm.xlane v22, v8;
	v23 =	vadd.s32 v7, v23;
	_ =	sdelay $0x1  }
0x701: {  	v61 =	vperm.xlane v22, v9;
	v24 =	vadd.s32 v7, v60;
	_ =	sdelay $0x1  }
0x702: {  	s15 =	sor.u32 $0x5080, s14;
	v62 =	vperm.xlane v22, v5;
	v25 =	vadd.s32 v7, v61  }
0x703: {  	[tilespmem:s15], [sflag:$0x1] =	stream.indirect_vreg.gather [hbm4b:s5+s2], $0x80, v23, vm0, $0xb8;
	[tilespmem:$0x13100] =	vst v63  }
0x704: {  	v63 =	vperm.xlane v22, v10;
	s15 =	sor.u32 $0x5100, s14;
	v23 =	vadd.s32 v7, v62  }
0x705: {  	[tilespmem:s15], [sflag:$0x1] =	stream.indirect_vreg.gather [hbm4b:s5+s2], $0x80, v24, vm0, $0xb8;
	[tilespmem:$0x13100] =	vst v63  }
0x706: {  	v29 =	vperm.xlane v22, v11;
	v28 =	vadd.s32 v7, v63;
	s15 =	sor.u32 $0x5180, s14  }
0x707: {  	[tilespmem:s15], [sflag:$0x1] =	stream.indirect_vreg.gather [hbm4b:s5+s2], $0x80, v25, vm0, $0xb8;
	[tilespmem:$0x13100] =	vst v63  }
0x708: {  	v31 =	vperm.xlane v22, v12;
	v30 =	vadd.s32 v7, v29;
	s15 =	sor.u32 $0x5200, s14  }
0x709: {  	[tilespmem:s15], [sflag:$0x1] =	stream.indirect_vreg.gather [hbm4b:s5+s2], $0x80, v23, vm0, $0xb8;
	[tilespmem:$0x13100] =	vst v63  }
0x70a: {  	v32 =	vperm.xlane v22, v4;
	s15 =	sor.u32 $0x5280, s14;
	v23 =	vadd.s32 v7, v31  }
0x70b: {  	[tilespmem:s15], [sflag:$0x1] =	stream.indirect_vreg.gather [hbm4b:s5+s2], $0x80, v28, vm0, $0xb8;
	[tilespmem:$0x13100] =	vst v63  }
0x70c: {  	v34 =	vperm.xlane v22, v13;
	v33 =	vadd.s32 v7, v32;
	s15 =	sor.u32 $0x5300, s14  }
0x70d: {  	[tilespmem:s15], [sflag:$0x1] =	stream.indirect_vreg.gather [hbm4b:s5+s2], $0x80, v30, vm0, $0xb8;
	[tilespmem:$0x13100] =	vst v63  }
0x70e: {  	v36 =	vperm.xlane v22, v14;
	v35 =	vadd.s32 v7, v34;
	s15 =	sor.u32 $0x5380, s14  }
0x70f: {  	[tilespmem:s15], [sflag:$0x1] =	stream.indirect_vreg.gather [hbm4b:s5+s2], $0x80, v23, vm0, $0xb8;
	[tilespmem:$0x13100] =	vst v63  }
0x710: {  	v37 =	vperm.xlane v22, v15;
	s15 =	sor.u32 $0x5400, s14;
	v23 =	vadd.s32 v7, v36  }
0x711: {  	[tilespmem:s15], [sflag:$0x1] =	stream.indirect_vreg.gather [hbm4b:s5+s2], $0x80, v33, vm0, $0xb8;
	[tilespmem:$0x13100] =	vst v63  }
0x712: {  	v39 =	vperm.xlane v22, v16;
	v38 =	vadd.s32 v7, v37;
	s15 =	sor.u32 $0x5480, s14  }
0x713: {  	[tilespmem:s15], [sflag:$0x1] =	stream.indirect_vreg.gather [hbm4b:s5+s2], $0x80, v35, vm0, $0xb8;
	[tilespmem:$0x13100] =	vst v63  }
0x714: {  	v41 =	vperm.xlane v22, v17;
	v40 =	vadd.s32 v7, v39;
	s15 =	sor.u32 $0x5500, s14  }
0x715: {  	[tilespmem:s15], [sflag:$0x1] =	stream.indirect_vreg.gather [hbm4b:s5+s2], $0x80, v23, vm0, $0xb8;
	[tilespmem:$0x13100] =	vst v63  }
0x716: {  	v42 =	vperm.xlane v22, v18;
	s15 =	sor.u32 $0x5580, s14;
	v23 =	vadd.s32 v7, v41  }
0x717: {  	[tilespmem:s15], [sflag:$0x1] =	stream.indirect_vreg.gather [hbm4b:s5+s2], $0x80, v38, vm0, $0xb8;
	[tilespmem:$0x13100] =	vst v63  }
0x718: {  	v44 =	vperm.xlane v22, v19;
	v43 =	vadd.s32 v7, v42;
	s15 =	sor.u32 $0x5600, s14  }
0x719: {  	[tilespmem:s15], [sflag:$0x1] =	stream.indirect_vreg.gather [hbm4b:s5+s2], $0x80, v40, vm0, $0xb8;
	[tilespmem:$0x13100] =	vst v63  }
0x71a: {  	v22 =	vperm.xlane v22, v20;
	v45 =	vadd.s32 v7, v44;
	s15 =	sor.u32 $0x5680, s14  }
0x71b: {  	[tilespmem:s15], [sflag:$0x1] =	stream.indirect_vreg.gather [hbm4b:s5+s2], $0x80, v23, vm0, $0xb8;
	[tilespmem:$0x13100] =	vst v63  }
0x71c: {  	v22 =	vadd.s32 v7, v22;
	s15 =	sor.u32 $0x5700, s14  }
0x71d: {  	[tilespmem:s15], [sflag:$0x1] =	stream.indirect_vreg.gather [hbm4b:s5+s2], $0x80, v43, vm0, $0xb8;
	[tilespmem:$0x13100] =	vst v63  }
0x71e: {  	s15 =	sor.u32 $0x5780, s14  }
0x71f: {  	[tilespmem:s15], [sflag:$0x1] =	stream.indirect_vreg.gather [hbm4b:s5+s2], $0x80, v45, vm0, $0xb8;
	[tilespmem:$0x13100] =	vst v63  }
0x720: {  	s15 =	sor.u32 $0x5800, s14  }
0x721: {  	[tilespmem:s15], [sflag:$0x1] =	stream.indirect_vreg.gather [hbm4b:s5+s2], $0x80, v22, vm0, $0xb8;
	[tilespmem:$0x13100] =	vst v63  }
0x722: {  	v22 =	vld [tilespmem:s10+$0xFFFFFF80];
	_ =	sdelay $0x4  }
0x723: {  	v23 =	vshll.u32 v22, $0x3  }
0x724: {  	v22 =	vand.u32 $0x7, v22;
	v23 =	vand.u32 $0xFFFFFFC0, v23  }
0x725: {  	v22 =	vor.u32 v22, v23  }
0x726: {  	v23 =	vperm.xlane v22, v6;
	_ =	sdelay $0x1  }
0x727: {  	v46 =	vperm.xlane v22, v8;
	v23 =	vadd.s32 v7, v23;
	_ =	sdelay $0x1  }
0x728: {  	v47 =	vperm.xlane v22, v9;
	v24 =	vadd.s32 v7, v46;
	_ =	sdelay $0x1  }
0x729: {  	s15 =	sor.u32 $0x5880, s14;
	v48 =	vperm.xlane v22, v5;
	v25 =	vadd.s32 v7, v47  }
0x72a: {  	[tilespmem:s15], [sflag:$0x1] =	stream.indirect_vreg.gather [hbm4b:s5+s2], $0x80, v23, vm0, $0xb8;
	[tilespmem:$0x13100] =	vst v63  }
0x72b: {  	v49 =	vperm.xlane v22, v10;
	s15 =	sor.u32 $0x5900, s14;
	v23 =	vadd.s32 v7, v48  }
0x72c: {  	[tilespmem:s15], [sflag:$0x1] =	stream.indirect_vreg.gather [hbm4b:s5+s2], $0x80, v24, vm0, $0xb8;
	[tilespmem:$0x13100] =	vst v63  }
0x72d: {  	v51 =	vperm.xlane v22, v11;
	v50 =	vadd.s32 v7, v49;
	s15 =	sor.u32 $0x5980, s14  }
0x72e: {  	[tilespmem:s15], [sflag:$0x1] =	stream.indirect_vreg.gather [hbm4b:s5+s2], $0x80, v25, vm0, $0xb8;
	[tilespmem:$0x13100] =	vst v63  }
0x72f: {  	v53 =	vperm.xlane v22, v12;
	v52 =	vadd.s32 v7, v51;
	s15 =	sor.u32 $0x5A00, s14  }
0x730: {  	[tilespmem:s15], [sflag:$0x1] =	stream.indirect_vreg.gather [hbm4b:s5+s2], $0x80, v23, vm0, $0xb8;
	[tilespmem:$0x13100] =	vst v63  }
0x731: {  	v54 =	vperm.xlane v22, v4;
	s15 =	sor.u32 $0x5A80, s14;
	v23 =	vadd.s32 v7, v53  }
0x732: {  	[tilespmem:s15], [sflag:$0x1] =	stream.indirect_vreg.gather [hbm4b:s5+s2], $0x80, v50, vm0, $0xb8;
	[tilespmem:$0x13100] =	vst v63  }
0x733: {  	v56 =	vperm.xlane v22, v13;
	v55 =	vadd.s32 v7, v54;
	s15 =	sor.u32 $0x5B00, s14  }
0x734: {  	[tilespmem:s15], [sflag:$0x1] =	stream.indirect_vreg.gather [hbm4b:s5+s2], $0x80, v52, vm0, $0xb8;
	[tilespmem:$0x13100] =	vst v63  }
0x735: {  	v58 =	vperm.xlane v22, v14;
	v57 =	vadd.s32 v7, v56;
	s15 =	sor.u32 $0x5B80, s14  }
0x736: {  	[tilespmem:s15], [sflag:$0x1] =	stream.indirect_vreg.gather [hbm4b:s5+s2], $0x80, v23, vm0, $0xb8;
	[tilespmem:$0x13100] =	vst v63  }
0x737: {  	v59 =	vperm.xlane v22, v15;
	s15 =	sor.u32 $0x5C00, s14;
	v23 =	vadd.s32 v7, v58  }
0x738: {  	[tilespmem:s15], [sflag:$0x1] =	stream.indirect_vreg.gather [hbm4b:s5+s2], $0x80, v55, vm0, $0xb8;
	[tilespmem:$0x13100] =	vst v63  }
0x739: {  	v61 =	vperm.xlane v22, v16;
	v60 =	vadd.s32 v7, v59;
	s15 =	sor.u32 $0x5C80, s14  }
0x73a: {  	[tilespmem:s15], [sflag:$0x1] =	stream.indirect_vreg.gather [hbm4b:s5+s2], $0x80, v57, vm0, $0xb8;
	[tilespmem:$0x13100] =	vst v63  }
0x73b: {  	v63 =	vperm.xlane v22, v17;
	v62 =	vadd.s32 v7, v61;
	s15 =	sor.u32 $0x5D00, s14  }
0x73c: {  	[tilespmem:s15], [sflag:$0x1] =	stream.indirect_vreg.gather [hbm4b:s5+s2], $0x80, v23, vm0, $0xb8;
	[tilespmem:$0x13100] =	vst v63  }
0x73d: {  	v28 =	vperm.xlane v22, v18;
	s15 =	sor.u32 $0x5D80, s14;
	v23 =	vadd.s32 v7, v63  }
0x73e: {  	[tilespmem:s15], [sflag:$0x1] =	stream.indirect_vreg.gather [hbm4b:s5+s2], $0x80, v60, vm0, $0xb8;
	[tilespmem:$0x13100] =	vst v63  }
0x73f: {  	v30 =	vperm.xlane v22, v19;
	v29 =	vadd.s32 v7, v28;
	s15 =	sor.u32 $0x5E00, s14  }
0x740: {  	[tilespmem:s15], [sflag:$0x1] =	stream.indirect_vreg.gather [hbm4b:s5+s2], $0x80, v62, vm0, $0xb8;
	[tilespmem:$0x13100] =	vst v63  }
0x741: {  	v22 =	vperm.xlane v22, v20;
	v31 =	vadd.s32 v7, v30;
	s15 =	sor.u32 $0x5E80, s14  }
0x742: {  	[tilespmem:s15], [sflag:$0x1] =	stream.indirect_vreg.gather [hbm4b:s5+s2], $0x80, v23, vm0, $0xb8;
	[tilespmem:$0x13100] =	vst v63  }
0x743: {  	v22 =	vadd.s32 v7, v22;
	s15 =	sor.u32 $0x5F00, s14  }
0x744: {  	[tilespmem:s15], [sflag:$0x1] =	stream.indirect_vreg.gather [hbm4b:s5+s2], $0x80, v29, vm0, $0xb8;
	[tilespmem:$0x13100] =	vst v63  }
0x745: {  	s15 =	sor.u32 $0x5F80, s14  }
0x746: {  	[tilespmem:s15], [sflag:$0x1] =	stream.indirect_vreg.gather [hbm4b:s5+s2], $0x80, v31, vm0, $0xb8;
	[tilespmem:$0x13100] =	vst v63  }
0x747: {  	s15 =	sor.u32 $0x6000, s14  }
0x748: {  	[tilespmem:s15], [sflag:$0x1] =	stream.indirect_vreg.gather [hbm4b:s5+s2], $0x80, v22, vm0, $0xb8;
	[tilespmem:$0x13100] =	vst v63  }
0x749: {  	v22 =	vld [tilespmem:s10+$0xFFFFFF90];
	_ =	sdelay $0x4  }
0x74a: {  	v23 =	vshll.u32 v22, $0x3  }
0x74b: {  	v22 =	vand.u32 $0x7, v22;
	v23 =	vand.u32 $0xFFFFFFC0, v23  }
0x74c: {  	v22 =	vor.u32 v22, v23  }
0x74d: {  	v23 =	vperm.xlane v22, v6;
	_ =	sdelay $0x1  }
0x74e: {  	v32 =	vperm.xlane v22, v8;
	v23 =	vadd.s32 v7, v23;
	_ =	sdelay $0x1  }
0x74f: {  	v33 =	vperm.xlane v22, v9;
	v24 =	vadd.s32 v7, v32;
	_ =	sdelay $0x1  }
0x750: {  	s15 =	sor.u32 $0x6080, s14;
	v34 =	vperm.xlane v22, v5;
	v25 =	vadd.s32 v7, v33  }
0x751: {  	[tilespmem:s15], [sflag:$0x1] =	stream.indirect_vreg.gather [hbm4b:s5+s2], $0x80, v23, vm0, $0xb8;
	[tilespmem:$0x13100] =	vst v63  }
0x752: {  	v35 =	vperm.xlane v22, v10;
	s15 =	sor.u32 $0x6100, s14;
	v23 =	vadd.s32 v7, v34  }
0x753: {  	[tilespmem:s15], [sflag:$0x1] =	stream.indirect_vreg.gather [hbm4b:s5+s2], $0x80, v24, vm0, $0xb8;
	[tilespmem:$0x13100] =	vst v63  }
0x754: {  	v37 =	vperm.xlane v22, v11;
	v36 =	vadd.s32 v7, v35;
	s15 =	sor.u32 $0x6180, s14  }
0x755: {  	[tilespmem:s15], [sflag:$0x1] =	stream.indirect_vreg.gather [hbm4b:s5+s2], $0x80, v25, vm0, $0xb8;
	[tilespmem:$0x13100] =	vst v63  }
0x756: {  	v39 =	vperm.xlane v22, v12;
	v38 =	vadd.s32 v7, v37;
	s15 =	sor.u32 $0x6200, s14  }
0x757: {  	[tilespmem:s15], [sflag:$0x1] =	stream.indirect_vreg.gather [hbm4b:s5+s2], $0x80, v23, vm0, $0xb8;
	[tilespmem:$0x13100] =	vst v63  }
0x758: {  	v40 =	vperm.xlane v22, v4;
	s15 =	sor.u32 $0x6280, s14;
	v23 =	vadd.s32 v7, v39  }
0x759: {  	[tilespmem:s15], [sflag:$0x1] =	stream.indirect_vreg.gather [hbm4b:s5+s2], $0x80, v36, vm0, $0xb8;
	[tilespmem:$0x13100] =	vst v63  }
0x75a: {  	v42 =	vperm.xlane v22, v13;
	v41 =	vadd.s32 v7, v40;
	s15 =	sor.u32 $0x6300, s14  }
0x75b: {  	[tilespmem:s15], [sflag:$0x1] =	stream.indirect_vreg.gather [hbm4b:s5+s2], $0x80, v38, vm0, $0xb8;
	[tilespmem:$0x13100] =	vst v63  }
0x75c: {  	v44 =	vperm.xlane v22, v14;
	v43 =	vadd.s32 v7, v42;
	s15 =	sor.u32 $0x6380, s14  }
0x75d: {  	[tilespmem:s15], [sflag:$0x1] =	stream.indirect_vreg.gather [hbm4b:s5+s2], $0x80, v23, vm0, $0xb8;
	[tilespmem:$0x13100] =	vst v63  }
0x75e: {  	v45 =	vperm.xlane v22, v15;
	s15 =	sor.u32 $0x6400, s14;
	v23 =	vadd.s32 v7, v44  }
0x75f: {  	[tilespmem:s15], [sflag:$0x1] =	stream.indirect_vreg.gather [hbm4b:s5+s2], $0x80, v41, vm0, $0xb8;
	[tilespmem:$0x13100] =	vst v63  }
0x760: {  	v47 =	vperm.xlane v22, v16;
	v46 =	vadd.s32 v7, v45;
	s15 =	sor.u32 $0x6480, s14  }
0x761: {  	[tilespmem:s15], [sflag:$0x1] =	stream.indirect_vreg.gather [hbm4b:s5+s2], $0x80, v43, vm0, $0xb8;
	[tilespmem:$0x13100] =	vst v63  }
0x762: {  	v49 =	vperm.xlane v22, v17;
	v48 =	vadd.s32 v7, v47;
	s15 =	sor.u32 $0x6500, s14  }
0x763: {  	[tilespmem:s15], [sflag:$0x1] =	stream.indirect_vreg.gather [hbm4b:s5+s2], $0x80, v23, vm0, $0xb8;
	[tilespmem:$0x13100] =	vst v63  }
0x764: {  	v50 =	vperm.xlane v22, v18;
	s15 =	sor.u32 $0x6580, s14;
	v23 =	vadd.s32 v7, v49  }
0x765: {  	[tilespmem:s15], [sflag:$0x1] =	stream.indirect_vreg.gather [hbm4b:s5+s2], $0x80, v46, vm0, $0xb8;
	[tilespmem:$0x13100] =	vst v63  }
0x766: {  	v52 =	vperm.xlane v22, v19;
	v51 =	vadd.s32 v7, v50;
	s15 =	sor.u32 $0x6600, s14  }
0x767: {  	[tilespmem:s15], [sflag:$0x1] =	stream.indirect_vreg.gather [hbm4b:s5+s2], $0x80, v48, vm0, $0xb8;
	[tilespmem:$0x13100] =	vst v63  }
0x768: {  	v22 =	vperm.xlane v22, v20;
	v53 =	vadd.s32 v7, v52;
	s15 =	sor.u32 $0x6680, s14  }
0x769: {  	[tilespmem:s15], [sflag:$0x1] =	stream.indirect_vreg.gather [hbm4b:s5+s2], $0x80, v23, vm0, $0xb8;
	[tilespmem:$0x13100] =	vst v63  }
0x76a: {  	v22 =	vadd.s32 v7, v22;
	s15 =	sor.u32 $0x6700, s14  }
0x76b: {  	[tilespmem:s15], [sflag:$0x1] =	stream.indirect_vreg.gather [hbm4b:s5+s2], $0x80, v51, vm0, $0xb8;
	[tilespmem:$0x13100] =	vst v63  }
0x76c: {  	s15 =	sor.u32 $0x6780, s14  }
0x76d: {  	[tilespmem:s15], [sflag:$0x1] =	stream.indirect_vreg.gather [hbm4b:s5+s2], $0x80, v53, vm0, $0xb8;
	[tilespmem:$0x13100] =	vst v63  }
0x76e: {  	s15 =	sor.u32 $0x6800, s14  }
0x76f: {  	[tilespmem:s15], [sflag:$0x1] =	stream.indirect_vreg.gather [hbm4b:s5+s2], $0x80, v22, vm0, $0xb8;
	[tilespmem:$0x13100] =	vst v63  }
0x770: {  	v22 =	vld [tilespmem:s10+$0xFFFFFFA0];
	_ =	sdelay $0x4  }
0x771: {  	v23 =	vshll.u32 v22, $0x3  }
0x772: {  	v22 =	vand.u32 $0x7, v22;
	v23 =	vand.u32 $0xFFFFFFC0, v23  }
0x773: {  	v22 =	vor.u32 v22, v23  }
0x774: {  	v23 =	vperm.xlane v22, v6;
	_ =	sdelay $0x1  }
0x775: {  	v54 =	vperm.xlane v22, v8;
	v23 =	vadd.s32 v7, v23;
	_ =	sdelay $0x1  }
0x776: {  	v55 =	vperm.xlane v22, v9;
	v24 =	vadd.s32 v7, v54;
	_ =	sdelay $0x1  }
0x777: {  	s15 =	sor.u32 $0x6880, s14;
	v56 =	vperm.xlane v22, v5;
	v25 =	vadd.s32 v7, v55  }
0x778: {  	[tilespmem:s15], [sflag:$0x1] =	stream.indirect_vreg.gather [hbm4b:s5+s2], $0x80, v23, vm0, $0xb8;
	[tilespmem:$0x13100] =	vst v63  }
0x779: {  	v57 =	vperm.xlane v22, v10;
	s15 =	sor.u32 $0x6900, s14;
	v23 =	vadd.s32 v7, v56  }
0x77a: {  	[tilespmem:s15], [sflag:$0x1] =	stream.indirect_vreg.gather [hbm4b:s5+s2], $0x80, v24, vm0, $0xb8;
	[tilespmem:$0x13100] =	vst v63  }
0x77b: {  	v59 =	vperm.xlane v22, v11;
	v58 =	vadd.s32 v7, v57;
	s15 =	sor.u32 $0x6980, s14  }
0x77c: {  	[tilespmem:s15], [sflag:$0x1] =	stream.indirect_vreg.gather [hbm4b:s5+s2], $0x80, v25, vm0, $0xb8;
	[tilespmem:$0x13100] =	vst v63  }
0x77d: {  	v61 =	vperm.xlane v22, v12;
	v60 =	vadd.s32 v7, v59;
	s15 =	sor.u32 $0x6A00, s14  }
0x77e: {  	[tilespmem:s15], [sflag:$0x1] =	stream.indirect_vreg.gather [hbm4b:s5+s2], $0x80, v23, vm0, $0xb8;
	[tilespmem:$0x13100] =	vst v63  }
0x77f: {  	v62 =	vperm.xlane v22, v4;
	s15 =	sor.u32 $0x6A80, s14;
	v23 =	vadd.s32 v7, v61  }
0x780: {  	[tilespmem:s15], [sflag:$0x1] =	stream.indirect_vreg.gather [hbm4b:s5+s2], $0x80, v58, vm0, $0xb8;
	[tilespmem:$0x13100] =	vst v63  }
0x781: {  	v28 =	vperm.xlane v22, v13;
	v63 =	vadd.s32 v7, v62;
	s15 =	sor.u32 $0x6B00, s14  }
0x782: {  	[tilespmem:s15], [sflag:$0x1] =	stream.indirect_vreg.gather [hbm4b:s5+s2], $0x80, v60, vm0, $0xb8;
	[tilespmem:$0x13100] =	vst v63  }
0x783: {  	v30 =	vperm.xlane v22, v14;
	v29 =	vadd.s32 v7, v28;
	s15 =	sor.u32 $0x6B80, s14  }
0x784: {  	[tilespmem:s15], [sflag:$0x1] =	stream.indirect_vreg.gather [hbm4b:s5+s2], $0x80, v23, vm0, $0xb8;
	[tilespmem:$0x13100] =	vst v63  }
0x785: {  	v31 =	vperm.xlane v22, v15;
	s15 =	sor.u32 $0x6C00, s14;
	v23 =	vadd.s32 v7, v30  }
0x786: {  	[tilespmem:s15], [sflag:$0x1] =	stream.indirect_vreg.gather [hbm4b:s5+s2], $0x80, v63, vm0, $0xb8;
	[tilespmem:$0x13100] =	vst v63  }
0x787: {  	v33 =	vperm.xlane v22, v16;
	v32 =	vadd.s32 v7, v31;
	s15 =	sor.u32 $0x6C80, s14  }
0x788: {  	[tilespmem:s15], [sflag:$0x1] =	stream.indirect_vreg.gather [hbm4b:s5+s2], $0x80, v29, vm0, $0xb8;
	[tilespmem:$0x13100] =	vst v63  }
0x789: {  	v35 =	vperm.xlane v22, v17;
	v34 =	vadd.s32 v7, v33;
	s15 =	sor.u32 $0x6D00, s14  }
0x78a: {  	[tilespmem:s15], [sflag:$0x1] =	stream.indirect_vreg.gather [hbm4b:s5+s2], $0x80, v23, vm0, $0xb8;
	[tilespmem:$0x13100] =	vst v63  }
0x78b: {  	v36 =	vperm.xlane v22, v18;
	s15 =	sor.u32 $0x6D80, s14;
	v23 =	vadd.s32 v7, v35  }
0x78c: {  	[tilespmem:s15], [sflag:$0x1] =	stream.indirect_vreg.gather [hbm4b:s5+s2], $0x80, v32, vm0, $0xb8;
	[tilespmem:$0x13100] =	vst v63  }
0x78d: {  	v38 =	vperm.xlane v22, v19;
	v37 =	vadd.s32 v7, v36;
	s15 =	sor.u32 $0x6E00, s14  }
0x78e: {  	[tilespmem:s15], [sflag:$0x1] =	stream.indirect_vreg.gather [hbm4b:s5+s2], $0x80, v34, vm0, $0xb8;
	[tilespmem:$0x13100] =	vst v63  }
0x78f: {  	v22 =	vperm.xlane v22, v20;
	v39 =	vadd.s32 v7, v38;
	s15 =	sor.u32 $0x6E80, s14  }
0x790: {  	[tilespmem:s15], [sflag:$0x1] =	stream.indirect_vreg.gather [hbm4b:s5+s2], $0x80, v23, vm0, $0xb8;
	[tilespmem:$0x13100] =	vst v63  }
0x791: {  	v22 =	vadd.s32 v7, v22;
	s15 =	sor.u32 $0x6F00, s14  }
0x792: {  	[tilespmem:s15], [sflag:$0x1] =	stream.indirect_vreg.gather [hbm4b:s5+s2], $0x80, v37, vm0, $0xb8;
	[tilespmem:$0x13100] =	vst v63  }
0x793: {  	s15 =	sor.u32 $0x6F80, s14  }
0x794: {  	[tilespmem:s15], [sflag:$0x1] =	stream.indirect_vreg.gather [hbm4b:s5+s2], $0x80, v39, vm0, $0xb8;
	[tilespmem:$0x13100] =	vst v63  }
0x795: {  	s15 =	sor.u32 $0x7000, s14  }
0x796: {  	[tilespmem:s15], [sflag:$0x1] =	stream.indirect_vreg.gather [hbm4b:s5+s2], $0x80, v22, vm0, $0xb8;
	[tilespmem:$0x13100] =	vst v63  }
0x797: {  	v22 =	vld [tilespmem:s10+$0xFFFFFFB0];
	_ =	sdelay $0x4  }
0x798: {  	v23 =	vshll.u32 v22, $0x3  }
0x799: {  	v22 =	vand.u32 $0x7, v22;
	v23 =	vand.u32 $0xFFFFFFC0, v23  }
0x79a: {  	v22 =	vor.u32 v22, v23  }
0x79b: {  	v23 =	vperm.xlane v22, v6;
	_ =	sdelay $0x1  }
0x79c: {  	v40 =	vperm.xlane v22, v8;
	v23 =	vadd.s32 v7, v23;
	_ =	sdelay $0x1  }
0x79d: {  	v41 =	vperm.xlane v22, v9;
	v24 =	vadd.s32 v7, v40;
	_ =	sdelay $0x1  }
0x79e: {  	s15 =	sor.u32 $0x7080, s14;
	v42 =	vperm.xlane v22, v5;
	v25 =	vadd.s32 v7, v41  }
0x79f: {  	[tilespmem:s15], [sflag:$0x1] =	stream.indirect_vreg.gather [hbm4b:s5+s2], $0x80, v23, vm0, $0xb8;
	[tilespmem:$0x13100] =	vst v63  }
0x7a0: {  	v43 =	vperm.xlane v22, v10;
	s15 =	sor.u32 $0x7100, s14;
	v23 =	vadd.s32 v7, v42  }
0x7a1: {  	[tilespmem:s15], [sflag:$0x1] =	stream.indirect_vreg.gather [hbm4b:s5+s2], $0x80, v24, vm0, $0xb8;
	[tilespmem:$0x13100] =	vst v63  }
0x7a2: {  	v45 =	vperm.xlane v22, v11;
	v44 =	vadd.s32 v7, v43;
	s15 =	sor.u32 $0x7180, s14  }
0x7a3: {  	[tilespmem:s15], [sflag:$0x1] =	stream.indirect_vreg.gather [hbm4b:s5+s2], $0x80, v25, vm0, $0xb8;
	[tilespmem:$0x13100] =	vst v63  }
0x7a4: {  	v47 =	vperm.xlane v22, v12;
	v46 =	vadd.s32 v7, v45;
	s15 =	sor.u32 $0x7200, s14  }
0x7a5: {  	[tilespmem:s15], [sflag:$0x1] =	stream.indirect_vreg.gather [hbm4b:s5+s2], $0x80, v23, vm0, $0xb8;
	[tilespmem:$0x13100] =	vst v63  }
0x7a6: {  	v48 =	vperm.xlane v22, v4;
	s15 =	sor.u32 $0x7280, s14;
	v23 =	vadd.s32 v7, v47  }
0x7a7: {  	[tilespmem:s15], [sflag:$0x1] =	stream.indirect_vreg.gather [hbm4b:s5+s2], $0x80, v44, vm0, $0xb8;
	[tilespmem:$0x13100] =	vst v63  }
0x7a8: {  	v50 =	vperm.xlane v22, v13;
	v49 =	vadd.s32 v7, v48;
	s15 =	sor.u32 $0x7300, s14  }
0x7a9: {  	[tilespmem:s15], [sflag:$0x1] =	stream.indirect_vreg.gather [hbm4b:s5+s2], $0x80, v46, vm0, $0xb8;
	[tilespmem:$0x13100] =	vst v63  }
0x7aa: {  	v52 =	vperm.xlane v22, v14;
	v51 =	vadd.s32 v7, v50;
	s15 =	sor.u32 $0x7380, s14  }
0x7ab: {  	[tilespmem:s15], [sflag:$0x1] =	stream.indirect_vreg.gather [hbm4b:s5+s2], $0x80, v23, vm0, $0xb8;
	[tilespmem:$0x13100] =	vst v63  }
0x7ac: {  	v53 =	vperm.xlane v22, v15;
	s15 =	sor.u32 $0x7400, s14;
	v23 =	vadd.s32 v7, v52  }
0x7ad: {  	[tilespmem:s15], [sflag:$0x1] =	stream.indirect_vreg.gather [hbm4b:s5+s2], $0x80, v49, vm0, $0xb8;
	[tilespmem:$0x13100] =	vst v63  }
0x7ae: {  	v55 =	vperm.xlane v22, v16;
	v54 =	vadd.s32 v7, v53;
	s15 =	sor.u32 $0x7480, s14  }
0x7af: {  	[tilespmem:s15], [sflag:$0x1] =	stream.indirect_vreg.gather [hbm4b:s5+s2], $0x80, v51, vm0, $0xb8;
	[tilespmem:$0x13100] =	vst v63  }
0x7b0: {  	v57 =	vperm.xlane v22, v17;
	v56 =	vadd.s32 v7, v55;
	s15 =	sor.u32 $0x7500, s14  }
0x7b1: {  	[tilespmem:s15], [sflag:$0x1] =	stream.indirect_vreg.gather [hbm4b:s5+s2], $0x80, v23, vm0, $0xb8;
	[tilespmem:$0x13100] =	vst v63  }
0x7b2: {  	v58 =	vperm.xlane v22, v18;
	s15 =	sor.u32 $0x7580, s14;
	v23 =	vadd.s32 v7, v57  }
0x7b3: {  	[tilespmem:s15], [sflag:$0x1] =	stream.indirect_vreg.gather [hbm4b:s5+s2], $0x80, v54, vm0, $0xb8;
	[tilespmem:$0x13100] =	vst v63  }
0x7b4: {  	v60 =	vperm.xlane v22, v19;
	v59 =	vadd.s32 v7, v58;
	s15 =	sor.u32 $0x7600, s14  }
0x7b5: {  	[tilespmem:s15], [sflag:$0x1] =	stream.indirect_vreg.gather [hbm4b:s5+s2], $0x80, v56, vm0, $0xb8;
	[tilespmem:$0x13100] =	vst v63  }
0x7b6: {  	v22 =	vperm.xlane v22, v20;
	v61 =	vadd.s32 v7, v60;
	s15 =	sor.u32 $0x7680, s14  }
0x7b7: {  	[tilespmem:s15], [sflag:$0x1] =	stream.indirect_vreg.gather [hbm4b:s5+s2], $0x80, v23, vm0, $0xb8;
	[tilespmem:$0x13100] =	vst v63  }
0x7b8: {  	v22 =	vadd.s32 v7, v22;
	s15 =	sor.u32 $0x7700, s14  }
0x7b9: {  	[tilespmem:s15], [sflag:$0x1] =	stream.indirect_vreg.gather [hbm4b:s5+s2], $0x80, v59, vm0, $0xb8;
	[tilespmem:$0x13100] =	vst v63  }
0x7ba: {  	s15 =	sor.u32 $0x7780, s14  }
0x7bb: {  	[tilespmem:s15], [sflag:$0x1] =	stream.indirect_vreg.gather [hbm4b:s5+s2], $0x80, v61, vm0, $0xb8;
	[tilespmem:$0x13100] =	vst v63  }
0x7bc: {  	s15 =	sor.u32 $0x7800, s14  }
0x7bd: {  	[tilespmem:s15], [sflag:$0x1] =	stream.indirect_vreg.gather [hbm4b:s5+s2], $0x80, v22, vm0, $0xb8;
	[tilespmem:$0x13100] =	vst v63  }
0x7be: {  	v22 =	vld [tilespmem:s10+$0xFFFFFFC0];
	_ =	sdelay $0x4  }
0x7bf: {  	v23 =	vshll.u32 v22, $0x3  }
0x7c0: {  	v22 =	vand.u32 $0x7, v22;
	v23 =	vand.u32 $0xFFFFFFC0, v23  }
0x7c1: {  	v22 =	vor.u32 v22, v23  }
0x7c2: {  	v23 =	vperm.xlane v22, v6;
	_ =	sdelay $0x1  }
0x7c3: {  	v62 =	vperm.xlane v22, v8;
	v23 =	vadd.s32 v7, v23;
	_ =	sdelay $0x1  }
0x7c4: {  	v63 =	vperm.xlane v22, v9;
	v24 =	vadd.s32 v7, v62;
	_ =	sdelay $0x1  }
0x7c5: {  	s15 =	sor.u32 $0x7880, s14;
	v28 =	vperm.xlane v22, v5;
	v25 =	vadd.s32 v7, v63  }
0x7c6: {  	[tilespmem:s15], [sflag:$0x1] =	stream.indirect_vreg.gather [hbm4b:s5+s2], $0x80, v23, vm0, $0xb8;
	[tilespmem:$0x13100] =	vst v63  }
0x7c7: {  	v29 =	vperm.xlane v22, v10;
	s15 =	sor.u32 $0x7900, s14;
	v23 =	vadd.s32 v7, v28  }
0x7c8: {  	[tilespmem:s15], [sflag:$0x1] =	stream.indirect_vreg.gather [hbm4b:s5+s2], $0x80, v24, vm0, $0xb8;
	[tilespmem:$0x13100] =	vst v63  }
0x7c9: {  	v31 =	vperm.xlane v22, v11;
	v30 =	vadd.s32 v7, v29;
	s15 =	sor.u32 $0x7980, s14  }
0x7ca: {  	[tilespmem:s15], [sflag:$0x1] =	stream.indirect_vreg.gather [hbm4b:s5+s2], $0x80, v25, vm0, $0xb8;
	[tilespmem:$0x13100] =	vst v63  }
0x7cb: {  	v33 =	vperm.xlane v22, v12;
	v32 =	vadd.s32 v7, v31;
	s15 =	sor.u32 $0x7A00, s14  }
0x7cc: {  	[tilespmem:s15], [sflag:$0x1] =	stream.indirect_vreg.gather [hbm4b:s5+s2], $0x80, v23, vm0, $0xb8;
	[tilespmem:$0x13100] =	vst v63  }
0x7cd: {  	v34 =	vperm.xlane v22, v4;
	s15 =	sor.u32 $0x7A80, s14;
	v23 =	vadd.s32 v7, v33  }
0x7ce: {  	[tilespmem:s15], [sflag:$0x1] =	stream.indirect_vreg.gather [hbm4b:s5+s2], $0x80, v30, vm0, $0xb8;
	[tilespmem:$0x13100] =	vst v63  }
0x7cf: {  	v36 =	vperm.xlane v22, v13;
	v35 =	vadd.s32 v7, v34;
	s15 =	sor.u32 $0x7B00, s14  }
0x7d0: {  	[tilespmem:s15], [sflag:$0x1] =	stream.indirect_vreg.gather [hbm4b:s5+s2], $0x80, v32, vm0, $0xb8;
	[tilespmem:$0x13100] =	vst v63  }
0x7d1: {  	v38 =	vperm.xlane v22, v14;
	v37 =	vadd.s32 v7, v36;
	s15 =	sor.u32 $0x7B80, s14  }
0x7d2: {  	[tilespmem:s15], [sflag:$0x1] =	stream.indirect_vreg.gather [hbm4b:s5+s2], $0x80, v23, vm0, $0xb8;
	[tilespmem:$0x13100] =	vst v63  }
0x7d3: {  	v39 =	vperm.xlane v22, v15;
	s15 =	sor.u32 $0x7C00, s14;
	v23 =	vadd.s32 v7, v38  }
0x7d4: {  	[tilespmem:s15], [sflag:$0x1] =	stream.indirect_vreg.gather [hbm4b:s5+s2], $0x80, v35, vm0, $0xb8;
	[tilespmem:$0x13100] =	vst v63  }
0x7d5: {  	v41 =	vperm.xlane v22, v16;
	v40 =	vadd.s32 v7, v39;
	s15 =	sor.u32 $0x7C80, s14  }
0x7d6: {  	[tilespmem:s15], [sflag:$0x1] =	stream.indirect_vreg.gather [hbm4b:s5+s2], $0x80, v37, vm0, $0xb8;
	[tilespmem:$0x13100] =	vst v63  }
0x7d7: {  	v43 =	vperm.xlane v22, v17;
	v42 =	vadd.s32 v7, v41;
	s15 =	sor.u32 $0x7D00, s14  }
0x7d8: {  	[tilespmem:s15], [sflag:$0x1] =	stream.indirect_vreg.gather [hbm4b:s5+s2], $0x80, v23, vm0, $0xb8;
	[tilespmem:$0x13100] =	vst v63  }
0x7d9: {  	v44 =	vperm.xlane v22, v18;
	s15 =	sor.u32 $0x7D80, s14;
	v23 =	vadd.s32 v7, v43  }
0x7da: {  	[tilespmem:s15], [sflag:$0x1] =	stream.indirect_vreg.gather [hbm4b:s5+s2], $0x80, v40, vm0, $0xb8;
	[tilespmem:$0x13100] =	vst v63  }
0x7db: {  	v46 =	vperm.xlane v22, v19;
	v45 =	vadd.s32 v7, v44;
	s15 =	sor.u32 $0x7E00, s14  }
0x7dc: {  	[tilespmem:s15], [sflag:$0x1] =	stream.indirect_vreg.gather [hbm4b:s5+s2], $0x80, v42, vm0, $0xb8;
	[tilespmem:$0x13100] =	vst v63  }
0x7dd: {  	v22 =	vperm.xlane v22, v20;
	v47 =	vadd.s32 v7, v46;
	s15 =	sor.u32 $0x7E80, s14  }
0x7de: {  	[tilespmem:s15], [sflag:$0x1] =	stream.indirect_vreg.gather [hbm4b:s5+s2], $0x80, v23, vm0, $0xb8;
	[tilespmem:$0x13100] =	vst v63  }
0x7df: {  	v22 =	vadd.s32 v7, v22;
	s15 =	sor.u32 $0x7F00, s14  }
0x7e0: {  	[tilespmem:s15], [sflag:$0x1] =	stream.indirect_vreg.gather [hbm4b:s5+s2], $0x80, v45, vm0, $0xb8;
	[tilespmem:$0x13100] =	vst v63  }
0x7e1: {  	s15 =	sor.u32 $0x7F80, s14  }
0x7e2: {  	[tilespmem:s15], [sflag:$0x1] =	stream.indirect_vreg.gather [hbm4b:s5+s2], $0x80, v47, vm0, $0xb8;
	[tilespmem:$0x13100] =	vst v63  }
0x7e3: {  	s15 =	sadd.s32 $0x8000, s14  }
0x7e4: {  	[tilespmem:s15], [sflag:$0x1] =	stream.indirect_vreg.gather [hbm4b:s5+s2], $0x80, v22, vm0, $0xb8;
	[tilespmem:$0x13100] =	vst v63  }
0x7e5: {  	v22 =	vld [tilespmem:s10+$0xFFFFFFD0];
	_ =	sdelay $0x4  }
0x7e6: {  	v23 =	vshll.u32 v22, $0x3  }
0x7e7: {  	v22 =	vand.u32 $0x7, v22;
	v23 =	vand.u32 $0xFFFFFFC0, v23  }
0x7e8: {  	v22 =	vor.u32 v22, v23  }
0x7e9: {  	v23 =	vperm.xlane v22, v6;
	_ =	sdelay $0x1  }
0x7ea: {  	v48 =	vperm.xlane v22, v8;
	v23 =	vadd.s32 v7, v23;
	_ =	sdelay $0x1  }
0x7eb: {  	v49 =	vperm.xlane v22, v9;
	v24 =	vadd.s32 v7, v48;
	_ =	sdelay $0x1  }
0x7ec: {  	s15 =	sadd.s32 $0x8080, s14;
	v50 =	vperm.xlane v22, v5;
	v25 =	vadd.s32 v7, v49  }
0x7ed: {  	[tilespmem:s15], [sflag:$0x1] =	stream.indirect_vreg.gather [hbm4b:s5+s2], $0x80, v23, vm0, $0xb8;
	[tilespmem:$0x13100] =	vst v63  }
0x7ee: {  	v51 =	vperm.xlane v22, v10;
	s15 =	sadd.s32 $0x8100, s14;
	v23 =	vadd.s32 v7, v50  }
0x7ef: {  	[tilespmem:s15], [sflag:$0x1] =	stream.indirect_vreg.gather [hbm4b:s5+s2], $0x80, v24, vm0, $0xb8;
	[tilespmem:$0x13100] =	vst v63  }
0x7f0: {  	v53 =	vperm.xlane v22, v11;
	v52 =	vadd.s32 v7, v51;
	s15 =	sadd.s32 $0x8180, s14  }
0x7f1: {  	[tilespmem:s15], [sflag:$0x1] =	stream.indirect_vreg.gather [hbm4b:s5+s2], $0x80, v25, vm0, $0xb8;
	[tilespmem:$0x13100] =	vst v63  }
0x7f2: {  	v55 =	vperm.xlane v22, v12;
	v54 =	vadd.s32 v7, v53;
	s15 =	sadd.s32 $0x8200, s14  }
0x7f3: {  	[tilespmem:s15], [sflag:$0x1] =	stream.indirect_vreg.gather [hbm4b:s5+s2], $0x80, v23, vm0, $0xb8;
	[tilespmem:$0x13100] =	vst v63  }
0x7f4: {  	v56 =	vperm.xlane v22, v4;
	s15 =	sadd.s32 $0x8280, s14;
	v23 =	vadd.s32 v7, v55  }
0x7f5: {  	[tilespmem:s15], [sflag:$0x1] =	stream.indirect_vreg.gather [hbm4b:s5+s2], $0x80, v52, vm0, $0xb8;
	[tilespmem:$0x13100] =	vst v63  }
0x7f6: {  	v58 =	vperm.xlane v22, v13;
	v57 =	vadd.s32 v7, v56;
	s15 =	sadd.s32 $0x8300, s14  }
0x7f7: {  	[tilespmem:s15], [sflag:$0x1] =	stream.indirect_vreg.gather [hbm4b:s5+s2], $0x80, v54, vm0, $0xb8;
	[tilespmem:$0x13100] =	vst v63  }
0x7f8: {  	v60 =	vperm.xlane v22, v14;
	v59 =	vadd.s32 v7, v58;
	s15 =	sadd.s32 $0x8380, s14  }
0x7f9: {  	[tilespmem:s15], [sflag:$0x1] =	stream.indirect_vreg.gather [hbm4b:s5+s2], $0x80, v23, vm0, $0xb8;
	[tilespmem:$0x13100] =	vst v63  }
0x7fa: {  	v61 =	vperm.xlane v22, v15;
	s15 =	sadd.s32 $0x8400, s14;
	v23 =	vadd.s32 v7, v60  }
0x7fb: {  	[tilespmem:s15], [sflag:$0x1] =	stream.indirect_vreg.gather [hbm4b:s5+s2], $0x80, v57, vm0, $0xb8;
	[tilespmem:$0x13100] =	vst v63  }
0x7fc: {  	v63 =	vperm.xlane v22, v16;
	v62 =	vadd.s32 v7, v61;
	s15 =	sadd.s32 $0x8480, s14  }
0x7fd: {  	[tilespmem:s15], [sflag:$0x1] =	stream.indirect_vreg.gather [hbm4b:s5+s2], $0x80, v59, vm0, $0xb8;
	[tilespmem:$0x13100] =	vst v63  }
0x7fe: {  	v29 =	vperm.xlane v22, v17;
	v28 =	vadd.s32 v7, v63;
	s15 =	sadd.s32 $0x8500, s14  }
0x7ff: {  	[tilespmem:s15], [sflag:$0x1] =	stream.indirect_vreg.gather [hbm4b:s5+s2], $0x80, v23, vm0, $0xb8;
	[tilespmem:$0x13100] =	vst v63  }
0x800: {  	v30 =	vperm.xlane v22, v18;
	s15 =	sadd.s32 $0x8580, s14;
	v23 =	vadd.s32 v7, v29  }
0x801: {  	[tilespmem:s15], [sflag:$0x1] =	stream.indirect_vreg.gather [hbm4b:s5+s2], $0x80, v62, vm0, $0xb8;
	[tilespmem:$0x13100] =	vst v63  }
0x802: {  	v32 =	vperm.xlane v22, v19;
	v31 =	vadd.s32 v7, v30;
	s15 =	sadd.s32 $0x8600, s14  }
0x803: {  	[tilespmem:s15], [sflag:$0x1] =	stream.indirect_vreg.gather [hbm4b:s5+s2], $0x80, v28, vm0, $0xb8;
	[tilespmem:$0x13100] =	vst v63  }
0x804: {  	v22 =	vperm.xlane v22, v20;
	v33 =	vadd.s32 v7, v32;
	s15 =	sadd.s32 $0x8680, s14  }
0x805: {  	[tilespmem:s15], [sflag:$0x1] =	stream.indirect_vreg.gather [hbm4b:s5+s2], $0x80, v23, vm0, $0xb8;
	[tilespmem:$0x13100] =	vst v63  }
0x806: {  	v22 =	vadd.s32 v7, v22;
	s15 =	sadd.s32 $0x8700, s14  }
0x807: {  	[tilespmem:s15], [sflag:$0x1] =	stream.indirect_vreg.gather [hbm4b:s5+s2], $0x80, v31, vm0, $0xb8;
	[tilespmem:$0x13100] =	vst v63  }
0x808: {  	s15 =	sadd.s32 $0x8780, s14  }
0x809: {  	[tilespmem:s15], [sflag:$0x1] =	stream.indirect_vreg.gather [hbm4b:s5+s2], $0x80, v33, vm0, $0xb8;
	[tilespmem:$0x13100] =	vst v63  }
0x80a: {  	s15 =	sadd.s32 $0x8800, s14  }
0x80b: {  	[tilespmem:s15], [sflag:$0x1] =	stream.indirect_vreg.gather [hbm4b:s5+s2], $0x80, v22, vm0, $0xb8;
	[tilespmem:$0x13100] =	vst v63  }
0x80c: {  	v22 =	vld [tilespmem:s10+$0xFFFFFFE0];
	_ =	sdelay $0x4  }
0x80d: {  	v23 =	vshll.u32 v22, $0x3  }
0x80e: {  	v22 =	vand.u32 $0x7, v22;
	v23 =	vand.u32 $0xFFFFFFC0, v23  }
0x80f: {  	v22 =	vor.u32 v22, v23  }
0x810: {  	v23 =	vperm.xlane v22, v6;
	_ =	sdelay $0x1  }
0x811: {  	v34 =	vperm.xlane v22, v8;
	v23 =	vadd.s32 v7, v23;
	_ =	sdelay $0x1  }
0x812: {  	v35 =	vperm.xlane v22, v9;
	v24 =	vadd.s32 v7, v34;
	_ =	sdelay $0x1  }
0x813: {  	s15 =	sadd.s32 $0x8880, s14;
	v36 =	vperm.xlane v22, v5;
	v25 =	vadd.s32 v7, v35  }
0x814: {  	[tilespmem:s15], [sflag:$0x1] =	stream.indirect_vreg.gather [hbm4b:s5+s2], $0x80, v23, vm0, $0xb8;
	[tilespmem:$0x13100] =	vst v63  }
0x815: {  	v37 =	vperm.xlane v22, v10;
	s15 =	sadd.s32 $0x8900, s14;
	v23 =	vadd.s32 v7, v36  }
0x816: {  	[tilespmem:s15], [sflag:$0x1] =	stream.indirect_vreg.gather [hbm4b:s5+s2], $0x80, v24, vm0, $0xb8;
	[tilespmem:$0x13100] =	vst v63  }
0x817: {  	v39 =	vperm.xlane v22, v11;
	v38 =	vadd.s32 v7, v37;
	s15 =	sadd.s32 $0x8980, s14  }
0x818: {  	[tilespmem:s15], [sflag:$0x1] =	stream.indirect_vreg.gather [hbm4b:s5+s2], $0x80, v25, vm0, $0xb8;
	[tilespmem:$0x13100] =	vst v63  }
0x819: {  	v41 =	vperm.xlane v22, v12;
	v40 =	vadd.s32 v7, v39;
	s15 =	sadd.s32 $0x8A00, s14  }
0x81a: {  	[tilespmem:s15], [sflag:$0x1] =	stream.indirect_vreg.gather [hbm4b:s5+s2], $0x80, v23, vm0, $0xb8;
	[tilespmem:$0x13100] =	vst v63  }
0x81b: {  	v42 =	vperm.xlane v22, v4;
	s15 =	sadd.s32 $0x8A80, s14;
	v23 =	vadd.s32 v7, v41  }
0x81c: {  	[tilespmem:s15], [sflag:$0x1] =	stream.indirect_vreg.gather [hbm4b:s5+s2], $0x80, v38, vm0, $0xb8;
	[tilespmem:$0x13100] =	vst v63  }
0x81d: {  	v44 =	vperm.xlane v22, v13;
	v43 =	vadd.s32 v7, v42;
	s15 =	sadd.s32 $0x8B00, s14  }
0x81e: {  	[tilespmem:s15], [sflag:$0x1] =	stream.indirect_vreg.gather [hbm4b:s5+s2], $0x80, v40, vm0, $0xb8;
	[tilespmem:$0x13100] =	vst v63  }
0x81f: {  	v46 =	vperm.xlane v22, v14;
	v45 =	vadd.s32 v7, v44;
	s15 =	sadd.s32 $0x8B80, s14  }
0x820: {  	[tilespmem:s15], [sflag:$0x1] =	stream.indirect_vreg.gather [hbm4b:s5+s2], $0x80, v23, vm0, $0xb8;
	[tilespmem:$0x13100] =	vst v63  }
0x821: {  	v47 =	vperm.xlane v22, v15;
	s15 =	sadd.s32 $0x8C00, s14;
	v23 =	vadd.s32 v7, v46  }
0x822: {  	[tilespmem:s15], [sflag:$0x1] =	stream.indirect_vreg.gather [hbm4b:s5+s2], $0x80, v43, vm0, $0xb8;
	[tilespmem:$0x13100] =	vst v63  }
0x823: {  	v49 =	vperm.xlane v22, v16;
	v48 =	vadd.s32 v7, v47;
	s15 =	sadd.s32 $0x8C80, s14  }
0x824: {  	[tilespmem:s15], [sflag:$0x1] =	stream.indirect_vreg.gather [hbm4b:s5+s2], $0x80, v45, vm0, $0xb8;
	[tilespmem:$0x13100] =	vst v63  }
0x825: {  	v51 =	vperm.xlane v22, v17;
	v50 =	vadd.s32 v7, v49;
	s15 =	sadd.s32 $0x8D00, s14  }
0x826: {  	[tilespmem:s15], [sflag:$0x1] =	stream.indirect_vreg.gather [hbm4b:s5+s2], $0x80, v23, vm0, $0xb8;
	[tilespmem:$0x13100] =	vst v63  }
0x827: {  	v52 =	vperm.xlane v22, v18;
	s15 =	sadd.s32 $0x8D80, s14;
	v23 =	vadd.s32 v7, v51  }
0x828: {  	[tilespmem:s15], [sflag:$0x1] =	stream.indirect_vreg.gather [hbm4b:s5+s2], $0x80, v48, vm0, $0xb8;
	[tilespmem:$0x13100] =	vst v63  }
0x829: {  	v54 =	vperm.xlane v22, v19;
	v53 =	vadd.s32 v7, v52;
	s15 =	sadd.s32 $0x8E00, s14  }
0x82a: {  	[tilespmem:s15], [sflag:$0x1] =	stream.indirect_vreg.gather [hbm4b:s5+s2], $0x80, v50, vm0, $0xb8;
	[tilespmem:$0x13100] =	vst v63  }
0x82b: {  	v22 =	vperm.xlane v22, v20;
	v55 =	vadd.s32 v7, v54;
	s15 =	sadd.s32 $0x8E80, s14  }
0x82c: {  	[tilespmem:s15], [sflag:$0x1] =	stream.indirect_vreg.gather [hbm4b:s5+s2], $0x80, v23, vm0, $0xb8;
	[tilespmem:$0x13100] =	vst v63  }
0x82d: {  	v22 =	vadd.s32 v7, v22;
	s15 =	sadd.s32 $0x8F00, s14  }
0x82e: {  	[tilespmem:s15], [sflag:$0x1] =	stream.indirect_vreg.gather [hbm4b:s5+s2], $0x80, v53, vm0, $0xb8;
	[tilespmem:$0x13100] =	vst v63  }
0x82f: {  	s15 =	sadd.s32 $0x8F80, s14  }
0x830: {  	[tilespmem:s15], [sflag:$0x1] =	stream.indirect_vreg.gather [hbm4b:s5+s2], $0x80, v55, vm0, $0xb8;
	[tilespmem:$0x13100] =	vst v63  }
0x831: {  	s15 =	sadd.s32 $0x9000, s14  }
0x832: {  	[tilespmem:s15], [sflag:$0x1] =	stream.indirect_vreg.gather [hbm4b:s5+s2], $0x80, v22, vm0, $0xb8;
	[tilespmem:$0x13100] =	vst v63  }
0x833: {  	v22 =	vld [tilespmem:s10+$0xFFFFFFF0];
	_ =	sdelay $0x4  }
0x834: {  	v23 =	vshll.u32 v22, $0x3  }
0x835: {  	v22 =	vand.u32 $0x7, v22;
	v23 =	vand.u32 $0xFFFFFFC0, v23  }
0x836: {  	v22 =	vor.u32 v22, v23  }
0x837: {  	v23 =	vperm.xlane v22, v6;
	_ =	sdelay $0x1  }
0x838: {  	v56 =	vperm.xlane v22, v8;
	v23 =	vadd.s32 v7, v23;
	_ =	sdelay $0x1  }
0x839: {  	v57 =	vperm.xlane v22, v9;
	v24 =	vadd.s32 v7, v56;
	_ =	sdelay $0x1  }
0x83a: {  	s15 =	sadd.s32 $0x9080, s14;
	v58 =	vperm.xlane v22, v5;
	v25 =	vadd.s32 v7, v57  }
0x83b: {  	[tilespmem:s15], [sflag:$0x1] =	stream.indirect_vreg.gather [hbm4b:s5+s2], $0x80, v23, vm0, $0xb8;
	[tilespmem:$0x13100] =	vst v63  }
0x83c: {  	v59 =	vperm.xlane v22, v10;
	s15 =	sadd.s32 $0x9100, s14;
	v23 =	vadd.s32 v7, v58  }
0x83d: {  	[tilespmem:s15], [sflag:$0x1] =	stream.indirect_vreg.gather [hbm4b:s5+s2], $0x80, v24, vm0, $0xb8;
	[tilespmem:$0x13100] =	vst v63  }
0x83e: {  	v61 =	vperm.xlane v22, v11;
	v60 =	vadd.s32 v7, v59;
	s15 =	sadd.s32 $0x9180, s14  }
0x83f: {  	[tilespmem:s15], [sflag:$0x1] =	stream.indirect_vreg.gather [hbm4b:s5+s2], $0x80, v25, vm0, $0xb8;
	[tilespmem:$0x13100] =	vst v63  }
0x840: {  	v63 =	vperm.xlane v22, v12;
	v62 =	vadd.s32 v7, v61;
	s15 =	sadd.s32 $0x9200, s14  }
0x841: {  	[tilespmem:s15], [sflag:$0x1] =	stream.indirect_vreg.gather [hbm4b:s5+s2], $0x80, v23, vm0, $0xb8;
	[tilespmem:$0x13100] =	vst v63  }
0x842: {  	v28 =	vperm.xlane v22, v4;
	s15 =	sadd.s32 $0x9280, s14;
	v23 =	vadd.s32 v7, v63  }
0x843: {  	[tilespmem:s15], [sflag:$0x1] =	stream.indirect_vreg.gather [hbm4b:s5+s2], $0x80, v60, vm0, $0xb8;
	[tilespmem:$0x13100] =	vst v63  }
0x844: {  	v30 =	vperm.xlane v22, v13;
	v29 =	vadd.s32 v7, v28;
	s15 =	sadd.s32 $0x9300, s14  }
0x845: {  	[tilespmem:s15], [sflag:$0x1] =	stream.indirect_vreg.gather [hbm4b:s5+s2], $0x80, v62, vm0, $0xb8;
	[tilespmem:$0x13100] =	vst v63  }
0x846: {  	v32 =	vperm.xlane v22, v14;
	v31 =	vadd.s32 v7, v30;
	s15 =	sadd.s32 $0x9380, s14  }
0x847: {  	[tilespmem:s15], [sflag:$0x1] =	stream.indirect_vreg.gather [hbm4b:s5+s2], $0x80, v23, vm0, $0xb8;
	[tilespmem:$0x13100] =	vst v63  }
0x848: {  	v33 =	vperm.xlane v22, v15;
	s15 =	sadd.s32 $0x9400, s14;
	v23 =	vadd.s32 v7, v32  }
0x849: {  	[tilespmem:s15], [sflag:$0x1] =	stream.indirect_vreg.gather [hbm4b:s5+s2], $0x80, v29, vm0, $0xb8;
	[tilespmem:$0x13100] =	vst v63  }
0x84a: {  	v35 =	vperm.xlane v22, v16;
	v34 =	vadd.s32 v7, v33;
	s15 =	sadd.s32 $0x9480, s14  }
0x84b: {  	[tilespmem:s15], [sflag:$0x1] =	stream.indirect_vreg.gather [hbm4b:s5+s2], $0x80, v31, vm0, $0xb8;
	[tilespmem:$0x13100] =	vst v63  }
0x84c: {  	v37 =	vperm.xlane v22, v17;
	v36 =	vadd.s32 v7, v35;
	s15 =	sadd.s32 $0x9500, s14  }
0x84d: {  	[tilespmem:s15], [sflag:$0x1] =	stream.indirect_vreg.gather [hbm4b:s5+s2], $0x80, v23, vm0, $0xb8;
	[tilespmem:$0x13100] =	vst v63  }
0x84e: {  	v38 =	vperm.xlane v22, v18;
	s15 =	sadd.s32 $0x9580, s14;
	v23 =	vadd.s32 v7, v37  }
0x84f: {  	[tilespmem:s15], [sflag:$0x1] =	stream.indirect_vreg.gather [hbm4b:s5+s2], $0x80, v34, vm0, $0xb8;
	[tilespmem:$0x13100] =	vst v63  }
0x850: {  	v40 =	vperm.xlane v22, v19;
	v39 =	vadd.s32 v7, v38;
	s15 =	sadd.s32 $0x9600, s14  }
0x851: {  	[tilespmem:s15], [sflag:$0x1] =	stream.indirect_vreg.gather [hbm4b:s5+s2], $0x80, v36, vm0, $0xb8;
	[tilespmem:$0x13100] =	vst v63  }
0x852: {  	v22 =	vperm.xlane v22, v20;
	v41 =	vadd.s32 v7, v40;
	s15 =	sadd.s32 $0x9680, s14  }
0x853: {  	[tilespmem:s15], [sflag:$0x1] =	stream.indirect_vreg.gather [hbm4b:s5+s2], $0x80, v23, vm0, $0xb8;
	[tilespmem:$0x13100] =	vst v63  }
0x854: {  	v22 =	vadd.s32 v7, v22;
	s15 =	sadd.s32 $0x9700, s14  }
0x855: {  	[tilespmem:s15], [sflag:$0x1] =	stream.indirect_vreg.gather [hbm4b:s5+s2], $0x80, v39, vm0, $0xb8;
	[tilespmem:$0x13100] =	vst v63  }
0x856: {  	s15 =	sadd.s32 $0x9780, s14  }
0x857: {  	[tilespmem:s15], [sflag:$0x1] =	stream.indirect_vreg.gather [hbm4b:s5+s2], $0x80, v41, vm0, $0xb8;
	[tilespmem:$0x13100] =	vst v63  }
0x858: {  	s15 =	sadd.s32 $0x9800, s14  }
0x859: {  	[tilespmem:s15], [sflag:$0x1] =	stream.indirect_vreg.gather [hbm4b:s5+s2], $0x80, v22, vm0, $0xb8;
	[tilespmem:$0x13100] =	vst v63  }
0x85a: {  	v22 =	vld [tilespmem:s10+$0x0];
	_ =	sdelay $0x4  }
0x85b: {  	v23 =	vshll.u32 v22, $0x3  }
0x85c: {  	v22 =	vand.u32 $0x7, v22;
	v23 =	vand.u32 $0xFFFFFFC0, v23  }
0x85d: {  	v22 =	vor.u32 v22, v23  }
0x85e: {  	v23 =	vperm.xlane v22, v6;
	_ =	sdelay $0x1  }
0x85f: {  	v42 =	vperm.xlane v22, v8;
	v23 =	vadd.s32 v7, v23;
	_ =	sdelay $0x1  }
0x860: {  	v43 =	vperm.xlane v22, v9;
	v24 =	vadd.s32 v7, v42;
	_ =	sdelay $0x1  }
0x861: {  	s15 =	sadd.s32 $0x9880, s14;
	v44 =	vperm.xlane v22, v5;
	v25 =	vadd.s32 v7, v43  }
0x862: {  	[tilespmem:s15], [sflag:$0x1] =	stream.indirect_vreg.gather [hbm4b:s5+s2], $0x80, v23, vm0, $0xb8;
	[tilespmem:$0x13100] =	vst v63  }
0x863: {  	v45 =	vperm.xlane v22, v10;
	s15 =	sadd.s32 $0x9900, s14;
	v23 =	vadd.s32 v7, v44  }
0x864: {  	[tilespmem:s15], [sflag:$0x1] =	stream.indirect_vreg.gather [hbm4b:s5+s2], $0x80, v24, vm0, $0xb8;
	[tilespmem:$0x13100] =	vst v63  }
0x865: {  	v47 =	vperm.xlane v22, v11;
	v46 =	vadd.s32 v7, v45;
	s15 =	sadd.s32 $0x9980, s14  }
0x866: {  	[tilespmem:s15], [sflag:$0x1] =	stream.indirect_vreg.gather [hbm4b:s5+s2], $0x80, v25, vm0, $0xb8;
	[tilespmem:$0x13100] =	vst v63  }
0x867: {  	v49 =	vperm.xlane v22, v12;
	v48 =	vadd.s32 v7, v47;
	s15 =	sadd.s32 $0x9A00, s14  }
0x868: {  	[tilespmem:s15], [sflag:$0x1] =	stream.indirect_vreg.gather [hbm4b:s5+s2], $0x80, v23, vm0, $0xb8;
	[tilespmem:$0x13100] =	vst v63  }
0x869: {  	v50 =	vperm.xlane v22, v4;
	s15 =	sadd.s32 $0x9A80, s14;
	v23 =	vadd.s32 v7, v49  }
0x86a: {  	[tilespmem:s15], [sflag:$0x1] =	stream.indirect_vreg.gather [hbm4b:s5+s2], $0x80, v46, vm0, $0xb8;
	[tilespmem:$0x13100] =	vst v63  }
0x86b: {  	v52 =	vperm.xlane v22, v13;
	v51 =	vadd.s32 v7, v50;
	s15 =	sadd.s32 $0x9B00, s14  }
0x86c: {  	[tilespmem:s15], [sflag:$0x1] =	stream.indirect_vreg.gather [hbm4b:s5+s2], $0x80, v48, vm0, $0xb8;
	[tilespmem:$0x13100] =	vst v63  }
0x86d: {  	v54 =	vperm.xlane v22, v14;
	v53 =	vadd.s32 v7, v52;
	s15 =	sadd.s32 $0x9B80, s14  }
0x86e: {  	[tilespmem:s15], [sflag:$0x1] =	stream.indirect_vreg.gather [hbm4b:s5+s2], $0x80, v23, vm0, $0xb8;
	[tilespmem:$0x13100] =	vst v63  }
0x86f: {  	v55 =	vperm.xlane v22, v15;
	s15 =	sadd.s32 $0x9C00, s14;
	v23 =	vadd.s32 v7, v54  }
0x870: {  	[tilespmem:s15], [sflag:$0x1] =	stream.indirect_vreg.gather [hbm4b:s5+s2], $0x80, v51, vm0, $0xb8;
	[tilespmem:$0x13100] =	vst v63  }
0x871: {  	v57 =	vperm.xlane v22, v16;
	v56 =	vadd.s32 v7, v55;
	s15 =	sadd.s32 $0x9C80, s14  }
0x872: {  	[tilespmem:s15], [sflag:$0x1] =	stream.indirect_vreg.gather [hbm4b:s5+s2], $0x80, v53, vm0, $0xb8;
	[tilespmem:$0x13100] =	vst v63  }
0x873: {  	v59 =	vperm.xlane v22, v17;
	v58 =	vadd.s32 v7, v57;
	s15 =	sadd.s32 $0x9D00, s14  }
0x874: {  	[tilespmem:s15], [sflag:$0x1] =	stream.indirect_vreg.gather [hbm4b:s5+s2], $0x80, v23, vm0, $0xb8;
	[tilespmem:$0x13100] =	vst v63  }
0x875: {  	v60 =	vperm.xlane v22, v18;
	s15 =	sadd.s32 $0x9D80, s14;
	v23 =	vadd.s32 v7, v59  }
0x876: {  	[tilespmem:s15], [sflag:$0x1] =	stream.indirect_vreg.gather [hbm4b:s5+s2], $0x80, v56, vm0, $0xb8;
	[tilespmem:$0x13100] =	vst v63  }
0x877: {  	v61 =	vadd.s32 v7, v60;
	s15 =	sadd.s32 $0x9E00, s14  }
0x878: {  	v62 =	vperm.xlane v22, v19;
	[tilespmem:s15], [sflag:$0x1] =	stream.indirect_vreg.gather [hbm4b:s5+s2], $0x80, v58, vm0, $0xb8;
	[tilespmem:$0x13100] =	vst v63  }
0x879: {  	s15 =	sadd.s32 $0x9E80, s14  }
0x87a: {  	v22 =	vperm.xlane v22, v20;
	v63 =	vadd.s32 v7, v62;
	[tilespmem:s15], [sflag:$0x1] =	stream.indirect_vreg.gather [hbm4b:s5+s2], $0x80, v23, vm0, $0xb8;
	[tilespmem:$0x13100] =	vst v63  }
0x87b: {  	s15 =	sadd.s32 $0x9F00, s14  }
0x87c: {  	v22 =	vadd.s32 v7, v22;
	[tilespmem:s15], [sflag:$0x1] =	stream.indirect_vreg.gather [hbm4b:s5+s2], $0x80, v61, vm0, $0xb8;
	[tilespmem:$0x13100] =	vst v63  }
.Ltmp6:
0x87d: {  	_ = 	snop;
	(pc) =	sbr.rel .LBB2_6-.Ltmp6, $4  }
0x87e: {  	s15 =	sadd.s32 $0x9F80, s14  }
0x87f: {  	[tilespmem:s15], [sflag:$0x1] =	stream.indirect_vreg.gather [hbm4b:s5+s2], $0x80, v63, vm0, $0xb8;
	[tilespmem:$0x13100] =	vst v63  }
0x880: {  	s14 =	sadd.s32 $0xA000, s14  }
0x881: {  	[tilespmem:s14], [sflag:$0x1] =	stream.indirect_vreg.gather [hbm4b:s5+s2], $0x80, v22, vm0, $0xb8;
	[tilespmem:$0x13100] =	vst v63  }
.LBB2_8:
0x882: {  	_ =	sfence.sel $0x180000  }
0x883: {  	[bflag:$0x0] =	sbarrier.arrive $0xFFFF  }
0x884: {  	_ =	strace $0x90000047  }
0x885: {  	s0 =	stileid.u32;
	[bflag:$0x2] =	sbarrier.arrive $0xFFFF  }
0x886: {  	p0 =	sne.s32 s0, $0x0;
	s0 =	rddreg [dreg:$0x4]  }
0x887: {  	s0 =	sadd.s32 @!p0 $0x100000, s0  }
0x888: {  	[sflag:s0] =	ssyncadd.tile.s32 @!p0 $0x1;
	_ =	shalt  }
.Lfunc_end2:
_tile_overlayer_lowered:
.L_overlay_start_2:
0x889: {  	(tag) =	ssettag $0x2  }
0x88a: {  	s0 =	rddreg [dreg:$0x0];
	s2 =	stileid.u32  }
0x88b: {  	s1 =	rddreg [dreg:$0x1];
	p0 =	sne.s32 s2, $0x0  }
0x88c: {  	s3 =	rddreg [dreg:$0x2];
	[bflag:$0x3] =	sbarrier.arrive $0xFFFF;
	s2 =	simm.s32 @!p0 $0x1C02  }
0x88d: {  	[timem:s3], [sflag:s2] =	dma.local @!p0 [hbm:s0], s1  }
0x88e: {  	s0 =	simm.s32 @!p0 $0x2  }
0x88f: {  	_ =	swait.ge @!p0 [sflag:s0], s1  }
0x890: {  	s1 =	ssub.s32 @!p0 $0x0, s1;
	[sflag:s0] =	ssyncset.done @!p0 $0x0  }
0x891: {  	[sflag:s0] =	ssyncadd.s32 @!p0 s1  }
0x892: {  	[bflag:$0x3] =	sbarrier.arrive $0xFFFF  }
0x893: {  	_ =	shalt  }

</sc_bundles>
